<compile_context>
chip_gen: v7x
topology: tpu7x:2x2x1
jax: 0.10.2.dev20260603
libtpu: 0.0.44.dev20260713+nightly
codegen_flags: <defaults>
</compile_context>

<pallas_src>
import functools

import jax
import jax.numpy as jnp
from jax import lax
from jax.experimental import pallas as pl
from jax.experimental.pallas import tpu as pltpu
from jax.experimental.pallas import tpu_sc as plsc

N = 10000
D = 128
E = 320000
EPS_BN = 1e-5

NC = 2
NS = 16
NW = NC * NS
CHUNK = 128
CPW = 80
NCH = E // CHUNK
S = 16
NST = CPW // S
RPS = S // 2
TMAIN = NCH - 4
CLAMP = TMAIN - S
RPT = 624
TAIL = N - NS * RPT
XSPLIT = 4992

_sc_mesh = plsc.VectorSubcoreMesh(core_axis_name="c", subcore_axis_name="s")


@functools.partial(
    pl.kernel,
    mesh=_sc_mesh,
    out_type=jax.ShapeDtypeStruct((2 * N, D), jnp.float32),
    scratch_types=[
        pltpu.VMEM_SHARED((N, D), jnp.float32),
        pltpu.VMEM((S, CHUNK), jnp.int32),
        pltpu.VMEM((S, CHUNK), jnp.int32),
        pltpu.VMEM((S, CHUNK), jnp.int32),
        pltpu.VMEM((S, CHUNK), jnp.int32),
        pltpu.VMEM((8, CHUNK), jnp.int32),
        pltpu.VMEM((CHUNK, D), jnp.float32),
        pltpu.VMEM((CHUNK, D), jnp.float32),
        pltpu.SemaphoreType.DMA,
        pltpu.SemaphoreType.DMA,
        pltpu.SemaphoreType.DMA,
        pltpu.SemaphoreType.DMA,
        pltpu.SemaphoreType.DMA,
        pltpu.SemaphoreType.DMA,
    ],
)
def _sc_agg(x_hbm, e_hbm, tail_hbm, zero_hbm, out_hbm, acc,
            si0, di0, si1, di1, ti, rb0, rb1, gs0, gs1, ss0, ss1, isrc, idst):
    c = lax.axis_index("c")
    s_ax = lax.axis_index("s")
    wid = c * NS + s_ax
    base = wid * CPW
    row0 = s_ax * RPT

    mine = jnp.where(c == 0, row0 < XSPLIT, row0 >= XSPLIT)

    @pl.when(mine)
    def _():
        pltpu.sync_copy(x_hbm.at[pl.ds(row0, RPT)], acc.at[pl.ds(row0, RPT)])

    @pl.when(jnp.logical_not(mine))
    def _():
        pltpu.sync_copy(zero_hbm.at[pl.ds(0, RPT)], acc.at[pl.ds(row0, RPT)])

    @pl.when(s_ax == NS - 1)
    def _():
        @pl.when(c == 1)
        def _():
            pltpu.sync_copy(x_hbm.at[pl.ds(NS * RPT, TAIL)],
                            acc.at[pl.ds(NS * RPT, TAIL)])

        @pl.when(c == 0)
        def _():
            pltpu.sync_copy(zero_hbm.at[pl.ds(0, TAIL)],
                            acc.at[pl.ds(NS * RPT, TAIL)])

    plsc.subcore_barrier()

    sbuf = (si0, si1)
    dbuf = (di0, di1)

    def stage_off(st):
        return jnp.minimum(base + st * S, CLAMP)

    pltpu.async_copy(e_hbm.at[0, pl.ds(stage_off(0), S)], si0, isrc)
    pltpu.async_copy(e_hbm.at[1, pl.ds(stage_off(0), S)], di0, idst)

    for st in range(NST):
        p = st % 2
        sidx = sbuf[p]
        didx = dbuf[p]
        pltpu.make_async_copy(e_hbm.at[0, pl.ds(stage_off(st), S)], sidx, isrc).wait()
        pltpu.make_async_copy(e_hbm.at[1, pl.ds(stage_off(st), S)], didx, idst).wait()

        def body(j, carry, st=st, p=p, sidx=sidx, didx=didx):
            g0 = base + st * S + 2 * j
            g1 = g0 + 1

            def slot(i_loc, g, rb, gsem, ssem):
                first = (j == 0) if st == 0 else jnp.bool_(False)
                sl = sidx.at[i_loc]

                @pl.when(jnp.logical_and(jnp.logical_not(first), g - 2 < TMAIN))
                def _():
                    pltpu.make_async_copy(rb, acc.at[didx.at[i_loc]], ssem).wait()

                @pl.when(g < TMAIN)
                def _():
                    pltpu.async_copy(x_hbm.at[sl], rb, gsem)

            def fire(i_loc, g, rb, gsem, ssem):
                sl = sidx.at[i_loc]

                @pl.when(g < TMAIN)
                def _():
                    pltpu.make_async_copy(x_hbm.at[sl], rb, gsem).wait()
                    pltpu.async_copy(rb, acc.at[didx.at[i_loc]], ssem, add=True)

            slot(2 * j, g0, rb0, gs0, ss0)
            slot(2 * j + 1, g1, rb1, gs1, ss1)
            fire(2 * j, g0, rb0, gs0, ss0)
            fire(2 * j + 1, g1, rb1, gs1, ss1)

            if st < NST - 1:
                @pl.when(j == 1)
                def _():
                    pltpu.async_copy(e_hbm.at[0, pl.ds(stage_off(st + 1), S)],
                                     sbuf[1 - p], isrc)
                    pltpu.async_copy(e_hbm.at[1, pl.ds(stage_off(st + 1), S)],
                                     dbuf[1 - p], idst)

            return carry

        lax.fori_loop(0, RPS, body, 0)

    last0 = base + 2 * (CPW // 2 - 1)

    @pl.when(last0 < TMAIN)
    def _():
        pltpu.make_async_copy(rb0, acc.at[dbuf[(NST - 1) % 2].at[0]], ss0).wait()

    @pl.when(last0 + 1 < TMAIN)
    def _():
        pltpu.make_async_copy(rb1, acc.at[dbuf[(NST - 1) % 2].at[1]], ss1).wait()

    @pl.when(wid < 4)
    def _():
        pltpu.sync_copy(tail_hbm, ti)
        pltpu.async_copy(x_hbm.at[ti.at[wid]], rb0, gs0).wait()
        pltpu.sync_copy(rb0, acc.at[ti.at[wid + 4]], add=True)

    plsc.subcore_barrier()
    pltpu.sync_copy(acc.at[pl.ds(row0, RPT)],
                    out_hbm.at[pl.ds(c * N + row0, RPT)])

    @pl.when(s_ax == NS - 1)
    def _():
        pltpu.sync_copy(acc.at[pl.ds(NS * RPT, TAIL)],
                        out_hbm.at[pl.ds(c * N + NS * RPT, TAIL)])


def _tc_mlp_body(p_ref, wa_ref, ba_ref, wb_ref, bb_ref, g_ref, be_ref, o_ref):
    h = p_ref[0:N, :] + p_ref[N:2 * N, :]
    h = jnp.maximum(jnp.dot(h, wa_ref[...], preferred_element_type=jnp.float32)
                    + ba_ref[...], 0.0)
    h = jnp.maximum(jnp.dot(h, wb_ref[...], preferred_element_type=jnp.float32)
                    + bb_ref[...], 0.0)
    mean = jnp.mean(h, axis=0, keepdims=True)
    zc = h - mean
    var = jnp.mean(zc * zc, axis=0, keepdims=True)
    o_ref[...] = zc * lax.rsqrt(var + EPS_BN) * g_ref[...] + be_ref[...]


_tc_mlp = pl.pallas_call(
    _tc_mlp_body,
    out_shape=jax.ShapeDtypeStruct((N, D), jnp.float32),
)


def kernel(x, edge_index, W1a, b1a, W1b, b1b, g1, be1, W2a, b2a, W2b, b2b, g2, be2):
    e3 = edge_index.reshape(2, NCH, CHUNK)
    tail = edge_index[:, TMAIN * CHUNK:].reshape(8, CHUNK)
    zeros = jnp.zeros((RPT, D), jnp.float32)

    def layer(h, wa, ba, wb, bb, g, be):
        parts = _sc_agg(h, e3, tail, zeros)
        return _tc_mlp(parts, wa, ba.reshape(1, D), wb, bb.reshape(1, D),
                       g.reshape(1, D), be.reshape(1, D))

    h1 = layer(x, W1a, b1a, W1b, b1b, g1, be1)
    return layer(h1, W2a, b2a, W2b, b2b, g2, be2)

# --- scband reference (transcript-rebuilt; emitter-appended) ---
"""Pipeline reference for scband-my-gin-48009144435167 (READ-ONLY COPY).

The authoritative reference and input builder live on the scoring server;
editing this copy changes nothing except your own understanding.
"""

import jax, jax.numpy as jnp
import numpy as np

N = 10000
E = 320000
D = 128
H = 128
O = 128
EPS_BN = 1e-5


def setup_inputs(seed: int = 0) -> dict:
    key = jax.random.key(seed)
    ks = jax.random.split(key, 16)
    x = jax.random.normal(ks[0], (N, D), dtype=jnp.float32)
    edge_index = jax.random.randint(ks[1], (2, E), 0, N, dtype=jnp.int32)
    # conv1 MLP params: Linear(D->H), Linear(H->H), BN(H)
    W1a = jax.random.normal(ks[2], (D, H), dtype=jnp.float32) * 0.05
    b1a = jnp.zeros((H,), dtype=jnp.float32)
    W1b = jax.random.normal(ks[3], (H, H), dtype=jnp.float32) * 0.05
    b1b = jnp.zeros((H,), dtype=jnp.float32)
    g1 = jnp.ones((H,), dtype=jnp.float32)
    be1 = jnp.zeros((H,), dtype=jnp.float32)
    # conv2 MLP params: Linear(H->H), Linear(H->O), BN(O)
    W2a = jax.random.normal(ks[4], (H, H), dtype=jnp.float32) * 0.05
    b2a = jnp.zeros((H,), dtype=jnp.float32)
    W2b = jax.random.normal(ks[5], (H, O), dtype=jnp.float32) * 0.05
    b2b = jnp.zeros((O,), dtype=jnp.float32)
    g2 = jnp.ones((O,), dtype=jnp.float32)
    be2 = jnp.zeros((O,), dtype=jnp.float32)
    return {"x": x, "edge_index": edge_index,
            "W1a": W1a, "b1a": b1a, "W1b": W1b, "b1b": b1b, "g1": g1, "be1": be1,
            "W2a": W2a, "b2a": b2a, "W2b": W2b, "b2b": b2b, "g2": g2, "be2": be2}


def _batch_norm(h, gamma, beta):
    mean = jnp.mean(h, axis=0)
    var = jnp.mean((h - mean) ** 2, axis=0)
    return (h - mean) / jnp.sqrt(var + EPS_BN) * gamma + beta


def _gin_conv(x, edge_index, Wa, ba, Wb, bb, gamma, beta):
    src = edge_index[0]
    dst = edge_index[1]
    # sum aggregation of neighbor messages x[src] at dst nodes
    agg = jax.ops.segment_sum(jnp.take(x, src, axis=0), dst, num_segments=x.shape[0])
    h = x + agg  # (1 + eps) * x + agg with eps = 0 (train_eps=False)
    h = jax.nn.relu(h @ Wa + ba)
    h = jax.nn.relu(h @ Wb + bb)
    h = _batch_norm(h, gamma, beta)
    return h


def reference(x, edge_index, W1a, b1a, W1b, b1b, g1, be1, W2a, b2a, W2b, b2b, g2, be2):
    h = _gin_conv(x, edge_index, W1a, b1a, W1b, b1b, g1, be1)
    h = _gin_conv(h, edge_index, W2a, b2a, W2b, b2b, g2, be2)
    return h

if __name__ == "__main__":
    import jax
    _d = setup_inputs()
    print(jax.jit(kernel)(*tuple(_d.values())))

</pallas_src>

<mosaic_0001>
#map = affine_map<(d0, d1) -> (0, 0)>
#map1 = affine_map<(d0, d1) -> (0, 0, 0)>
module attributes {stable_mosaic.version = 14 : i64} {
  func.func @_sc_agg(%arg0: i32, %arg1: i32, %arg2: memref<10000x128xf32, #tpu.memory_space<hbm>>, %arg3: memref<2x2500x128xi32, #tpu.memory_space<hbm>>, %arg4: memref<8x128xi32, #tpu.memory_space<hbm>>, %arg5: memref<624x128xf32, #tpu.memory_space<hbm>>, %arg6: memref<20000x128xf32, #tpu.memory_space<hbm>>, %arg7: memref<10000x128xf32, #tpu.memory_space<vmem_shared>>, %arg8: memref<16x128xi32, #tpu.memory_space<vmem>>, %arg9: memref<16x128xi32, #tpu.memory_space<vmem>>, %arg10: memref<16x128xi32, #tpu.memory_space<vmem>>, %arg11: memref<16x128xi32, #tpu.memory_space<vmem>>, %arg12: memref<8x128xi32, #tpu.memory_space<vmem>>, %arg13: memref<128x128xf32, #tpu.memory_space<vmem>>, %arg14: memref<128x128xf32, #tpu.memory_space<vmem>>, %arg15: memref<!tpu.dma_semaphore, #tpu.memory_space<semaphore_mem>>, %arg16: memref<!tpu.dma_semaphore, #tpu.memory_space<semaphore_mem>>, %arg17: memref<!tpu.dma_semaphore, #tpu.memory_space<semaphore_mem>>, %arg18: memref<!tpu.dma_semaphore, #tpu.memory_space<semaphore_mem>>, %arg19: memref<!tpu.dma_semaphore, #tpu.memory_space<semaphore_mem>>, %arg20: memref<!tpu.dma_semaphore, #tpu.memory_space<semaphore_mem>>) attributes {dimension_semantics = [#tpu.dimension_semantics<core_parallel>, #tpu.dimension_semantics<subcore_parallel>], iteration_bounds = array<i64: 2, 16>, scalar_prefetch = 0 : i64, scratch_operands = 14 : i64, tpu.core_type = #tpu.core_type<sc_vector_subcore>, window_params = [{transform_indices = #map}, {transform_indices = #map1}, {transform_indices = #map}, {transform_indices = #map}, {transform_indices = #map}]} {
    %mul3A = arith.constant 16 : i32
    %mul3A_0 = arith.muli %arg0, %mul3A : i32
    %add3A = arith.addi %mul3A_0, %arg1 : i32
    %mul3A_1 = arith.constant 80 : i32
    %mul3A_2 = arith.muli %add3A, %mul3A_1 : i32
    %mul3A_3 = arith.constant 624 : i32
    %mul3A_4 = arith.muli %arg1, %mul3A_3 : i32
    %eq3A = arith.constant 0 : i32
    %eq3A_5 = arith.cmpi eq, %arg0, %eq3A : i32
    %lt3A = arith.constant 4992 : i32
    %lt3A_6 = arith.cmpi slt, %mul3A_4, %lt3A : i32
    %ge3A = arith.constant 4992 : i32
    %ge3A_7 = arith.cmpi sge, %mul3A_4, %ge3A : i32
    %select_n3A = arith.select %eq3A_5, %lt3A_6, %ge3A_7 : i1
    %convert_element_type3A = arith.extui %select_n3A : i1 to i32
    %cond3A = arith.constant 0 : i32
    %cond3A_8 = arith.cmpi ne, %convert_element_type3A, %cond3A : i32
    scf.if %cond3A_8 {
      "tpu.region"() ({
        %run_scoped3A = tpu.sem_alloc : memref<!tpu.dma_semaphore, #tpu.memory_space<semaphore_mem>>
        %dma_start3A_204 = arith.constant 0 : i32
        %dma_start3A_205 = tpu.memref_slice %arg7[%mul3A_4, %dma_start3A_204] : memref<10000x128xf32, #tpu.memory_space<vmem_shared>> -> memref<624x128xf32, #tpu.memory_space<vmem_shared>>
        %dma_start3A_206 = arith.constant 0 : i32
        %dma_start3A_207 = tpu.memref_slice %arg2[%mul3A_4, %dma_start3A_206] : memref<10000x128xf32, #tpu.memory_space<hbm>> -> memref<624x128xf32, #tpu.memory_space<hbm>>
        tpu.enqueue_dma source(%dma_start3A_207 : memref<624x128xf32, #tpu.memory_space<hbm>>) target(%dma_start3A_205 : memref<624x128xf32, #tpu.memory_space<vmem_shared>>) target_semaphore(%run_scoped3A : memref<!tpu.dma_semaphore, #tpu.memory_space<semaphore_mem>>)
        %dma_wait3A_208 = arith.constant 0 : i32
        %dma_wait3A_209 = tpu.memref_slice %arg7[%mul3A_4, %dma_wait3A_208] : memref<10000x128xf32, #tpu.memory_space<vmem_shared>> -> memref<624x128xf32, #tpu.memory_space<vmem_shared>>
        %dma_wait3A_210 = arith.constant 0 : i32
        %dma_wait3A_211 = tpu.memref_slice %arg2[%mul3A_4, %dma_wait3A_210] : memref<10000x128xf32, #tpu.memory_space<hbm>> -> memref<624x128xf32, #tpu.memory_space<hbm>>
        tpu.wait_dma2 semaphore(%run_scoped3A : memref<!tpu.dma_semaphore, #tpu.memory_space<semaphore_mem>>) src(%dma_wait3A_211 : memref<624x128xf32, #tpu.memory_space<hbm>>) dst(%dma_wait3A_209 : memref<624x128xf32, #tpu.memory_space<vmem_shared>>)
        tpu.yield
      }) : () -> ()
    } else {
    }
    %not3A = arith.constant true
    %not3A_9 = arith.xori %select_n3A, %not3A : i1
    %convert_element_type3A_10 = arith.extui %not3A_9 : i1 to i32
    %cond3A_11 = arith.constant 0 : i32
    %cond3A_12 = arith.cmpi ne, %convert_element_type3A_10, %cond3A_11 : i32
    scf.if %cond3A_12 {
      "tpu.region"() ({
        %run_scoped3A = tpu.sem_alloc : memref<!tpu.dma_semaphore, #tpu.memory_space<semaphore_mem>>
        %dma_start3A_204 = arith.constant 0 : i32
        %dma_start3A_205 = tpu.memref_slice %arg7[%mul3A_4, %dma_start3A_204] : memref<10000x128xf32, #tpu.memory_space<vmem_shared>> -> memref<624x128xf32, #tpu.memory_space<vmem_shared>>
        %dma_start3A_206 = arith.constant 0 : i32
        %dma_start3A_207 = arith.constant 0 : i32
        %dma_start3A_208 = tpu.memref_slice %arg5[%dma_start3A_206, %dma_start3A_207] : memref<624x128xf32, #tpu.memory_space<hbm>> -> memref<624x128xf32, #tpu.memory_space<hbm>>
        tpu.enqueue_dma source(%dma_start3A_208 : memref<624x128xf32, #tpu.memory_space<hbm>>) target(%dma_start3A_205 : memref<624x128xf32, #tpu.memory_space<vmem_shared>>) target_semaphore(%run_scoped3A : memref<!tpu.dma_semaphore, #tpu.memory_space<semaphore_mem>>)
        %dma_wait3A_209 = arith.constant 0 : i32
        %dma_wait3A_210 = tpu.memref_slice %arg7[%mul3A_4, %dma_wait3A_209] : memref<10000x128xf32, #tpu.memory_space<vmem_shared>> -> memref<624x128xf32, #tpu.memory_space<vmem_shared>>
        %dma_wait3A_211 = arith.constant 0 : i32
        %dma_wait3A_212 = arith.constant 0 : i32
        %dma_wait3A_213 = tpu.memref_slice %arg5[%dma_wait3A_211, %dma_wait3A_212] : memref<624x128xf32, #tpu.memory_space<hbm>> -> memref<624x128xf32, #tpu.memory_space<hbm>>
        tpu.wait_dma2 semaphore(%run_scoped3A : memref<!tpu.dma_semaphore, #tpu.memory_space<semaphore_mem>>) src(%dma_wait3A_213 : memref<624x128xf32, #tpu.memory_space<hbm>>) dst(%dma_wait3A_210 : memref<624x128xf32, #tpu.memory_space<vmem_shared>>)
        tpu.yield
      }) : () -> ()
    } else {
    }
    %eq3A_13 = arith.constant 15 : i32
    %eq3A_14 = arith.cmpi eq, %arg1, %eq3A_13 : i32
    %convert_element_type3A_15 = arith.extui %eq3A_14 : i1 to i32
    %cond3A_16 = arith.constant 0 : i32
    %cond3A_17 = arith.cmpi ne, %convert_element_type3A_15, %cond3A_16 : i32
    scf.if %cond3A_17 {
      %eq3A_204 = arith.constant 1 : i32
      %eq3A_205 = arith.cmpi eq, %arg0, %eq3A_204 : i32
      %convert_element_type3A_206 = arith.extui %eq3A_205 : i1 to i32
      %cond3A_207 = arith.constant 0 : i32
      %cond3A_208 = arith.cmpi ne, %convert_element_type3A_206, %cond3A_207 : i32
      scf.if %cond3A_208 {
        "tpu.region"() ({
          %run_scoped3A = tpu.sem_alloc : memref<!tpu.dma_semaphore, #tpu.memory_space<semaphore_mem>>
          %dma_start3A_214 = arith.constant 9984 : i32
          %dma_start3A_215 = arith.constant 0 : i32
          %dma_start3A_216 = tpu.memref_slice %arg7[%dma_start3A_214, %dma_start3A_215] : memref<10000x128xf32, #tpu.memory_space<vmem_shared>> -> memref<16x128xf32, #tpu.memory_space<vmem_shared>>
          %dma_start3A_217 = arith.constant 9984 : i32
          %dma_start3A_218 = arith.constant 0 : i32
          %dma_start3A_219 = tpu.memref_slice %arg2[%dma_start3A_217, %dma_start3A_218] : memref<10000x128xf32, #tpu.memory_space<hbm>> -> memref<16x128xf32, #tpu.memory_space<hbm>>
          tpu.enqueue_dma source(%dma_start3A_219 : memref<16x128xf32, #tpu.memory_space<hbm>>) target(%dma_start3A_216 : memref<16x128xf32, #tpu.memory_space<vmem_shared>>) target_semaphore(%run_scoped3A : memref<!tpu.dma_semaphore, #tpu.memory_space<semaphore_mem>>)
          %dma_wait3A_220 = arith.constant 9984 : i32
          %dma_wait3A_221 = arith.constant 0 : i32
          %dma_wait3A_222 = tpu.memref_slice %arg7[%dma_wait3A_220, %dma_wait3A_221] : memref<10000x128xf32, #tpu.memory_space<vmem_shared>> -> memref<16x128xf32, #tpu.memory_space<vmem_shared>>
          %dma_wait3A_223 = arith.constant 9984 : i32
          %dma_wait3A_224 = arith.constant 0 : i32
          %dma_wait3A_225 = tpu.memref_slice %arg2[%dma_wait3A_223, %dma_wait3A_224] : memref<10000x128xf32, #tpu.memory_space<hbm>> -> memref<16x128xf32, #tpu.memory_space<hbm>>
          tpu.wait_dma2 semaphore(%run_scoped3A : memref<!tpu.dma_semaphore, #tpu.memory_space<semaphore_mem>>) src(%dma_wait3A_225 : memref<16x128xf32, #tpu.memory_space<hbm>>) dst(%dma_wait3A_222 : memref<16x128xf32, #tpu.memory_space<vmem_shared>>)
          tpu.yield
        }) : () -> ()
      } else {
      }
      %eq3A_209 = arith.constant 0 : i32
      %eq3A_210 = arith.cmpi eq, %arg0, %eq3A_209 : i32
      %convert_element_type3A_211 = arith.extui %eq3A_210 : i1 to i32
      %cond3A_212 = arith.constant 0 : i32
      %cond3A_213 = arith.cmpi ne, %convert_element_type3A_211, %cond3A_212 : i32
      scf.if %cond3A_213 {
        "tpu.region"() ({
          %run_scoped3A = tpu.sem_alloc : memref<!tpu.dma_semaphore, #tpu.memory_space<semaphore_mem>>
          %dma_start3A_214 = arith.constant 9984 : i32
          %dma_start3A_215 = arith.constant 0 : i32
          %dma_start3A_216 = tpu.memref_slice %arg7[%dma_start3A_214, %dma_start3A_215] : memref<10000x128xf32, #tpu.memory_space<vmem_shared>> -> memref<16x128xf32, #tpu.memory_space<vmem_shared>>
          %dma_start3A_217 = arith.constant 0 : i32
          %dma_start3A_218 = arith.constant 0 : i32
          %dma_start3A_219 = tpu.memref_slice %arg5[%dma_start3A_217, %dma_start3A_218] : memref<624x128xf32, #tpu.memory_space<hbm>> -> memref<16x128xf32, #tpu.memory_space<hbm>>
          tpu.enqueue_dma source(%dma_start3A_219 : memref<16x128xf32, #tpu.memory_space<hbm>>) target(%dma_start3A_216 : memref<16x128xf32, #tpu.memory_space<vmem_shared>>) target_semaphore(%run_scoped3A : memref<!tpu.dma_semaphore, #tpu.memory_space<semaphore_mem>>)
          %dma_wait3A_220 = arith.constant 9984 : i32
          %dma_wait3A_221 = arith.constant 0 : i32
          %dma_wait3A_222 = tpu.memref_slice %arg7[%dma_wait3A_220, %dma_wait3A_221] : memref<10000x128xf32, #tpu.memory_space<vmem_shared>> -> memref<16x128xf32, #tpu.memory_space<vmem_shared>>
          %dma_wait3A_223 = arith.constant 0 : i32
          %dma_wait3A_224 = arith.constant 0 : i32
          %dma_wait3A_225 = tpu.memref_slice %arg5[%dma_wait3A_223, %dma_wait3A_224] : memref<624x128xf32, #tpu.memory_space<hbm>> -> memref<16x128xf32, #tpu.memory_space<hbm>>
          tpu.wait_dma2 semaphore(%run_scoped3A : memref<!tpu.dma_semaphore, #tpu.memory_space<semaphore_mem>>) src(%dma_wait3A_225 : memref<16x128xf32, #tpu.memory_space<hbm>>) dst(%dma_wait3A_222 : memref<16x128xf32, #tpu.memory_space<vmem_shared>>)
          tpu.yield
        }) : () -> ()
      } else {
      }
    } else {
    }
    %barrier3A = arith.constant 0 : index
    tpu.barrier barrier_id(%barrier3A)
    %add3A_18 = arith.constant 0 : i32
    %add3A_19 = arith.addi %mul3A_2, %add3A_18 : i32
    %min3A = arith.constant 2480 : i32
    %min3A_20 = arith.minsi %add3A_19, %min3A : i32
    %dma_start3A = arith.constant 0 : i32
    %dma_start3A_21 = arith.constant 0 : i32
    %dma_start3A_22 = tpu.memref_slice %arg3[%dma_start3A, %min3A_20, %dma_start3A_21] : memref<2x2500x128xi32, #tpu.memory_space<hbm>> -> memref<1x16x128xi32, #tpu.memory_space<hbm>>
    %dma_start3A_23 = tpu.memref_squeeze %dma_start3A_22 : memref<1x16x128xi32, #tpu.memory_space<hbm>> -> memref<16x128xi32, #tpu.memory_space<hbm>>
    %dma_start3A_24 = arith.constant 0 : i32
    %dma_start3A_25 = tpu.memref_slice %arg3[%dma_start3A, %min3A_20, %dma_start3A_24] : memref<2x2500x128xi32, #tpu.memory_space<hbm>> -> memref<1x16x128xi32, #tpu.memory_space<hbm>>
    %dma_start3A_26 = tpu.memref_squeeze %dma_start3A_25 : memref<1x16x128xi32, #tpu.memory_space<hbm>> -> memref<16x128xi32, #tpu.memory_space<hbm>>
    tpu.enqueue_dma source(%dma_start3A_26 : memref<16x128xi32, #tpu.memory_space<hbm>>) target(%arg8 : memref<16x128xi32, #tpu.memory_space<vmem>>) target_semaphore(%arg19 : memref<!tpu.dma_semaphore, #tpu.memory_space<semaphore_mem>>)
    %add3A_27 = arith.constant 0 : i32
    %add3A_28 = arith.addi %mul3A_2, %add3A_27 : i32
    %min3A_29 = arith.constant 2480 : i32
    %min3A_30 = arith.minsi %add3A_28, %min3A_29 : i32
    %dma_start3A_31 = arith.constant 1 : i32
    %dma_start3A_32 = arith.constant 0 : i32
    %dma_start3A_33 = tpu.memref_slice %arg3[%dma_start3A_31, %min3A_30, %dma_start3A_32] : memref<2x2500x128xi32, #tpu.memory_space<hbm>> -> memref<1x16x128xi32, #tpu.memory_space<hbm>>
    %dma_start3A_34 = tpu.memref_squeeze %dma_start3A_33 : memref<1x16x128xi32, #tpu.memory_space<hbm>> -> memref<16x128xi32, #tpu.memory_space<hbm>>
    %dma_start3A_35 = arith.constant 0 : i32
    %dma_start3A_36 = tpu.memref_slice %arg3[%dma_start3A_31, %min3A_30, %dma_start3A_35] : memref<2x2500x128xi32, #tpu.memory_space<hbm>> -> memref<1x16x128xi32, #tpu.memory_space<hbm>>
    %dma_start3A_37 = tpu.memref_squeeze %dma_start3A_36 : memref<1x16x128xi32, #tpu.memory_space<hbm>> -> memref<16x128xi32, #tpu.memory_space<hbm>>
    tpu.enqueue_dma source(%dma_start3A_37 : memref<16x128xi32, #tpu.memory_space<hbm>>) target(%arg9 : memref<16x128xi32, #tpu.memory_space<vmem>>) target_semaphore(%arg20 : memref<!tpu.dma_semaphore, #tpu.memory_space<semaphore_mem>>)
    %add3A_38 = arith.constant 0 : i32
    %add3A_39 = arith.addi %mul3A_2, %add3A_38 : i32
    %min3A_40 = arith.constant 2480 : i32
    %min3A_41 = arith.minsi %add3A_39, %min3A_40 : i32
    %dma_wait3A = arith.constant 0 : i32
    %dma_wait3A_42 = arith.constant 0 : i32
    %dma_wait3A_43 = tpu.memref_slice %arg3[%dma_wait3A, %min3A_41, %dma_wait3A_42] : memref<2x2500x128xi32, #tpu.memory_space<hbm>> -> memref<1x16x128xi32, #tpu.memory_space<hbm>>
    %dma_wait3A_44 = tpu.memref_squeeze %dma_wait3A_43 : memref<1x16x128xi32, #tpu.memory_space<hbm>> -> memref<16x128xi32, #tpu.memory_space<hbm>>
    %dma_wait3A_45 = arith.constant 0 : i32
    %dma_wait3A_46 = tpu.memref_slice %arg3[%dma_wait3A, %min3A_41, %dma_wait3A_45] : memref<2x2500x128xi32, #tpu.memory_space<hbm>> -> memref<1x16x128xi32, #tpu.memory_space<hbm>>
    %dma_wait3A_47 = tpu.memref_squeeze %dma_wait3A_46 : memref<1x16x128xi32, #tpu.memory_space<hbm>> -> memref<16x128xi32, #tpu.memory_space<hbm>>
    tpu.wait_dma2 semaphore(%arg19 : memref<!tpu.dma_semaphore, #tpu.memory_space<semaphore_mem>>) src(%dma_wait3A_47 : memref<16x128xi32, #tpu.memory_space<hbm>>) dst(%arg8 : memref<16x128xi32, #tpu.memory_space<vmem>>)
    %add3A_48 = arith.constant 0 : i32
    %add3A_49 = arith.addi %mul3A_2, %add3A_48 : i32
    %min3A_50 = arith.constant 2480 : i32
    %min3A_51 = arith.minsi %add3A_49, %min3A_50 : i32
    %dma_wait3A_52 = arith.constant 1 : i32
    %dma_wait3A_53 = arith.constant 0 : i32
    %dma_wait3A_54 = tpu.memref_slice %arg3[%dma_wait3A_52, %min3A_51, %dma_wait3A_53] : memref<2x2500x128xi32, #tpu.memory_space<hbm>> -> memref<1x16x128xi32, #tpu.memory_space<hbm>>
    %dma_wait3A_55 = tpu.memref_squeeze %dma_wait3A_54 : memref<1x16x128xi32, #tpu.memory_space<hbm>> -> memref<16x128xi32, #tpu.memory_space<hbm>>
    %dma_wait3A_56 = arith.constant 0 : i32
    %dma_wait3A_57 = tpu.memref_slice %arg3[%dma_wait3A_52, %min3A_51, %dma_wait3A_56] : memref<2x2500x128xi32, #tpu.memory_space<hbm>> -> memref<1x16x128xi32, #tpu.memory_space<hbm>>
    %dma_wait3A_58 = tpu.memref_squeeze %dma_wait3A_57 : memref<1x16x128xi32, #tpu.memory_space<hbm>> -> memref<16x128xi32, #tpu.memory_space<hbm>>
    tpu.wait_dma2 semaphore(%arg20 : memref<!tpu.dma_semaphore, #tpu.memory_space<semaphore_mem>>) src(%dma_wait3A_58 : memref<16x128xi32, #tpu.memory_space<hbm>>) dst(%arg9 : memref<16x128xi32, #tpu.memory_space<vmem>>)
    %scan3A = arith.constant 0 : i32
    %scan3A_59 = arith.constant 0 : i32
    %scan3A_60 = arith.constant 8 : i32
    %scan3A_61 = arith.addi %scan3A_59, %scan3A_60 : i32
    %scan3A_62 = arith.constant 1 : i32
    scf.for %scan3A_204 = %scan3A_59 to %scan3A_61 step %scan3A_62  : i32 {
      %add3A_205 = arith.constant 0 : i32
      %add3A_206 = arith.addi %mul3A_2, %add3A_205 : i32
      %mul3A_207 = arith.constant 2 : i32
      %mul3A_208 = arith.muli %mul3A_207, %scan3A_204 : i32
      %add3A_209 = arith.addi %add3A_206, %mul3A_208 : i32
      %add3A_210 = arith.constant 1 : i32
      %add3A_211 = arith.addi %add3A_209, %add3A_210 : i32
      %mul3A_212 = arith.constant 2 : i32
      %mul3A_213 = arith.muli %mul3A_212, %scan3A_204 : i32
      %eq3A_214 = arith.constant 0 : i32
      %eq3A_215 = arith.cmpi eq, %scan3A_204, %eq3A_214 : i32
      %not3A_216 = arith.constant true
      %not3A_217 = arith.xori %eq3A_215, %not3A_216 : i1
      %sub3A = arith.constant 2 : i32
      %sub3A_218 = arith.subi %add3A_209, %sub3A : i32
      %lt3A_219 = arith.constant 2496 : i32
      %lt3A_220 = arith.cmpi slt, %sub3A_218, %lt3A_219 : i32
      %and3A = arith.andi %not3A_217, %lt3A_220 : i1
      %convert_element_type3A_221 = arith.extui %and3A : i1 to i32
      %cond3A_222 = arith.constant 0 : i32
      %cond3A_223 = arith.cmpi ne, %convert_element_type3A_221, %cond3A_222 : i32
      scf.if %cond3A_223 {
        %dma_wait3A_271 = arith.constant 0 : i32
        %dma_wait3A_272 = tpu.memref_slice %arg9[%mul3A_213, %dma_wait3A_271] : memref<16x128xi32, #tpu.memory_space<vmem>> -> memref<1x128xi32, #tpu.memory_space<vmem>>
        %dma_wait3A_273 = tpu.memref_squeeze %dma_wait3A_272 : memref<1x128xi32, #tpu.memory_space<vmem>> -> memref<128xi32, #tpu.memory_space<vmem>>
        %dma_wait3A_274 = arith.constant 0 : i32
        %dma_wait3A_275 = arith.constant 0 : i32
        %dma_wait3A_276 = tpu.memref_slice %arg7[%dma_wait3A_274, %dma_wait3A_275] : memref<10000x128xf32, #tpu.memory_space<vmem_shared>> -> memref<10000x128xf32, #tpu.memory_space<vmem_shared>>
        tpu.wait_indirect_dma semaphore(%arg17 : memref<!tpu.dma_semaphore, #tpu.memory_space<semaphore_mem>>) src(%arg13 : memref<128x128xf32, #tpu.memory_space<vmem>>) dst(%dma_wait3A_276 : memref<10000x128xf32, #tpu.memory_space<vmem_shared>>)
      } else {
      }
      %lt3A_224 = arith.constant 2496 : i32
      %lt3A_225 = arith.cmpi slt, %add3A_209, %lt3A_224 : i32
      %convert_element_type3A_226 = arith.extui %lt3A_225 : i1 to i32
      %cond3A_227 = arith.constant 0 : i32
      %cond3A_228 = arith.cmpi ne, %convert_element_type3A_226, %cond3A_227 : i32
      scf.if %cond3A_228 {
        %dma_start3A_271 = arith.constant 0 : i32
        %dma_start3A_272 = tpu.memref_slice %arg8[%mul3A_213, %dma_start3A_271] : memref<16x128xi32, #tpu.memory_space<vmem>> -> memref<1x128xi32, #tpu.memory_space<vmem>>
        %dma_start3A_273 = tpu.memref_squeeze %dma_start3A_272 : memref<1x128xi32, #tpu.memory_space<vmem>> -> memref<128xi32, #tpu.memory_space<vmem>>
        %dma_start3A_274 = arith.constant 0 : i32
        %dma_start3A_275 = arith.constant 0 : i32
        %dma_start3A_276 = tpu.memref_slice %arg2[%dma_start3A_274, %dma_start3A_275] : memref<10000x128xf32, #tpu.memory_space<hbm>> -> memref<10000x128xf32, #tpu.memory_space<hbm>>
        tpu.enqueue_indirect_dma source(%dma_start3A_276 : memref<10000x128xf32, #tpu.memory_space<hbm>>) target(%arg13 : memref<128x128xf32, #tpu.memory_space<vmem>>) offsets(%dma_start3A_273 : memref<128xi32, #tpu.memory_space<vmem>>) semaphore(%arg15 : memref<!tpu.dma_semaphore, #tpu.memory_space<semaphore_mem>>)
      } else {
      }
      %mul3A_229 = arith.constant 2 : i32
      %mul3A_230 = arith.muli %mul3A_229, %scan3A_204 : i32
      %add3A_231 = arith.constant 1 : i32
      %add3A_232 = arith.addi %mul3A_230, %add3A_231 : i32
      %eq3A_233 = arith.constant 0 : i32
      %eq3A_234 = arith.cmpi eq, %scan3A_204, %eq3A_233 : i32
      %not3A_235 = arith.constant true
      %not3A_236 = arith.xori %eq3A_234, %not3A_235 : i1
      %sub3A_237 = arith.constant 2 : i32
      %sub3A_238 = arith.subi %add3A_211, %sub3A_237 : i32
      %lt3A_239 = arith.constant 2496 : i32
      %lt3A_240 = arith.cmpi slt, %sub3A_238, %lt3A_239 : i32
      %and3A_241 = arith.andi %not3A_236, %lt3A_240 : i1
      %convert_element_type3A_242 = arith.extui %and3A_241 : i1 to i32
      %cond3A_243 = arith.constant 0 : i32
      %cond3A_244 = arith.cmpi ne, %convert_element_type3A_242, %cond3A_243 : i32
      scf.if %cond3A_244 {
        %dma_wait3A_271 = arith.constant 0 : i32
        %dma_wait3A_272 = tpu.memref_slice %arg9[%add3A_232, %dma_wait3A_271] : memref<16x128xi32, #tpu.memory_space<vmem>> -> memref<1x128xi32, #tpu.memory_space<vmem>>
        %dma_wait3A_273 = tpu.memref_squeeze %dma_wait3A_272 : memref<1x128xi32, #tpu.memory_space<vmem>> -> memref<128xi32, #tpu.memory_space<vmem>>
        %dma_wait3A_274 = arith.constant 0 : i32
        %dma_wait3A_275 = arith.constant 0 : i32
        %dma_wait3A_276 = tpu.memref_slice %arg7[%dma_wait3A_274, %dma_wait3A_275] : memref<10000x128xf32, #tpu.memory_space<vmem_shared>> -> memref<10000x128xf32, #tpu.memory_space<vmem_shared>>
        tpu.wait_indirect_dma semaphore(%arg18 : memref<!tpu.dma_semaphore, #tpu.memory_space<semaphore_mem>>) src(%arg14 : memref<128x128xf32, #tpu.memory_space<vmem>>) dst(%dma_wait3A_276 : memref<10000x128xf32, #tpu.memory_space<vmem_shared>>)
      } else {
      }
      %lt3A_245 = arith.constant 2496 : i32
      %lt3A_246 = arith.cmpi slt, %add3A_211, %lt3A_245 : i32
      %convert_element_type3A_247 = arith.extui %lt3A_246 : i1 to i32
      %cond3A_248 = arith.constant 0 : i32
      %cond3A_249 = arith.cmpi ne, %convert_element_type3A_247, %cond3A_248 : i32
      scf.if %cond3A_249 {
        %dma_start3A_271 = arith.constant 0 : i32
        %dma_start3A_272 = tpu.memref_slice %arg8[%add3A_232, %dma_start3A_271] : memref<16x128xi32, #tpu.memory_space<vmem>> -> memref<1x128xi32, #tpu.memory_space<vmem>>
        %dma_start3A_273 = tpu.memref_squeeze %dma_start3A_272 : memref<1x128xi32, #tpu.memory_space<vmem>> -> memref<128xi32, #tpu.memory_space<vmem>>
        %dma_start3A_274 = arith.constant 0 : i32
        %dma_start3A_275 = arith.constant 0 : i32
        %dma_start3A_276 = tpu.memref_slice %arg2[%dma_start3A_274, %dma_start3A_275] : memref<10000x128xf32, #tpu.memory_space<hbm>> -> memref<10000x128xf32, #tpu.memory_space<hbm>>
        tpu.enqueue_indirect_dma source(%dma_start3A_276 : memref<10000x128xf32, #tpu.memory_space<hbm>>) target(%arg14 : memref<128x128xf32, #tpu.memory_space<vmem>>) offsets(%dma_start3A_273 : memref<128xi32, #tpu.memory_space<vmem>>) semaphore(%arg16 : memref<!tpu.dma_semaphore, #tpu.memory_space<semaphore_mem>>)
      } else {
      }
      %mul3A_250 = arith.constant 2 : i32
      %mul3A_251 = arith.muli %mul3A_250, %scan3A_204 : i32
      %lt3A_252 = arith.constant 2496 : i32
      %lt3A_253 = arith.cmpi slt, %add3A_209, %lt3A_252 : i32
      %convert_element_type3A_254 = arith.extui %lt3A_253 : i1 to i32
      %cond3A_255 = arith.constant 0 : i32
      %cond3A_256 = arith.cmpi ne, %convert_element_type3A_254, %cond3A_255 : i32
      scf.if %cond3A_256 {
        %dma_wait3A_271 = arith.constant 0 : i32
        %dma_wait3A_272 = tpu.memref_slice %arg8[%mul3A_251, %dma_wait3A_271] : memref<16x128xi32, #tpu.memory_space<vmem>> -> memref<1x128xi32, #tpu.memory_space<vmem>>
        %dma_wait3A_273 = tpu.memref_squeeze %dma_wait3A_272 : memref<1x128xi32, #tpu.memory_space<vmem>> -> memref<128xi32, #tpu.memory_space<vmem>>
        %dma_wait3A_274 = arith.constant 0 : i32
        %dma_wait3A_275 = arith.constant 0 : i32
        %dma_wait3A_276 = tpu.memref_slice %arg2[%dma_wait3A_274, %dma_wait3A_275] : memref<10000x128xf32, #tpu.memory_space<hbm>> -> memref<10000x128xf32, #tpu.memory_space<hbm>>
        tpu.wait_indirect_dma semaphore(%arg15 : memref<!tpu.dma_semaphore, #tpu.memory_space<semaphore_mem>>) src(%dma_wait3A_276 : memref<10000x128xf32, #tpu.memory_space<hbm>>) dst(%arg13 : memref<128x128xf32, #tpu.memory_space<vmem>>)
        %dma_start3A_277 = arith.constant 0 : i32
        %dma_start3A_278 = tpu.memref_slice %arg9[%mul3A_251, %dma_start3A_277] : memref<16x128xi32, #tpu.memory_space<vmem>> -> memref<1x128xi32, #tpu.memory_space<vmem>>
        %dma_start3A_279 = tpu.memref_squeeze %dma_start3A_278 : memref<1x128xi32, #tpu.memory_space<vmem>> -> memref<128xi32, #tpu.memory_space<vmem>>
        %dma_start3A_280 = arith.constant 0 : i32
        %dma_start3A_281 = arith.constant 0 : i32
        %dma_start3A_282 = tpu.memref_slice %arg7[%dma_start3A_280, %dma_start3A_281] : memref<10000x128xf32, #tpu.memory_space<vmem_shared>> -> memref<10000x128xf32, #tpu.memory_space<vmem_shared>>
        tpu.enqueue_indirect_dma source(%arg13 : memref<128x128xf32, #tpu.memory_space<vmem>>) target(%dma_start3A_282 : memref<10000x128xf32, #tpu.memory_space<vmem_shared>>) offsets(%dma_start3A_279 : memref<128xi32, #tpu.memory_space<vmem>>) semaphore(%arg17 : memref<!tpu.dma_semaphore, #tpu.memory_space<semaphore_mem>>) {add = true}
      } else {
      }
      %mul3A_257 = arith.constant 2 : i32
      %mul3A_258 = arith.muli %mul3A_257, %scan3A_204 : i32
      %add3A_259 = arith.constant 1 : i32
      %add3A_260 = arith.addi %mul3A_258, %add3A_259 : i32
      %lt3A_261 = arith.constant 2496 : i32
      %lt3A_262 = arith.cmpi slt, %add3A_211, %lt3A_261 : i32
      %convert_element_type3A_263 = arith.extui %lt3A_262 : i1 to i32
      %cond3A_264 = arith.constant 0 : i32
      %cond3A_265 = arith.cmpi ne, %convert_element_type3A_263, %cond3A_264 : i32
      scf.if %cond3A_265 {
        %dma_wait3A_271 = arith.constant 0 : i32
        %dma_wait3A_272 = tpu.memref_slice %arg8[%add3A_260, %dma_wait3A_271] : memref<16x128xi32, #tpu.memory_space<vmem>> -> memref<1x128xi32, #tpu.memory_space<vmem>>
        %dma_wait3A_273 = tpu.memref_squeeze %dma_wait3A_272 : memref<1x128xi32, #tpu.memory_space<vmem>> -> memref<128xi32, #tpu.memory_space<vmem>>
        %dma_wait3A_274 = arith.constant 0 : i32
        %dma_wait3A_275 = arith.constant 0 : i32
        %dma_wait3A_276 = tpu.memref_slice %arg2[%dma_wait3A_274, %dma_wait3A_275] : memref<10000x128xf32, #tpu.memory_space<hbm>> -> memref<10000x128xf32, #tpu.memory_space<hbm>>
        tpu.wait_indirect_dma semaphore(%arg16 : memref<!tpu.dma_semaphore, #tpu.memory_space<semaphore_mem>>) src(%dma_wait3A_276 : memref<10000x128xf32, #tpu.memory_space<hbm>>) dst(%arg14 : memref<128x128xf32, #tpu.memory_space<vmem>>)
        %dma_start3A_277 = arith.constant 0 : i32
        %dma_start3A_278 = tpu.memref_slice %arg9[%add3A_260, %dma_start3A_277] : memref<16x128xi32, #tpu.memory_space<vmem>> -> memref<1x128xi32, #tpu.memory_space<vmem>>
        %dma_start3A_279 = tpu.memref_squeeze %dma_start3A_278 : memref<1x128xi32, #tpu.memory_space<vmem>> -> memref<128xi32, #tpu.memory_space<vmem>>
        %dma_start3A_280 = arith.constant 0 : i32
        %dma_start3A_281 = arith.constant 0 : i32
        %dma_start3A_282 = tpu.memref_slice %arg7[%dma_start3A_280, %dma_start3A_281] : memref<10000x128xf32, #tpu.memory_space<vmem_shared>> -> memref<10000x128xf32, #tpu.memory_space<vmem_shared>>
        tpu.enqueue_indirect_dma source(%arg14 : memref<128x128xf32, #tpu.memory_space<vmem>>) target(%dma_start3A_282 : memref<10000x128xf32, #tpu.memory_space<vmem_shared>>) offsets(%dma_start3A_279 : memref<128xi32, #tpu.memory_space<vmem>>) semaphore(%arg18 : memref<!tpu.dma_semaphore, #tpu.memory_space<semaphore_mem>>) {add = true}
      } else {
      }
      %eq3A_266 = arith.constant 1 : i32
      %eq3A_267 = arith.cmpi eq, %scan3A_204, %eq3A_266 : i32
      %convert_element_type3A_268 = arith.extui %eq3A_267 : i1 to i32
      %cond3A_269 = arith.constant 0 : i32
      %cond3A_270 = arith.cmpi ne, %convert_element_type3A_268, %cond3A_269 : i32
      scf.if %cond3A_270 {
        %add3A_271 = arith.constant 16 : i32
        %add3A_272 = arith.addi %mul3A_2, %add3A_271 : i32
        %min3A_273 = arith.constant 2480 : i32
        %min3A_274 = arith.minsi %add3A_272, %min3A_273 : i32
        %dma_start3A_275 = arith.constant 0 : i32
        %dma_start3A_276 = arith.constant 0 : i32
        %dma_start3A_277 = tpu.memref_slice %arg3[%dma_start3A_275, %min3A_274, %dma_start3A_276] : memref<2x2500x128xi32, #tpu.memory_space<hbm>> -> memref<1x16x128xi32, #tpu.memory_space<hbm>>
        %dma_start3A_278 = tpu.memref_squeeze %dma_start3A_277 : memref<1x16x128xi32, #tpu.memory_space<hbm>> -> memref<16x128xi32, #tpu.memory_space<hbm>>
        %dma_start3A_279 = arith.constant 0 : i32
        %dma_start3A_280 = tpu.memref_slice %arg3[%dma_start3A_275, %min3A_274, %dma_start3A_279] : memref<2x2500x128xi32, #tpu.memory_space<hbm>> -> memref<1x16x128xi32, #tpu.memory_space<hbm>>
        %dma_start3A_281 = tpu.memref_squeeze %dma_start3A_280 : memref<1x16x128xi32, #tpu.memory_space<hbm>> -> memref<16x128xi32, #tpu.memory_space<hbm>>
        tpu.enqueue_dma source(%dma_start3A_281 : memref<16x128xi32, #tpu.memory_space<hbm>>) target(%arg10 : memref<16x128xi32, #tpu.memory_space<vmem>>) target_semaphore(%arg19 : memref<!tpu.dma_semaphore, #tpu.memory_space<semaphore_mem>>)
        %add3A_282 = arith.constant 16 : i32
        %add3A_283 = arith.addi %mul3A_2, %add3A_282 : i32
        %min3A_284 = arith.constant 2480 : i32
        %min3A_285 = arith.minsi %add3A_283, %min3A_284 : i32
        %dma_start3A_286 = arith.constant 1 : i32
        %dma_start3A_287 = arith.constant 0 : i32
        %dma_start3A_288 = tpu.memref_slice %arg3[%dma_start3A_286, %min3A_285, %dma_start3A_287] : memref<2x2500x128xi32, #tpu.memory_space<hbm>> -> memref<1x16x128xi32, #tpu.memory_space<hbm>>
        %dma_start3A_289 = tpu.memref_squeeze %dma_start3A_288 : memref<1x16x128xi32, #tpu.memory_space<hbm>> -> memref<16x128xi32, #tpu.memory_space<hbm>>
        %dma_start3A_290 = arith.constant 0 : i32
        %dma_start3A_291 = tpu.memref_slice %arg3[%dma_start3A_286, %min3A_285, %dma_start3A_290] : memref<2x2500x128xi32, #tpu.memory_space<hbm>> -> memref<1x16x128xi32, #tpu.memory_space<hbm>>
        %dma_start3A_292 = tpu.memref_squeeze %dma_start3A_291 : memref<1x16x128xi32, #tpu.memory_space<hbm>> -> memref<16x128xi32, #tpu.memory_space<hbm>>
        tpu.enqueue_dma source(%dma_start3A_292 : memref<16x128xi32, #tpu.memory_space<hbm>>) target(%arg11 : memref<16x128xi32, #tpu.memory_space<vmem>>) target_semaphore(%arg20 : memref<!tpu.dma_semaphore, #tpu.memory_space<semaphore_mem>>)
      } else {
      }
    }
    %scan3A_63 = arith.constant 8 : i32
    %add3A_64 = arith.constant 16 : i32
    %add3A_65 = arith.addi %mul3A_2, %add3A_64 : i32
    %min3A_66 = arith.constant 2480 : i32
    %min3A_67 = arith.minsi %add3A_65, %min3A_66 : i32
    %dma_wait3A_68 = arith.constant 0 : i32
    %dma_wait3A_69 = arith.constant 0 : i32
    %dma_wait3A_70 = tpu.memref_slice %arg3[%dma_wait3A_68, %min3A_67, %dma_wait3A_69] : memref<2x2500x128xi32, #tpu.memory_space<hbm>> -> memref<1x16x128xi32, #tpu.memory_space<hbm>>
    %dma_wait3A_71 = tpu.memref_squeeze %dma_wait3A_70 : memref<1x16x128xi32, #tpu.memory_space<hbm>> -> memref<16x128xi32, #tpu.memory_space<hbm>>
    %dma_wait3A_72 = arith.constant 0 : i32
    %dma_wait3A_73 = tpu.memref_slice %arg3[%dma_wait3A_68, %min3A_67, %dma_wait3A_72] : memref<2x2500x128xi32, #tpu.memory_space<hbm>> -> memref<1x16x128xi32, #tpu.memory_space<hbm>>
    %dma_wait3A_74 = tpu.memref_squeeze %dma_wait3A_73 : memref<1x16x128xi32, #tpu.memory_space<hbm>> -> memref<16x128xi32, #tpu.memory_space<hbm>>
    tpu.wait_dma2 semaphore(%arg19 : memref<!tpu.dma_semaphore, #tpu.memory_space<semaphore_mem>>) src(%dma_wait3A_74 : memref<16x128xi32, #tpu.memory_space<hbm>>) dst(%arg10 : memref<16x128xi32, #tpu.memory_space<vmem>>)
    %add3A_75 = arith.constant 16 : i32
    %add3A_76 = arith.addi %mul3A_2, %add3A_75 : i32
    %min3A_77 = arith.constant 2480 : i32
    %min3A_78 = arith.minsi %add3A_76, %min3A_77 : i32
    %dma_wait3A_79 = arith.constant 1 : i32
    %dma_wait3A_80 = arith.constant 0 : i32
    %dma_wait3A_81 = tpu.memref_slice %arg3[%dma_wait3A_79, %min3A_78, %dma_wait3A_80] : memref<2x2500x128xi32, #tpu.memory_space<hbm>> -> memref<1x16x128xi32, #tpu.memory_space<hbm>>
    %dma_wait3A_82 = tpu.memref_squeeze %dma_wait3A_81 : memref<1x16x128xi32, #tpu.memory_space<hbm>> -> memref<16x128xi32, #tpu.memory_space<hbm>>
    %dma_wait3A_83 = arith.constant 0 : i32
    %dma_wait3A_84 = tpu.memref_slice %arg3[%dma_wait3A_79, %min3A_78, %dma_wait3A_83] : memref<2x2500x128xi32, #tpu.memory_space<hbm>> -> memref<1x16x128xi32, #tpu.memory_space<hbm>>
    %dma_wait3A_85 = tpu.memref_squeeze %dma_wait3A_84 : memref<1x16x128xi32, #tpu.memory_space<hbm>> -> memref<16x128xi32, #tpu.memory_space<hbm>>
    tpu.wait_dma2 semaphore(%arg20 : memref<!tpu.dma_semaphore, #tpu.memory_space<semaphore_mem>>) src(%dma_wait3A_85 : memref<16x128xi32, #tpu.memory_space<hbm>>) dst(%arg11 : memref<16x128xi32, #tpu.memory_space<vmem>>)
    %scan3A_86 = arith.constant 0 : i32
    %scan3A_87 = arith.constant 0 : i32
    %scan3A_88 = arith.constant 8 : i32
    %scan3A_89 = arith.addi %scan3A_87, %scan3A_88 : i32
    %scan3A_90 = arith.constant 1 : i32
    scf.for %scan3A_204 = %scan3A_87 to %scan3A_89 step %scan3A_90  : i32 {
      %add3A_205 = arith.constant 16 : i32
      %add3A_206 = arith.addi %mul3A_2, %add3A_205 : i32
      %mul3A_207 = arith.constant 2 : i32
      %mul3A_208 = arith.muli %mul3A_207, %scan3A_204 : i32
      %add3A_209 = arith.addi %add3A_206, %mul3A_208 : i32
      %add3A_210 = arith.constant 1 : i32
      %add3A_211 = arith.addi %add3A_209, %add3A_210 : i32
      %mul3A_212 = arith.constant 2 : i32
      %mul3A_213 = arith.muli %mul3A_212, %scan3A_204 : i32
      %not3A_214 = arith.constant false
      %not3A_215 = arith.constant true
      %not3A_216 = arith.xori %not3A_214, %not3A_215 : i1
      %sub3A = arith.constant 2 : i32
      %sub3A_217 = arith.subi %add3A_209, %sub3A : i32
      %lt3A_218 = arith.constant 2496 : i32
      %lt3A_219 = arith.cmpi slt, %sub3A_217, %lt3A_218 : i32
      %and3A = arith.andi %not3A_216, %lt3A_219 : i1
      %convert_element_type3A_220 = arith.extui %and3A : i1 to i32
      %cond3A_221 = arith.constant 0 : i32
      %cond3A_222 = arith.cmpi ne, %convert_element_type3A_220, %cond3A_221 : i32
      scf.if %cond3A_222 {
        %dma_wait3A_269 = arith.constant 0 : i32
        %dma_wait3A_270 = tpu.memref_slice %arg11[%mul3A_213, %dma_wait3A_269] : memref<16x128xi32, #tpu.memory_space<vmem>> -> memref<1x128xi32, #tpu.memory_space<vmem>>
        %dma_wait3A_271 = tpu.memref_squeeze %dma_wait3A_270 : memref<1x128xi32, #tpu.memory_space<vmem>> -> memref<128xi32, #tpu.memory_space<vmem>>
        %dma_wait3A_272 = arith.constant 0 : i32
        %dma_wait3A_273 = arith.constant 0 : i32
        %dma_wait3A_274 = tpu.memref_slice %arg7[%dma_wait3A_272, %dma_wait3A_273] : memref<10000x128xf32, #tpu.memory_space<vmem_shared>> -> memref<10000x128xf32, #tpu.memory_space<vmem_shared>>
        tpu.wait_indirect_dma semaphore(%arg17 : memref<!tpu.dma_semaphore, #tpu.memory_space<semaphore_mem>>) src(%arg13 : memref<128x128xf32, #tpu.memory_space<vmem>>) dst(%dma_wait3A_274 : memref<10000x128xf32, #tpu.memory_space<vmem_shared>>)
      } else {
      }
      %lt3A_223 = arith.constant 2496 : i32
      %lt3A_224 = arith.cmpi slt, %add3A_209, %lt3A_223 : i32
      %convert_element_type3A_225 = arith.extui %lt3A_224 : i1 to i32
      %cond3A_226 = arith.constant 0 : i32
      %cond3A_227 = arith.cmpi ne, %convert_element_type3A_225, %cond3A_226 : i32
      scf.if %cond3A_227 {
        %dma_start3A_269 = arith.constant 0 : i32
        %dma_start3A_270 = tpu.memref_slice %arg10[%mul3A_213, %dma_start3A_269] : memref<16x128xi32, #tpu.memory_space<vmem>> -> memref<1x128xi32, #tpu.memory_space<vmem>>
        %dma_start3A_271 = tpu.memref_squeeze %dma_start3A_270 : memref<1x128xi32, #tpu.memory_space<vmem>> -> memref<128xi32, #tpu.memory_space<vmem>>
        %dma_start3A_272 = arith.constant 0 : i32
        %dma_start3A_273 = arith.constant 0 : i32
        %dma_start3A_274 = tpu.memref_slice %arg2[%dma_start3A_272, %dma_start3A_273] : memref<10000x128xf32, #tpu.memory_space<hbm>> -> memref<10000x128xf32, #tpu.memory_space<hbm>>
        tpu.enqueue_indirect_dma source(%dma_start3A_274 : memref<10000x128xf32, #tpu.memory_space<hbm>>) target(%arg13 : memref<128x128xf32, #tpu.memory_space<vmem>>) offsets(%dma_start3A_271 : memref<128xi32, #tpu.memory_space<vmem>>) semaphore(%arg15 : memref<!tpu.dma_semaphore, #tpu.memory_space<semaphore_mem>>)
      } else {
      }
      %mul3A_228 = arith.constant 2 : i32
      %mul3A_229 = arith.muli %mul3A_228, %scan3A_204 : i32
      %add3A_230 = arith.constant 1 : i32
      %add3A_231 = arith.addi %mul3A_229, %add3A_230 : i32
      %not3A_232 = arith.constant false
      %not3A_233 = arith.constant true
      %not3A_234 = arith.xori %not3A_232, %not3A_233 : i1
      %sub3A_235 = arith.constant 2 : i32
      %sub3A_236 = arith.subi %add3A_211, %sub3A_235 : i32
      %lt3A_237 = arith.constant 2496 : i32
      %lt3A_238 = arith.cmpi slt, %sub3A_236, %lt3A_237 : i32
      %and3A_239 = arith.andi %not3A_234, %lt3A_238 : i1
      %convert_element_type3A_240 = arith.extui %and3A_239 : i1 to i32
      %cond3A_241 = arith.constant 0 : i32
      %cond3A_242 = arith.cmpi ne, %convert_element_type3A_240, %cond3A_241 : i32
      scf.if %cond3A_242 {
        %dma_wait3A_269 = arith.constant 0 : i32
        %dma_wait3A_270 = tpu.memref_slice %arg11[%add3A_231, %dma_wait3A_269] : memref<16x128xi32, #tpu.memory_space<vmem>> -> memref<1x128xi32, #tpu.memory_space<vmem>>
        %dma_wait3A_271 = tpu.memref_squeeze %dma_wait3A_270 : memref<1x128xi32, #tpu.memory_space<vmem>> -> memref<128xi32, #tpu.memory_space<vmem>>
        %dma_wait3A_272 = arith.constant 0 : i32
        %dma_wait3A_273 = arith.constant 0 : i32
        %dma_wait3A_274 = tpu.memref_slice %arg7[%dma_wait3A_272, %dma_wait3A_273] : memref<10000x128xf32, #tpu.memory_space<vmem_shared>> -> memref<10000x128xf32, #tpu.memory_space<vmem_shared>>
        tpu.wait_indirect_dma semaphore(%arg18 : memref<!tpu.dma_semaphore, #tpu.memory_space<semaphore_mem>>) src(%arg14 : memref<128x128xf32, #tpu.memory_space<vmem>>) dst(%dma_wait3A_274 : memref<10000x128xf32, #tpu.memory_space<vmem_shared>>)
      } else {
      }
      %lt3A_243 = arith.constant 2496 : i32
      %lt3A_244 = arith.cmpi slt, %add3A_211, %lt3A_243 : i32
      %convert_element_type3A_245 = arith.extui %lt3A_244 : i1 to i32
      %cond3A_246 = arith.constant 0 : i32
      %cond3A_247 = arith.cmpi ne, %convert_element_type3A_245, %cond3A_246 : i32
      scf.if %cond3A_247 {
        %dma_start3A_269 = arith.constant 0 : i32
        %dma_start3A_270 = tpu.memref_slice %arg10[%add3A_231, %dma_start3A_269] : memref<16x128xi32, #tpu.memory_space<vmem>> -> memref<1x128xi32, #tpu.memory_space<vmem>>
        %dma_start3A_271 = tpu.memref_squeeze %dma_start3A_270 : memref<1x128xi32, #tpu.memory_space<vmem>> -> memref<128xi32, #tpu.memory_space<vmem>>
        %dma_start3A_272 = arith.constant 0 : i32
        %dma_start3A_273 = arith.constant 0 : i32
        %dma_start3A_274 = tpu.memref_slice %arg2[%dma_start3A_272, %dma_start3A_273] : memref<10000x128xf32, #tpu.memory_space<hbm>> -> memref<10000x128xf32, #tpu.memory_space<hbm>>
        tpu.enqueue_indirect_dma source(%dma_start3A_274 : memref<10000x128xf32, #tpu.memory_space<hbm>>) target(%arg14 : memref<128x128xf32, #tpu.memory_space<vmem>>) offsets(%dma_start3A_271 : memref<128xi32, #tpu.memory_space<vmem>>) semaphore(%arg16 : memref<!tpu.dma_semaphore, #tpu.memory_space<semaphore_mem>>)
      } else {
      }
      %mul3A_248 = arith.constant 2 : i32
      %mul3A_249 = arith.muli %mul3A_248, %scan3A_204 : i32
      %lt3A_250 = arith.constant 2496 : i32
      %lt3A_251 = arith.cmpi slt, %add3A_209, %lt3A_250 : i32
      %convert_element_type3A_252 = arith.extui %lt3A_251 : i1 to i32
      %cond3A_253 = arith.constant 0 : i32
      %cond3A_254 = arith.cmpi ne, %convert_element_type3A_252, %cond3A_253 : i32
      scf.if %cond3A_254 {
        %dma_wait3A_269 = arith.constant 0 : i32
        %dma_wait3A_270 = tpu.memref_slice %arg10[%mul3A_249, %dma_wait3A_269] : memref<16x128xi32, #tpu.memory_space<vmem>> -> memref<1x128xi32, #tpu.memory_space<vmem>>
        %dma_wait3A_271 = tpu.memref_squeeze %dma_wait3A_270 : memref<1x128xi32, #tpu.memory_space<vmem>> -> memref<128xi32, #tpu.memory_space<vmem>>
        %dma_wait3A_272 = arith.constant 0 : i32
        %dma_wait3A_273 = arith.constant 0 : i32
        %dma_wait3A_274 = tpu.memref_slice %arg2[%dma_wait3A_272, %dma_wait3A_273] : memref<10000x128xf32, #tpu.memory_space<hbm>> -> memref<10000x128xf32, #tpu.memory_space<hbm>>
        tpu.wait_indirect_dma semaphore(%arg15 : memref<!tpu.dma_semaphore, #tpu.memory_space<semaphore_mem>>) src(%dma_wait3A_274 : memref<10000x128xf32, #tpu.memory_space<hbm>>) dst(%arg13 : memref<128x128xf32, #tpu.memory_space<vmem>>)
        %dma_start3A_275 = arith.constant 0 : i32
        %dma_start3A_276 = tpu.memref_slice %arg11[%mul3A_249, %dma_start3A_275] : memref<16x128xi32, #tpu.memory_space<vmem>> -> memref<1x128xi32, #tpu.memory_space<vmem>>
        %dma_start3A_277 = tpu.memref_squeeze %dma_start3A_276 : memref<1x128xi32, #tpu.memory_space<vmem>> -> memref<128xi32, #tpu.memory_space<vmem>>
        %dma_start3A_278 = arith.constant 0 : i32
        %dma_start3A_279 = arith.constant 0 : i32
        %dma_start3A_280 = tpu.memref_slice %arg7[%dma_start3A_278, %dma_start3A_279] : memref<10000x128xf32, #tpu.memory_space<vmem_shared>> -> memref<10000x128xf32, #tpu.memory_space<vmem_shared>>
        tpu.enqueue_indirect_dma source(%arg13 : memref<128x128xf32, #tpu.memory_space<vmem>>) target(%dma_start3A_280 : memref<10000x128xf32, #tpu.memory_space<vmem_shared>>) offsets(%dma_start3A_277 : memref<128xi32, #tpu.memory_space<vmem>>) semaphore(%arg17 : memref<!tpu.dma_semaphore, #tpu.memory_space<semaphore_mem>>) {add = true}
      } else {
      }
      %mul3A_255 = arith.constant 2 : i32
      %mul3A_256 = arith.muli %mul3A_255, %scan3A_204 : i32
      %add3A_257 = arith.constant 1 : i32
      %add3A_258 = arith.addi %mul3A_256, %add3A_257 : i32
      %lt3A_259 = arith.constant 2496 : i32
      %lt3A_260 = arith.cmpi slt, %add3A_211, %lt3A_259 : i32
      %convert_element_type3A_261 = arith.extui %lt3A_260 : i1 to i32
      %cond3A_262 = arith.constant 0 : i32
      %cond3A_263 = arith.cmpi ne, %convert_element_type3A_261, %cond3A_262 : i32
      scf.if %cond3A_263 {
        %dma_wait3A_269 = arith.constant 0 : i32
        %dma_wait3A_270 = tpu.memref_slice %arg10[%add3A_258, %dma_wait3A_269] : memref<16x128xi32, #tpu.memory_space<vmem>> -> memref<1x128xi32, #tpu.memory_space<vmem>>
        %dma_wait3A_271 = tpu.memref_squeeze %dma_wait3A_270 : memref<1x128xi32, #tpu.memory_space<vmem>> -> memref<128xi32, #tpu.memory_space<vmem>>
        %dma_wait3A_272 = arith.constant 0 : i32
        %dma_wait3A_273 = arith.constant 0 : i32
        %dma_wait3A_274 = tpu.memref_slice %arg2[%dma_wait3A_272, %dma_wait3A_273] : memref<10000x128xf32, #tpu.memory_space<hbm>> -> memref<10000x128xf32, #tpu.memory_space<hbm>>
        tpu.wait_indirect_dma semaphore(%arg16 : memref<!tpu.dma_semaphore, #tpu.memory_space<semaphore_mem>>) src(%dma_wait3A_274 : memref<10000x128xf32, #tpu.memory_space<hbm>>) dst(%arg14 : memref<128x128xf32, #tpu.memory_space<vmem>>)
        %dma_start3A_275 = arith.constant 0 : i32
        %dma_start3A_276 = tpu.memref_slice %arg11[%add3A_258, %dma_start3A_275] : memref<16x128xi32, #tpu.memory_space<vmem>> -> memref<1x128xi32, #tpu.memory_space<vmem>>
        %dma_start3A_277 = tpu.memref_squeeze %dma_start3A_276 : memref<1x128xi32, #tpu.memory_space<vmem>> -> memref<128xi32, #tpu.memory_space<vmem>>
        %dma_start3A_278 = arith.constant 0 : i32
        %dma_start3A_279 = arith.constant 0 : i32
        %dma_start3A_280 = tpu.memref_slice %arg7[%dma_start3A_278, %dma_start3A_279] : memref<10000x128xf32, #tpu.memory_space<vmem_shared>> -> memref<10000x128xf32, #tpu.memory_space<vmem_shared>>
        tpu.enqueue_indirect_dma source(%arg14 : memref<128x128xf32, #tpu.memory_space<vmem>>) target(%dma_start3A_280 : memref<10000x128xf32, #tpu.memory_space<vmem_shared>>) offsets(%dma_start3A_277 : memref<128xi32, #tpu.memory_space<vmem>>) semaphore(%arg18 : memref<!tpu.dma_semaphore, #tpu.memory_space<semaphore_mem>>) {add = true}
      } else {
      }
      %eq3A_264 = arith.constant 1 : i32
      %eq3A_265 = arith.cmpi eq, %scan3A_204, %eq3A_264 : i32
      %convert_element_type3A_266 = arith.extui %eq3A_265 : i1 to i32
      %cond3A_267 = arith.constant 0 : i32
      %cond3A_268 = arith.cmpi ne, %convert_element_type3A_266, %cond3A_267 : i32
      scf.if %cond3A_268 {
        %add3A_269 = arith.constant 32 : i32
        %add3A_270 = arith.addi %mul3A_2, %add3A_269 : i32
        %min3A_271 = arith.constant 2480 : i32
        %min3A_272 = arith.minsi %add3A_270, %min3A_271 : i32
        %dma_start3A_273 = arith.constant 0 : i32
        %dma_start3A_274 = arith.constant 0 : i32
        %dma_start3A_275 = tpu.memref_slice %arg3[%dma_start3A_273, %min3A_272, %dma_start3A_274] : memref<2x2500x128xi32, #tpu.memory_space<hbm>> -> memref<1x16x128xi32, #tpu.memory_space<hbm>>
        %dma_start3A_276 = tpu.memref_squeeze %dma_start3A_275 : memref<1x16x128xi32, #tpu.memory_space<hbm>> -> memref<16x128xi32, #tpu.memory_space<hbm>>
        %dma_start3A_277 = arith.constant 0 : i32
        %dma_start3A_278 = tpu.memref_slice %arg3[%dma_start3A_273, %min3A_272, %dma_start3A_277] : memref<2x2500x128xi32, #tpu.memory_space<hbm>> -> memref<1x16x128xi32, #tpu.memory_space<hbm>>
        %dma_start3A_279 = tpu.memref_squeeze %dma_start3A_278 : memref<1x16x128xi32, #tpu.memory_space<hbm>> -> memref<16x128xi32, #tpu.memory_space<hbm>>
        tpu.enqueue_dma source(%dma_start3A_279 : memref<16x128xi32, #tpu.memory_space<hbm>>) target(%arg8 : memref<16x128xi32, #tpu.memory_space<vmem>>) target_semaphore(%arg19 : memref<!tpu.dma_semaphore, #tpu.memory_space<semaphore_mem>>)
        %add3A_280 = arith.constant 32 : i32
        %add3A_281 = arith.addi %mul3A_2, %add3A_280 : i32
        %min3A_282 = arith.constant 2480 : i32
        %min3A_283 = arith.minsi %add3A_281, %min3A_282 : i32
        %dma_start3A_284 = arith.constant 1 : i32
        %dma_start3A_285 = arith.constant 0 : i32
        %dma_start3A_286 = tpu.memref_slice %arg3[%dma_start3A_284, %min3A_283, %dma_start3A_285] : memref<2x2500x128xi32, #tpu.memory_space<hbm>> -> memref<1x16x128xi32, #tpu.memory_space<hbm>>
        %dma_start3A_287 = tpu.memref_squeeze %dma_start3A_286 : memref<1x16x128xi32, #tpu.memory_space<hbm>> -> memref<16x128xi32, #tpu.memory_space<hbm>>
        %dma_start3A_288 = arith.constant 0 : i32
        %dma_start3A_289 = tpu.memref_slice %arg3[%dma_start3A_284, %min3A_283, %dma_start3A_288] : memref<2x2500x128xi32, #tpu.memory_space<hbm>> -> memref<1x16x128xi32, #tpu.memory_space<hbm>>
        %dma_start3A_290 = tpu.memref_squeeze %dma_start3A_289 : memref<1x16x128xi32, #tpu.memory_space<hbm>> -> memref<16x128xi32, #tpu.memory_space<hbm>>
        tpu.enqueue_dma source(%dma_start3A_290 : memref<16x128xi32, #tpu.memory_space<hbm>>) target(%arg9 : memref<16x128xi32, #tpu.memory_space<vmem>>) target_semaphore(%arg20 : memref<!tpu.dma_semaphore, #tpu.memory_space<semaphore_mem>>)
      } else {
      }
    }
    %scan3A_91 = arith.constant 8 : i32
    %add3A_92 = arith.constant 32 : i32
    %add3A_93 = arith.addi %mul3A_2, %add3A_92 : i32
    %min3A_94 = arith.constant 2480 : i32
    %min3A_95 = arith.minsi %add3A_93, %min3A_94 : i32
    %dma_wait3A_96 = arith.constant 0 : i32
    %dma_wait3A_97 = arith.constant 0 : i32
    %dma_wait3A_98 = tpu.memref_slice %arg3[%dma_wait3A_96, %min3A_95, %dma_wait3A_97] : memref<2x2500x128xi32, #tpu.memory_space<hbm>> -> memref<1x16x128xi32, #tpu.memory_space<hbm>>
    %dma_wait3A_99 = tpu.memref_squeeze %dma_wait3A_98 : memref<1x16x128xi32, #tpu.memory_space<hbm>> -> memref<16x128xi32, #tpu.memory_space<hbm>>
    %dma_wait3A_100 = arith.constant 0 : i32
    %dma_wait3A_101 = tpu.memref_slice %arg3[%dma_wait3A_96, %min3A_95, %dma_wait3A_100] : memref<2x2500x128xi32, #tpu.memory_space<hbm>> -> memref<1x16x128xi32, #tpu.memory_space<hbm>>
    %dma_wait3A_102 = tpu.memref_squeeze %dma_wait3A_101 : memref<1x16x128xi32, #tpu.memory_space<hbm>> -> memref<16x128xi32, #tpu.memory_space<hbm>>
    tpu.wait_dma2 semaphore(%arg19 : memref<!tpu.dma_semaphore, #tpu.memory_space<semaphore_mem>>) src(%dma_wait3A_102 : memref<16x128xi32, #tpu.memory_space<hbm>>) dst(%arg8 : memref<16x128xi32, #tpu.memory_space<vmem>>)
    %add3A_103 = arith.constant 32 : i32
    %add3A_104 = arith.addi %mul3A_2, %add3A_103 : i32
    %min3A_105 = arith.constant 2480 : i32
    %min3A_106 = arith.minsi %add3A_104, %min3A_105 : i32
    %dma_wait3A_107 = arith.constant 1 : i32
    %dma_wait3A_108 = arith.constant 0 : i32
    %dma_wait3A_109 = tpu.memref_slice %arg3[%dma_wait3A_107, %min3A_106, %dma_wait3A_108] : memref<2x2500x128xi32, #tpu.memory_space<hbm>> -> memref<1x16x128xi32, #tpu.memory_space<hbm>>
    %dma_wait3A_110 = tpu.memref_squeeze %dma_wait3A_109 : memref<1x16x128xi32, #tpu.memory_space<hbm>> -> memref<16x128xi32, #tpu.memory_space<hbm>>
    %dma_wait3A_111 = arith.constant 0 : i32
    %dma_wait3A_112 = tpu.memref_slice %arg3[%dma_wait3A_107, %min3A_106, %dma_wait3A_111] : memref<2x2500x128xi32, #tpu.memory_space<hbm>> -> memref<1x16x128xi32, #tpu.memory_space<hbm>>
    %dma_wait3A_113 = tpu.memref_squeeze %dma_wait3A_112 : memref<1x16x128xi32, #tpu.memory_space<hbm>> -> memref<16x128xi32, #tpu.memory_space<hbm>>
    tpu.wait_dma2 semaphore(%arg20 : memref<!tpu.dma_semaphore, #tpu.memory_space<semaphore_mem>>) src(%dma_wait3A_113 : memref<16x128xi32, #tpu.memory_space<hbm>>) dst(%arg9 : memref<16x128xi32, #tpu.memory_space<vmem>>)
    %scan3A_114 = arith.constant 0 : i32
    %scan3A_115 = arith.constant 0 : i32
    %scan3A_116 = arith.constant 8 : i32
    %scan3A_117 = arith.addi %scan3A_115, %scan3A_116 : i32
    %scan3A_118 = arith.constant 1 : i32
    scf.for %scan3A_204 = %scan3A_115 to %scan3A_117 step %scan3A_118  : i32 {
      %add3A_205 = arith.constant 32 : i32
      %add3A_206 = arith.addi %mul3A_2, %add3A_205 : i32
      %mul3A_207 = arith.constant 2 : i32
      %mul3A_208 = arith.muli %mul3A_207, %scan3A_204 : i32
      %add3A_209 = arith.addi %add3A_206, %mul3A_208 : i32
      %add3A_210 = arith.constant 1 : i32
      %add3A_211 = arith.addi %add3A_209, %add3A_210 : i32
      %mul3A_212 = arith.constant 2 : i32
      %mul3A_213 = arith.muli %mul3A_212, %scan3A_204 : i32
      %not3A_214 = arith.constant false
      %not3A_215 = arith.constant true
      %not3A_216 = arith.xori %not3A_214, %not3A_215 : i1
      %sub3A = arith.constant 2 : i32
      %sub3A_217 = arith.subi %add3A_209, %sub3A : i32
      %lt3A_218 = arith.constant 2496 : i32
      %lt3A_219 = arith.cmpi slt, %sub3A_217, %lt3A_218 : i32
      %and3A = arith.andi %not3A_216, %lt3A_219 : i1
      %convert_element_type3A_220 = arith.extui %and3A : i1 to i32
      %cond3A_221 = arith.constant 0 : i32
      %cond3A_222 = arith.cmpi ne, %convert_element_type3A_220, %cond3A_221 : i32
      scf.if %cond3A_222 {
        %dma_wait3A_269 = arith.constant 0 : i32
        %dma_wait3A_270 = tpu.memref_slice %arg9[%mul3A_213, %dma_wait3A_269] : memref<16x128xi32, #tpu.memory_space<vmem>> -> memref<1x128xi32, #tpu.memory_space<vmem>>
        %dma_wait3A_271 = tpu.memref_squeeze %dma_wait3A_270 : memref<1x128xi32, #tpu.memory_space<vmem>> -> memref<128xi32, #tpu.memory_space<vmem>>
        %dma_wait3A_272 = arith.constant 0 : i32
        %dma_wait3A_273 = arith.constant 0 : i32
        %dma_wait3A_274 = tpu.memref_slice %arg7[%dma_wait3A_272, %dma_wait3A_273] : memref<10000x128xf32, #tpu.memory_space<vmem_shared>> -> memref<10000x128xf32, #tpu.memory_space<vmem_shared>>
        tpu.wait_indirect_dma semaphore(%arg17 : memref<!tpu.dma_semaphore, #tpu.memory_space<semaphore_mem>>) src(%arg13 : memref<128x128xf32, #tpu.memory_space<vmem>>) dst(%dma_wait3A_274 : memref<10000x128xf32, #tpu.memory_space<vmem_shared>>)
      } else {
      }
      %lt3A_223 = arith.constant 2496 : i32
      %lt3A_224 = arith.cmpi slt, %add3A_209, %lt3A_223 : i32
      %convert_element_type3A_225 = arith.extui %lt3A_224 : i1 to i32
      %cond3A_226 = arith.constant 0 : i32
      %cond3A_227 = arith.cmpi ne, %convert_element_type3A_225, %cond3A_226 : i32
      scf.if %cond3A_227 {
        %dma_start3A_269 = arith.constant 0 : i32
        %dma_start3A_270 = tpu.memref_slice %arg8[%mul3A_213, %dma_start3A_269] : memref<16x128xi32, #tpu.memory_space<vmem>> -> memref<1x128xi32, #tpu.memory_space<vmem>>
        %dma_start3A_271 = tpu.memref_squeeze %dma_start3A_270 : memref<1x128xi32, #tpu.memory_space<vmem>> -> memref<128xi32, #tpu.memory_space<vmem>>
        %dma_start3A_272 = arith.constant 0 : i32
        %dma_start3A_273 = arith.constant 0 : i32
        %dma_start3A_274 = tpu.memref_slice %arg2[%dma_start3A_272, %dma_start3A_273] : memref<10000x128xf32, #tpu.memory_space<hbm>> -> memref<10000x128xf32, #tpu.memory_space<hbm>>
        tpu.enqueue_indirect_dma source(%dma_start3A_274 : memref<10000x128xf32, #tpu.memory_space<hbm>>) target(%arg13 : memref<128x128xf32, #tpu.memory_space<vmem>>) offsets(%dma_start3A_271 : memref<128xi32, #tpu.memory_space<vmem>>) semaphore(%arg15 : memref<!tpu.dma_semaphore, #tpu.memory_space<semaphore_mem>>)
      } else {
      }
      %mul3A_228 = arith.constant 2 : i32
      %mul3A_229 = arith.muli %mul3A_228, %scan3A_204 : i32
      %add3A_230 = arith.constant 1 : i32
      %add3A_231 = arith.addi %mul3A_229, %add3A_230 : i32
      %not3A_232 = arith.constant false
      %not3A_233 = arith.constant true
      %not3A_234 = arith.xori %not3A_232, %not3A_233 : i1
      %sub3A_235 = arith.constant 2 : i32
      %sub3A_236 = arith.subi %add3A_211, %sub3A_235 : i32
      %lt3A_237 = arith.constant 2496 : i32
      %lt3A_238 = arith.cmpi slt, %sub3A_236, %lt3A_237 : i32
      %and3A_239 = arith.andi %not3A_234, %lt3A_238 : i1
      %convert_element_type3A_240 = arith.extui %and3A_239 : i1 to i32
      %cond3A_241 = arith.constant 0 : i32
      %cond3A_242 = arith.cmpi ne, %convert_element_type3A_240, %cond3A_241 : i32
      scf.if %cond3A_242 {
        %dma_wait3A_269 = arith.constant 0 : i32
        %dma_wait3A_270 = tpu.memref_slice %arg9[%add3A_231, %dma_wait3A_269] : memref<16x128xi32, #tpu.memory_space<vmem>> -> memref<1x128xi32, #tpu.memory_space<vmem>>
        %dma_wait3A_271 = tpu.memref_squeeze %dma_wait3A_270 : memref<1x128xi32, #tpu.memory_space<vmem>> -> memref<128xi32, #tpu.memory_space<vmem>>
        %dma_wait3A_272 = arith.constant 0 : i32
        %dma_wait3A_273 = arith.constant 0 : i32
        %dma_wait3A_274 = tpu.memref_slice %arg7[%dma_wait3A_272, %dma_wait3A_273] : memref<10000x128xf32, #tpu.memory_space<vmem_shared>> -> memref<10000x128xf32, #tpu.memory_space<vmem_shared>>
        tpu.wait_indirect_dma semaphore(%arg18 : memref<!tpu.dma_semaphore, #tpu.memory_space<semaphore_mem>>) src(%arg14 : memref<128x128xf32, #tpu.memory_space<vmem>>) dst(%dma_wait3A_274 : memref<10000x128xf32, #tpu.memory_space<vmem_shared>>)
      } else {
      }
      %lt3A_243 = arith.constant 2496 : i32
      %lt3A_244 = arith.cmpi slt, %add3A_211, %lt3A_243 : i32
      %convert_element_type3A_245 = arith.extui %lt3A_244 : i1 to i32
      %cond3A_246 = arith.constant 0 : i32
      %cond3A_247 = arith.cmpi ne, %convert_element_type3A_245, %cond3A_246 : i32
      scf.if %cond3A_247 {
        %dma_start3A_269 = arith.constant 0 : i32
        %dma_start3A_270 = tpu.memref_slice %arg8[%add3A_231, %dma_start3A_269] : memref<16x128xi32, #tpu.memory_space<vmem>> -> memref<1x128xi32, #tpu.memory_space<vmem>>
        %dma_start3A_271 = tpu.memref_squeeze %dma_start3A_270 : memref<1x128xi32, #tpu.memory_space<vmem>> -> memref<128xi32, #tpu.memory_space<vmem>>
        %dma_start3A_272 = arith.constant 0 : i32
        %dma_start3A_273 = arith.constant 0 : i32
        %dma_start3A_274 = tpu.memref_slice %arg2[%dma_start3A_272, %dma_start3A_273] : memref<10000x128xf32, #tpu.memory_space<hbm>> -> memref<10000x128xf32, #tpu.memory_space<hbm>>
        tpu.enqueue_indirect_dma source(%dma_start3A_274 : memref<10000x128xf32, #tpu.memory_space<hbm>>) target(%arg14 : memref<128x128xf32, #tpu.memory_space<vmem>>) offsets(%dma_start3A_271 : memref<128xi32, #tpu.memory_space<vmem>>) semaphore(%arg16 : memref<!tpu.dma_semaphore, #tpu.memory_space<semaphore_mem>>)
      } else {
      }
      %mul3A_248 = arith.constant 2 : i32
      %mul3A_249 = arith.muli %mul3A_248, %scan3A_204 : i32
      %lt3A_250 = arith.constant 2496 : i32
      %lt3A_251 = arith.cmpi slt, %add3A_209, %lt3A_250 : i32
      %convert_element_type3A_252 = arith.extui %lt3A_251 : i1 to i32
      %cond3A_253 = arith.constant 0 : i32
      %cond3A_254 = arith.cmpi ne, %convert_element_type3A_252, %cond3A_253 : i32
      scf.if %cond3A_254 {
        %dma_wait3A_269 = arith.constant 0 : i32
        %dma_wait3A_270 = tpu.memref_slice %arg8[%mul3A_249, %dma_wait3A_269] : memref<16x128xi32, #tpu.memory_space<vmem>> -> memref<1x128xi32, #tpu.memory_space<vmem>>
        %dma_wait3A_271 = tpu.memref_squeeze %dma_wait3A_270 : memref<1x128xi32, #tpu.memory_space<vmem>> -> memref<128xi32, #tpu.memory_space<vmem>>
        %dma_wait3A_272 = arith.constant 0 : i32
        %dma_wait3A_273 = arith.constant 0 : i32
        %dma_wait3A_274 = tpu.memref_slice %arg2[%dma_wait3A_272, %dma_wait3A_273] : memref<10000x128xf32, #tpu.memory_space<hbm>> -> memref<10000x128xf32, #tpu.memory_space<hbm>>
        tpu.wait_indirect_dma semaphore(%arg15 : memref<!tpu.dma_semaphore, #tpu.memory_space<semaphore_mem>>) src(%dma_wait3A_274 : memref<10000x128xf32, #tpu.memory_space<hbm>>) dst(%arg13 : memref<128x128xf32, #tpu.memory_space<vmem>>)
        %dma_start3A_275 = arith.constant 0 : i32
        %dma_start3A_276 = tpu.memref_slice %arg9[%mul3A_249, %dma_start3A_275] : memref<16x128xi32, #tpu.memory_space<vmem>> -> memref<1x128xi32, #tpu.memory_space<vmem>>
        %dma_start3A_277 = tpu.memref_squeeze %dma_start3A_276 : memref<1x128xi32, #tpu.memory_space<vmem>> -> memref<128xi32, #tpu.memory_space<vmem>>
        %dma_start3A_278 = arith.constant 0 : i32
        %dma_start3A_279 = arith.constant 0 : i32
        %dma_start3A_280 = tpu.memref_slice %arg7[%dma_start3A_278, %dma_start3A_279] : memref<10000x128xf32, #tpu.memory_space<vmem_shared>> -> memref<10000x128xf32, #tpu.memory_space<vmem_shared>>
        tpu.enqueue_indirect_dma source(%arg13 : memref<128x128xf32, #tpu.memory_space<vmem>>) target(%dma_start3A_280 : memref<10000x128xf32, #tpu.memory_space<vmem_shared>>) offsets(%dma_start3A_277 : memref<128xi32, #tpu.memory_space<vmem>>) semaphore(%arg17 : memref<!tpu.dma_semaphore, #tpu.memory_space<semaphore_mem>>) {add = true}
      } else {
      }
      %mul3A_255 = arith.constant 2 : i32
      %mul3A_256 = arith.muli %mul3A_255, %scan3A_204 : i32
      %add3A_257 = arith.constant 1 : i32
      %add3A_258 = arith.addi %mul3A_256, %add3A_257 : i32
      %lt3A_259 = arith.constant 2496 : i32
      %lt3A_260 = arith.cmpi slt, %add3A_211, %lt3A_259 : i32
      %convert_element_type3A_261 = arith.extui %lt3A_260 : i1 to i32
      %cond3A_262 = arith.constant 0 : i32
      %cond3A_263 = arith.cmpi ne, %convert_element_type3A_261, %cond3A_262 : i32
      scf.if %cond3A_263 {
        %dma_wait3A_269 = arith.constant 0 : i32
        %dma_wait3A_270 = tpu.memref_slice %arg8[%add3A_258, %dma_wait3A_269] : memref<16x128xi32, #tpu.memory_space<vmem>> -> memref<1x128xi32, #tpu.memory_space<vmem>>
        %dma_wait3A_271 = tpu.memref_squeeze %dma_wait3A_270 : memref<1x128xi32, #tpu.memory_space<vmem>> -> memref<128xi32, #tpu.memory_space<vmem>>
        %dma_wait3A_272 = arith.constant 0 : i32
        %dma_wait3A_273 = arith.constant 0 : i32
        %dma_wait3A_274 = tpu.memref_slice %arg2[%dma_wait3A_272, %dma_wait3A_273] : memref<10000x128xf32, #tpu.memory_space<hbm>> -> memref<10000x128xf32, #tpu.memory_space<hbm>>
        tpu.wait_indirect_dma semaphore(%arg16 : memref<!tpu.dma_semaphore, #tpu.memory_space<semaphore_mem>>) src(%dma_wait3A_274 : memref<10000x128xf32, #tpu.memory_space<hbm>>) dst(%arg14 : memref<128x128xf32, #tpu.memory_space<vmem>>)
        %dma_start3A_275 = arith.constant 0 : i32
        %dma_start3A_276 = tpu.memref_slice %arg9[%add3A_258, %dma_start3A_275] : memref<16x128xi32, #tpu.memory_space<vmem>> -> memref<1x128xi32, #tpu.memory_space<vmem>>
        %dma_start3A_277 = tpu.memref_squeeze %dma_start3A_276 : memref<1x128xi32, #tpu.memory_space<vmem>> -> memref<128xi32, #tpu.memory_space<vmem>>
        %dma_start3A_278 = arith.constant 0 : i32
        %dma_start3A_279 = arith.constant 0 : i32
        %dma_start3A_280 = tpu.memref_slice %arg7[%dma_start3A_278, %dma_start3A_279] : memref<10000x128xf32, #tpu.memory_space<vmem_shared>> -> memref<10000x128xf32, #tpu.memory_space<vmem_shared>>
        tpu.enqueue_indirect_dma source(%arg14 : memref<128x128xf32, #tpu.memory_space<vmem>>) target(%dma_start3A_280 : memref<10000x128xf32, #tpu.memory_space<vmem_shared>>) offsets(%dma_start3A_277 : memref<128xi32, #tpu.memory_space<vmem>>) semaphore(%arg18 : memref<!tpu.dma_semaphore, #tpu.memory_space<semaphore_mem>>) {add = true}
      } else {
      }
      %eq3A_264 = arith.constant 1 : i32
      %eq3A_265 = arith.cmpi eq, %scan3A_204, %eq3A_264 : i32
      %convert_element_type3A_266 = arith.extui %eq3A_265 : i1 to i32
      %cond3A_267 = arith.constant 0 : i32
      %cond3A_268 = arith.cmpi ne, %convert_element_type3A_266, %cond3A_267 : i32
      scf.if %cond3A_268 {
        %add3A_269 = arith.constant 48 : i32
        %add3A_270 = arith.addi %mul3A_2, %add3A_269 : i32
        %min3A_271 = arith.constant 2480 : i32
        %min3A_272 = arith.minsi %add3A_270, %min3A_271 : i32
        %dma_start3A_273 = arith.constant 0 : i32
        %dma_start3A_274 = arith.constant 0 : i32
        %dma_start3A_275 = tpu.memref_slice %arg3[%dma_start3A_273, %min3A_272, %dma_start3A_274] : memref<2x2500x128xi32, #tpu.memory_space<hbm>> -> memref<1x16x128xi32, #tpu.memory_space<hbm>>
        %dma_start3A_276 = tpu.memref_squeeze %dma_start3A_275 : memref<1x16x128xi32, #tpu.memory_space<hbm>> -> memref<16x128xi32, #tpu.memory_space<hbm>>
        %dma_start3A_277 = arith.constant 0 : i32
        %dma_start3A_278 = tpu.memref_slice %arg3[%dma_start3A_273, %min3A_272, %dma_start3A_277] : memref<2x2500x128xi32, #tpu.memory_space<hbm>> -> memref<1x16x128xi32, #tpu.memory_space<hbm>>
        %dma_start3A_279 = tpu.memref_squeeze %dma_start3A_278 : memref<1x16x128xi32, #tpu.memory_space<hbm>> -> memref<16x128xi32, #tpu.memory_space<hbm>>
        tpu.enqueue_dma source(%dma_start3A_279 : memref<16x128xi32, #tpu.memory_space<hbm>>) target(%arg10 : memref<16x128xi32, #tpu.memory_space<vmem>>) target_semaphore(%arg19 : memref<!tpu.dma_semaphore, #tpu.memory_space<semaphore_mem>>)
        %add3A_280 = arith.constant 48 : i32
        %add3A_281 = arith.addi %mul3A_2, %add3A_280 : i32
        %min3A_282 = arith.constant 2480 : i32
        %min3A_283 = arith.minsi %add3A_281, %min3A_282 : i32
        %dma_start3A_284 = arith.constant 1 : i32
        %dma_start3A_285 = arith.constant 0 : i32
        %dma_start3A_286 = tpu.memref_slice %arg3[%dma_start3A_284, %min3A_283, %dma_start3A_285] : memref<2x2500x128xi32, #tpu.memory_space<hbm>> -> memref<1x16x128xi32, #tpu.memory_space<hbm>>
        %dma_start3A_287 = tpu.memref_squeeze %dma_start3A_286 : memref<1x16x128xi32, #tpu.memory_space<hbm>> -> memref<16x128xi32, #tpu.memory_space<hbm>>
        %dma_start3A_288 = arith.constant 0 : i32
        %dma_start3A_289 = tpu.memref_slice %arg3[%dma_start3A_284, %min3A_283, %dma_start3A_288] : memref<2x2500x128xi32, #tpu.memory_space<hbm>> -> memref<1x16x128xi32, #tpu.memory_space<hbm>>
        %dma_start3A_290 = tpu.memref_squeeze %dma_start3A_289 : memref<1x16x128xi32, #tpu.memory_space<hbm>> -> memref<16x128xi32, #tpu.memory_space<hbm>>
        tpu.enqueue_dma source(%dma_start3A_290 : memref<16x128xi32, #tpu.memory_space<hbm>>) target(%arg11 : memref<16x128xi32, #tpu.memory_space<vmem>>) target_semaphore(%arg20 : memref<!tpu.dma_semaphore, #tpu.memory_space<semaphore_mem>>)
      } else {
      }
    }
    %scan3A_119 = arith.constant 8 : i32
    %add3A_120 = arith.constant 48 : i32
    %add3A_121 = arith.addi %mul3A_2, %add3A_120 : i32
    %min3A_122 = arith.constant 2480 : i32
    %min3A_123 = arith.minsi %add3A_121, %min3A_122 : i32
    %dma_wait3A_124 = arith.constant 0 : i32
    %dma_wait3A_125 = arith.constant 0 : i32
    %dma_wait3A_126 = tpu.memref_slice %arg3[%dma_wait3A_124, %min3A_123, %dma_wait3A_125] : memref<2x2500x128xi32, #tpu.memory_space<hbm>> -> memref<1x16x128xi32, #tpu.memory_space<hbm>>
    %dma_wait3A_127 = tpu.memref_squeeze %dma_wait3A_126 : memref<1x16x128xi32, #tpu.memory_space<hbm>> -> memref<16x128xi32, #tpu.memory_space<hbm>>
    %dma_wait3A_128 = arith.constant 0 : i32
    %dma_wait3A_129 = tpu.memref_slice %arg3[%dma_wait3A_124, %min3A_123, %dma_wait3A_128] : memref<2x2500x128xi32, #tpu.memory_space<hbm>> -> memref<1x16x128xi32, #tpu.memory_space<hbm>>
    %dma_wait3A_130 = tpu.memref_squeeze %dma_wait3A_129 : memref<1x16x128xi32, #tpu.memory_space<hbm>> -> memref<16x128xi32, #tpu.memory_space<hbm>>
    tpu.wait_dma2 semaphore(%arg19 : memref<!tpu.dma_semaphore, #tpu.memory_space<semaphore_mem>>) src(%dma_wait3A_130 : memref<16x128xi32, #tpu.memory_space<hbm>>) dst(%arg10 : memref<16x128xi32, #tpu.memory_space<vmem>>)
    %add3A_131 = arith.constant 48 : i32
    %add3A_132 = arith.addi %mul3A_2, %add3A_131 : i32
    %min3A_133 = arith.constant 2480 : i32
    %min3A_134 = arith.minsi %add3A_132, %min3A_133 : i32
    %dma_wait3A_135 = arith.constant 1 : i32
    %dma_wait3A_136 = arith.constant 0 : i32
    %dma_wait3A_137 = tpu.memref_slice %arg3[%dma_wait3A_135, %min3A_134, %dma_wait3A_136] : memref<2x2500x128xi32, #tpu.memory_space<hbm>> -> memref<1x16x128xi32, #tpu.memory_space<hbm>>
    %dma_wait3A_138 = tpu.memref_squeeze %dma_wait3A_137 : memref<1x16x128xi32, #tpu.memory_space<hbm>> -> memref<16x128xi32, #tpu.memory_space<hbm>>
    %dma_wait3A_139 = arith.constant 0 : i32
    %dma_wait3A_140 = tpu.memref_slice %arg3[%dma_wait3A_135, %min3A_134, %dma_wait3A_139] : memref<2x2500x128xi32, #tpu.memory_space<hbm>> -> memref<1x16x128xi32, #tpu.memory_space<hbm>>
    %dma_wait3A_141 = tpu.memref_squeeze %dma_wait3A_140 : memref<1x16x128xi32, #tpu.memory_space<hbm>> -> memref<16x128xi32, #tpu.memory_space<hbm>>
    tpu.wait_dma2 semaphore(%arg20 : memref<!tpu.dma_semaphore, #tpu.memory_space<semaphore_mem>>) src(%dma_wait3A_141 : memref<16x128xi32, #tpu.memory_space<hbm>>) dst(%arg11 : memref<16x128xi32, #tpu.memory_space<vmem>>)
    %scan3A_142 = arith.constant 0 : i32
    %scan3A_143 = arith.constant 0 : i32
    %scan3A_144 = arith.constant 8 : i32
    %scan3A_145 = arith.addi %scan3A_143, %scan3A_144 : i32
    %scan3A_146 = arith.constant 1 : i32
    scf.for %scan3A_204 = %scan3A_143 to %scan3A_145 step %scan3A_146  : i32 {
      %add3A_205 = arith.constant 48 : i32
      %add3A_206 = arith.addi %mul3A_2, %add3A_205 : i32
      %mul3A_207 = arith.constant 2 : i32
      %mul3A_208 = arith.muli %mul3A_207, %scan3A_204 : i32
      %add3A_209 = arith.addi %add3A_206, %mul3A_208 : i32
      %add3A_210 = arith.constant 1 : i32
      %add3A_211 = arith.addi %add3A_209, %add3A_210 : i32
      %mul3A_212 = arith.constant 2 : i32
      %mul3A_213 = arith.muli %mul3A_212, %scan3A_204 : i32
      %not3A_214 = arith.constant false
      %not3A_215 = arith.constant true
      %not3A_216 = arith.xori %not3A_214, %not3A_215 : i1
      %sub3A = arith.constant 2 : i32
      %sub3A_217 = arith.subi %add3A_209, %sub3A : i32
      %lt3A_218 = arith.constant 2496 : i32
      %lt3A_219 = arith.cmpi slt, %sub3A_217, %lt3A_218 : i32
      %and3A = arith.andi %not3A_216, %lt3A_219 : i1
      %convert_element_type3A_220 = arith.extui %and3A : i1 to i32
      %cond3A_221 = arith.constant 0 : i32
      %cond3A_222 = arith.cmpi ne, %convert_element_type3A_220, %cond3A_221 : i32
      scf.if %cond3A_222 {
        %dma_wait3A_269 = arith.constant 0 : i32
        %dma_wait3A_270 = tpu.memref_slice %arg11[%mul3A_213, %dma_wait3A_269] : memref<16x128xi32, #tpu.memory_space<vmem>> -> memref<1x128xi32, #tpu.memory_space<vmem>>
        %dma_wait3A_271 = tpu.memref_squeeze %dma_wait3A_270 : memref<1x128xi32, #tpu.memory_space<vmem>> -> memref<128xi32, #tpu.memory_space<vmem>>
        %dma_wait3A_272 = arith.constant 0 : i32
        %dma_wait3A_273 = arith.constant 0 : i32
        %dma_wait3A_274 = tpu.memref_slice %arg7[%dma_wait3A_272, %dma_wait3A_273] : memref<10000x128xf32, #tpu.memory_space<vmem_shared>> -> memref<10000x128xf32, #tpu.memory_space<vmem_shared>>
        tpu.wait_indirect_dma semaphore(%arg17 : memref<!tpu.dma_semaphore, #tpu.memory_space<semaphore_mem>>) src(%arg13 : memref<128x128xf32, #tpu.memory_space<vmem>>) dst(%dma_wait3A_274 : memref<10000x128xf32, #tpu.memory_space<vmem_shared>>)
      } else {
      }
      %lt3A_223 = arith.constant 2496 : i32
      %lt3A_224 = arith.cmpi slt, %add3A_209, %lt3A_223 : i32
      %convert_element_type3A_225 = arith.extui %lt3A_224 : i1 to i32
      %cond3A_226 = arith.constant 0 : i32
      %cond3A_227 = arith.cmpi ne, %convert_element_type3A_225, %cond3A_226 : i32
      scf.if %cond3A_227 {
        %dma_start3A_269 = arith.constant 0 : i32
        %dma_start3A_270 = tpu.memref_slice %arg10[%mul3A_213, %dma_start3A_269] : memref<16x128xi32, #tpu.memory_space<vmem>> -> memref<1x128xi32, #tpu.memory_space<vmem>>
        %dma_start3A_271 = tpu.memref_squeeze %dma_start3A_270 : memref<1x128xi32, #tpu.memory_space<vmem>> -> memref<128xi32, #tpu.memory_space<vmem>>
        %dma_start3A_272 = arith.constant 0 : i32
        %dma_start3A_273 = arith.constant 0 : i32
        %dma_start3A_274 = tpu.memref_slice %arg2[%dma_start3A_272, %dma_start3A_273] : memref<10000x128xf32, #tpu.memory_space<hbm>> -> memref<10000x128xf32, #tpu.memory_space<hbm>>
        tpu.enqueue_indirect_dma source(%dma_start3A_274 : memref<10000x128xf32, #tpu.memory_space<hbm>>) target(%arg13 : memref<128x128xf32, #tpu.memory_space<vmem>>) offsets(%dma_start3A_271 : memref<128xi32, #tpu.memory_space<vmem>>) semaphore(%arg15 : memref<!tpu.dma_semaphore, #tpu.memory_space<semaphore_mem>>)
      } else {
      }
      %mul3A_228 = arith.constant 2 : i32
      %mul3A_229 = arith.muli %mul3A_228, %scan3A_204 : i32
      %add3A_230 = arith.constant 1 : i32
      %add3A_231 = arith.addi %mul3A_229, %add3A_230 : i32
      %not3A_232 = arith.constant false
      %not3A_233 = arith.constant true
      %not3A_234 = arith.xori %not3A_232, %not3A_233 : i1
      %sub3A_235 = arith.constant 2 : i32
      %sub3A_236 = arith.subi %add3A_211, %sub3A_235 : i32
      %lt3A_237 = arith.constant 2496 : i32
      %lt3A_238 = arith.cmpi slt, %sub3A_236, %lt3A_237 : i32
      %and3A_239 = arith.andi %not3A_234, %lt3A_238 : i1
      %convert_element_type3A_240 = arith.extui %and3A_239 : i1 to i32
      %cond3A_241 = arith.constant 0 : i32
      %cond3A_242 = arith.cmpi ne, %convert_element_type3A_240, %cond3A_241 : i32
      scf.if %cond3A_242 {
        %dma_wait3A_269 = arith.constant 0 : i32
        %dma_wait3A_270 = tpu.memref_slice %arg11[%add3A_231, %dma_wait3A_269] : memref<16x128xi32, #tpu.memory_space<vmem>> -> memref<1x128xi32, #tpu.memory_space<vmem>>
        %dma_wait3A_271 = tpu.memref_squeeze %dma_wait3A_270 : memref<1x128xi32, #tpu.memory_space<vmem>> -> memref<128xi32, #tpu.memory_space<vmem>>
        %dma_wait3A_272 = arith.constant 0 : i32
        %dma_wait3A_273 = arith.constant 0 : i32
        %dma_wait3A_274 = tpu.memref_slice %arg7[%dma_wait3A_272, %dma_wait3A_273] : memref<10000x128xf32, #tpu.memory_space<vmem_shared>> -> memref<10000x128xf32, #tpu.memory_space<vmem_shared>>
        tpu.wait_indirect_dma semaphore(%arg18 : memref<!tpu.dma_semaphore, #tpu.memory_space<semaphore_mem>>) src(%arg14 : memref<128x128xf32, #tpu.memory_space<vmem>>) dst(%dma_wait3A_274 : memref<10000x128xf32, #tpu.memory_space<vmem_shared>>)
      } else {
      }
      %lt3A_243 = arith.constant 2496 : i32
      %lt3A_244 = arith.cmpi slt, %add3A_211, %lt3A_243 : i32
      %convert_element_type3A_245 = arith.extui %lt3A_244 : i1 to i32
      %cond3A_246 = arith.constant 0 : i32
      %cond3A_247 = arith.cmpi ne, %convert_element_type3A_245, %cond3A_246 : i32
      scf.if %cond3A_247 {
        %dma_start3A_269 = arith.constant 0 : i32
        %dma_start3A_270 = tpu.memref_slice %arg10[%add3A_231, %dma_start3A_269] : memref<16x128xi32, #tpu.memory_space<vmem>> -> memref<1x128xi32, #tpu.memory_space<vmem>>
        %dma_start3A_271 = tpu.memref_squeeze %dma_start3A_270 : memref<1x128xi32, #tpu.memory_space<vmem>> -> memref<128xi32, #tpu.memory_space<vmem>>
        %dma_start3A_272 = arith.constant 0 : i32
        %dma_start3A_273 = arith.constant 0 : i32
        %dma_start3A_274 = tpu.memref_slice %arg2[%dma_start3A_272, %dma_start3A_273] : memref<10000x128xf32, #tpu.memory_space<hbm>> -> memref<10000x128xf32, #tpu.memory_space<hbm>>
        tpu.enqueue_indirect_dma source(%dma_start3A_274 : memref<10000x128xf32, #tpu.memory_space<hbm>>) target(%arg14 : memref<128x128xf32, #tpu.memory_space<vmem>>) offsets(%dma_start3A_271 : memref<128xi32, #tpu.memory_space<vmem>>) semaphore(%arg16 : memref<!tpu.dma_semaphore, #tpu.memory_space<semaphore_mem>>)
      } else {
      }
      %mul3A_248 = arith.constant 2 : i32
      %mul3A_249 = arith.muli %mul3A_248, %scan3A_204 : i32
      %lt3A_250 = arith.constant 2496 : i32
      %lt3A_251 = arith.cmpi slt, %add3A_209, %lt3A_250 : i32
      %convert_element_type3A_252 = arith.extui %lt3A_251 : i1 to i32
      %cond3A_253 = arith.constant 0 : i32
      %cond3A_254 = arith.cmpi ne, %convert_element_type3A_252, %cond3A_253 : i32
      scf.if %cond3A_254 {
        %dma_wait3A_269 = arith.constant 0 : i32
        %dma_wait3A_270 = tpu.memref_slice %arg10[%mul3A_249, %dma_wait3A_269] : memref<16x128xi32, #tpu.memory_space<vmem>> -> memref<1x128xi32, #tpu.memory_space<vmem>>
        %dma_wait3A_271 = tpu.memref_squeeze %dma_wait3A_270 : memref<1x128xi32, #tpu.memory_space<vmem>> -> memref<128xi32, #tpu.memory_space<vmem>>
        %dma_wait3A_272 = arith.constant 0 : i32
        %dma_wait3A_273 = arith.constant 0 : i32
        %dma_wait3A_274 = tpu.memref_slice %arg2[%dma_wait3A_272, %dma_wait3A_273] : memref<10000x128xf32, #tpu.memory_space<hbm>> -> memref<10000x128xf32, #tpu.memory_space<hbm>>
        tpu.wait_indirect_dma semaphore(%arg15 : memref<!tpu.dma_semaphore, #tpu.memory_space<semaphore_mem>>) src(%dma_wait3A_274 : memref<10000x128xf32, #tpu.memory_space<hbm>>) dst(%arg13 : memref<128x128xf32, #tpu.memory_space<vmem>>)
        %dma_start3A_275 = arith.constant 0 : i32
        %dma_start3A_276 = tpu.memref_slice %arg11[%mul3A_249, %dma_start3A_275] : memref<16x128xi32, #tpu.memory_space<vmem>> -> memref<1x128xi32, #tpu.memory_space<vmem>>
        %dma_start3A_277 = tpu.memref_squeeze %dma_start3A_276 : memref<1x128xi32, #tpu.memory_space<vmem>> -> memref<128xi32, #tpu.memory_space<vmem>>
        %dma_start3A_278 = arith.constant 0 : i32
        %dma_start3A_279 = arith.constant 0 : i32
        %dma_start3A_280 = tpu.memref_slice %arg7[%dma_start3A_278, %dma_start3A_279] : memref<10000x128xf32, #tpu.memory_space<vmem_shared>> -> memref<10000x128xf32, #tpu.memory_space<vmem_shared>>
        tpu.enqueue_indirect_dma source(%arg13 : memref<128x128xf32, #tpu.memory_space<vmem>>) target(%dma_start3A_280 : memref<10000x128xf32, #tpu.memory_space<vmem_shared>>) offsets(%dma_start3A_277 : memref<128xi32, #tpu.memory_space<vmem>>) semaphore(%arg17 : memref<!tpu.dma_semaphore, #tpu.memory_space<semaphore_mem>>) {add = true}
      } else {
      }
      %mul3A_255 = arith.constant 2 : i32
      %mul3A_256 = arith.muli %mul3A_255, %scan3A_204 : i32
      %add3A_257 = arith.constant 1 : i32
      %add3A_258 = arith.addi %mul3A_256, %add3A_257 : i32
      %lt3A_259 = arith.constant 2496 : i32
      %lt3A_260 = arith.cmpi slt, %add3A_211, %lt3A_259 : i32
      %convert_element_type3A_261 = arith.extui %lt3A_260 : i1 to i32
      %cond3A_262 = arith.constant 0 : i32
      %cond3A_263 = arith.cmpi ne, %convert_element_type3A_261, %cond3A_262 : i32
      scf.if %cond3A_263 {
        %dma_wait3A_269 = arith.constant 0 : i32
        %dma_wait3A_270 = tpu.memref_slice %arg10[%add3A_258, %dma_wait3A_269] : memref<16x128xi32, #tpu.memory_space<vmem>> -> memref<1x128xi32, #tpu.memory_space<vmem>>
        %dma_wait3A_271 = tpu.memref_squeeze %dma_wait3A_270 : memref<1x128xi32, #tpu.memory_space<vmem>> -> memref<128xi32, #tpu.memory_space<vmem>>
        %dma_wait3A_272 = arith.constant 0 : i32
        %dma_wait3A_273 = arith.constant 0 : i32
        %dma_wait3A_274 = tpu.memref_slice %arg2[%dma_wait3A_272, %dma_wait3A_273] : memref<10000x128xf32, #tpu.memory_space<hbm>> -> memref<10000x128xf32, #tpu.memory_space<hbm>>
        tpu.wait_indirect_dma semaphore(%arg16 : memref<!tpu.dma_semaphore, #tpu.memory_space<semaphore_mem>>) src(%dma_wait3A_274 : memref<10000x128xf32, #tpu.memory_space<hbm>>) dst(%arg14 : memref<128x128xf32, #tpu.memory_space<vmem>>)
        %dma_start3A_275 = arith.constant 0 : i32
        %dma_start3A_276 = tpu.memref_slice %arg11[%add3A_258, %dma_start3A_275] : memref<16x128xi32, #tpu.memory_space<vmem>> -> memref<1x128xi32, #tpu.memory_space<vmem>>
        %dma_start3A_277 = tpu.memref_squeeze %dma_start3A_276 : memref<1x128xi32, #tpu.memory_space<vmem>> -> memref<128xi32, #tpu.memory_space<vmem>>
        %dma_start3A_278 = arith.constant 0 : i32
        %dma_start3A_279 = arith.constant 0 : i32
        %dma_start3A_280 = tpu.memref_slice %arg7[%dma_start3A_278, %dma_start3A_279] : memref<10000x128xf32, #tpu.memory_space<vmem_shared>> -> memref<10000x128xf32, #tpu.memory_space<vmem_shared>>
        tpu.enqueue_indirect_dma source(%arg14 : memref<128x128xf32, #tpu.memory_space<vmem>>) target(%dma_start3A_280 : memref<10000x128xf32, #tpu.memory_space<vmem_shared>>) offsets(%dma_start3A_277 : memref<128xi32, #tpu.memory_space<vmem>>) semaphore(%arg18 : memref<!tpu.dma_semaphore, #tpu.memory_space<semaphore_mem>>) {add = true}
      } else {
      }
      %eq3A_264 = arith.constant 1 : i32
      %eq3A_265 = arith.cmpi eq, %scan3A_204, %eq3A_264 : i32
      %convert_element_type3A_266 = arith.extui %eq3A_265 : i1 to i32
      %cond3A_267 = arith.constant 0 : i32
      %cond3A_268 = arith.cmpi ne, %convert_element_type3A_266, %cond3A_267 : i32
      scf.if %cond3A_268 {
        %add3A_269 = arith.constant 64 : i32
        %add3A_270 = arith.addi %mul3A_2, %add3A_269 : i32
        %min3A_271 = arith.constant 2480 : i32
        %min3A_272 = arith.minsi %add3A_270, %min3A_271 : i32
        %dma_start3A_273 = arith.constant 0 : i32
        %dma_start3A_274 = arith.constant 0 : i32
        %dma_start3A_275 = tpu.memref_slice %arg3[%dma_start3A_273, %min3A_272, %dma_start3A_274] : memref<2x2500x128xi32, #tpu.memory_space<hbm>> -> memref<1x16x128xi32, #tpu.memory_space<hbm>>
        %dma_start3A_276 = tpu.memref_squeeze %dma_start3A_275 : memref<1x16x128xi32, #tpu.memory_space<hbm>> -> memref<16x128xi32, #tpu.memory_space<hbm>>
        %dma_start3A_277 = arith.constant 0 : i32
        %dma_start3A_278 = tpu.memref_slice %arg3[%dma_start3A_273, %min3A_272, %dma_start3A_277] : memref<2x2500x128xi32, #tpu.memory_space<hbm>> -> memref<1x16x128xi32, #tpu.memory_space<hbm>>
        %dma_start3A_279 = tpu.memref_squeeze %dma_start3A_278 : memref<1x16x128xi32, #tpu.memory_space<hbm>> -> memref<16x128xi32, #tpu.memory_space<hbm>>
        tpu.enqueue_dma source(%dma_start3A_279 : memref<16x128xi32, #tpu.memory_space<hbm>>) target(%arg8 : memref<16x128xi32, #tpu.memory_space<vmem>>) target_semaphore(%arg19 : memref<!tpu.dma_semaphore, #tpu.memory_space<semaphore_mem>>)
        %add3A_280 = arith.constant 64 : i32
        %add3A_281 = arith.addi %mul3A_2, %add3A_280 : i32
        %min3A_282 = arith.constant 2480 : i32
        %min3A_283 = arith.minsi %add3A_281, %min3A_282 : i32
        %dma_start3A_284 = arith.constant 1 : i32
        %dma_start3A_285 = arith.constant 0 : i32
        %dma_start3A_286 = tpu.memref_slice %arg3[%dma_start3A_284, %min3A_283, %dma_start3A_285] : memref<2x2500x128xi32, #tpu.memory_space<hbm>> -> memref<1x16x128xi32, #tpu.memory_space<hbm>>
        %dma_start3A_287 = tpu.memref_squeeze %dma_start3A_286 : memref<1x16x128xi32, #tpu.memory_space<hbm>> -> memref<16x128xi32, #tpu.memory_space<hbm>>
        %dma_start3A_288 = arith.constant 0 : i32
        %dma_start3A_289 = tpu.memref_slice %arg3[%dma_start3A_284, %min3A_283, %dma_start3A_288] : memref<2x2500x128xi32, #tpu.memory_space<hbm>> -> memref<1x16x128xi32, #tpu.memory_space<hbm>>
        %dma_start3A_290 = tpu.memref_squeeze %dma_start3A_289 : memref<1x16x128xi32, #tpu.memory_space<hbm>> -> memref<16x128xi32, #tpu.memory_space<hbm>>
        tpu.enqueue_dma source(%dma_start3A_290 : memref<16x128xi32, #tpu.memory_space<hbm>>) target(%arg9 : memref<16x128xi32, #tpu.memory_space<vmem>>) target_semaphore(%arg20 : memref<!tpu.dma_semaphore, #tpu.memory_space<semaphore_mem>>)
      } else {
      }
    }
    %scan3A_147 = arith.constant 8 : i32
    %add3A_148 = arith.constant 64 : i32
    %add3A_149 = arith.addi %mul3A_2, %add3A_148 : i32
    %min3A_150 = arith.constant 2480 : i32
    %min3A_151 = arith.minsi %add3A_149, %min3A_150 : i32
    %dma_wait3A_152 = arith.constant 0 : i32
    %dma_wait3A_153 = arith.constant 0 : i32
    %dma_wait3A_154 = tpu.memref_slice %arg3[%dma_wait3A_152, %min3A_151, %dma_wait3A_153] : memref<2x2500x128xi32, #tpu.memory_space<hbm>> -> memref<1x16x128xi32, #tpu.memory_space<hbm>>
    %dma_wait3A_155 = tpu.memref_squeeze %dma_wait3A_154 : memref<1x16x128xi32, #tpu.memory_space<hbm>> -> memref<16x128xi32, #tpu.memory_space<hbm>>
    %dma_wait3A_156 = arith.constant 0 : i32
    %dma_wait3A_157 = tpu.memref_slice %arg3[%dma_wait3A_152, %min3A_151, %dma_wait3A_156] : memref<2x2500x128xi32, #tpu.memory_space<hbm>> -> memref<1x16x128xi32, #tpu.memory_space<hbm>>
    %dma_wait3A_158 = tpu.memref_squeeze %dma_wait3A_157 : memref<1x16x128xi32, #tpu.memory_space<hbm>> -> memref<16x128xi32, #tpu.memory_space<hbm>>
    tpu.wait_dma2 semaphore(%arg19 : memref<!tpu.dma_semaphore, #tpu.memory_space<semaphore_mem>>) src(%dma_wait3A_158 : memref<16x128xi32, #tpu.memory_space<hbm>>) dst(%arg8 : memref<16x128xi32, #tpu.memory_space<vmem>>)
    %add3A_159 = arith.constant 64 : i32
    %add3A_160 = arith.addi %mul3A_2, %add3A_159 : i32
    %min3A_161 = arith.constant 2480 : i32
    %min3A_162 = arith.minsi %add3A_160, %min3A_161 : i32
    %dma_wait3A_163 = arith.constant 1 : i32
    %dma_wait3A_164 = arith.constant 0 : i32
    %dma_wait3A_165 = tpu.memref_slice %arg3[%dma_wait3A_163, %min3A_162, %dma_wait3A_164] : memref<2x2500x128xi32, #tpu.memory_space<hbm>> -> memref<1x16x128xi32, #tpu.memory_space<hbm>>
    %dma_wait3A_166 = tpu.memref_squeeze %dma_wait3A_165 : memref<1x16x128xi32, #tpu.memory_space<hbm>> -> memref<16x128xi32, #tpu.memory_space<hbm>>
    %dma_wait3A_167 = arith.constant 0 : i32
    %dma_wait3A_168 = tpu.memref_slice %arg3[%dma_wait3A_163, %min3A_162, %dma_wait3A_167] : memref<2x2500x128xi32, #tpu.memory_space<hbm>> -> memref<1x16x128xi32, #tpu.memory_space<hbm>>
    %dma_wait3A_169 = tpu.memref_squeeze %dma_wait3A_168 : memref<1x16x128xi32, #tpu.memory_space<hbm>> -> memref<16x128xi32, #tpu.memory_space<hbm>>
    tpu.wait_dma2 semaphore(%arg20 : memref<!tpu.dma_semaphore, #tpu.memory_space<semaphore_mem>>) src(%dma_wait3A_169 : memref<16x128xi32, #tpu.memory_space<hbm>>) dst(%arg9 : memref<16x128xi32, #tpu.memory_space<vmem>>)
    %scan3A_170 = arith.constant 0 : i32
    %scan3A_171 = arith.constant 0 : i32
    %scan3A_172 = arith.constant 8 : i32
    %scan3A_173 = arith.addi %scan3A_171, %scan3A_172 : i32
    %scan3A_174 = arith.constant 1 : i32
    scf.for %scan3A_204 = %scan3A_171 to %scan3A_173 step %scan3A_174  : i32 {
      %add3A_205 = arith.constant 64 : i32
      %add3A_206 = arith.addi %mul3A_2, %add3A_205 : i32
      %mul3A_207 = arith.constant 2 : i32
      %mul3A_208 = arith.muli %mul3A_207, %scan3A_204 : i32
      %add3A_209 = arith.addi %add3A_206, %mul3A_208 : i32
      %add3A_210 = arith.constant 1 : i32
      %add3A_211 = arith.addi %add3A_209, %add3A_210 : i32
      %mul3A_212 = arith.constant 2 : i32
      %mul3A_213 = arith.muli %mul3A_212, %scan3A_204 : i32
      %not3A_214 = arith.constant false
      %not3A_215 = arith.constant true
      %not3A_216 = arith.xori %not3A_214, %not3A_215 : i1
      %sub3A = arith.constant 2 : i32
      %sub3A_217 = arith.subi %add3A_209, %sub3A : i32
      %lt3A_218 = arith.constant 2496 : i32
      %lt3A_219 = arith.cmpi slt, %sub3A_217, %lt3A_218 : i32
      %and3A = arith.andi %not3A_216, %lt3A_219 : i1
      %convert_element_type3A_220 = arith.extui %and3A : i1 to i32
      %cond3A_221 = arith.constant 0 : i32
      %cond3A_222 = arith.cmpi ne, %convert_element_type3A_220, %cond3A_221 : i32
      scf.if %cond3A_222 {
        %dma_wait3A_264 = arith.constant 0 : i32
        %dma_wait3A_265 = tpu.memref_slice %arg9[%mul3A_213, %dma_wait3A_264] : memref<16x128xi32, #tpu.memory_space<vmem>> -> memref<1x128xi32, #tpu.memory_space<vmem>>
        %dma_wait3A_266 = tpu.memref_squeeze %dma_wait3A_265 : memref<1x128xi32, #tpu.memory_space<vmem>> -> memref<128xi32, #tpu.memory_space<vmem>>
        %dma_wait3A_267 = arith.constant 0 : i32
        %dma_wait3A_268 = arith.constant 0 : i32
        %dma_wait3A_269 = tpu.memref_slice %arg7[%dma_wait3A_267, %dma_wait3A_268] : memref<10000x128xf32, #tpu.memory_space<vmem_shared>> -> memref<10000x128xf32, #tpu.memory_space<vmem_shared>>
        tpu.wait_indirect_dma semaphore(%arg17 : memref<!tpu.dma_semaphore, #tpu.memory_space<semaphore_mem>>) src(%arg13 : memref<128x128xf32, #tpu.memory_space<vmem>>) dst(%dma_wait3A_269 : memref<10000x128xf32, #tpu.memory_space<vmem_shared>>)
      } else {
      }
      %lt3A_223 = arith.constant 2496 : i32
      %lt3A_224 = arith.cmpi slt, %add3A_209, %lt3A_223 : i32
      %convert_element_type3A_225 = arith.extui %lt3A_224 : i1 to i32
      %cond3A_226 = arith.constant 0 : i32
      %cond3A_227 = arith.cmpi ne, %convert_element_type3A_225, %cond3A_226 : i32
      scf.if %cond3A_227 {
        %dma_start3A_264 = arith.constant 0 : i32
        %dma_start3A_265 = tpu.memref_slice %arg8[%mul3A_213, %dma_start3A_264] : memref<16x128xi32, #tpu.memory_space<vmem>> -> memref<1x128xi32, #tpu.memory_space<vmem>>
        %dma_start3A_266 = tpu.memref_squeeze %dma_start3A_265 : memref<1x128xi32, #tpu.memory_space<vmem>> -> memref<128xi32, #tpu.memory_space<vmem>>
        %dma_start3A_267 = arith.constant 0 : i32
        %dma_start3A_268 = arith.constant 0 : i32
        %dma_start3A_269 = tpu.memref_slice %arg2[%dma_start3A_267, %dma_start3A_268] : memref<10000x128xf32, #tpu.memory_space<hbm>> -> memref<10000x128xf32, #tpu.memory_space<hbm>>
        tpu.enqueue_indirect_dma source(%dma_start3A_269 : memref<10000x128xf32, #tpu.memory_space<hbm>>) target(%arg13 : memref<128x128xf32, #tpu.memory_space<vmem>>) offsets(%dma_start3A_266 : memref<128xi32, #tpu.memory_space<vmem>>) semaphore(%arg15 : memref<!tpu.dma_semaphore, #tpu.memory_space<semaphore_mem>>)
      } else {
      }
      %mul3A_228 = arith.constant 2 : i32
      %mul3A_229 = arith.muli %mul3A_228, %scan3A_204 : i32
      %add3A_230 = arith.constant 1 : i32
      %add3A_231 = arith.addi %mul3A_229, %add3A_230 : i32
      %not3A_232 = arith.constant false
      %not3A_233 = arith.constant true
      %not3A_234 = arith.xori %not3A_232, %not3A_233 : i1
      %sub3A_235 = arith.constant 2 : i32
      %sub3A_236 = arith.subi %add3A_211, %sub3A_235 : i32
      %lt3A_237 = arith.constant 2496 : i32
      %lt3A_238 = arith.cmpi slt, %sub3A_236, %lt3A_237 : i32
      %and3A_239 = arith.andi %not3A_234, %lt3A_238 : i1
      %convert_element_type3A_240 = arith.extui %and3A_239 : i1 to i32
      %cond3A_241 = arith.constant 0 : i32
      %cond3A_242 = arith.cmpi ne, %convert_element_type3A_240, %cond3A_241 : i32
      scf.if %cond3A_242 {
        %dma_wait3A_264 = arith.constant 0 : i32
        %dma_wait3A_265 = tpu.memref_slice %arg9[%add3A_231, %dma_wait3A_264] : memref<16x128xi32, #tpu.memory_space<vmem>> -> memref<1x128xi32, #tpu.memory_space<vmem>>
        %dma_wait3A_266 = tpu.memref_squeeze %dma_wait3A_265 : memref<1x128xi32, #tpu.memory_space<vmem>> -> memref<128xi32, #tpu.memory_space<vmem>>
        %dma_wait3A_267 = arith.constant 0 : i32
        %dma_wait3A_268 = arith.constant 0 : i32
        %dma_wait3A_269 = tpu.memref_slice %arg7[%dma_wait3A_267, %dma_wait3A_268] : memref<10000x128xf32, #tpu.memory_space<vmem_shared>> -> memref<10000x128xf32, #tpu.memory_space<vmem_shared>>
        tpu.wait_indirect_dma semaphore(%arg18 : memref<!tpu.dma_semaphore, #tpu.memory_space<semaphore_mem>>) src(%arg14 : memref<128x128xf32, #tpu.memory_space<vmem>>) dst(%dma_wait3A_269 : memref<10000x128xf32, #tpu.memory_space<vmem_shared>>)
      } else {
      }
      %lt3A_243 = arith.constant 2496 : i32
      %lt3A_244 = arith.cmpi slt, %add3A_211, %lt3A_243 : i32
      %convert_element_type3A_245 = arith.extui %lt3A_244 : i1 to i32
      %cond3A_246 = arith.constant 0 : i32
      %cond3A_247 = arith.cmpi ne, %convert_element_type3A_245, %cond3A_246 : i32
      scf.if %cond3A_247 {
        %dma_start3A_264 = arith.constant 0 : i32
        %dma_start3A_265 = tpu.memref_slice %arg8[%add3A_231, %dma_start3A_264] : memref<16x128xi32, #tpu.memory_space<vmem>> -> memref<1x128xi32, #tpu.memory_space<vmem>>
        %dma_start3A_266 = tpu.memref_squeeze %dma_start3A_265 : memref<1x128xi32, #tpu.memory_space<vmem>> -> memref<128xi32, #tpu.memory_space<vmem>>
        %dma_start3A_267 = arith.constant 0 : i32
        %dma_start3A_268 = arith.constant 0 : i32
        %dma_start3A_269 = tpu.memref_slice %arg2[%dma_start3A_267, %dma_start3A_268] : memref<10000x128xf32, #tpu.memory_space<hbm>> -> memref<10000x128xf32, #tpu.memory_space<hbm>>
        tpu.enqueue_indirect_dma source(%dma_start3A_269 : memref<10000x128xf32, #tpu.memory_space<hbm>>) target(%arg14 : memref<128x128xf32, #tpu.memory_space<vmem>>) offsets(%dma_start3A_266 : memref<128xi32, #tpu.memory_space<vmem>>) semaphore(%arg16 : memref<!tpu.dma_semaphore, #tpu.memory_space<semaphore_mem>>)
      } else {
      }
      %mul3A_248 = arith.constant 2 : i32
      %mul3A_249 = arith.muli %mul3A_248, %scan3A_204 : i32
      %lt3A_250 = arith.constant 2496 : i32
      %lt3A_251 = arith.cmpi slt, %add3A_209, %lt3A_250 : i32
      %convert_element_type3A_252 = arith.extui %lt3A_251 : i1 to i32
      %cond3A_253 = arith.constant 0 : i32
      %cond3A_254 = arith.cmpi ne, %convert_element_type3A_252, %cond3A_253 : i32
      scf.if %cond3A_254 {
        %dma_wait3A_264 = arith.constant 0 : i32
        %dma_wait3A_265 = tpu.memref_slice %arg8[%mul3A_249, %dma_wait3A_264] : memref<16x128xi32, #tpu.memory_space<vmem>> -> memref<1x128xi32, #tpu.memory_space<vmem>>
        %dma_wait3A_266 = tpu.memref_squeeze %dma_wait3A_265 : memref<1x128xi32, #tpu.memory_space<vmem>> -> memref<128xi32, #tpu.memory_space<vmem>>
        %dma_wait3A_267 = arith.constant 0 : i32
        %dma_wait3A_268 = arith.constant 0 : i32
        %dma_wait3A_269 = tpu.memref_slice %arg2[%dma_wait3A_267, %dma_wait3A_268] : memref<10000x128xf32, #tpu.memory_space<hbm>> -> memref<10000x128xf32, #tpu.memory_space<hbm>>
        tpu.wait_indirect_dma semaphore(%arg15 : memref<!tpu.dma_semaphore, #tpu.memory_space<semaphore_mem>>) src(%dma_wait3A_269 : memref<10000x128xf32, #tpu.memory_space<hbm>>) dst(%arg13 : memref<128x128xf32, #tpu.memory_space<vmem>>)
        %dma_start3A_270 = arith.constant 0 : i32
        %dma_start3A_271 = tpu.memref_slice %arg9[%mul3A_249, %dma_start3A_270] : memref<16x128xi32, #tpu.memory_space<vmem>> -> memref<1x128xi32, #tpu.memory_space<vmem>>
        %dma_start3A_272 = tpu.memref_squeeze %dma_start3A_271 : memref<1x128xi32, #tpu.memory_space<vmem>> -> memref<128xi32, #tpu.memory_space<vmem>>
        %dma_start3A_273 = arith.constant 0 : i32
        %dma_start3A_274 = arith.constant 0 : i32
        %dma_start3A_275 = tpu.memref_slice %arg7[%dma_start3A_273, %dma_start3A_274] : memref<10000x128xf32, #tpu.memory_space<vmem_shared>> -> memref<10000x128xf32, #tpu.memory_space<vmem_shared>>
        tpu.enqueue_indirect_dma source(%arg13 : memref<128x128xf32, #tpu.memory_space<vmem>>) target(%dma_start3A_275 : memref<10000x128xf32, #tpu.memory_space<vmem_shared>>) offsets(%dma_start3A_272 : memref<128xi32, #tpu.memory_space<vmem>>) semaphore(%arg17 : memref<!tpu.dma_semaphore, #tpu.memory_space<semaphore_mem>>) {add = true}
      } else {
      }
      %mul3A_255 = arith.constant 2 : i32
      %mul3A_256 = arith.muli %mul3A_255, %scan3A_204 : i32
      %add3A_257 = arith.constant 1 : i32
      %add3A_258 = arith.addi %mul3A_256, %add3A_257 : i32
      %lt3A_259 = arith.constant 2496 : i32
      %lt3A_260 = arith.cmpi slt, %add3A_211, %lt3A_259 : i32
      %convert_element_type3A_261 = arith.extui %lt3A_260 : i1 to i32
      %cond3A_262 = arith.constant 0 : i32
      %cond3A_263 = arith.cmpi ne, %convert_element_type3A_261, %cond3A_262 : i32
      scf.if %cond3A_263 {
        %dma_wait3A_264 = arith.constant 0 : i32
        %dma_wait3A_265 = tpu.memref_slice %arg8[%add3A_258, %dma_wait3A_264] : memref<16x128xi32, #tpu.memory_space<vmem>> -> memref<1x128xi32, #tpu.memory_space<vmem>>
        %dma_wait3A_266 = tpu.memref_squeeze %dma_wait3A_265 : memref<1x128xi32, #tpu.memory_space<vmem>> -> memref<128xi32, #tpu.memory_space<vmem>>
        %dma_wait3A_267 = arith.constant 0 : i32
        %dma_wait3A_268 = arith.constant 0 : i32
        %dma_wait3A_269 = tpu.memref_slice %arg2[%dma_wait3A_267, %dma_wait3A_268] : memref<10000x128xf32, #tpu.memory_space<hbm>> -> memref<10000x128xf32, #tpu.memory_space<hbm>>
        tpu.wait_indirect_dma semaphore(%arg16 : memref<!tpu.dma_semaphore, #tpu.memory_space<semaphore_mem>>) src(%dma_wait3A_269 : memref<10000x128xf32, #tpu.memory_space<hbm>>) dst(%arg14 : memref<128x128xf32, #tpu.memory_space<vmem>>)
        %dma_start3A_270 = arith.constant 0 : i32
        %dma_start3A_271 = tpu.memref_slice %arg9[%add3A_258, %dma_start3A_270] : memref<16x128xi32, #tpu.memory_space<vmem>> -> memref<1x128xi32, #tpu.memory_space<vmem>>
        %dma_start3A_272 = tpu.memref_squeeze %dma_start3A_271 : memref<1x128xi32, #tpu.memory_space<vmem>> -> memref<128xi32, #tpu.memory_space<vmem>>
        %dma_start3A_273 = arith.constant 0 : i32
        %dma_start3A_274 = arith.constant 0 : i32
        %dma_start3A_275 = tpu.memref_slice %arg7[%dma_start3A_273, %dma_start3A_274] : memref<10000x128xf32, #tpu.memory_space<vmem_shared>> -> memref<10000x128xf32, #tpu.memory_space<vmem_shared>>
        tpu.enqueue_indirect_dma source(%arg14 : memref<128x128xf32, #tpu.memory_space<vmem>>) target(%dma_start3A_275 : memref<10000x128xf32, #tpu.memory_space<vmem_shared>>) offsets(%dma_start3A_272 : memref<128xi32, #tpu.memory_space<vmem>>) semaphore(%arg18 : memref<!tpu.dma_semaphore, #tpu.memory_space<semaphore_mem>>) {add = true}
      } else {
      }
    }
    %scan3A_175 = arith.constant 8 : i32
    %add3A_176 = arith.constant 78 : i32
    %add3A_177 = arith.addi %mul3A_2, %add3A_176 : i32
    %lt3A_178 = arith.constant 2496 : i32
    %lt3A_179 = arith.cmpi slt, %add3A_177, %lt3A_178 : i32
    %convert_element_type3A_180 = arith.extui %lt3A_179 : i1 to i32
    %cond3A_181 = arith.constant 0 : i32
    %cond3A_182 = arith.cmpi ne, %convert_element_type3A_180, %cond3A_181 : i32
    scf.if %cond3A_182 {
      %dma_wait3A_204 = arith.constant 0 : i32
      %dma_wait3A_205 = arith.constant 0 : i32
      %dma_wait3A_206 = tpu.memref_slice %arg9[%dma_wait3A_204, %dma_wait3A_205] : memref<16x128xi32, #tpu.memory_space<vmem>> -> memref<1x128xi32, #tpu.memory_space<vmem>>
      %dma_wait3A_207 = tpu.memref_squeeze %dma_wait3A_206 : memref<1x128xi32, #tpu.memory_space<vmem>> -> memref<128xi32, #tpu.memory_space<vmem>>
      %dma_wait3A_208 = arith.constant 0 : i32
      %dma_wait3A_209 = arith.constant 0 : i32
      %dma_wait3A_210 = tpu.memref_slice %arg7[%dma_wait3A_208, %dma_wait3A_209] : memref<10000x128xf32, #tpu.memory_space<vmem_shared>> -> memref<10000x128xf32, #tpu.memory_space<vmem_shared>>
      tpu.wait_indirect_dma semaphore(%arg17 : memref<!tpu.dma_semaphore, #tpu.memory_space<semaphore_mem>>) src(%arg13 : memref<128x128xf32, #tpu.memory_space<vmem>>) dst(%dma_wait3A_210 : memref<10000x128xf32, #tpu.memory_space<vmem_shared>>)
    } else {
    }
    %add3A_183 = arith.constant 1 : i32
    %add3A_184 = arith.addi %add3A_177, %add3A_183 : i32
    %lt3A_185 = arith.constant 2496 : i32
    %lt3A_186 = arith.cmpi slt, %add3A_184, %lt3A_185 : i32
    %convert_element_type3A_187 = arith.extui %lt3A_186 : i1 to i32
    %cond3A_188 = arith.constant 0 : i32
    %cond3A_189 = arith.cmpi ne, %convert_element_type3A_187, %cond3A_188 : i32
    scf.if %cond3A_189 {
      %dma_wait3A_204 = arith.constant 1 : i32
      %dma_wait3A_205 = arith.constant 0 : i32
      %dma_wait3A_206 = tpu.memref_slice %arg9[%dma_wait3A_204, %dma_wait3A_205] : memref<16x128xi32, #tpu.memory_space<vmem>> -> memref<1x128xi32, #tpu.memory_space<vmem>>
      %dma_wait3A_207 = tpu.memref_squeeze %dma_wait3A_206 : memref<1x128xi32, #tpu.memory_space<vmem>> -> memref<128xi32, #tpu.memory_space<vmem>>
      %dma_wait3A_208 = arith.constant 0 : i32
      %dma_wait3A_209 = arith.constant 0 : i32
      %dma_wait3A_210 = tpu.memref_slice %arg7[%dma_wait3A_208, %dma_wait3A_209] : memref<10000x128xf32, #tpu.memory_space<vmem_shared>> -> memref<10000x128xf32, #tpu.memory_space<vmem_shared>>
      tpu.wait_indirect_dma semaphore(%arg18 : memref<!tpu.dma_semaphore, #tpu.memory_space<semaphore_mem>>) src(%arg14 : memref<128x128xf32, #tpu.memory_space<vmem>>) dst(%dma_wait3A_210 : memref<10000x128xf32, #tpu.memory_space<vmem_shared>>)
    } else {
    }
    %lt3A_190 = arith.constant 4 : i32
    %lt3A_191 = arith.cmpi slt, %add3A, %lt3A_190 : i32
    %convert_element_type3A_192 = arith.extui %lt3A_191 : i1 to i32
    %cond3A_193 = arith.constant 0 : i32
    %cond3A_194 = arith.cmpi ne, %convert_element_type3A_192, %cond3A_193 : i32
    scf.if %cond3A_194 {
      "tpu.region"() ({
        %run_scoped3A = tpu.sem_alloc : memref<!tpu.dma_semaphore, #tpu.memory_space<semaphore_mem>>
        tpu.enqueue_dma source(%arg4 : memref<8x128xi32, #tpu.memory_space<hbm>>) target(%arg12 : memref<8x128xi32, #tpu.memory_space<vmem>>) target_semaphore(%run_scoped3A : memref<!tpu.dma_semaphore, #tpu.memory_space<semaphore_mem>>)
        tpu.wait_dma2 semaphore(%run_scoped3A : memref<!tpu.dma_semaphore, #tpu.memory_space<semaphore_mem>>) src(%arg4 : memref<8x128xi32, #tpu.memory_space<hbm>>) dst(%arg12 : memref<8x128xi32, #tpu.memory_space<vmem>>)
        tpu.yield
      }) : () -> ()
      %dma_start3A_204 = arith.constant 0 : i32
      %dma_start3A_205 = tpu.memref_slice %arg12[%add3A, %dma_start3A_204] : memref<8x128xi32, #tpu.memory_space<vmem>> -> memref<1x128xi32, #tpu.memory_space<vmem>>
      %dma_start3A_206 = tpu.memref_squeeze %dma_start3A_205 : memref<1x128xi32, #tpu.memory_space<vmem>> -> memref<128xi32, #tpu.memory_space<vmem>>
      %dma_start3A_207 = arith.constant 0 : i32
      %dma_start3A_208 = arith.constant 0 : i32
      %dma_start3A_209 = tpu.memref_slice %arg2[%dma_start3A_207, %dma_start3A_208] : memref<10000x128xf32, #tpu.memory_space<hbm>> -> memref<10000x128xf32, #tpu.memory_space<hbm>>
      tpu.enqueue_indirect_dma source(%dma_start3A_209 : memref<10000x128xf32, #tpu.memory_space<hbm>>) target(%arg13 : memref<128x128xf32, #tpu.memory_space<vmem>>) offsets(%dma_start3A_206 : memref<128xi32, #tpu.memory_space<vmem>>) semaphore(%arg15 : memref<!tpu.dma_semaphore, #tpu.memory_space<semaphore_mem>>)
      %dma_wait3A_210 = arith.constant 0 : i32
      %dma_wait3A_211 = tpu.memref_slice %arg12[%add3A, %dma_wait3A_210] : memref<8x128xi32, #tpu.memory_space<vmem>> -> memref<1x128xi32, #tpu.memory_space<vmem>>
      %dma_wait3A_212 = tpu.memref_squeeze %dma_wait3A_211 : memref<1x128xi32, #tpu.memory_space<vmem>> -> memref<128xi32, #tpu.memory_space<vmem>>
      %dma_wait3A_213 = arith.constant 0 : i32
      %dma_wait3A_214 = arith.constant 0 : i32
      %dma_wait3A_215 = tpu.memref_slice %arg2[%dma_wait3A_213, %dma_wait3A_214] : memref<10000x128xf32, #tpu.memory_space<hbm>> -> memref<10000x128xf32, #tpu.memory_space<hbm>>
      tpu.wait_indirect_dma semaphore(%arg15 : memref<!tpu.dma_semaphore, #tpu.memory_space<semaphore_mem>>) src(%dma_wait3A_215 : memref<10000x128xf32, #tpu.memory_space<hbm>>) dst(%arg13 : memref<128x128xf32, #tpu.memory_space<vmem>>)
      %add3A_216 = arith.constant 4 : i32
      %add3A_217 = arith.addi %add3A, %add3A_216 : i32
      "tpu.region"() ({
        %run_scoped3A = tpu.sem_alloc : memref<!tpu.dma_semaphore, #tpu.memory_space<semaphore_mem>>
        %dma_start3A_218 = arith.constant 0 : i32
        %dma_start3A_219 = tpu.memref_slice %arg12[%add3A_217, %dma_start3A_218] : memref<8x128xi32, #tpu.memory_space<vmem>> -> memref<1x128xi32, #tpu.memory_space<vmem>>
        %dma_start3A_220 = tpu.memref_squeeze %dma_start3A_219 : memref<1x128xi32, #tpu.memory_space<vmem>> -> memref<128xi32, #tpu.memory_space<vmem>>
        %dma_start3A_221 = arith.constant 0 : i32
        %dma_start3A_222 = arith.constant 0 : i32
        %dma_start3A_223 = tpu.memref_slice %arg7[%dma_start3A_221, %dma_start3A_222] : memref<10000x128xf32, #tpu.memory_space<vmem_shared>> -> memref<10000x128xf32, #tpu.memory_space<vmem_shared>>
        tpu.enqueue_indirect_dma source(%arg13 : memref<128x128xf32, #tpu.memory_space<vmem>>) target(%dma_start3A_223 : memref<10000x128xf32, #tpu.memory_space<vmem_shared>>) offsets(%dma_start3A_220 : memref<128xi32, #tpu.memory_space<vmem>>) semaphore(%run_scoped3A : memref<!tpu.dma_semaphore, #tpu.memory_space<semaphore_mem>>) {add = true}
        %dma_wait3A_224 = arith.constant 0 : i32
        %dma_wait3A_225 = tpu.memref_slice %arg12[%add3A_217, %dma_wait3A_224] : memref<8x128xi32, #tpu.memory_space<vmem>> -> memref<1x128xi32, #tpu.memory_space<vmem>>
        %dma_wait3A_226 = tpu.memref_squeeze %dma_wait3A_225 : memref<1x128xi32, #tpu.memory_space<vmem>> -> memref<128xi32, #tpu.memory_space<vmem>>
        %dma_wait3A_227 = arith.constant 0 : i32
        %dma_wait3A_228 = arith.constant 0 : i32
        %dma_wait3A_229 = tpu.memref_slice %arg7[%dma_wait3A_227, %dma_wait3A_228] : memref<10000x128xf32, #tpu.memory_space<vmem_shared>> -> memref<10000x128xf32, #tpu.memory_space<vmem_shared>>
        tpu.wait_indirect_dma semaphore(%run_scoped3A : memref<!tpu.dma_semaphore, #tpu.memory_space<semaphore_mem>>) src(%arg13 : memref<128x128xf32, #tpu.memory_space<vmem>>) dst(%dma_wait3A_229 : memref<10000x128xf32, #tpu.memory_space<vmem_shared>>)
        tpu.yield
      }) : () -> ()
    } else {
    }
    %barrier3A_195 = arith.constant 0 : index
    tpu.barrier barrier_id(%barrier3A_195)
    %mul3A_196 = arith.constant 10000 : i32
    %mul3A_197 = arith.muli %arg0, %mul3A_196 : i32
    %add3A_198 = arith.addi %mul3A_197, %mul3A_4 : i32
    "tpu.region"() ({
      %run_scoped3A = tpu.sem_alloc : memref<!tpu.dma_semaphore, #tpu.memory_space<semaphore_mem>>
      %dma_start3A_204 = arith.constant 0 : i32
      %dma_start3A_205 = tpu.memref_slice %arg6[%add3A_198, %dma_start3A_204] : memref<20000x128xf32, #tpu.memory_space<hbm>> -> memref<624x128xf32, #tpu.memory_space<hbm>>
      %dma_start3A_206 = arith.constant 0 : i32
      %dma_start3A_207 = tpu.memref_slice %arg7[%mul3A_4, %dma_start3A_206] : memref<10000x128xf32, #tpu.memory_space<vmem_shared>> -> memref<624x128xf32, #tpu.memory_space<vmem_shared>>
      tpu.enqueue_dma source(%dma_start3A_207 : memref<624x128xf32, #tpu.memory_space<vmem_shared>>) target(%dma_start3A_205 : memref<624x128xf32, #tpu.memory_space<hbm>>) target_semaphore(%run_scoped3A : memref<!tpu.dma_semaphore, #tpu.memory_space<semaphore_mem>>)
      %dma_wait3A_208 = arith.constant 0 : i32
      %dma_wait3A_209 = tpu.memref_slice %arg6[%add3A_198, %dma_wait3A_208] : memref<20000x128xf32, #tpu.memory_space<hbm>> -> memref<624x128xf32, #tpu.memory_space<hbm>>
      %dma_wait3A_210 = arith.constant 0 : i32
      %dma_wait3A_211 = tpu.memref_slice %arg7[%mul3A_4, %dma_wait3A_210] : memref<10000x128xf32, #tpu.memory_space<vmem_shared>> -> memref<624x128xf32, #tpu.memory_space<vmem_shared>>
      tpu.wait_dma2 semaphore(%run_scoped3A : memref<!tpu.dma_semaphore, #tpu.memory_space<semaphore_mem>>) src(%dma_wait3A_211 : memref<624x128xf32, #tpu.memory_space<vmem_shared>>) dst(%dma_wait3A_209 : memref<624x128xf32, #tpu.memory_space<hbm>>)
      tpu.yield
    }) : () -> ()
    %eq3A_199 = arith.constant 15 : i32
    %eq3A_200 = arith.cmpi eq, %arg1, %eq3A_199 : i32
    %convert_element_type3A_201 = arith.extui %eq3A_200 : i1 to i32
    %cond3A_202 = arith.constant 0 : i32
    %cond3A_203 = arith.cmpi ne, %convert_element_type3A_201, %cond3A_202 : i32
    scf.if %cond3A_203 {
      %mul3A_204 = arith.constant 10000 : i32
      %mul3A_205 = arith.muli %arg0, %mul3A_204 : i32
      %add3A_206 = arith.constant 9984 : i32
      %add3A_207 = arith.addi %mul3A_205, %add3A_206 : i32
      "tpu.region"() ({
        %run_scoped3A = tpu.sem_alloc : memref<!tpu.dma_semaphore, #tpu.memory_space<semaphore_mem>>
        %dma_start3A_208 = arith.constant 0 : i32
        %dma_start3A_209 = tpu.memref_slice %arg6[%add3A_207, %dma_start3A_208] : memref<20000x128xf32, #tpu.memory_space<hbm>> -> memref<16x128xf32, #tpu.memory_space<hbm>>
        %dma_start3A_210 = arith.constant 9984 : i32
        %dma_start3A_211 = arith.constant 0 : i32
        %dma_start3A_212 = tpu.memref_slice %arg7[%dma_start3A_210, %dma_start3A_211] : memref<10000x128xf32, #tpu.memory_space<vmem_shared>> -> memref<16x128xf32, #tpu.memory_space<vmem_shared>>
        tpu.enqueue_dma source(%dma_start3A_212 : memref<16x128xf32, #tpu.memory_space<vmem_shared>>) target(%dma_start3A_209 : memref<16x128xf32, #tpu.memory_space<hbm>>) target_semaphore(%run_scoped3A : memref<!tpu.dma_semaphore, #tpu.memory_space<semaphore_mem>>)
        %dma_wait3A_213 = arith.constant 0 : i32
        %dma_wait3A_214 = tpu.memref_slice %arg6[%add3A_207, %dma_wait3A_213] : memref<20000x128xf32, #tpu.memory_space<hbm>> -> memref<16x128xf32, #tpu.memory_space<hbm>>
        %dma_wait3A_215 = arith.constant 9984 : i32
        %dma_wait3A_216 = arith.constant 0 : i32
        %dma_wait3A_217 = tpu.memref_slice %arg7[%dma_wait3A_215, %dma_wait3A_216] : memref<10000x128xf32, #tpu.memory_space<vmem_shared>> -> memref<16x128xf32, #tpu.memory_space<vmem_shared>>
        tpu.wait_dma2 semaphore(%run_scoped3A : memref<!tpu.dma_semaphore, #tpu.memory_space<semaphore_mem>>) src(%dma_wait3A_217 : memref<16x128xf32, #tpu.memory_space<vmem_shared>>) dst(%dma_wait3A_214 : memref<16x128xf32, #tpu.memory_space<hbm>>)
        tpu.yield
      }) : () -> ()
    } else {
    }
    return
  }
}

#map = affine_map<(d0, d1) -> (0, 0)>
#map1 = affine_map<(d0, d1) -> (0, 0, 0)>
module attributes {stable_mosaic.version = 14 : i64} {
  func.func @_sc_agg(%arg0: i32, %arg1: i32, %arg2: memref<10000x128xf32, #tpu.memory_space<hbm>>, %arg3: memref<2x2500x128xi32, #tpu.memory_space<hbm>>, %arg4: memref<8x128xi32, #tpu.memory_space<hbm>>, %arg5: memref<624x128xf32, #tpu.memory_space<hbm>>, %arg6: memref<20000x128xf32, #tpu.memory_space<hbm>>, %arg7: memref<10000x128xf32, #tpu.memory_space<vmem_shared>>, %arg8: memref<16x128xi32, #tpu.memory_space<vmem>>, %arg9: memref<16x128xi32, #tpu.memory_space<vmem>>, %arg10: memref<16x128xi32, #tpu.memory_space<vmem>>, %arg11: memref<16x128xi32, #tpu.memory_space<vmem>>, %arg12: memref<8x128xi32, #tpu.memory_space<vmem>>, %arg13: memref<128x128xf32, #tpu.memory_space<vmem>>, %arg14: memref<128x128xf32, #tpu.memory_space<vmem>>, %arg15: memref<!tpu.dma_semaphore, #tpu.memory_space<semaphore_mem>>, %arg16: memref<!tpu.dma_semaphore, #tpu.memory_space<semaphore_mem>>, %arg17: memref<!tpu.dma_semaphore, #tpu.memory_space<semaphore_mem>>, %arg18: memref<!tpu.dma_semaphore, #tpu.memory_space<semaphore_mem>>, %arg19: memref<!tpu.dma_semaphore, #tpu.memory_space<semaphore_mem>>, %arg20: memref<!tpu.dma_semaphore, #tpu.memory_space<semaphore_mem>>) attributes {dimension_semantics = [#tpu.dimension_semantics<core_parallel>, #tpu.dimension_semantics<subcore_parallel>], iteration_bounds = array<i64: 2, 16>, scalar_prefetch = 0 : i64, scratch_operands = 14 : i64, tpu.core_type = #tpu.core_type<sc_vector_subcore>, window_params = [{transform_indices = #map}, {transform_indices = #map1}, {transform_indices = #map}, {transform_indices = #map}, {transform_indices = #map}]} {
    %mul3A = arith.constant 16 : i32
    %mul3A_0 = arith.muli %arg0, %mul3A : i32
    %add3A = arith.addi %mul3A_0, %arg1 : i32
    %mul3A_1 = arith.constant 80 : i32
    %mul3A_2 = arith.muli %add3A, %mul3A_1 : i32
    %mul3A_3 = arith.constant 624 : i32
    %mul3A_4 = arith.muli %arg1, %mul3A_3 : i32
    %eq3A = arith.constant 0 : i32
    %eq3A_5 = arith.cmpi eq, %arg0, %eq3A : i32
    %lt3A = arith.constant 4992 : i32
    %lt3A_6 = arith.cmpi slt, %mul3A_4, %lt3A : i32
    %ge3A = arith.constant 4992 : i32
    %ge3A_7 = arith.cmpi sge, %mul3A_4, %ge3A : i32
    %select_n3A = arith.select %eq3A_5, %lt3A_6, %ge3A_7 : i1
    %convert_element_type3A = arith.extui %select_n3A : i1 to i32
    %cond3A = arith.constant 0 : i32
    %cond3A_8 = arith.cmpi ne, %convert_element_type3A, %cond3A : i32
    scf.if %cond3A_8 {
      "tpu.region"() ({
        %run_scoped3A = tpu.sem_alloc : memref<!tpu.dma_semaphore, #tpu.memory_space<semaphore_mem>>
        %dma_start3A_204 = arith.constant 0 : i32
        %dma_start3A_205 = tpu.memref_slice %arg7[%mul3A_4, %dma_start3A_204] : memref<10000x128xf32, #tpu.memory_space<vmem_shared>> -> memref<624x128xf32, #tpu.memory_space<vmem_shared>>
        %dma_start3A_206 = arith.constant 0 : i32
        %dma_start3A_207 = tpu.memref_slice %arg2[%mul3A_4, %dma_start3A_206] : memref<10000x128xf32, #tpu.memory_space<hbm>> -> memref<624x128xf32, #tpu.memory_space<hbm>>
        tpu.enqueue_dma source(%dma_start3A_207 : memref<624x128xf32, #tpu.memory_space<hbm>>) target(%dma_start3A_205 : memref<624x128xf32, #tpu.memory_space<vmem_shared>>) target_semaphore(%run_scoped3A : memref<!tpu.dma_semaphore, #tpu.memory_space<semaphore_mem>>)
        %dma_wait3A_208 = arith.constant 0 : i32
        %dma_wait3A_209 = tpu.memref_slice %arg7[%mul3A_4, %dma_wait3A_208] : memref<10000x128xf32, #tpu.memory_space<vmem_shared>> -> memref<624x128xf32, #tpu.memory_space<vmem_shared>>
        %dma_wait3A_210 = arith.constant 0 : i32
        %dma_wait3A_211 = tpu.memref_slice %arg2[%mul3A_4, %dma_wait3A_210] : memref<10000x128xf32, #tpu.memory_space<hbm>> -> memref<624x128xf32, #tpu.memory_space<hbm>>
        tpu.wait_dma2 semaphore(%run_scoped3A : memref<!tpu.dma_semaphore, #tpu.memory_space<semaphore_mem>>) src(%dma_wait3A_211 : memref<624x128xf32, #tpu.memory_space<hbm>>) dst(%dma_wait3A_209 : memref<624x128xf32, #tpu.memory_space<vmem_shared>>)
        tpu.yield
      }) : () -> ()
    } else {
    }
    %not3A = arith.constant true
    %not3A_9 = arith.xori %select_n3A, %not3A : i1
    %convert_element_type3A_10 = arith.extui %not3A_9 : i1 to i32
    %cond3A_11 = arith.constant 0 : i32
    %cond3A_12 = arith.cmpi ne, %convert_element_type3A_10, %cond3A_11 : i32
    scf.if %cond3A_12 {
      "tpu.region"() ({
        %run_scoped3A = tpu.sem_alloc : memref<!tpu.dma_semaphore, #tpu.memory_space<semaphore_mem>>
        %dma_start3A_204 = arith.constant 0 : i32
        %dma_start3A_205 = tpu.memref_slice %arg7[%mul3A_4, %dma_start3A_204] : memref<10000x128xf32, #tpu.memory_space<vmem_shared>> -> memref<624x128xf32, #tpu.memory_space<vmem_shared>>
        %dma_start3A_206 = arith.constant 0 : i32
        %dma_start3A_207 = arith.constant 0 : i32
        %dma_start3A_208 = tpu.memref_slice %arg5[%dma_start3A_206, %dma_start3A_207] : memref<624x128xf32, #tpu.memory_space<hbm>> -> memref<624x128xf32, #tpu.memory_space<hbm>>
        tpu.enqueue_dma source(%dma_start3A_208 : memref<624x128xf32, #tpu.memory_space<hbm>>) target(%dma_start3A_205 : memref<624x128xf32, #tpu.memory_space<vmem_shared>>) target_semaphore(%run_scoped3A : memref<!tpu.dma_semaphore, #tpu.memory_space<semaphore_mem>>)
        %dma_wait3A_209 = arith.constant 0 : i32
        %dma_wait3A_210 = tpu.memref_slice %arg7[%mul3A_4, %dma_wait3A_209] : memref<10000x128xf32, #tpu.memory_space<vmem_shared>> -> memref<624x128xf32, #tpu.memory_space<vmem_shared>>
        %dma_wait3A_211 = arith.constant 0 : i32
        %dma_wait3A_212 = arith.constant 0 : i32
        %dma_wait3A_213 = tpu.memref_slice %arg5[%dma_wait3A_211, %dma_wait3A_212] : memref<624x128xf32, #tpu.memory_space<hbm>> -> memref<624x128xf32, #tpu.memory_space<hbm>>
        tpu.wait_dma2 semaphore(%run_scoped3A : memref<!tpu.dma_semaphore, #tpu.memory_space<semaphore_mem>>) src(%dma_wait3A_213 : memref<624x128xf32, #tpu.memory_space<hbm>>) dst(%dma_wait3A_210 : memref<624x128xf32, #tpu.memory_space<vmem_shared>>)
        tpu.yield
      }) : () -> ()
    } else {
    }
    %eq3A_13 = arith.constant 15 : i32
    %eq3A_14 = arith.cmpi eq, %arg1, %eq3A_13 : i32
    %convert_element_type3A_15 = arith.extui %eq3A_14 : i1 to i32
    %cond3A_16 = arith.constant 0 : i32
    %cond3A_17 = arith.cmpi ne, %convert_element_type3A_15, %cond3A_16 : i32
    scf.if %cond3A_17 {
      %eq3A_204 = arith.constant 1 : i32
      %eq3A_205 = arith.cmpi eq, %arg0, %eq3A_204 : i32
      %convert_element_type3A_206 = arith.extui %eq3A_205 : i1 to i32
      %cond3A_207 = arith.constant 0 : i32
      %cond3A_208 = arith.cmpi ne, %convert_element_type3A_206, %cond3A_207 : i32
      scf.if %cond3A_208 {
        "tpu.region"() ({
          %run_scoped3A = tpu.sem_alloc : memref<!tpu.dma_semaphore, #tpu.memory_space<semaphore_mem>>
          %dma_start3A_214 = arith.constant 9984 : i32
          %dma_start3A_215 = arith.constant 0 : i32
          %dma_start3A_216 = tpu.memref_slice %arg7[%dma_start3A_214, %dma_start3A_215] : memref<10000x128xf32, #tpu.memory_space<vmem_shared>> -> memref<16x128xf32, #tpu.memory_space<vmem_shared>>
          %dma_start3A_217 = arith.constant 9984 : i32
          %dma_start3A_218 = arith.constant 0 : i32
          %dma_start3A_219 = tpu.memref_slice %arg2[%dma_start3A_217, %dma_start3A_218] : memref<10000x128xf32, #tpu.memory_space<hbm>> -> memref<16x128xf32, #tpu.memory_space<hbm>>
          tpu.enqueue_dma source(%dma_start3A_219 : memref<16x128xf32, #tpu.memory_space<hbm>>) target(%dma_start3A_216 : memref<16x128xf32, #tpu.memory_space<vmem_shared>>) target_semaphore(%run_scoped3A : memref<!tpu.dma_semaphore, #tpu.memory_space<semaphore_mem>>)
          %dma_wait3A_220 = arith.constant 9984 : i32
          %dma_wait3A_221 = arith.constant 0 : i32
          %dma_wait3A_222 = tpu.memref_slice %arg7[%dma_wait3A_220, %dma_wait3A_221] : memref<10000x128xf32, #tpu.memory_space<vmem_shared>> -> memref<16x128xf32, #tpu.memory_space<vmem_shared>>
          %dma_wait3A_223 = arith.constant 9984 : i32
          %dma_wait3A_224 = arith.constant 0 : i32
          %dma_wait3A_225 = tpu.memref_slice %arg2[%dma_wait3A_223, %dma_wait3A_224] : memref<10000x128xf32, #tpu.memory_space<hbm>> -> memref<16x128xf32, #tpu.memory_space<hbm>>
          tpu.wait_dma2 semaphore(%run_scoped3A : memref<!tpu.dma_semaphore, #tpu.memory_space<semaphore_mem>>) src(%dma_wait3A_225 : memref<16x128xf32, #tpu.memory_space<hbm>>) dst(%dma_wait3A_222 : memref<16x128xf32, #tpu.memory_space<vmem_shared>>)
          tpu.yield
        }) : () -> ()
      } else {
      }
      %eq3A_209 = arith.constant 0 : i32
      %eq3A_210 = arith.cmpi eq, %arg0, %eq3A_209 : i32
      %convert_element_type3A_211 = arith.extui %eq3A_210 : i1 to i32
      %cond3A_212 = arith.constant 0 : i32
      %cond3A_213 = arith.cmpi ne, %convert_element_type3A_211, %cond3A_212 : i32
      scf.if %cond3A_213 {
        "tpu.region"() ({
          %run_scoped3A = tpu.sem_alloc : memref<!tpu.dma_semaphore, #tpu.memory_space<semaphore_mem>>
          %dma_start3A_214 = arith.constant 9984 : i32
          %dma_start3A_215 = arith.constant 0 : i32
          %dma_start3A_216 = tpu.memref_slice %arg7[%dma_start3A_214, %dma_start3A_215] : memref<10000x128xf32, #tpu.memory_space<vmem_shared>> -> memref<16x128xf32, #tpu.memory_space<vmem_shared>>
          %dma_start3A_217 = arith.constant 0 : i32
          %dma_start3A_218 = arith.constant 0 : i32
          %dma_start3A_219 = tpu.memref_slice %arg5[%dma_start3A_217, %dma_start3A_218] : memref<624x128xf32, #tpu.memory_space<hbm>> -> memref<16x128xf32, #tpu.memory_space<hbm>>
          tpu.enqueue_dma source(%dma_start3A_219 : memref<16x128xf32, #tpu.memory_space<hbm>>) target(%dma_start3A_216 : memref<16x128xf32, #tpu.memory_space<vmem_shared>>) target_semaphore(%run_scoped3A : memref<!tpu.dma_semaphore, #tpu.memory_space<semaphore_mem>>)
          %dma_wait3A_220 = arith.constant 9984 : i32
          %dma_wait3A_221 = arith.constant 0 : i32
          %dma_wait3A_222 = tpu.memref_slice %arg7[%dma_wait3A_220, %dma_wait3A_221] : memref<10000x128xf32, #tpu.memory_space<vmem_shared>> -> memref<16x128xf32, #tpu.memory_space<vmem_shared>>
          %dma_wait3A_223 = arith.constant 0 : i32
          %dma_wait3A_224 = arith.constant 0 : i32
          %dma_wait3A_225 = tpu.memref_slice %arg5[%dma_wait3A_223, %dma_wait3A_224] : memref<624x128xf32, #tpu.memory_space<hbm>> -> memref<16x128xf32, #tpu.memory_space<hbm>>
          tpu.wait_dma2 semaphore(%run_scoped3A : memref<!tpu.dma_semaphore, #tpu.memory_space<semaphore_mem>>) src(%dma_wait3A_225 : memref<16x128xf32, #tpu.memory_space<hbm>>) dst(%dma_wait3A_222 : memref<16x128xf32, #tpu.memory_space<vmem_shared>>)
          tpu.yield
        }) : () -> ()
      } else {
      }
    } else {
    }
    %barrier3A = arith.constant 0 : index
    tpu.barrier barrier_id(%barrier3A)
    %add3A_18 = arith.constant 0 : i32
    %add3A_19 = arith.addi %mul3A_2, %add3A_18 : i32
    %min3A = arith.constant 2480 : i32
    %min3A_20 = arith.minsi %add3A_19, %min3A : i32
    %dma_start3A = arith.constant 0 : i32
    %dma_start3A_21 = arith.constant 0 : i32
    %dma_start3A_22 = tpu.memref_slice %arg3[%dma_start3A, %min3A_20, %dma_start3A_21] : memref<2x2500x128xi32, #tpu.memory_space<hbm>> -> memref<1x16x128xi32, #tpu.memory_space<hbm>>
    %dma_start3A_23 = tpu.memref_squeeze %dma_start3A_22 : memref<1x16x128xi32, #tpu.memory_space<hbm>> -> memref<16x128xi32, #tpu.memory_space<hbm>>
    %dma_start3A_24 = arith.constant 0 : i32
    %dma_start3A_25 = tpu.memref_slice %arg3[%dma_start3A, %min3A_20, %dma_start3A_24] : memref<2x2500x128xi32, #tpu.memory_space<hbm>> -> memref<1x16x128xi32, #tpu.memory_space<hbm>>
    %dma_start3A_26 = tpu.memref_squeeze %dma_start3A_25 : memref<1x16x128xi32, #tpu.memory_space<hbm>> -> memref<16x128xi32, #tpu.memory_space<hbm>>
    tpu.enqueue_dma source(%dma_start3A_26 : memref<16x128xi32, #tpu.memory_space<hbm>>) target(%arg8 : memref<16x128xi32, #tpu.memory_space<vmem>>) target_semaphore(%arg19 : memref<!tpu.dma_semaphore, #tpu.memory_space<semaphore_mem>>)
    %add3A_27 = arith.constant 0 : i32
    %add3A_28 = arith.addi %mul3A_2, %add3A_27 : i32
    %min3A_29 = arith.constant 2480 : i32
    %min3A_30 = arith.minsi %add3A_28, %min3A_29 : i32
    %dma_start3A_31 = arith.constant 1 : i32
    %dma_start3A_32 = arith.constant 0 : i32
    %dma_start3A_33 = tpu.memref_slice %arg3[%dma_start3A_31, %min3A_30, %dma_start3A_32] : memref<2x2500x128xi32, #tpu.memory_space<hbm>> -> memref<1x16x128xi32, #tpu.memory_space<hbm>>
    %dma_start3A_34 = tpu.memref_squeeze %dma_start3A_33 : memref<1x16x128xi32, #tpu.memory_space<hbm>> -> memref<16x128xi32, #tpu.memory_space<hbm>>
    %dma_start3A_35 = arith.constant 0 : i32
    %dma_start3A_36 = tpu.memref_slice %arg3[%dma_start3A_31, %min3A_30, %dma_start3A_35] : memref<2x2500x128xi32, #tpu.memory_space<hbm>> -> memref<1x16x128xi32, #tpu.memory_space<hbm>>
    %dma_start3A_37 = tpu.memref_squeeze %dma_start3A_36 : memref<1x16x128xi32, #tpu.memory_space<hbm>> -> memref<16x128xi32, #tpu.memory_space<hbm>>
    tpu.enqueue_dma source(%dma_start3A_37 : memref<16x128xi32, #tpu.memory_space<hbm>>) target(%arg9 : memref<16x128xi32, #tpu.memory_space<vmem>>) target_semaphore(%arg20 : memref<!tpu.dma_semaphore, #tpu.memory_space<semaphore_mem>>)
    %add3A_38 = arith.constant 0 : i32
    %add3A_39 = arith.addi %mul3A_2, %add3A_38 : i32
    %min3A_40 = arith.constant 2480 : i32
    %min3A_41 = arith.minsi %add3A_39, %min3A_40 : i32
    %dma_wait3A = arith.constant 0 : i32
    %dma_wait3A_42 = arith.constant 0 : i32
    %dma_wait3A_43 = tpu.memref_slice %arg3[%dma_wait3A, %min3A_41, %dma_wait3A_42] : memref<2x2500x128xi32, #tpu.memory_space<hbm>> -> memref<1x16x128xi32, #tpu.memory_space<hbm>>
    %dma_wait3A_44 = tpu.memref_squeeze %dma_wait3A_43 : memref<1x16x128xi32, #tpu.memory_space<hbm>> -> memref<16x128xi32, #tpu.memory_space<hbm>>
    %dma_wait3A_45 = arith.constant 0 : i32
    %dma_wait3A_46 = tpu.memref_slice %arg3[%dma_wait3A, %min3A_41, %dma_wait3A_45] : memref<2x2500x128xi32, #tpu.memory_space<hbm>> -> memref<1x16x128xi32, #tpu.memory_space<hbm>>
    %dma_wait3A_47 = tpu.memref_squeeze %dma_wait3A_46 : memref<1x16x128xi32, #tpu.memory_space<hbm>> -> memref<16x128xi32, #tpu.memory_space<hbm>>
    tpu.wait_dma2 semaphore(%arg19 : memref<!tpu.dma_semaphore, #tpu.memory_space<semaphore_mem>>) src(%dma_wait3A_47 : memref<16x128xi32, #tpu.memory_space<hbm>>) dst(%arg8 : memref<16x128xi32, #tpu.memory_space<vmem>>)
    %add3A_48 = arith.constant 0 : i32
    %add3A_49 = arith.addi %mul3A_2, %add3A_48 : i32
    %min3A_50 = arith.constant 2480 : i32
    %min3A_51 = arith.minsi %add3A_49, %min3A_50 : i32
    %dma_wait3A_52 = arith.constant 1 : i32
    %dma_wait3A_53 = arith.constant 0 : i32
    %dma_wait3A_54 = tpu.memref_slice %arg3[%dma_wait3A_52, %min3A_51, %dma_wait3A_53] : memref<2x2500x128xi32, #tpu.memory_space<hbm>> -> memref<1x16x128xi32, #tpu.memory_space<hbm>>
    %dma_wait3A_55 = tpu.memref_squeeze %dma_wait3A_54 : memref<1x16x128xi32, #tpu.memory_space<hbm>> -> memref<16x128xi32, #tpu.memory_space<hbm>>
    %dma_wait3A_56 = arith.constant 0 : i32
    %dma_wait3A_57 = tpu.memref_slice %arg3[%dma_wait3A_52, %min3A_51, %dma_wait3A_56] : memref<2x2500x128xi32, #tpu.memory_space<hbm>> -> memref<1x16x128xi32, #tpu.memory_space<hbm>>
    %dma_wait3A_58 = tpu.memref_squeeze %dma_wait3A_57 : memref<1x16x128xi32, #tpu.memory_space<hbm>> -> memref<16x128xi32, #tpu.memory_space<hbm>>
    tpu.wait_dma2 semaphore(%arg20 : memref<!tpu.dma_semaphore, #tpu.memory_space<semaphore_mem>>) src(%dma_wait3A_58 : memref<16x128xi32, #tpu.memory_space<hbm>>) dst(%arg9 : memref<16x128xi32, #tpu.memory_space<vmem>>)
    %scan3A = arith.constant 0 : i32
    %scan3A_59 = arith.constant 0 : i32
    %scan3A_60 = arith.constant 8 : i32
    %scan3A_61 = arith.addi %scan3A_59, %scan3A_60 : i32
    %scan3A_62 = arith.constant 1 : i32
    scf.for %scan3A_204 = %scan3A_59 to %scan3A_61 step %scan3A_62  : i32 {
      %add3A_205 = arith.constant 0 : i32
      %add3A_206 = arith.addi %mul3A_2, %add3A_205 : i32
      %mul3A_207 = arith.constant 2 : i32
      %mul3A_208 = arith.muli %mul3A_207, %scan3A_204 : i32
      %add3A_209 = arith.addi %add3A_206, %mul3A_208 : i32
      %add3A_210 = arith.constant 1 : i32
      %add3A_211 = arith.addi %add3A_209, %add3A_210 : i32
      %mul3A_212 = arith.constant 2 : i32
      %mul3A_213 = arith.muli %mul3A_212, %scan3A_204 : i32
      %eq3A_214 = arith.constant 0 : i32
      %eq3A_215 = arith.cmpi eq, %scan3A_204, %eq3A_214 : i32
      %not3A_216 = arith.constant true
      %not3A_217 = arith.xori %eq3A_215, %not3A_216 : i1
      %sub3A = arith.constant 2 : i32
      %sub3A_218 = arith.subi %add3A_209, %sub3A : i32
      %lt3A_219 = arith.constant 2496 : i32
      %lt3A_220 = arith.cmpi slt, %sub3A_218, %lt3A_219 : i32
      %and3A = arith.andi %not3A_217, %lt3A_220 : i1
      %convert_element_type3A_221 = arith.extui %and3A : i1 to i32
      %cond3A_222 = arith.constant 0 : i32
      %cond3A_223 = arith.cmpi ne, %convert_element_type3A_221, %cond3A_222 : i32
      scf.if %cond3A_223 {
        %dma_wait3A_271 = arith.constant 0 : i32
        %dma_wait3A_272 = tpu.memref_slice %arg9[%mul3A_213, %dma_wait3A_271] : memref<16x128xi32, #tpu.memory_space<vmem>> -> memref<1x128xi32, #tpu.memory_space<vmem>>
        %dma_wait3A_273 = tpu.memref_squeeze %dma_wait3A_272 : memref<1x128xi32, #tpu.memory_space<vmem>> -> memref<128xi32, #tpu.memory_space<vmem>>
        %dma_wait3A_274 = arith.constant 0 : i32
        %dma_wait3A_275 = arith.constant 0 : i32
        %dma_wait3A_276 = tpu.memref_slice %arg7[%dma_wait3A_274, %dma_wait3A_275] : memref<10000x128xf32, #tpu.memory_space<vmem_shared>> -> memref<10000x128xf32, #tpu.memory_space<vmem_shared>>
        tpu.wait_indirect_dma semaphore(%arg17 : memref<!tpu.dma_semaphore, #tpu.memory_space<semaphore_mem>>) src(%arg13 : memref<128x128xf32, #tpu.memory_space<vmem>>) dst(%dma_wait3A_276 : memref<10000x128xf32, #tpu.memory_space<vmem_shared>>)
      } else {
      }
      %lt3A_224 = arith.constant 2496 : i32
      %lt3A_225 = arith.cmpi slt, %add3A_209, %lt3A_224 : i32
      %convert_element_type3A_226 = arith.extui %lt3A_225 : i1 to i32
      %cond3A_227 = arith.constant 0 : i32
      %cond3A_228 = arith.cmpi ne, %convert_element_type3A_226, %cond3A_227 : i32
      scf.if %cond3A_228 {
        %dma_start3A_271 = arith.constant 0 : i32
        %dma_start3A_272 = tpu.memref_slice %arg8[%mul3A_213, %dma_start3A_271] : memref<16x128xi32, #tpu.memory_space<vmem>> -> memref<1x128xi32, #tpu.memory_space<vmem>>
        %dma_start3A_273 = tpu.memref_squeeze %dma_start3A_272 : memref<1x128xi32, #tpu.memory_space<vmem>> -> memref<128xi32, #tpu.memory_space<vmem>>
        %dma_start3A_274 = arith.constant 0 : i32
        %dma_start3A_275 = arith.constant 0 : i32
        %dma_start3A_276 = tpu.memref_slice %arg2[%dma_start3A_274, %dma_start3A_275] : memref<10000x128xf32, #tpu.memory_space<hbm>> -> memref<10000x128xf32, #tpu.memory_space<hbm>>
        tpu.enqueue_indirect_dma source(%dma_start3A_276 : memref<10000x128xf32, #tpu.memory_space<hbm>>) target(%arg13 : memref<128x128xf32, #tpu.memory_space<vmem>>) offsets(%dma_start3A_273 : memref<128xi32, #tpu.memory_space<vmem>>) semaphore(%arg15 : memref<!tpu.dma_semaphore, #tpu.memory_space<semaphore_mem>>)
      } else {
      }
      %mul3A_229 = arith.constant 2 : i32
      %mul3A_230 = arith.muli %mul3A_229, %scan3A_204 : i32
      %add3A_231 = arith.constant 1 : i32
      %add3A_232 = arith.addi %mul3A_230, %add3A_231 : i32
      %eq3A_233 = arith.constant 0 : i32
      %eq3A_234 = arith.cmpi eq, %scan3A_204, %eq3A_233 : i32
      %not3A_235 = arith.constant true
      %not3A_236 = arith.xori %eq3A_234, %not3A_235 : i1
      %sub3A_237 = arith.constant 2 : i32
      %sub3A_238 = arith.subi %add3A_211, %sub3A_237 : i32
      %lt3A_239 = arith.constant 2496 : i32
      %lt3A_240 = arith.cmpi slt, %sub3A_238, %lt3A_239 : i32
      %and3A_241 = arith.andi %not3A_236, %lt3A_240 : i1
      %convert_element_type3A_242 = arith.extui %and3A_241 : i1 to i32
      %cond3A_243 = arith.constant 0 : i32
      %cond3A_244 = arith.cmpi ne, %convert_element_type3A_242, %cond3A_243 : i32
      scf.if %cond3A_244 {
        %dma_wait3A_271 = arith.constant 0 : i32
        %dma_wait3A_272 = tpu.memref_slice %arg9[%add3A_232, %dma_wait3A_271] : memref<16x128xi32, #tpu.memory_space<vmem>> -> memref<1x128xi32, #tpu.memory_space<vmem>>
        %dma_wait3A_273 = tpu.memref_squeeze %dma_wait3A_272 : memref<1x128xi32, #tpu.memory_space<vmem>> -> memref<128xi32, #tpu.memory_space<vmem>>
        %dma_wait3A_274 = arith.constant 0 : i32
        %dma_wait3A_275 = arith.constant 0 : i32
        %dma_wait3A_276 = tpu.memref_slice %arg7[%dma_wait3A_274, %dma_wait3A_275] : memref<10000x128xf32, #tpu.memory_space<vmem_shared>> -> memref<10000x128xf32, #tpu.memory_space<vmem_shared>>
        tpu.wait_indirect_dma semaphore(%arg18 : memref<!tpu.dma_semaphore, #tpu.memory_space<semaphore_mem>>) src(%arg14 : memref<128x128xf32, #tpu.memory_space<vmem>>) dst(%dma_wait3A_276 : memref<10000x128xf32, #tpu.memory_space<vmem_shared>>)
      } else {
      }
      %lt3A_245 = arith.constant 2496 : i32
      %lt3A_246 = arith.cmpi slt, %add3A_211, %lt3A_245 : i32
      %convert_element_type3A_247 = arith.extui %lt3A_246 : i1 to i32
      %cond3A_248 = arith.constant 0 : i32
      %cond3A_249 = arith.cmpi ne, %convert_element_type3A_247, %cond3A_248 : i32
      scf.if %cond3A_249 {
        %dma_start3A_271 = arith.constant 0 : i32
        %dma_start3A_272 = tpu.memref_slice %arg8[%add3A_232, %dma_start3A_271] : memref<16x128xi32, #tpu.memory_space<vmem>> -> memref<1x128xi32, #tpu.memory_space<vmem>>
        %dma_start3A_273 = tpu.memref_squeeze %dma_start3A_272 : memref<1x128xi32, #tpu.memory_space<vmem>> -> memref<128xi32, #tpu.memory_space<vmem>>
        %dma_start3A_274 = arith.constant 0 : i32
        %dma_start3A_275 = arith.constant 0 : i32
        %dma_start3A_276 = tpu.memref_slice %arg2[%dma_start3A_274, %dma_start3A_275] : memref<10000x128xf32, #tpu.memory_space<hbm>> -> memref<10000x128xf32, #tpu.memory_space<hbm>>
        tpu.enqueue_indirect_dma source(%dma_start3A_276 : memref<10000x128xf32, #tpu.memory_space<hbm>>) target(%arg14 : memref<128x128xf32, #tpu.memory_space<vmem>>) offsets(%dma_start3A_273 : memref<128xi32, #tpu.memory_space<vmem>>) semaphore(%arg16 : memref<!tpu.dma_semaphore, #tpu.memory_space<semaphore_mem>>)
      } else {
      }
      %mul3A_250 = arith.constant 2 : i32
      %mul3A_251 = arith.muli %mul3A_250, %scan3A_204 : i32
      %lt3A_252 = arith.constant 2496 : i32
      %lt3A_253 = arith.cmpi slt, %add3A_209, %lt3A_252 : i32
      %convert_element_type3A_254 = arith.extui %lt3A_253 : i1 to i32
      %cond3A_255 = arith.constant 0 : i32
      %cond3A_256 = arith.cmpi ne, %convert_element_type3A_254, %cond3A_255 : i32
      scf.if %cond3A_256 {
        %dma_wait3A_271 = arith.constant 0 : i32
        %dma_wait3A_272 = tpu.memref_slice %arg8[%mul3A_251, %dma_wait3A_271] : memref<16x128xi32, #tpu.memory_space<vmem>> -> memref<1x128xi32, #tpu.memory_space<vmem>>
        %dma_wait3A_273 = tpu.memref_squeeze %dma_wait3A_272 : memref<1x128xi32, #tpu.memory_space<vmem>> -> memref<128xi32, #tpu.memory_space<vmem>>
        %dma_wait3A_274 = arith.constant 0 : i32
        %dma_wait3A_275 = arith.constant 0 : i32
        %dma_wait3A_276 = tpu.memref_slice %arg2[%dma_wait3A_274, %dma_wait3A_275] : memref<10000x128xf32, #tpu.memory_space<hbm>> -> memref<10000x128xf32, #tpu.memory_space<hbm>>
        tpu.wait_indirect_dma semaphore(%arg15 : memref<!tpu.dma_semaphore, #tpu.memory_space<semaphore_mem>>) src(%dma_wait3A_276 : memref<10000x128xf32, #tpu.memory_space<hbm>>) dst(%arg13 : memref<128x128xf32, #tpu.memory_space<vmem>>)
        %dma_start3A_277 = arith.constant 0 : i32
        %dma_start3A_278 = tpu.memref_slice %arg9[%mul3A_251, %dma_start3A_277] : memref<16x128xi32, #tpu.memory_space<vmem>> -> memref<1x128xi32, #tpu.memory_space<vmem>>
        %dma_start3A_279 = tpu.memref_squeeze %dma_start3A_278 : memref<1x128xi32, #tpu.memory_space<vmem>> -> memref<128xi32, #tpu.memory_space<vmem>>
        %dma_start3A_280 = arith.constant 0 : i32
        %dma_start3A_281 = arith.constant 0 : i32
        %dma_start3A_282 = tpu.memref_slice %arg7[%dma_start3A_280, %dma_start3A_281] : memref<10000x128xf32, #tpu.memory_space<vmem_shared>> -> memref<10000x128xf32, #tpu.memory_space<vmem_shared>>
        tpu.enqueue_indirect_dma source(%arg13 : memref<128x128xf32, #tpu.memory_space<vmem>>) target(%dma_start3A_282 : memref<10000x128xf32, #tpu.memory_space<vmem_shared>>) offsets(%dma_start3A_279 : memref<128xi32, #tpu.memory_space<vmem>>) semaphore(%arg17 : memref<!tpu.dma_semaphore, #tpu.memory_space<semaphore_mem>>) {add = true}
      } else {
      }
      %mul3A_257 = arith.constant 2 : i32
      %mul3A_258 = arith.muli %mul3A_257, %scan3A_204 : i32
      %add3A_259 = arith.constant 1 : i32
      %add3A_260 = arith.addi %mul3A_258, %add3A_259 : i32
      %lt3A_261 = arith.constant 2496 : i32
      %lt3A_262 = arith.cmpi slt, %add3A_211, %lt3A_261 : i32
      %convert_element_type3A_263 = arith.extui %lt3A_262 : i1 to i32
      %cond3A_264 = arith.constant 0 : i32
      %cond3A_265 = arith.cmpi ne, %convert_element_type3A_263, %cond3A_264 : i32
      scf.if %cond3A_265 {
        %dma_wait3A_271 = arith.constant 0 : i32
        %dma_wait3A_272 = tpu.memref_slice %arg8[%add3A_260, %dma_wait3A_271] : memref<16x128xi32, #tpu.memory_space<vmem>> -> memref<1x128xi32, #tpu.memory_space<vmem>>
        %dma_wait3A_273 = tpu.memref_squeeze %dma_wait3A_272 : memref<1x128xi32, #tpu.memory_space<vmem>> -> memref<128xi32, #tpu.memory_space<vmem>>
        %dma_wait3A_274 = arith.constant 0 : i32
        %dma_wait3A_275 = arith.constant 0 : i32
        %dma_wait3A_276 = tpu.memref_slice %arg2[%dma_wait3A_274, %dma_wait3A_275] : memref<10000x128xf32, #tpu.memory_space<hbm>> -> memref<10000x128xf32, #tpu.memory_space<hbm>>
        tpu.wait_indirect_dma semaphore(%arg16 : memref<!tpu.dma_semaphore, #tpu.memory_space<semaphore_mem>>) src(%dma_wait3A_276 : memref<10000x128xf32, #tpu.memory_space<hbm>>) dst(%arg14 : memref<128x128xf32, #tpu.memory_space<vmem>>)
        %dma_start3A_277 = arith.constant 0 : i32
        %dma_start3A_278 = tpu.memref_slice %arg9[%add3A_260, %dma_start3A_277] : memref<16x128xi32, #tpu.memory_space<vmem>> -> memref<1x128xi32, #tpu.memory_space<vmem>>
        %dma_start3A_279 = tpu.memref_squeeze %dma_start3A_278 : memref<1x128xi32, #tpu.memory_space<vmem>> -> memref<128xi32, #tpu.memory_space<vmem>>
        %dma_start3A_280 = arith.constant 0 : i32
        %dma_start3A_281 = arith.constant 0 : i32
        %dma_start3A_282 = tpu.memref_slice %arg7[%dma_start3A_280, %dma_start3A_281] : memref<10000x128xf32, #tpu.memory_space<vmem_shared>> -> memref<10000x128xf32, #tpu.memory_space<vmem_shared>>
        tpu.enqueue_indirect_dma source(%arg14 : memref<128x128xf32, #tpu.memory_space<vmem>>) target(%dma_start3A_282 : memref<10000x128xf32, #tpu.memory_space<vmem_shared>>) offsets(%dma_start3A_279 : memref<128xi32, #tpu.memory_space<vmem>>) semaphore(%arg18 : memref<!tpu.dma_semaphore, #tpu.memory_space<semaphore_mem>>) {add = true}
      } else {
      }
      %eq3A_266 = arith.constant 1 : i32
      %eq3A_267 = arith.cmpi eq, %scan3A_204, %eq3A_266 : i32
      %convert_element_type3A_268 = arith.extui %eq3A_267 : i1 to i32
      %cond3A_269 = arith.constant 0 : i32
      %cond3A_270 = arith.cmpi ne, %convert_element_type3A_268, %cond3A_269 : i32
      scf.if %cond3A_270 {
        %add3A_271 = arith.constant 16 : i32
        %add3A_272 = arith.addi %mul3A_2, %add3A_271 : i32
        %min3A_273 = arith.constant 2480 : i32
        %min3A_274 = arith.minsi %add3A_272, %min3A_273 : i32
        %dma_start3A_275 = arith.constant 0 : i32
        %dma_start3A_276 = arith.constant 0 : i32
        %dma_start3A_277 = tpu.memref_slice %arg3[%dma_start3A_275, %min3A_274, %dma_start3A_276] : memref<2x2500x128xi32, #tpu.memory_space<hbm>> -> memref<1x16x128xi32, #tpu.memory_space<hbm>>
        %dma_start3A_278 = tpu.memref_squeeze %dma_start3A_277 : memref<1x16x128xi32, #tpu.memory_space<hbm>> -> memref<16x128xi32, #tpu.memory_space<hbm>>
        %dma_start3A_279 = arith.constant 0 : i32
        %dma_start3A_280 = tpu.memref_slice %arg3[%dma_start3A_275, %min3A_274, %dma_start3A_279] : memref<2x2500x128xi32, #tpu.memory_space<hbm>> -> memref<1x16x128xi32, #tpu.memory_space<hbm>>
        %dma_start3A_281 = tpu.memref_squeeze %dma_start3A_280 : memref<1x16x128xi32, #tpu.memory_space<hbm>> -> memref<16x128xi32, #tpu.memory_space<hbm>>
        tpu.enqueue_dma source(%dma_start3A_281 : memref<16x128xi32, #tpu.memory_space<hbm>>) target(%arg10 : memref<16x128xi32, #tpu.memory_space<vmem>>) target_semaphore(%arg19 : memref<!tpu.dma_semaphore, #tpu.memory_space<semaphore_mem>>)
        %add3A_282 = arith.constant 16 : i32
        %add3A_283 = arith.addi %mul3A_2, %add3A_282 : i32
        %min3A_284 = arith.constant 2480 : i32
        %min3A_285 = arith.minsi %add3A_283, %min3A_284 : i32
        %dma_start3A_286 = arith.constant 1 : i32
        %dma_start3A_287 = arith.constant 0 : i32
        %dma_start3A_288 = tpu.memref_slice %arg3[%dma_start3A_286, %min3A_285, %dma_start3A_287] : memref<2x2500x128xi32, #tpu.memory_space<hbm>> -> memref<1x16x128xi32, #tpu.memory_space<hbm>>
        %dma_start3A_289 = tpu.memref_squeeze %dma_start3A_288 : memref<1x16x128xi32, #tpu.memory_space<hbm>> -> memref<16x128xi32, #tpu.memory_space<hbm>>
        %dma_start3A_290 = arith.constant 0 : i32
        %dma_start3A_291 = tpu.memref_slice %arg3[%dma_start3A_286, %min3A_285, %dma_start3A_290] : memref<2x2500x128xi32, #tpu.memory_space<hbm>> -> memref<1x16x128xi32, #tpu.memory_space<hbm>>
        %dma_start3A_292 = tpu.memref_squeeze %dma_start3A_291 : memref<1x16x128xi32, #tpu.memory_space<hbm>> -> memref<16x128xi32, #tpu.memory_space<hbm>>
        tpu.enqueue_dma source(%dma_start3A_292 : memref<16x128xi32, #tpu.memory_space<hbm>>) target(%arg11 : memref<16x128xi32, #tpu.memory_space<vmem>>) target_semaphore(%arg20 : memref<!tpu.dma_semaphore, #tpu.memory_space<semaphore_mem>>)
      } else {
      }
    }
    %scan3A_63 = arith.constant 8 : i32
    %add3A_64 = arith.constant 16 : i32
    %add3A_65 = arith.addi %mul3A_2, %add3A_64 : i32
    %min3A_66 = arith.constant 2480 : i32
    %min3A_67 = arith.minsi %add3A_65, %min3A_66 : i32
    %dma_wait3A_68 = arith.constant 0 : i32
    %dma_wait3A_69 = arith.constant 0 : i32
    %dma_wait3A_70 = tpu.memref_slice %arg3[%dma_wait3A_68, %min3A_67, %dma_wait3A_69] : memref<2x2500x128xi32, #tpu.memory_space<hbm>> -> memref<1x16x128xi32, #tpu.memory_space<hbm>>
    %dma_wait3A_71 = tpu.memref_squeeze %dma_wait3A_70 : memref<1x16x128xi32, #tpu.memory_space<hbm>> -> memref<16x128xi32, #tpu.memory_space<hbm>>
    %dma_wait3A_72 = arith.constant 0 : i32
    %dma_wait3A_73 = tpu.memref_slice %arg3[%dma_wait3A_68, %min3A_67, %dma_wait3A_72] : memref<2x2500x128xi32, #tpu.memory_space<hbm>> -> memref<1x16x128xi32, #tpu.memory_space<hbm>>
    %dma_wait3A_74 = tpu.memref_squeeze %dma_wait3A_73 : memref<1x16x128xi32, #tpu.memory_space<hbm>> -> memref<16x128xi32, #tpu.memory_space<hbm>>
    tpu.wait_dma2 semaphore(%arg19 : memref<!tpu.dma_semaphore, #tpu.memory_space<semaphore_mem>>) src(%dma_wait3A_74 : memref<16x128xi32, #tpu.memory_space<hbm>>) dst(%arg10 : memref<16x128xi32, #tpu.memory_space<vmem>>)
    %add3A_75 = arith.constant 16 : i32
    %add3A_76 = arith.addi %mul3A_2, %add3A_75 : i32
    %min3A_77 = arith.constant 2480 : i32
    %min3A_78 = arith.minsi %add3A_76, %min3A_77 : i32
    %dma_wait3A_79 = arith.constant 1 : i32
    %dma_wait3A_80 = arith.constant 0 : i32
    %dma_wait3A_81 = tpu.memref_slice %arg3[%dma_wait3A_79, %min3A_78, %dma_wait3A_80] : memref<2x2500x128xi32, #tpu.memory_space<hbm>> -> memref<1x16x128xi32, #tpu.memory_space<hbm>>
    %dma_wait3A_82 = tpu.memref_squeeze %dma_wait3A_81 : memref<1x16x128xi32, #tpu.memory_space<hbm>> -> memref<16x128xi32, #tpu.memory_space<hbm>>
    %dma_wait3A_83 = arith.constant 0 : i32
    %dma_wait3A_84 = tpu.memref_slice %arg3[%dma_wait3A_79, %min3A_78, %dma_wait3A_83] : memref<2x2500x128xi32, #tpu.memory_space<hbm>> -> memref<1x16x128xi32, #tpu.memory_space<hbm>>
    %dma_wait3A_85 = tpu.memref_squeeze %dma_wait3A_84 : memref<1x16x128xi32, #tpu.memory_space<hbm>> -> memref<16x128xi32, #tpu.memory_space<hbm>>
    tpu.wait_dma2 semaphore(%arg20 : memref<!tpu.dma_semaphore, #tpu.memory_space<semaphore_mem>>) src(%dma_wait3A_85 : memref<16x128xi32, #tpu.memory_space<hbm>>) dst(%arg11 : memref<16x128xi32, #tpu.memory_space<vmem>>)
    %scan3A_86 = arith.constant 0 : i32
    %scan3A_87 = arith.constant 0 : i32
    %scan3A_88 = arith.constant 8 : i32
    %scan3A_89 = arith.addi %scan3A_87, %scan3A_88 : i32
    %scan3A_90 = arith.constant 1 : i32
    scf.for %scan3A_204 = %scan3A_87 to %scan3A_89 step %scan3A_90  : i32 {
      %add3A_205 = arith.constant 16 : i32
      %add3A_206 = arith.addi %mul3A_2, %add3A_205 : i32
      %mul3A_207 = arith.constant 2 : i32
      %mul3A_208 = arith.muli %mul3A_207, %scan3A_204 : i32
      %add3A_209 = arith.addi %add3A_206, %mul3A_208 : i32
      %add3A_210 = arith.constant 1 : i32
      %add3A_211 = arith.addi %add3A_209, %add3A_210 : i32
      %mul3A_212 = arith.constant 2 : i32
      %mul3A_213 = arith.muli %mul3A_212, %scan3A_204 : i32
      %not3A_214 = arith.constant false
      %not3A_215 = arith.constant true
      %not3A_216 = arith.xori %not3A_214, %not3A_215 : i1
      %sub3A = arith.constant 2 : i32
      %sub3A_217 = arith.subi %add3A_209, %sub3A : i32
      %lt3A_218 = arith.constant 2496 : i32
      %lt3A_219 = arith.cmpi slt, %sub3A_217, %lt3A_218 : i32
      %and3A = arith.andi %not3A_216, %lt3A_219 : i1
      %convert_element_type3A_220 = arith.extui %and3A : i1 to i32
      %cond3A_221 = arith.constant 0 : i32
      %cond3A_222 = arith.cmpi ne, %convert_element_type3A_220, %cond3A_221 : i32
      scf.if %cond3A_222 {
        %dma_wait3A_269 = arith.constant 0 : i32
        %dma_wait3A_270 = tpu.memref_slice %arg11[%mul3A_213, %dma_wait3A_269] : memref<16x128xi32, #tpu.memory_space<vmem>> -> memref<1x128xi32, #tpu.memory_space<vmem>>
        %dma_wait3A_271 = tpu.memref_squeeze %dma_wait3A_270 : memref<1x128xi32, #tpu.memory_space<vmem>> -> memref<128xi32, #tpu.memory_space<vmem>>
        %dma_wait3A_272 = arith.constant 0 : i32
        %dma_wait3A_273 = arith.constant 0 : i32
        %dma_wait3A_274 = tpu.memref_slice %arg7[%dma_wait3A_272, %dma_wait3A_273] : memref<10000x128xf32, #tpu.memory_space<vmem_shared>> -> memref<10000x128xf32, #tpu.memory_space<vmem_shared>>
        tpu.wait_indirect_dma semaphore(%arg17 : memref<!tpu.dma_semaphore, #tpu.memory_space<semaphore_mem>>) src(%arg13 : memref<128x128xf32, #tpu.memory_space<vmem>>) dst(%dma_wait3A_274 : memref<10000x128xf32, #tpu.memory_space<vmem_shared>>)
      } else {
      }
      %lt3A_223 = arith.constant 2496 : i32
      %lt3A_224 = arith.cmpi slt, %add3A_209, %lt3A_223 : i32
      %convert_element_type3A_225 = arith.extui %lt3A_224 : i1 to i32
      %cond3A_226 = arith.constant 0 : i32
      %cond3A_227 = arith.cmpi ne, %convert_element_type3A_225, %cond3A_226 : i32
      scf.if %cond3A_227 {
        %dma_start3A_269 = arith.constant 0 : i32
        %dma_start3A_270 = tpu.memref_slice %arg10[%mul3A_213, %dma_start3A_269] : memref<16x128xi32, #tpu.memory_space<vmem>> -> memref<1x128xi32, #tpu.memory_space<vmem>>
        %dma_start3A_271 = tpu.memref_squeeze %dma_start3A_270 : memref<1x128xi32, #tpu.memory_space<vmem>> -> memref<128xi32, #tpu.memory_space<vmem>>
        %dma_start3A_272 = arith.constant 0 : i32
        %dma_start3A_273 = arith.constant 0 : i32
        %dma_start3A_274 = tpu.memref_slice %arg2[%dma_start3A_272, %dma_start3A_273] : memref<10000x128xf32, #tpu.memory_space<hbm>> -> memref<10000x128xf32, #tpu.memory_space<hbm>>
        tpu.enqueue_indirect_dma source(%dma_start3A_274 : memref<10000x128xf32, #tpu.memory_space<hbm>>) target(%arg13 : memref<128x128xf32, #tpu.memory_space<vmem>>) offsets(%dma_start3A_271 : memref<128xi32, #tpu.memory_space<vmem>>) semaphore(%arg15 : memref<!tpu.dma_semaphore, #tpu.memory_space<semaphore_mem>>)
      } else {
      }
      %mul3A_228 = arith.constant 2 : i32
      %mul3A_229 = arith.muli %mul3A_228, %scan3A_204 : i32
      %add3A_230 = arith.constant 1 : i32
      %add3A_231 = arith.addi %mul3A_229, %add3A_230 : i32
      %not3A_232 = arith.constant false
      %not3A_233 = arith.constant true
      %not3A_234 = arith.xori %not3A_232, %not3A_233 : i1
      %sub3A_235 = arith.constant 2 : i32
      %sub3A_236 = arith.subi %add3A_211, %sub3A_235 : i32
      %lt3A_237 = arith.constant 2496 : i32
      %lt3A_238 = arith.cmpi slt, %sub3A_236, %lt3A_237 : i32
      %and3A_239 = arith.andi %not3A_234, %lt3A_238 : i1
      %convert_element_type3A_240 = arith.extui %and3A_239 : i1 to i32
      %cond3A_241 = arith.constant 0 : i32
      %cond3A_242 = arith.cmpi ne, %convert_element_type3A_240, %cond3A_241 : i32
      scf.if %cond3A_242 {
        %dma_wait3A_269 = arith.constant 0 : i32
        %dma_wait3A_270 = tpu.memref_slice %arg11[%add3A_231, %dma_wait3A_269] : memref<16x128xi32, #tpu.memory_space<vmem>> -> memref<1x128xi32, #tpu.memory_space<vmem>>
        %dma_wait3A_271 = tpu.memref_squeeze %dma_wait3A_270 : memref<1x128xi32, #tpu.memory_space<vmem>> -> memref<128xi32, #tpu.memory_space<vmem>>
        %dma_wait3A_272 = arith.constant 0 : i32
        %dma_wait3A_273 = arith.constant 0 : i32
        %dma_wait3A_274 = tpu.memref_slice %arg7[%dma_wait3A_272, %dma_wait3A_273] : memref<10000x128xf32, #tpu.memory_space<vmem_shared>> -> memref<10000x128xf32, #tpu.memory_space<vmem_shared>>
        tpu.wait_indirect_dma semaphore(%arg18 : memref<!tpu.dma_semaphore, #tpu.memory_space<semaphore_mem>>) src(%arg14 : memref<128x128xf32, #tpu.memory_space<vmem>>) dst(%dma_wait3A_274 : memref<10000x128xf32, #tpu.memory_space<vmem_shared>>)
      } else {
      }
      %lt3A_243 = arith.constant 2496 : i32
      %lt3A_244 = arith.cmpi slt, %add3A_211, %lt3A_243 : i32
      %convert_element_type3A_245 = arith.extui %lt3A_244 : i1 to i32
      %cond3A_246 = arith.constant 0 : i32
      %cond3A_247 = arith.cmpi ne, %convert_element_type3A_245, %cond3A_246 : i32
      scf.if %cond3A_247 {
        %dma_start3A_269 = arith.constant 0 : i32
        %dma_start3A_270 = tpu.memref_slice %arg10[%add3A_231, %dma_start3A_269] : memref<16x128xi32, #tpu.memory_space<vmem>> -> memref<1x128xi32, #tpu.memory_space<vmem>>
        %dma_start3A_271 = tpu.memref_squeeze %dma_start3A_270 : memref<1x128xi32, #tpu.memory_space<vmem>> -> memref<128xi32, #tpu.memory_space<vmem>>
        %dma_start3A_272 = arith.constant 0 : i32
        %dma_start3A_273 = arith.constant 0 : i32
        %dma_start3A_274 = tpu.memref_slice %arg2[%dma_start3A_272, %dma_start3A_273] : memref<10000x128xf32, #tpu.memory_space<hbm>> -> memref<10000x128xf32, #tpu.memory_space<hbm>>
        tpu.enqueue_indirect_dma source(%dma_start3A_274 : memref<10000x128xf32, #tpu.memory_space<hbm>>) target(%arg14 : memref<128x128xf32, #tpu.memory_space<vmem>>) offsets(%dma_start3A_271 : memref<128xi32, #tpu.memory_space<vmem>>) semaphore(%arg16 : memref<!tpu.dma_semaphore, #tpu.memory_space<semaphore_mem>>)
      } else {
      }
      %mul3A_248 = arith.constant 2 : i32
      %mul3A_249 = arith.muli %mul3A_248, %scan3A_204 : i32
      %lt3A_250 = arith.constant 2496 : i32
      %lt3A_251 = arith.cmpi slt, %add3A_209, %lt3A_250 : i32
      %convert_element_type3A_252 = arith.extui %lt3A_251 : i1 to i32
      %cond3A_253 = arith.constant 0 : i32
      %cond3A_254 = arith.cmpi ne, %convert_element_type3A_252, %cond3A_253 : i32
      scf.if %cond3A_254 {
        %dma_wait3A_269 = arith.constant 0 : i32
        %dma_wait3A_270 = tpu.memref_slice %arg10[%mul3A_249, %dma_wait3A_269] : memref<16x128xi32, #tpu.memory_space<vmem>> -> memref<1x128xi32, #tpu.memory_space<vmem>>
        %dma_wait3A_271 = tpu.memref_squeeze %dma_wait3A_270 : memref<1x128xi32, #tpu.memory_space<vmem>> -> memref<128xi32, #tpu.memory_space<vmem>>
        %dma_wait3A_272 = arith.constant 0 : i32
        %dma_wait3A_273 = arith.constant 0 : i32
        %dma_wait3A_274 = tpu.memref_slice %arg2[%dma_wait3A_272, %dma_wait3A_273] : memref<10000x128xf32, #tpu.memory_space<hbm>> -> memref<10000x128xf32, #tpu.memory_space<hbm>>
        tpu.wait_indirect_dma semaphore(%arg15 : memref<!tpu.dma_semaphore, #tpu.memory_space<semaphore_mem>>) src(%dma_wait3A_274 : memref<10000x128xf32, #tpu.memory_space<hbm>>) dst(%arg13 : memref<128x128xf32, #tpu.memory_space<vmem>>)
        %dma_start3A_275 = arith.constant 0 : i32
        %dma_start3A_276 = tpu.memref_slice %arg11[%mul3A_249, %dma_start3A_275] : memref<16x128xi32, #tpu.memory_space<vmem>> -> memref<1x128xi32, #tpu.memory_space<vmem>>
        %dma_start3A_277 = tpu.memref_squeeze %dma_start3A_276 : memref<1x128xi32, #tpu.memory_space<vmem>> -> memref<128xi32, #tpu.memory_space<vmem>>
        %dma_start3A_278 = arith.constant 0 : i32
        %dma_start3A_279 = arith.constant 0 : i32
        %dma_start3A_280 = tpu.memref_slice %arg7[%dma_start3A_278, %dma_start3A_279] : memref<10000x128xf32, #tpu.memory_space<vmem_shared>> -> memref<10000x128xf32, #tpu.memory_space<vmem_shared>>
        tpu.enqueue_indirect_dma source(%arg13 : memref<128x128xf32, #tpu.memory_space<vmem>>) target(%dma_start3A_280 : memref<10000x128xf32, #tpu.memory_space<vmem_shared>>) offsets(%dma_start3A_277 : memref<128xi32, #tpu.memory_space<vmem>>) semaphore(%arg17 : memref<!tpu.dma_semaphore, #tpu.memory_space<semaphore_mem>>) {add = true}
      } else {
      }
      %mul3A_255 = arith.constant 2 : i32
      %mul3A_256 = arith.muli %mul3A_255, %scan3A_204 : i32
      %add3A_257 = arith.constant 1 : i32
      %add3A_258 = arith.addi %mul3A_256, %add3A_257 : i32
      %lt3A_259 = arith.constant 2496 : i32
      %lt3A_260 = arith.cmpi slt, %add3A_211, %lt3A_259 : i32
      %convert_element_type3A_261 = arith.extui %lt3A_260 : i1 to i32
      %cond3A_262 = arith.constant 0 : i32
      %cond3A_263 = arith.cmpi ne, %convert_element_type3A_261, %cond3A_262 : i32
      scf.if %cond3A_263 {
        %dma_wait3A_269 = arith.constant 0 : i32
        %dma_wait3A_270 = tpu.memref_slice %arg10[%add3A_258, %dma_wait3A_269] : memref<16x128xi32, #tpu.memory_space<vmem>> -> memref<1x128xi32, #tpu.memory_space<vmem>>
        %dma_wait3A_271 = tpu.memref_squeeze %dma_wait3A_270 : memref<1x128xi32, #tpu.memory_space<vmem>> -> memref<128xi32, #tpu.memory_space<vmem>>
        %dma_wait3A_272 = arith.constant 0 : i32
        %dma_wait3A_273 = arith.constant 0 : i32
        %dma_wait3A_274 = tpu.memref_slice %arg2[%dma_wait3A_272, %dma_wait3A_273] : memref<10000x128xf32, #tpu.memory_space<hbm>> -> memref<10000x128xf32, #tpu.memory_space<hbm>>
        tpu.wait_indirect_dma semaphore(%arg16 : memref<!tpu.dma_semaphore, #tpu.memory_space<semaphore_mem>>) src(%dma_wait3A_274 : memref<10000x128xf32, #tpu.memory_space<hbm>>) dst(%arg14 : memref<128x128xf32, #tpu.memory_space<vmem>>)
        %dma_start3A_275 = arith.constant 0 : i32
        %dma_start3A_276 = tpu.memref_slice %arg11[%add3A_258, %dma_start3A_275] : memref<16x128xi32, #tpu.memory_space<vmem>> -> memref<1x128xi32, #tpu.memory_space<vmem>>
        %dma_start3A_277 = tpu.memref_squeeze %dma_start3A_276 : memref<1x128xi32, #tpu.memory_space<vmem>> -> memref<128xi32, #tpu.memory_space<vmem>>
        %dma_start3A_278 = arith.constant 0 : i32
        %dma_start3A_279 = arith.constant 0 : i32
        %dma_start3A_280 = tpu.memref_slice %arg7[%dma_start3A_278, %dma_start3A_279] : memref<10000x128xf32, #tpu.memory_space<vmem_shared>> -> memref<10000x128xf32, #tpu.memory_space<vmem_shared>>
        tpu.enqueue_indirect_dma source(%arg14 : memref<128x128xf32, #tpu.memory_space<vmem>>) target(%dma_start3A_280 : memref<10000x128xf32, #tpu.memory_space<vmem_shared>>) offsets(%dma_start3A_277 : memref<128xi32, #tpu.memory_space<vmem>>) semaphore(%arg18 : memref<!tpu.dma_semaphore, #tpu.memory_space<semaphore_mem>>) {add = true}
      } else {
      }
      %eq3A_264 = arith.constant 1 : i32
      %eq3A_265 = arith.cmpi eq, %scan3A_204, %eq3A_264 : i32
      %convert_element_type3A_266 = arith.extui %eq3A_265 : i1 to i32
      %cond3A_267 = arith.constant 0 : i32
      %cond3A_268 = arith.cmpi ne, %convert_element_type3A_266, %cond3A_267 : i32
      scf.if %cond3A_268 {
        %add3A_269 = arith.constant 32 : i32
        %add3A_270 = arith.addi %mul3A_2, %add3A_269 : i32
        %min3A_271 = arith.constant 2480 : i32
        %min3A_272 = arith.minsi %add3A_270, %min3A_271 : i32
        %dma_start3A_273 = arith.constant 0 : i32
        %dma_start3A_274 = arith.constant 0 : i32
        %dma_start3A_275 = tpu.memref_slice %arg3[%dma_start3A_273, %min3A_272, %dma_start3A_274] : memref<2x2500x128xi32, #tpu.memory_space<hbm>> -> memref<1x16x128xi32, #tpu.memory_space<hbm>>
        %dma_start3A_276 = tpu.memref_squeeze %dma_start3A_275 : memref<1x16x128xi32, #tpu.memory_space<hbm>> -> memref<16x128xi32, #tpu.memory_space<hbm>>
        %dma_start3A_277 = arith.constant 0 : i32
        %dma_start3A_278 = tpu.memref_slice %arg3[%dma_start3A_273, %min3A_272, %dma_start3A_277] : memref<2x2500x128xi32, #tpu.memory_space<hbm>> -> memref<1x16x128xi32, #tpu.memory_space<hbm>>
        %dma_start3A_279 = tpu.memref_squeeze %dma_start3A_278 : memref<1x16x128xi32, #tpu.memory_space<hbm>> -> memref<16x128xi32, #tpu.memory_space<hbm>>
        tpu.enqueue_dma source(%dma_start3A_279 : memref<16x128xi32, #tpu.memory_space<hbm>>) target(%arg8 : memref<16x128xi32, #tpu.memory_space<vmem>>) target_semaphore(%arg19 : memref<!tpu.dma_semaphore, #tpu.memory_space<semaphore_mem>>)
        %add3A_280 = arith.constant 32 : i32
        %add3A_281 = arith.addi %mul3A_2, %add3A_280 : i32
        %min3A_282 = arith.constant 2480 : i32
        %min3A_283 = arith.minsi %add3A_281, %min3A_282 : i32
        %dma_start3A_284 = arith.constant 1 : i32
        %dma_start3A_285 = arith.constant 0 : i32
        %dma_start3A_286 = tpu.memref_slice %arg3[%dma_start3A_284, %min3A_283, %dma_start3A_285] : memref<2x2500x128xi32, #tpu.memory_space<hbm>> -> memref<1x16x128xi32, #tpu.memory_space<hbm>>
        %dma_start3A_287 = tpu.memref_squeeze %dma_start3A_286 : memref<1x16x128xi32, #tpu.memory_space<hbm>> -> memref<16x128xi32, #tpu.memory_space<hbm>>
        %dma_start3A_288 = arith.constant 0 : i32
        %dma_start3A_289 = tpu.memref_slice %arg3[%dma_start3A_284, %min3A_283, %dma_start3A_288] : memref<2x2500x128xi32, #tpu.memory_space<hbm>> -> memref<1x16x128xi32, #tpu.memory_space<hbm>>
        %dma_start3A_290 = tpu.memref_squeeze %dma_start3A_289 : memref<1x16x128xi32, #tpu.memory_space<hbm>> -> memref<16x128xi32, #tpu.memory_space<hbm>>
        tpu.enqueue_dma source(%dma_start3A_290 : memref<16x128xi32, #tpu.memory_space<hbm>>) target(%arg9 : memref<16x128xi32, #tpu.memory_space<vmem>>) target_semaphore(%arg20 : memref<!tpu.dma_semaphore, #tpu.memory_space<semaphore_mem>>)
      } else {
      }
    }
    %scan3A_91 = arith.constant 8 : i32
    %add3A_92 = arith.constant 32 : i32
    %add3A_93 = arith.addi %mul3A_2, %add3A_92 : i32
    %min3A_94 = arith.constant 2480 : i32
    %min3A_95 = arith.minsi %add3A_93, %min3A_94 : i32
    %dma_wait3A_96 = arith.constant 0 : i32
    %dma_wait3A_97 = arith.constant 0 : i32
    %dma_wait3A_98 = tpu.memref_slice %arg3[%dma_wait3A_96, %min3A_95, %dma_wait3A_97] : memref<2x2500x128xi32, #tpu.memory_space<hbm>> -> memref<1x16x128xi32, #tpu.memory_space<hbm>>
    %dma_wait3A_99 = tpu.memref_squeeze %dma_wait3A_98 : memref<1x16x128xi32, #tpu.memory_space<hbm>> -> memref<16x128xi32, #tpu.memory_space<hbm>>
    %dma_wait3A_100 = arith.constant 0 : i32
    %dma_wait3A_101 = tpu.memref_slice %arg3[%dma_wait3A_96, %min3A_95, %dma_wait3A_100] : memref<2x2500x128xi32, #tpu.memory_space<hbm>> -> memref<1x16x128xi32, #tpu.memory_space<hbm>>
    %dma_wait3A_102 = tpu.memref_squeeze %dma_wait3A_101 : memref<1x16x128xi32, #tpu.memory_space<hbm>> -> memref<16x128xi32, #tpu.memory_space<hbm>>
    tpu.wait_dma2 semaphore(%arg19 : memref<!tpu.dma_semaphore, #tpu.memory_space<semaphore_mem>>) src(%dma_wait3A_102 : memref<16x128xi32, #tpu.memory_space<hbm>>) dst(%arg8 : memref<16x128xi32, #tpu.memory_space<vmem>>)
    %add3A_103 = arith.constant 32 : i32
    %add3A_104 = arith.addi %mul3A_2, %add3A_103 : i32
    %min3A_105 = arith.constant 2480 : i32
    %min3A_106 = arith.minsi %add3A_104, %min3A_105 : i32
    %dma_wait3A_107 = arith.constant 1 : i32
    %dma_wait3A_108 = arith.constant 0 : i32
    %dma_wait3A_109 = tpu.memref_slice %arg3[%dma_wait3A_107, %min3A_106, %dma_wait3A_108] : memref<2x2500x128xi32, #tpu.memory_space<hbm>> -> memref<1x16x128xi32, #tpu.memory_space<hbm>>
    %dma_wait3A_110 = tpu.memref_squeeze %dma_wait3A_109 : memref<1x16x128xi32, #tpu.memory_space<hbm>> -> memref<16x128xi32, #tpu.memory_space<hbm>>
    %dma_wait3A_111 = arith.constant 0 : i32
    %dma_wait3A_112 = tpu.memref_slice %arg3[%dma_wait3A_107, %min3A_106, %dma_wait3A_111] : memref<2x2500x128xi32, #tpu.memory_space<hbm>> -> memref<1x16x128xi32, #tpu.memory_space<hbm>>
    %dma_wait3A_113 = tpu.memref_squeeze %dma_wait3A_112 : memref<1x16x128xi32, #tpu.memory_space<hbm>> -> memref<16x128xi32, #tpu.memory_space<hbm>>
    tpu.wait_dma2 semaphore(%arg20 : memref<!tpu.dma_semaphore, #tpu.memory_space<semaphore_mem>>) src(%dma_wait3A_113 : memref<16x128xi32, #tpu.memory_space<hbm>>) dst(%arg9 : memref<16x128xi32, #tpu.memory_space<vmem>>)
    %scan3A_114 = arith.constant 0 : i32
    %scan3A_115 = arith.constant 0 : i32
    %scan3A_116 = arith.constant 8 : i32
    %scan3A_117 = arith.addi %scan3A_115, %scan3A_116 : i32
    %scan3A_118 = arith.constant 1 : i32
    scf.for %scan3A_204 = %scan3A_115 to %scan3A_117 step %scan3A_118  : i32 {
      %add3A_205 = arith.constant 32 : i32
      %add3A_206 = arith.addi %mul3A_2, %add3A_205 : i32
      %mul3A_207 = arith.constant 2 : i32
      %mul3A_208 = arith.muli %mul3A_207, %scan3A_204 : i32
      %add3A_209 = arith.addi %add3A_206, %mul3A_208 : i32
      %add3A_210 = arith.constant 1 : i32
      %add3A_211 = arith.addi %add3A_209, %add3A_210 : i32
      %mul3A_212 = arith.constant 2 : i32
      %mul3A_213 = arith.muli %mul3A_212, %scan3A_204 : i32
      %not3A_214 = arith.constant false
      %not3A_215 = arith.constant true
      %not3A_216 = arith.xori %not3A_214, %not3A_215 : i1
      %sub3A = arith.constant 2 : i32
      %sub3A_217 = arith.subi %add3A_209, %sub3A : i32
      %lt3A_218 = arith.constant 2496 : i32
      %lt3A_219 = arith.cmpi slt, %sub3A_217, %lt3A_218 : i32
      %and3A = arith.andi %not3A_216, %lt3A_219 : i1
      %convert_element_type3A_220 = arith.extui %and3A : i1 to i32
      %cond3A_221 = arith.constant 0 : i32
      %cond3A_222 = arith.cmpi ne, %convert_element_type3A_220, %cond3A_221 : i32
      scf.if %cond3A_222 {
        %dma_wait3A_269 = arith.constant 0 : i32
        %dma_wait3A_270 = tpu.memref_slice %arg9[%mul3A_213, %dma_wait3A_269] : memref<16x128xi32, #tpu.memory_space<vmem>> -> memref<1x128xi32, #tpu.memory_space<vmem>>
        %dma_wait3A_271 = tpu.memref_squeeze %dma_wait3A_270 : memref<1x128xi32, #tpu.memory_space<vmem>> -> memref<128xi32, #tpu.memory_space<vmem>>
        %dma_wait3A_272 = arith.constant 0 : i32
        %dma_wait3A_273 = arith.constant 0 : i32
        %dma_wait3A_274 = tpu.memref_slice %arg7[%dma_wait3A_272, %dma_wait3A_273] : memref<10000x128xf32, #tpu.memory_space<vmem_shared>> -> memref<10000x128xf32, #tpu.memory_space<vmem_shared>>
        tpu.wait_indirect_dma semaphore(%arg17 : memref<!tpu.dma_semaphore, #tpu.memory_space<semaphore_mem>>) src(%arg13 : memref<128x128xf32, #tpu.memory_space<vmem>>) dst(%dma_wait3A_274 : memref<10000x128xf32, #tpu.memory_space<vmem_shared>>)
      } else {
      }
      %lt3A_223 = arith.constant 2496 : i32
      %lt3A_224 = arith.cmpi slt, %add3A_209, %lt3A_223 : i32
      %convert_element_type3A_225 = arith.extui %lt3A_224 : i1 to i32
      %cond3A_226 = arith.constant 0 : i32
      %cond3A_227 = arith.cmpi ne, %convert_element_type3A_225, %cond3A_226 : i32
      scf.if %cond3A_227 {
        %dma_start3A_269 = arith.constant 0 : i32
        %dma_start3A_270 = tpu.memref_slice %arg8[%mul3A_213, %dma_start3A_269] : memref<16x128xi32, #tpu.memory_space<vmem>> -> memref<1x128xi32, #tpu.memory_space<vmem>>
        %dma_start3A_271 = tpu.memref_squeeze %dma_start3A_270 : memref<1x128xi32, #tpu.memory_space<vmem>> -> memref<128xi32, #tpu.memory_space<vmem>>
        %dma_start3A_272 = arith.constant 0 : i32
        %dma_start3A_273 = arith.constant 0 : i32
        %dma_start3A_274 = tpu.memref_slice %arg2[%dma_start3A_272, %dma_start3A_273] : memref<10000x128xf32, #tpu.memory_space<hbm>> -> memref<10000x128xf32, #tpu.memory_space<hbm>>
        tpu.enqueue_indirect_dma source(%dma_start3A_274 : memref<10000x128xf32, #tpu.memory_space<hbm>>) target(%arg13 : memref<128x128xf32, #tpu.memory_space<vmem>>) offsets(%dma_start3A_271 : memref<128xi32, #tpu.memory_space<vmem>>) semaphore(%arg15 : memref<!tpu.dma_semaphore, #tpu.memory_space<semaphore_mem>>)
      } else {
      }
      %mul3A_228 = arith.constant 2 : i32
      %mul3A_229 = arith.muli %mul3A_228, %scan3A_204 : i32
      %add3A_230 = arith.constant 1 : i32
      %add3A_231 = arith.addi %mul3A_229, %add3A_230 : i32
      %not3A_232 = arith.constant false
      %not3A_233 = arith.constant true
      %not3A_234 = arith.xori %not3A_232, %not3A_233 : i1
      %sub3A_235 = arith.constant 2 : i32
      %sub3A_236 = arith.subi %add3A_211, %sub3A_235 : i32
      %lt3A_237 = arith.constant 2496 : i32
      %lt3A_238 = arith.cmpi slt, %sub3A_236, %lt3A_237 : i32
      %and3A_239 = arith.andi %not3A_234, %lt3A_238 : i1
      %convert_element_type3A_240 = arith.extui %and3A_239 : i1 to i32
      %cond3A_241 = arith.constant 0 : i32
      %cond3A_242 = arith.cmpi ne, %convert_element_type3A_240, %cond3A_241 : i32
      scf.if %cond3A_242 {
        %dma_wait3A_269 = arith.constant 0 : i32
        %dma_wait3A_270 = tpu.memref_slice %arg9[%add3A_231, %dma_wait3A_269] : memref<16x128xi32, #tpu.memory_space<vmem>> -> memref<1x128xi32, #tpu.memory_space<vmem>>
        %dma_wait3A_271 = tpu.memref_squeeze %dma_wait3A_270 : memref<1x128xi32, #tpu.memory_space<vmem>> -> memref<128xi32, #tpu.memory_space<vmem>>
        %dma_wait3A_272 = arith.constant 0 : i32
        %dma_wait3A_273 = arith.constant 0 : i32
        %dma_wait3A_274 = tpu.memref_slice %arg7[%dma_wait3A_272, %dma_wait3A_273] : memref<10000x128xf32, #tpu.memory_space<vmem_shared>> -> memref<10000x128xf32, #tpu.memory_space<vmem_shared>>
        tpu.wait_indirect_dma semaphore(%arg18 : memref<!tpu.dma_semaphore, #tpu.memory_space<semaphore_mem>>) src(%arg14 : memref<128x128xf32, #tpu.memory_space<vmem>>) dst(%dma_wait3A_274 : memref<10000x128xf32, #tpu.memory_space<vmem_shared>>)
      } else {
      }
      %lt3A_243 = arith.constant 2496 : i32
      %lt3A_244 = arith.cmpi slt, %add3A_211, %lt3A_243 : i32
      %convert_element_type3A_245 = arith.extui %lt3A_244 : i1 to i32
      %cond3A_246 = arith.constant 0 : i32
      %cond3A_247 = arith.cmpi ne, %convert_element_type3A_245, %cond3A_246 : i32
      scf.if %cond3A_247 {
        %dma_start3A_269 = arith.constant 0 : i32
        %dma_start3A_270 = tpu.memref_slice %arg8[%add3A_231, %dma_start3A_269] : memref<16x128xi32, #tpu.memory_space<vmem>> -> memref<1x128xi32, #tpu.memory_space<vmem>>
        %dma_start3A_271 = tpu.memref_squeeze %dma_start3A_270 : memref<1x128xi32, #tpu.memory_space<vmem>> -> memref<128xi32, #tpu.memory_space<vmem>>
        %dma_start3A_272 = arith.constant 0 : i32
        %dma_start3A_273 = arith.constant 0 : i32
        %dma_start3A_274 = tpu.memref_slice %arg2[%dma_start3A_272, %dma_start3A_273] : memref<10000x128xf32, #tpu.memory_space<hbm>> -> memref<10000x128xf32, #tpu.memory_space<hbm>>
        tpu.enqueue_indirect_dma source(%dma_start3A_274 : memref<10000x128xf32, #tpu.memory_space<hbm>>) target(%arg14 : memref<128x128xf32, #tpu.memory_space<vmem>>) offsets(%dma_start3A_271 : memref<128xi32, #tpu.memory_space<vmem>>) semaphore(%arg16 : memref<!tpu.dma_semaphore, #tpu.memory_space<semaphore_mem>>)
      } else {
      }
      %mul3A_248 = arith.constant 2 : i32
      %mul3A_249 = arith.muli %mul3A_248, %scan3A_204 : i32
      %lt3A_250 = arith.constant 2496 : i32
      %lt3A_251 = arith.cmpi slt, %add3A_209, %lt3A_250 : i32
      %convert_element_type3A_252 = arith.extui %lt3A_251 : i1 to i32
      %cond3A_253 = arith.constant 0 : i32
      %cond3A_254 = arith.cmpi ne, %convert_element_type3A_252, %cond3A_253 : i32
      scf.if %cond3A_254 {
        %dma_wait3A_269 = arith.constant 0 : i32
        %dma_wait3A_270 = tpu.memref_slice %arg8[%mul3A_249, %dma_wait3A_269] : memref<16x128xi32, #tpu.memory_space<vmem>> -> memref<1x128xi32, #tpu.memory_space<vmem>>
        %dma_wait3A_271 = tpu.memref_squeeze %dma_wait3A_270 : memref<1x128xi32, #tpu.memory_space<vmem>> -> memref<128xi32, #tpu.memory_space<vmem>>
        %dma_wait3A_272 = arith.constant 0 : i32
        %dma_wait3A_273 = arith.constant 0 : i32
        %dma_wait3A_274 = tpu.memref_slice %arg2[%dma_wait3A_272, %dma_wait3A_273] : memref<10000x128xf32, #tpu.memory_space<hbm>> -> memref<10000x128xf32, #tpu.memory_space<hbm>>
        tpu.wait_indirect_dma semaphore(%arg15 : memref<!tpu.dma_semaphore, #tpu.memory_space<semaphore_mem>>) src(%dma_wait3A_274 : memref<10000x128xf32, #tpu.memory_space<hbm>>) dst(%arg13 : memref<128x128xf32, #tpu.memory_space<vmem>>)
        %dma_start3A_275 = arith.constant 0 : i32
        %dma_start3A_276 = tpu.memref_slice %arg9[%mul3A_249, %dma_start3A_275] : memref<16x128xi32, #tpu.memory_space<vmem>> -> memref<1x128xi32, #tpu.memory_space<vmem>>
        %dma_start3A_277 = tpu.memref_squeeze %dma_start3A_276 : memref<1x128xi32, #tpu.memory_space<vmem>> -> memref<128xi32, #tpu.memory_space<vmem>>
        %dma_start3A_278 = arith.constant 0 : i32
        %dma_start3A_279 = arith.constant 0 : i32
        %dma_start3A_280 = tpu.memref_slice %arg7[%dma_start3A_278, %dma_start3A_279] : memref<10000x128xf32, #tpu.memory_space<vmem_shared>> -> memref<10000x128xf32, #tpu.memory_space<vmem_shared>>
        tpu.enqueue_indirect_dma source(%arg13 : memref<128x128xf32, #tpu.memory_space<vmem>>) target(%dma_start3A_280 : memref<10000x128xf32, #tpu.memory_space<vmem_shared>>) offsets(%dma_start3A_277 : memref<128xi32, #tpu.memory_space<vmem>>) semaphore(%arg17 : memref<!tpu.dma_semaphore, #tpu.memory_space<semaphore_mem>>) {add = true}
      } else {
      }
      %mul3A_255 = arith.constant 2 : i32
      %mul3A_256 = arith.muli %mul3A_255, %scan3A_204 : i32
      %add3A_257 = arith.constant 1 : i32
      %add3A_258 = arith.addi %mul3A_256, %add3A_257 : i32
      %lt3A_259 = arith.constant 2496 : i32
      %lt3A_260 = arith.cmpi slt, %add3A_211, %lt3A_259 : i32
      %convert_element_type3A_261 = arith.extui %lt3A_260 : i1 to i32
      %cond3A_262 = arith.constant 0 : i32
      %cond3A_263 = arith.cmpi ne, %convert_element_type3A_261, %cond3A_262 : i32
      scf.if %cond3A_263 {
        %dma_wait3A_269 = arith.constant 0 : i32
        %dma_wait3A_270 = tpu.memref_slice %arg8[%add3A_258, %dma_wait3A_269] : memref<16x128xi32, #tpu.memory_space<vmem>> -> memref<1x128xi32, #tpu.memory_space<vmem>>
        %dma_wait3A_271 = tpu.memref_squeeze %dma_wait3A_270 : memref<1x128xi32, #tpu.memory_space<vmem>> -> memref<128xi32, #tpu.memory_space<vmem>>
        %dma_wait3A_272 = arith.constant 0 : i32
        %dma_wait3A_273 = arith.constant 0 : i32
        %dma_wait3A_274 = tpu.memref_slice %arg2[%dma_wait3A_272, %dma_wait3A_273] : memref<10000x128xf32, #tpu.memory_space<hbm>> -> memref<10000x128xf32, #tpu.memory_space<hbm>>
        tpu.wait_indirect_dma semaphore(%arg16 : memref<!tpu.dma_semaphore, #tpu.memory_space<semaphore_mem>>) src(%dma_wait3A_274 : memref<10000x128xf32, #tpu.memory_space<hbm>>) dst(%arg14 : memref<128x128xf32, #tpu.memory_space<vmem>>)
        %dma_start3A_275 = arith.constant 0 : i32
        %dma_start3A_276 = tpu.memref_slice %arg9[%add3A_258, %dma_start3A_275] : memref<16x128xi32, #tpu.memory_space<vmem>> -> memref<1x128xi32, #tpu.memory_space<vmem>>
        %dma_start3A_277 = tpu.memref_squeeze %dma_start3A_276 : memref<1x128xi32, #tpu.memory_space<vmem>> -> memref<128xi32, #tpu.memory_space<vmem>>
        %dma_start3A_278 = arith.constant 0 : i32
        %dma_start3A_279 = arith.constant 0 : i32
        %dma_start3A_280 = tpu.memref_slice %arg7[%dma_start3A_278, %dma_start3A_279] : memref<10000x128xf32, #tpu.memory_space<vmem_shared>> -> memref<10000x128xf32, #tpu.memory_space<vmem_shared>>
        tpu.enqueue_indirect_dma source(%arg14 : memref<128x128xf32, #tpu.memory_space<vmem>>) target(%dma_start3A_280 : memref<10000x128xf32, #tpu.memory_space<vmem_shared>>) offsets(%dma_start3A_277 : memref<128xi32, #tpu.memory_space<vmem>>) semaphore(%arg18 : memref<!tpu.dma_semaphore, #tpu.memory_space<semaphore_mem>>) {add = true}
      } else {
      }
      %eq3A_264 = arith.constant 1 : i32
      %eq3A_265 = arith.cmpi eq, %scan3A_204, %eq3A_264 : i32
      %convert_element_type3A_266 = arith.extui %eq3A_265 : i1 to i32
      %cond3A_267 = arith.constant 0 : i32
      %cond3A_268 = arith.cmpi ne, %convert_element_type3A_266, %cond3A_267 : i32
      scf.if %cond3A_268 {
        %add3A_269 = arith.constant 48 : i32
        %add3A_270 = arith.addi %mul3A_2, %add3A_269 : i32
        %min3A_271 = arith.constant 2480 : i32
        %min3A_272 = arith.minsi %add3A_270, %min3A_271 : i32
        %dma_start3A_273 = arith.constant 0 : i32
        %dma_start3A_274 = arith.constant 0 : i32
        %dma_start3A_275 = tpu.memref_slice %arg3[%dma_start3A_273, %min3A_272, %dma_start3A_274] : memref<2x2500x128xi32, #tpu.memory_space<hbm>> -> memref<1x16x128xi32, #tpu.memory_space<hbm>>
        %dma_start3A_276 = tpu.memref_squeeze %dma_start3A_275 : memref<1x16x128xi32, #tpu.memory_space<hbm>> -> memref<16x128xi32, #tpu.memory_space<hbm>>
        %dma_start3A_277 = arith.constant 0 : i32
        %dma_start3A_278 = tpu.memref_slice %arg3[%dma_start3A_273, %min3A_272, %dma_start3A_277] : memref<2x2500x128xi32, #tpu.memory_space<hbm>> -> memref<1x16x128xi32, #tpu.memory_space<hbm>>
        %dma_start3A_279 = tpu.memref_squeeze %dma_start3A_278 : memref<1x16x128xi32, #tpu.memory_space<hbm>> -> memref<16x128xi32, #tpu.memory_space<hbm>>
        tpu.enqueue_dma source(%dma_start3A_279 : memref<16x128xi32, #tpu.memory_space<hbm>>) target(%arg10 : memref<16x128xi32, #tpu.memory_space<vmem>>) target_semaphore(%arg19 : memref<!tpu.dma_semaphore, #tpu.memory_space<semaphore_mem>>)
        %add3A_280 = arith.constant 48 : i32
        %add3A_281 = arith.addi %mul3A_2, %add3A_280 : i32
        %min3A_282 = arith.constant 2480 : i32
        %min3A_283 = arith.minsi %add3A_281, %min3A_282 : i32
        %dma_start3A_284 = arith.constant 1 : i32
        %dma_start3A_285 = arith.constant 0 : i32
        %dma_start3A_286 = tpu.memref_slice %arg3[%dma_start3A_284, %min3A_283, %dma_start3A_285] : memref<2x2500x128xi32, #tpu.memory_space<hbm>> -> memref<1x16x128xi32, #tpu.memory_space<hbm>>
        %dma_start3A_287 = tpu.memref_squeeze %dma_start3A_286 : memref<1x16x128xi32, #tpu.memory_space<hbm>> -> memref<16x128xi32, #tpu.memory_space<hbm>>
        %dma_start3A_288 = arith.constant 0 : i32
        %dma_start3A_289 = tpu.memref_slice %arg3[%dma_start3A_284, %min3A_283, %dma_start3A_288] : memref<2x2500x128xi32, #tpu.memory_space<hbm>> -> memref<1x16x128xi32, #tpu.memory_space<hbm>>
        %dma_start3A_290 = tpu.memref_squeeze %dma_start3A_289 : memref<1x16x128xi32, #tpu.memory_space<hbm>> -> memref<16x128xi32, #tpu.memory_space<hbm>>
        tpu.enqueue_dma source(%dma_start3A_290 : memref<16x128xi32, #tpu.memory_space<hbm>>) target(%arg11 : memref<16x128xi32, #tpu.memory_space<vmem>>) target_semaphore(%arg20 : memref<!tpu.dma_semaphore, #tpu.memory_space<semaphore_mem>>)
      } else {
      }
    }
    %scan3A_119 = arith.constant 8 : i32
    %add3A_120 = arith.constant 48 : i32
    %add3A_121 = arith.addi %mul3A_2, %add3A_120 : i32
    %min3A_122 = arith.constant 2480 : i32
    %min3A_123 = arith.minsi %add3A_121, %min3A_122 : i32
    %dma_wait3A_124 = arith.constant 0 : i32
    %dma_wait3A_125 = arith.constant 0 : i32
    %dma_wait3A_126 = tpu.memref_slice %arg3[%dma_wait3A_124, %min3A_123, %dma_wait3A_125] : memref<2x2500x128xi32, #tpu.memory_space<hbm>> -> memref<1x16x128xi32, #tpu.memory_space<hbm>>
    %dma_wait3A_127 = tpu.memref_squeeze %dma_wait3A_126 : memref<1x16x128xi32, #tpu.memory_space<hbm>> -> memref<16x128xi32, #tpu.memory_space<hbm>>
    %dma_wait3A_128 = arith.constant 0 : i32
    %dma_wait3A_129 = tpu.memref_slice %arg3[%dma_wait3A_124, %min3A_123, %dma_wait3A_128] : memref<2x2500x128xi32, #tpu.memory_space<hbm>> -> memref<1x16x128xi32, #tpu.memory_space<hbm>>
    %dma_wait3A_130 = tpu.memref_squeeze %dma_wait3A_129 : memref<1x16x128xi32, #tpu.memory_space<hbm>> -> memref<16x128xi32, #tpu.memory_space<hbm>>
    tpu.wait_dma2 semaphore(%arg19 : memref<!tpu.dma_semaphore, #tpu.memory_space<semaphore_mem>>) src(%dma_wait3A_130 : memref<16x128xi32, #tpu.memory_space<hbm>>) dst(%arg10 : memref<16x128xi32, #tpu.memory_space<vmem>>)
    %add3A_131 = arith.constant 48 : i32
    %add3A_132 = arith.addi %mul3A_2, %add3A_131 : i32
    %min3A_133 = arith.constant 2480 : i32
    %min3A_134 = arith.minsi %add3A_132, %min3A_133 : i32
    %dma_wait3A_135 = arith.constant 1 : i32
    %dma_wait3A_136 = arith.constant 0 : i32
    %dma_wait3A_137 = tpu.memref_slice %arg3[%dma_wait3A_135, %min3A_134, %dma_wait3A_136] : memref<2x2500x128xi32, #tpu.memory_space<hbm>> -> memref<1x16x128xi32, #tpu.memory_space<hbm>>
    %dma_wait3A_138 = tpu.memref_squeeze %dma_wait3A_137 : memref<1x16x128xi32, #tpu.memory_space<hbm>> -> memref<16x128xi32, #tpu.memory_space<hbm>>
    %dma_wait3A_139 = arith.constant 0 : i32
    %dma_wait3A_140 = tpu.memref_slice %arg3[%dma_wait3A_135, %min3A_134, %dma_wait3A_139] : memref<2x2500x128xi32, #tpu.memory_space<hbm>> -> memref<1x16x128xi32, #tpu.memory_space<hbm>>
    %dma_wait3A_141 = tpu.memref_squeeze %dma_wait3A_140 : memref<1x16x128xi32, #tpu.memory_space<hbm>> -> memref<16x128xi32, #tpu.memory_space<hbm>>
    tpu.wait_dma2 semaphore(%arg20 : memref<!tpu.dma_semaphore, #tpu.memory_space<semaphore_mem>>) src(%dma_wait3A_141 : memref<16x128xi32, #tpu.memory_space<hbm>>) dst(%arg11 : memref<16x128xi32, #tpu.memory_space<vmem>>)
    %scan3A_142 = arith.constant 0 : i32
    %scan3A_143 = arith.constant 0 : i32
    %scan3A_144 = arith.constant 8 : i32
    %scan3A_145 = arith.addi %scan3A_143, %scan3A_144 : i32
    %scan3A_146 = arith.constant 1 : i32
    scf.for %scan3A_204 = %scan3A_143 to %scan3A_145 step %scan3A_146  : i32 {
      %add3A_205 = arith.constant 48 : i32
      %add3A_206 = arith.addi %mul3A_2, %add3A_205 : i32
      %mul3A_207 = arith.constant 2 : i32
      %mul3A_208 = arith.muli %mul3A_207, %scan3A_204 : i32
      %add3A_209 = arith.addi %add3A_206, %mul3A_208 : i32
      %add3A_210 = arith.constant 1 : i32
      %add3A_211 = arith.addi %add3A_209, %add3A_210 : i32
      %mul3A_212 = arith.constant 2 : i32
      %mul3A_213 = arith.muli %mul3A_212, %scan3A_204 : i32
      %not3A_214 = arith.constant false
      %not3A_215 = arith.constant true
      %not3A_216 = arith.xori %not3A_214, %not3A_215 : i1
      %sub3A = arith.constant 2 : i32
      %sub3A_217 = arith.subi %add3A_209, %sub3A : i32
      %lt3A_218 = arith.constant 2496 : i32
      %lt3A_219 = arith.cmpi slt, %sub3A_217, %lt3A_218 : i32
      %and3A = arith.andi %not3A_216, %lt3A_219 : i1
      %convert_element_type3A_220 = arith.extui %and3A : i1 to i32
      %cond3A_221 = arith.constant 0 : i32
      %cond3A_222 = arith.cmpi ne, %convert_element_type3A_220, %cond3A_221 : i32
      scf.if %cond3A_222 {
        %dma_wait3A_269 = arith.constant 0 : i32
        %dma_wait3A_270 = tpu.memref_slice %arg11[%mul3A_213, %dma_wait3A_269] : memref<16x128xi32, #tpu.memory_space<vmem>> -> memref<1x128xi32, #tpu.memory_space<vmem>>
        %dma_wait3A_271 = tpu.memref_squeeze %dma_wait3A_270 : memref<1x128xi32, #tpu.memory_space<vmem>> -> memref<128xi32, #tpu.memory_space<vmem>>
        %dma_wait3A_272 = arith.constant 0 : i32
        %dma_wait3A_273 = arith.constant 0 : i32
        %dma_wait3A_274 = tpu.memref_slice %arg7[%dma_wait3A_272, %dma_wait3A_273] : memref<10000x128xf32, #tpu.memory_space<vmem_shared>> -> memref<10000x128xf32, #tpu.memory_space<vmem_shared>>
        tpu.wait_indirect_dma semaphore(%arg17 : memref<!tpu.dma_semaphore, #tpu.memory_space<semaphore_mem>>) src(%arg13 : memref<128x128xf32, #tpu.memory_space<vmem>>) dst(%dma_wait3A_274 : memref<10000x128xf32, #tpu.memory_space<vmem_shared>>)
      } else {
      }
      %lt3A_223 = arith.constant 2496 : i32
      %lt3A_224 = arith.cmpi slt, %add3A_209, %lt3A_223 : i32
      %convert_element_type3A_225 = arith.extui %lt3A_224 : i1 to i32
      %cond3A_226 = arith.constant 0 : i32
      %cond3A_227 = arith.cmpi ne, %convert_element_type3A_225, %cond3A_226 : i32
      scf.if %cond3A_227 {
        %dma_start3A_269 = arith.constant 0 : i32
        %dma_start3A_270 = tpu.memref_slice %arg10[%mul3A_213, %dma_start3A_269] : memref<16x128xi32, #tpu.memory_space<vmem>> -> memref<1x128xi32, #tpu.memory_space<vmem>>
        %dma_start3A_271 = tpu.memref_squeeze %dma_start3A_270 : memref<1x128xi32, #tpu.memory_space<vmem>> -> memref<128xi32, #tpu.memory_space<vmem>>
        %dma_start3A_272 = arith.constant 0 : i32
        %dma_start3A_273 = arith.constant 0 : i32
        %dma_start3A_274 = tpu.memref_slice %arg2[%dma_start3A_272, %dma_start3A_273] : memref<10000x128xf32, #tpu.memory_space<hbm>> -> memref<10000x128xf32, #tpu.memory_space<hbm>>
        tpu.enqueue_indirect_dma source(%dma_start3A_274 : memref<10000x128xf32, #tpu.memory_space<hbm>>) target(%arg13 : memref<128x128xf32, #tpu.memory_space<vmem>>) offsets(%dma_start3A_271 : memref<128xi32, #tpu.memory_space<vmem>>) semaphore(%arg15 : memref<!tpu.dma_semaphore, #tpu.memory_space<semaphore_mem>>)
      } else {
      }
      %mul3A_228 = arith.constant 2 : i32
      %mul3A_229 = arith.muli %mul3A_228, %scan3A_204 : i32
      %add3A_230 = arith.constant 1 : i32
      %add3A_231 = arith.addi %mul3A_229, %add3A_230 : i32
      %not3A_232 = arith.constant false
      %not3A_233 = arith.constant true
      %not3A_234 = arith.xori %not3A_232, %not3A_233 : i1
      %sub3A_235 = arith.constant 2 : i32
      %sub3A_236 = arith.subi %add3A_211, %sub3A_235 : i32
      %lt3A_237 = arith.constant 2496 : i32
      %lt3A_238 = arith.cmpi slt, %sub3A_236, %lt3A_237 : i32
      %and3A_239 = arith.andi %not3A_234, %lt3A_238 : i1
      %convert_element_type3A_240 = arith.extui %and3A_239 : i1 to i32
      %cond3A_241 = arith.constant 0 : i32
      %cond3A_242 = arith.cmpi ne, %convert_element_type3A_240, %cond3A_241 : i32
      scf.if %cond3A_242 {
        %dma_wait3A_269 = arith.constant 0 : i32
        %dma_wait3A_270 = tpu.memref_slice %arg11[%add3A_231, %dma_wait3A_269] : memref<16x128xi32, #tpu.memory_space<vmem>> -> memref<1x128xi32, #tpu.memory_space<vmem>>
        %dma_wait3A_271 = tpu.memref_squeeze %dma_wait3A_270 : memref<1x128xi32, #tpu.memory_space<vmem>> -> memref<128xi32, #tpu.memory_space<vmem>>
        %dma_wait3A_272 = arith.constant 0 : i32
        %dma_wait3A_273 = arith.constant 0 : i32
        %dma_wait3A_274 = tpu.memref_slice %arg7[%dma_wait3A_272, %dma_wait3A_273] : memref<10000x128xf32, #tpu.memory_space<vmem_shared>> -> memref<10000x128xf32, #tpu.memory_space<vmem_shared>>
        tpu.wait_indirect_dma semaphore(%arg18 : memref<!tpu.dma_semaphore, #tpu.memory_space<semaphore_mem>>) src(%arg14 : memref<128x128xf32, #tpu.memory_space<vmem>>) dst(%dma_wait3A_274 : memref<10000x128xf32, #tpu.memory_space<vmem_shared>>)
      } else {
      }
      %lt3A_243 = arith.constant 2496 : i32
      %lt3A_244 = arith.cmpi slt, %add3A_211, %lt3A_243 : i32
      %convert_element_type3A_245 = arith.extui %lt3A_244 : i1 to i32
      %cond3A_246 = arith.constant 0 : i32
      %cond3A_247 = arith.cmpi ne, %convert_element_type3A_245, %cond3A_246 : i32
      scf.if %cond3A_247 {
        %dma_start3A_269 = arith.constant 0 : i32
        %dma_start3A_270 = tpu.memref_slice %arg10[%add3A_231, %dma_start3A_269] : memref<16x128xi32, #tpu.memory_space<vmem>> -> memref<1x128xi32, #tpu.memory_space<vmem>>
        %dma_start3A_271 = tpu.memref_squeeze %dma_start3A_270 : memref<1x128xi32, #tpu.memory_space<vmem>> -> memref<128xi32, #tpu.memory_space<vmem>>
        %dma_start3A_272 = arith.constant 0 : i32
        %dma_start3A_273 = arith.constant 0 : i32
        %dma_start3A_274 = tpu.memref_slice %arg2[%dma_start3A_272, %dma_start3A_273] : memref<10000x128xf32, #tpu.memory_space<hbm>> -> memref<10000x128xf32, #tpu.memory_space<hbm>>
        tpu.enqueue_indirect_dma source(%dma_start3A_274 : memref<10000x128xf32, #tpu.memory_space<hbm>>) target(%arg14 : memref<128x128xf32, #tpu.memory_space<vmem>>) offsets(%dma_start3A_271 : memref<128xi32, #tpu.memory_space<vmem>>) semaphore(%arg16 : memref<!tpu.dma_semaphore, #tpu.memory_space<semaphore_mem>>)
      } else {
      }
      %mul3A_248 = arith.constant 2 : i32
      %mul3A_249 = arith.muli %mul3A_248, %scan3A_204 : i32
      %lt3A_250 = arith.constant 2496 : i32
      %lt3A_251 = arith.cmpi slt, %add3A_209, %lt3A_250 : i32
      %convert_element_type3A_252 = arith.extui %lt3A_251 : i1 to i32
      %cond3A_253 = arith.constant 0 : i32
      %cond3A_254 = arith.cmpi ne, %convert_element_type3A_252, %cond3A_253 : i32
      scf.if %cond3A_254 {
        %dma_wait3A_269 = arith.constant 0 : i32
        %dma_wait3A_270 = tpu.memref_slice %arg10[%mul3A_249, %dma_wait3A_269] : memref<16x128xi32, #tpu.memory_space<vmem>> -> memref<1x128xi32, #tpu.memory_space<vmem>>
        %dma_wait3A_271 = tpu.memref_squeeze %dma_wait3A_270 : memref<1x128xi32, #tpu.memory_space<vmem>> -> memref<128xi32, #tpu.memory_space<vmem>>
        %dma_wait3A_272 = arith.constant 0 : i32
        %dma_wait3A_273 = arith.constant 0 : i32
        %dma_wait3A_274 = tpu.memref_slice %arg2[%dma_wait3A_272, %dma_wait3A_273] : memref<10000x128xf32, #tpu.memory_space<hbm>> -> memref<10000x128xf32, #tpu.memory_space<hbm>>
        tpu.wait_indirect_dma semaphore(%arg15 : memref<!tpu.dma_semaphore, #tpu.memory_space<semaphore_mem>>) src(%dma_wait3A_274 : memref<10000x128xf32, #tpu.memory_space<hbm>>) dst(%arg13 : memref<128x128xf32, #tpu.memory_space<vmem>>)
        %dma_start3A_275 = arith.constant 0 : i32
        %dma_start3A_276 = tpu.memref_slice %arg11[%mul3A_249, %dma_start3A_275] : memref<16x128xi32, #tpu.memory_space<vmem>> -> memref<1x128xi32, #tpu.memory_space<vmem>>
        %dma_start3A_277 = tpu.memref_squeeze %dma_start3A_276 : memref<1x128xi32, #tpu.memory_space<vmem>> -> memref<128xi32, #tpu.memory_space<vmem>>
        %dma_start3A_278 = arith.constant 0 : i32
        %dma_start3A_279 = arith.constant 0 : i32
        %dma_start3A_280 = tpu.memref_slice %arg7[%dma_start3A_278, %dma_start3A_279] : memref<10000x128xf32, #tpu.memory_space<vmem_shared>> -> memref<10000x128xf32, #tpu.memory_space<vmem_shared>>
        tpu.enqueue_indirect_dma source(%arg13 : memref<128x128xf32, #tpu.memory_space<vmem>>) target(%dma_start3A_280 : memref<10000x128xf32, #tpu.memory_space<vmem_shared>>) offsets(%dma_start3A_277 : memref<128xi32, #tpu.memory_space<vmem>>) semaphore(%arg17 : memref<!tpu.dma_semaphore, #tpu.memory_space<semaphore_mem>>) {add = true}
      } else {
      }
      %mul3A_255 = arith.constant 2 : i32
      %mul3A_256 = arith.muli %mul3A_255, %scan3A_204 : i32
      %add3A_257 = arith.constant 1 : i32
      %add3A_258 = arith.addi %mul3A_256, %add3A_257 : i32
      %lt3A_259 = arith.constant 2496 : i32
      %lt3A_260 = arith.cmpi slt, %add3A_211, %lt3A_259 : i32
      %convert_element_type3A_261 = arith.extui %lt3A_260 : i1 to i32
      %cond3A_262 = arith.constant 0 : i32
      %cond3A_263 = arith.cmpi ne, %convert_element_type3A_261, %cond3A_262 : i32
      scf.if %cond3A_263 {
        %dma_wait3A_269 = arith.constant 0 : i32
        %dma_wait3A_270 = tpu.memref_slice %arg10[%add3A_258, %dma_wait3A_269] : memref<16x128xi32, #tpu.memory_space<vmem>> -> memref<1x128xi32, #tpu.memory_space<vmem>>
        %dma_wait3A_271 = tpu.memref_squeeze %dma_wait3A_270 : memref<1x128xi32, #tpu.memory_space<vmem>> -> memref<128xi32, #tpu.memory_space<vmem>>
        %dma_wait3A_272 = arith.constant 0 : i32
        %dma_wait3A_273 = arith.constant 0 : i32
        %dma_wait3A_274 = tpu.memref_slice %arg2[%dma_wait3A_272, %dma_wait3A_273] : memref<10000x128xf32, #tpu.memory_space<hbm>> -> memref<10000x128xf32, #tpu.memory_space<hbm>>
        tpu.wait_indirect_dma semaphore(%arg16 : memref<!tpu.dma_semaphore, #tpu.memory_space<semaphore_mem>>) src(%dma_wait3A_274 : memref<10000x128xf32, #tpu.memory_space<hbm>>) dst(%arg14 : memref<128x128xf32, #tpu.memory_space<vmem>>)
        %dma_start3A_275 = arith.constant 0 : i32
        %dma_start3A_276 = tpu.memref_slice %arg11[%add3A_258, %dma_start3A_275] : memref<16x128xi32, #tpu.memory_space<vmem>> -> memref<1x128xi32, #tpu.memory_space<vmem>>
        %dma_start3A_277 = tpu.memref_squeeze %dma_start3A_276 : memref<1x128xi32, #tpu.memory_space<vmem>> -> memref<128xi32, #tpu.memory_space<vmem>>
        %dma_start3A_278 = arith.constant 0 : i32
        %dma_start3A_279 = arith.constant 0 : i32
        %dma_start3A_280 = tpu.memref_slice %arg7[%dma_start3A_278, %dma_start3A_279] : memref<10000x128xf32, #tpu.memory_space<vmem_shared>> -> memref<10000x128xf32, #tpu.memory_space<vmem_shared>>
        tpu.enqueue_indirect_dma source(%arg14 : memref<128x128xf32, #tpu.memory_space<vmem>>) target(%dma_start3A_280 : memref<10000x128xf32, #tpu.memory_space<vmem_shared>>) offsets(%dma_start3A_277 : memref<128xi32, #tpu.memory_space<vmem>>) semaphore(%arg18 : memref<!tpu.dma_semaphore, #tpu.memory_space<semaphore_mem>>) {add = true}
      } else {
      }
      %eq3A_264 = arith.constant 1 : i32
      %eq3A_265 = arith.cmpi eq, %scan3A_204, %eq3A_264 : i32
      %convert_element_type3A_266 = arith.extui %eq3A_265 : i1 to i32
      %cond3A_267 = arith.constant 0 : i32
      %cond3A_268 = arith.cmpi ne, %convert_element_type3A_266, %cond3A_267 : i32
      scf.if %cond3A_268 {
        %add3A_269 = arith.constant 64 : i32
        %add3A_270 = arith.addi %mul3A_2, %add3A_269 : i32
        %min3A_271 = arith.constant 2480 : i32
        %min3A_272 = arith.minsi %add3A_270, %min3A_271 : i32
        %dma_start3A_273 = arith.constant 0 : i32
        %dma_start3A_274 = arith.constant 0 : i32
        %dma_start3A_275 = tpu.memref_slice %arg3[%dma_start3A_273, %min3A_272, %dma_start3A_274] : memref<2x2500x128xi32, #tpu.memory_space<hbm>> -> memref<1x16x128xi32, #tpu.memory_space<hbm>>
        %dma_start3A_276 = tpu.memref_squeeze %dma_start3A_275 : memref<1x16x128xi32, #tpu.memory_space<hbm>> -> memref<16x128xi32, #tpu.memory_space<hbm>>
        %dma_start3A_277 = arith.constant 0 : i32
        %dma_start3A_278 = tpu.memref_slice %arg3[%dma_start3A_273, %min3A_272, %dma_start3A_277] : memref<2x2500x128xi32, #tpu.memory_space<hbm>> -> memref<1x16x128xi32, #tpu.memory_space<hbm>>
        %dma_start3A_279 = tpu.memref_squeeze %dma_start3A_278 : memref<1x16x128xi32, #tpu.memory_space<hbm>> -> memref<16x128xi32, #tpu.memory_space<hbm>>
        tpu.enqueue_dma source(%dma_start3A_279 : memref<16x128xi32, #tpu.memory_space<hbm>>) target(%arg8 : memref<16x128xi32, #tpu.memory_space<vmem>>) target_semaphore(%arg19 : memref<!tpu.dma_semaphore, #tpu.memory_space<semaphore_mem>>)
        %add3A_280 = arith.constant 64 : i32
        %add3A_281 = arith.addi %mul3A_2, %add3A_280 : i32
        %min3A_282 = arith.constant 2480 : i32
        %min3A_283 = arith.minsi %add3A_281, %min3A_282 : i32
        %dma_start3A_284 = arith.constant 1 : i32
        %dma_start3A_285 = arith.constant 0 : i32
        %dma_start3A_286 = tpu.memref_slice %arg3[%dma_start3A_284, %min3A_283, %dma_start3A_285] : memref<2x2500x128xi32, #tpu.memory_space<hbm>> -> memref<1x16x128xi32, #tpu.memory_space<hbm>>
        %dma_start3A_287 = tpu.memref_squeeze %dma_start3A_286 : memref<1x16x128xi32, #tpu.memory_space<hbm>> -> memref<16x128xi32, #tpu.memory_space<hbm>>
        %dma_start3A_288 = arith.constant 0 : i32
        %dma_start3A_289 = tpu.memref_slice %arg3[%dma_start3A_284, %min3A_283, %dma_start3A_288] : memref<2x2500x128xi32, #tpu.memory_space<hbm>> -> memref<1x16x128xi32, #tpu.memory_space<hbm>>
        %dma_start3A_290 = tpu.memref_squeeze %dma_start3A_289 : memref<1x16x128xi32, #tpu.memory_space<hbm>> -> memref<16x128xi32, #tpu.memory_space<hbm>>
        tpu.enqueue_dma source(%dma_start3A_290 : memref<16x128xi32, #tpu.memory_space<hbm>>) target(%arg9 : memref<16x128xi32, #tpu.memory_space<vmem>>) target_semaphore(%arg20 : memref<!tpu.dma_semaphore, #tpu.memory_space<semaphore_mem>>)
      } else {
      }
    }
    %scan3A_147 = arith.constant 8 : i32
    %add3A_148 = arith.constant 64 : i32
    %add3A_149 = arith.addi %mul3A_2, %add3A_148 : i32
    %min3A_150 = arith.constant 2480 : i32
    %min3A_151 = arith.minsi %add3A_149, %min3A_150 : i32
    %dma_wait3A_152 = arith.constant 0 : i32
    %dma_wait3A_153 = arith.constant 0 : i32
    %dma_wait3A_154 = tpu.memref_slice %arg3[%dma_wait3A_152, %min3A_151, %dma_wait3A_153] : memref<2x2500x128xi32, #tpu.memory_space<hbm>> -> memref<1x16x128xi32, #tpu.memory_space<hbm>>
    %dma_wait3A_155 = tpu.memref_squeeze %dma_wait3A_154 : memref<1x16x128xi32, #tpu.memory_space<hbm>> -> memref<16x128xi32, #tpu.memory_space<hbm>>
    %dma_wait3A_156 = arith.constant 0 : i32
    %dma_wait3A_157 = tpu.memref_slice %arg3[%dma_wait3A_152, %min3A_151, %dma_wait3A_156] : memref<2x2500x128xi32, #tpu.memory_space<hbm>> -> memref<1x16x128xi32, #tpu.memory_space<hbm>>
    %dma_wait3A_158 = tpu.memref_squeeze %dma_wait3A_157 : memref<1x16x128xi32, #tpu.memory_space<hbm>> -> memref<16x128xi32, #tpu.memory_space<hbm>>
    tpu.wait_dma2 semaphore(%arg19 : memref<!tpu.dma_semaphore, #tpu.memory_space<semaphore_mem>>) src(%dma_wait3A_158 : memref<16x128xi32, #tpu.memory_space<hbm>>) dst(%arg8 : memref<16x128xi32, #tpu.memory_space<vmem>>)
    %add3A_159 = arith.constant 64 : i32
    %add3A_160 = arith.addi %mul3A_2, %add3A_159 : i32
    %min3A_161 = arith.constant 2480 : i32
    %min3A_162 = arith.minsi %add3A_160, %min3A_161 : i32
    %dma_wait3A_163 = arith.constant 1 : i32
    %dma_wait3A_164 = arith.constant 0 : i32
    %dma_wait3A_165 = tpu.memref_slice %arg3[%dma_wait3A_163, %min3A_162, %dma_wait3A_164] : memref<2x2500x128xi32, #tpu.memory_space<hbm>> -> memref<1x16x128xi32, #tpu.memory_space<hbm>>
    %dma_wait3A_166 = tpu.memref_squeeze %dma_wait3A_165 : memref<1x16x128xi32, #tpu.memory_space<hbm>> -> memref<16x128xi32, #tpu.memory_space<hbm>>
    %dma_wait3A_167 = arith.constant 0 : i32
    %dma_wait3A_168 = tpu.memref_slice %arg3[%dma_wait3A_163, %min3A_162, %dma_wait3A_167] : memref<2x2500x128xi32, #tpu.memory_space<hbm>> -> memref<1x16x128xi32, #tpu.memory_space<hbm>>
    %dma_wait3A_169 = tpu.memref_squeeze %dma_wait3A_168 : memref<1x16x128xi32, #tpu.memory_space<hbm>> -> memref<16x128xi32, #tpu.memory_space<hbm>>
    tpu.wait_dma2 semaphore(%arg20 : memref<!tpu.dma_semaphore, #tpu.memory_space<semaphore_mem>>) src(%dma_wait3A_169 : memref<16x128xi32, #tpu.memory_space<hbm>>) dst(%arg9 : memref<16x128xi32, #tpu.memory_space<vmem>>)
    %scan3A_170 = arith.constant 0 : i32
    %scan3A_171 = arith.constant 0 : i32
    %scan3A_172 = arith.constant 8 : i32
    %scan3A_173 = arith.addi %scan3A_171, %scan3A_172 : i32
    %scan3A_174 = arith.constant 1 : i32
    scf.for %scan3A_204 = %scan3A_171 to %scan3A_173 step %scan3A_174  : i32 {
      %add3A_205 = arith.constant 64 : i32
      %add3A_206 = arith.addi %mul3A_2, %add3A_205 : i32
      %mul3A_207 = arith.constant 2 : i32
      %mul3A_208 = arith.muli %mul3A_207, %scan3A_204 : i32
      %add3A_209 = arith.addi %add3A_206, %mul3A_208 : i32
      %add3A_210 = arith.constant 1 : i32
      %add3A_211 = arith.addi %add3A_209, %add3A_210 : i32
      %mul3A_212 = arith.constant 2 : i32
      %mul3A_213 = arith.muli %mul3A_212, %scan3A_204 : i32
      %not3A_214 = arith.constant false
      %not3A_215 = arith.constant true
      %not3A_216 = arith.xori %not3A_214, %not3A_215 : i1
      %sub3A = arith.constant 2 : i32
      %sub3A_217 = arith.subi %add3A_209, %sub3A : i32
      %lt3A_218 = arith.constant 2496 : i32
      %lt3A_219 = arith.cmpi slt, %sub3A_217, %lt3A_218 : i32
      %and3A = arith.andi %not3A_216, %lt3A_219 : i1
      %convert_element_type3A_220 = arith.extui %and3A : i1 to i32
      %cond3A_221 = arith.constant 0 : i32
      %cond3A_222 = arith.cmpi ne, %convert_element_type3A_220, %cond3A_221 : i32
      scf.if %cond3A_222 {
        %dma_wait3A_264 = arith.constant 0 : i32
        %dma_wait3A_265 = tpu.memref_slice %arg9[%mul3A_213, %dma_wait3A_264] : memref<16x128xi32, #tpu.memory_space<vmem>> -> memref<1x128xi32, #tpu.memory_space<vmem>>
        %dma_wait3A_266 = tpu.memref_squeeze %dma_wait3A_265 : memref<1x128xi32, #tpu.memory_space<vmem>> -> memref<128xi32, #tpu.memory_space<vmem>>
        %dma_wait3A_267 = arith.constant 0 : i32
        %dma_wait3A_268 = arith.constant 0 : i32
        %dma_wait3A_269 = tpu.memref_slice %arg7[%dma_wait3A_267, %dma_wait3A_268] : memref<10000x128xf32, #tpu.memory_space<vmem_shared>> -> memref<10000x128xf32, #tpu.memory_space<vmem_shared>>
        tpu.wait_indirect_dma semaphore(%arg17 : memref<!tpu.dma_semaphore, #tpu.memory_space<semaphore_mem>>) src(%arg13 : memref<128x128xf32, #tpu.memory_space<vmem>>) dst(%dma_wait3A_269 : memref<10000x128xf32, #tpu.memory_space<vmem_shared>>)
      } else {
      }
      %lt3A_223 = arith.constant 2496 : i32
      %lt3A_224 = arith.cmpi slt, %add3A_209, %lt3A_223 : i32
      %convert_element_type3A_225 = arith.extui %lt3A_224 : i1 to i32
      %cond3A_226 = arith.constant 0 : i32
      %cond3A_227 = arith.cmpi ne, %convert_element_type3A_225, %cond3A_226 : i32
      scf.if %cond3A_227 {
        %dma_start3A_264 = arith.constant 0 : i32
        %dma_start3A_265 = tpu.memref_slice %arg8[%mul3A_213, %dma_start3A_264] : memref<16x128xi32, #tpu.memory_space<vmem>> -> memref<1x128xi32, #tpu.memory_space<vmem>>
        %dma_start3A_266 = tpu.memref_squeeze %dma_start3A_265 : memref<1x128xi32, #tpu.memory_space<vmem>> -> memref<128xi32, #tpu.memory_space<vmem>>
        %dma_start3A_267 = arith.constant 0 : i32
        %dma_start3A_268 = arith.constant 0 : i32
        %dma_start3A_269 = tpu.memref_slice %arg2[%dma_start3A_267, %dma_start3A_268] : memref<10000x128xf32, #tpu.memory_space<hbm>> -> memref<10000x128xf32, #tpu.memory_space<hbm>>
        tpu.enqueue_indirect_dma source(%dma_start3A_269 : memref<10000x128xf32, #tpu.memory_space<hbm>>) target(%arg13 : memref<128x128xf32, #tpu.memory_space<vmem>>) offsets(%dma_start3A_266 : memref<128xi32, #tpu.memory_space<vmem>>) semaphore(%arg15 : memref<!tpu.dma_semaphore, #tpu.memory_space<semaphore_mem>>)
      } else {
      }
      %mul3A_228 = arith.constant 2 : i32
      %mul3A_229 = arith.muli %mul3A_228, %scan3A_204 : i32
      %add3A_230 = arith.constant 1 : i32
      %add3A_231 = arith.addi %mul3A_229, %add3A_230 : i32
      %not3A_232 = arith.constant false
      %not3A_233 = arith.constant true
      %not3A_234 = arith.xori %not3A_232, %not3A_233 : i1
      %sub3A_235 = arith.constant 2 : i32
      %sub3A_236 = arith.subi %add3A_211, %sub3A_235 : i32
      %lt3A_237 = arith.constant 2496 : i32
      %lt3A_238 = arith.cmpi slt, %sub3A_236, %lt3A_237 : i32
      %and3A_239 = arith.andi %not3A_234, %lt3A_238 : i1
      %convert_element_type3A_240 = arith.extui %and3A_239 : i1 to i32
      %cond3A_241 = arith.constant 0 : i32
      %cond3A_242 = arith.cmpi ne, %convert_element_type3A_240, %cond3A_241 : i32
      scf.if %cond3A_242 {
        %dma_wait3A_264 = arith.constant 0 : i32
        %dma_wait3A_265 = tpu.memref_slice %arg9[%add3A_231, %dma_wait3A_264] : memref<16x128xi32, #tpu.memory_space<vmem>> -> memref<1x128xi32, #tpu.memory_space<vmem>>
        %dma_wait3A_266 = tpu.memref_squeeze %dma_wait3A_265 : memref<1x128xi32, #tpu.memory_space<vmem>> -> memref<128xi32, #tpu.memory_space<vmem>>
        %dma_wait3A_267 = arith.constant 0 : i32
        %dma_wait3A_268 = arith.constant 0 : i32
        %dma_wait3A_269 = tpu.memref_slice %arg7[%dma_wait3A_267, %dma_wait3A_268] : memref<10000x128xf32, #tpu.memory_space<vmem_shared>> -> memref<10000x128xf32, #tpu.memory_space<vmem_shared>>
        tpu.wait_indirect_dma semaphore(%arg18 : memref<!tpu.dma_semaphore, #tpu.memory_space<semaphore_mem>>) src(%arg14 : memref<128x128xf32, #tpu.memory_space<vmem>>) dst(%dma_wait3A_269 : memref<10000x128xf32, #tpu.memory_space<vmem_shared>>)
      } else {
      }
      %lt3A_243 = arith.constant 2496 : i32
      %lt3A_244 = arith.cmpi slt, %add3A_211, %lt3A_243 : i32
      %convert_element_type3A_245 = arith.extui %lt3A_244 : i1 to i32
      %cond3A_246 = arith.constant 0 : i32
      %cond3A_247 = arith.cmpi ne, %convert_element_type3A_245, %cond3A_246 : i32
      scf.if %cond3A_247 {
        %dma_start3A_264 = arith.constant 0 : i32
        %dma_start3A_265 = tpu.memref_slice %arg8[%add3A_231, %dma_start3A_264] : memref<16x128xi32, #tpu.memory_space<vmem>> -> memref<1x128xi32, #tpu.memory_space<vmem>>
        %dma_start3A_266 = tpu.memref_squeeze %dma_start3A_265 : memref<1x128xi32, #tpu.memory_space<vmem>> -> memref<128xi32, #tpu.memory_space<vmem>>
        %dma_start3A_267 = arith.constant 0 : i32
        %dma_start3A_268 = arith.constant 0 : i32
        %dma_start3A_269 = tpu.memref_slice %arg2[%dma_start3A_267, %dma_start3A_268] : memref<10000x128xf32, #tpu.memory_space<hbm>> -> memref<10000x128xf32, #tpu.memory_space<hbm>>
        tpu.enqueue_indirect_dma source(%dma_start3A_269 : memref<10000x128xf32, #tpu.memory_space<hbm>>) target(%arg14 : memref<128x128xf32, #tpu.memory_space<vmem>>) offsets(%dma_start3A_266 : memref<128xi32, #tpu.memory_space<vmem>>) semaphore(%arg16 : memref<!tpu.dma_semaphore, #tpu.memory_space<semaphore_mem>>)
      } else {
      }
      %mul3A_248 = arith.constant 2 : i32
      %mul3A_249 = arith.muli %mul3A_248, %scan3A_204 : i32
      %lt3A_250 = arith.constant 2496 : i32
      %lt3A_251 = arith.cmpi slt, %add3A_209, %lt3A_250 : i32
      %convert_element_type3A_252 = arith.extui %lt3A_251 : i1 to i32
      %cond3A_253 = arith.constant 0 : i32
      %cond3A_254 = arith.cmpi ne, %convert_element_type3A_252, %cond3A_253 : i32
      scf.if %cond3A_254 {
        %dma_wait3A_264 = arith.constant 0 : i32
        %dma_wait3A_265 = tpu.memref_slice %arg8[%mul3A_249, %dma_wait3A_264] : memref<16x128xi32, #tpu.memory_space<vmem>> -> memref<1x128xi32, #tpu.memory_space<vmem>>
        %dma_wait3A_266 = tpu.memref_squeeze %dma_wait3A_265 : memref<1x128xi32, #tpu.memory_space<vmem>> -> memref<128xi32, #tpu.memory_space<vmem>>
        %dma_wait3A_267 = arith.constant 0 : i32
        %dma_wait3A_268 = arith.constant 0 : i32
        %dma_wait3A_269 = tpu.memref_slice %arg2[%dma_wait3A_267, %dma_wait3A_268] : memref<10000x128xf32, #tpu.memory_space<hbm>> -> memref<10000x128xf32, #tpu.memory_space<hbm>>
        tpu.wait_indirect_dma semaphore(%arg15 : memref<!tpu.dma_semaphore, #tpu.memory_space<semaphore_mem>>) src(%dma_wait3A_269 : memref<10000x128xf32, #tpu.memory_space<hbm>>) dst(%arg13 : memref<128x128xf32, #tpu.memory_space<vmem>>)
        %dma_start3A_270 = arith.constant 0 : i32
        %dma_start3A_271 = tpu.memref_slice %arg9[%mul3A_249, %dma_start3A_270] : memref<16x128xi32, #tpu.memory_space<vmem>> -> memref<1x128xi32, #tpu.memory_space<vmem>>
        %dma_start3A_272 = tpu.memref_squeeze %dma_start3A_271 : memref<1x128xi32, #tpu.memory_space<vmem>> -> memref<128xi32, #tpu.memory_space<vmem>>
        %dma_start3A_273 = arith.constant 0 : i32
        %dma_start3A_274 = arith.constant 0 : i32
        %dma_start3A_275 = tpu.memref_slice %arg7[%dma_start3A_273, %dma_start3A_274] : memref<10000x128xf32, #tpu.memory_space<vmem_shared>> -> memref<10000x128xf32, #tpu.memory_space<vmem_shared>>
        tpu.enqueue_indirect_dma source(%arg13 : memref<128x128xf32, #tpu.memory_space<vmem>>) target(%dma_start3A_275 : memref<10000x128xf32, #tpu.memory_space<vmem_shared>>) offsets(%dma_start3A_272 : memref<128xi32, #tpu.memory_space<vmem>>) semaphore(%arg17 : memref<!tpu.dma_semaphore, #tpu.memory_space<semaphore_mem>>) {add = true}
      } else {
      }
      %mul3A_255 = arith.constant 2 : i32
      %mul3A_256 = arith.muli %mul3A_255, %scan3A_204 : i32
      %add3A_257 = arith.constant 1 : i32
      %add3A_258 = arith.addi %mul3A_256, %add3A_257 : i32
      %lt3A_259 = arith.constant 2496 : i32
      %lt3A_260 = arith.cmpi slt, %add3A_211, %lt3A_259 : i32
      %convert_element_type3A_261 = arith.extui %lt3A_260 : i1 to i32
      %cond3A_262 = arith.constant 0 : i32
      %cond3A_263 = arith.cmpi ne, %convert_element_type3A_261, %cond3A_262 : i32
      scf.if %cond3A_263 {
        %dma_wait3A_264 = arith.constant 0 : i32
        %dma_wait3A_265 = tpu.memref_slice %arg8[%add3A_258, %dma_wait3A_264] : memref<16x128xi32, #tpu.memory_space<vmem>> -> memref<1x128xi32, #tpu.memory_space<vmem>>
        %dma_wait3A_266 = tpu.memref_squeeze %dma_wait3A_265 : memref<1x128xi32, #tpu.memory_space<vmem>> -> memref<128xi32, #tpu.memory_space<vmem>>
        %dma_wait3A_267 = arith.constant 0 : i32
        %dma_wait3A_268 = arith.constant 0 : i32
        %dma_wait3A_269 = tpu.memref_slice %arg2[%dma_wait3A_267, %dma_wait3A_268] : memref<10000x128xf32, #tpu.memory_space<hbm>> -> memref<10000x128xf32, #tpu.memory_space<hbm>>
        tpu.wait_indirect_dma semaphore(%arg16 : memref<!tpu.dma_semaphore, #tpu.memory_space<semaphore_mem>>) src(%dma_wait3A_269 : memref<10000x128xf32, #tpu.memory_space<hbm>>) dst(%arg14 : memref<128x128xf32, #tpu.memory_space<vmem>>)
        %dma_start3A_270 = arith.constant 0 : i32
        %dma_start3A_271 = tpu.memref_slice %arg9[%add3A_258, %dma_start3A_270] : memref<16x128xi32, #tpu.memory_space<vmem>> -> memref<1x128xi32, #tpu.memory_space<vmem>>
        %dma_start3A_272 = tpu.memref_squeeze %dma_start3A_271 : memref<1x128xi32, #tpu.memory_space<vmem>> -> memref<128xi32, #tpu.memory_space<vmem>>
        %dma_start3A_273 = arith.constant 0 : i32
        %dma_start3A_274 = arith.constant 0 : i32
        %dma_start3A_275 = tpu.memref_slice %arg7[%dma_start3A_273, %dma_start3A_274] : memref<10000x128xf32, #tpu.memory_space<vmem_shared>> -> memref<10000x128xf32, #tpu.memory_space<vmem_shared>>
        tpu.enqueue_indirect_dma source(%arg14 : memref<128x128xf32, #tpu.memory_space<vmem>>) target(%dma_start3A_275 : memref<10000x128xf32, #tpu.memory_space<vmem_shared>>) offsets(%dma_start3A_272 : memref<128xi32, #tpu.memory_space<vmem>>) semaphore(%arg18 : memref<!tpu.dma_semaphore, #tpu.memory_space<semaphore_mem>>) {add = true}
      } else {
      }
    }
    %scan3A_175 = arith.constant 8 : i32
    %add3A_176 = arith.constant 78 : i32
    %add3A_177 = arith.addi %mul3A_2, %add3A_176 : i32
    %lt3A_178 = arith.constant 2496 : i32
    %lt3A_179 = arith.cmpi slt, %add3A_177, %lt3A_178 : i32
    %convert_element_type3A_180 = arith.extui %lt3A_179 : i1 to i32
    %cond3A_181 = arith.constant 0 : i32
    %cond3A_182 = arith.cmpi ne, %convert_element_type3A_180, %cond3A_181 : i32
    scf.if %cond3A_182 {
      %dma_wait3A_204 = arith.constant 0 : i32
      %dma_wait3A_205 = arith.constant 0 : i32
      %dma_wait3A_206 = tpu.memref_slice %arg9[%dma_wait3A_204, %dma_wait3A_205] : memref<16x128xi32, #tpu.memory_space<vmem>> -> memref<1x128xi32, #tpu.memory_space<vmem>>
      %dma_wait3A_207 = tpu.memref_squeeze %dma_wait3A_206 : memref<1x128xi32, #tpu.memory_space<vmem>> -> memref<128xi32, #tpu.memory_space<vmem>>
      %dma_wait3A_208 = arith.constant 0 : i32
      %dma_wait3A_209 = arith.constant 0 : i32
      %dma_wait3A_210 = tpu.memref_slice %arg7[%dma_wait3A_208, %dma_wait3A_209] : memref<10000x128xf32, #tpu.memory_space<vmem_shared>> -> memref<10000x128xf32, #tpu.memory_space<vmem_shared>>
      tpu.wait_indirect_dma semaphore(%arg17 : memref<!tpu.dma_semaphore, #tpu.memory_space<semaphore_mem>>) src(%arg13 : memref<128x128xf32, #tpu.memory_space<vmem>>) dst(%dma_wait3A_210 : memref<10000x128xf32, #tpu.memory_space<vmem_shared>>)
    } else {
    }
    %add3A_183 = arith.constant 1 : i32
    %add3A_184 = arith.addi %add3A_177, %add3A_183 : i32
    %lt3A_185 = arith.constant 2496 : i32
    %lt3A_186 = arith.cmpi slt, %add3A_184, %lt3A_185 : i32
    %convert_element_type3A_187 = arith.extui %lt3A_186 : i1 to i32
    %cond3A_188 = arith.constant 0 : i32
    %cond3A_189 = arith.cmpi ne, %convert_element_type3A_187, %cond3A_188 : i32
    scf.if %cond3A_189 {
      %dma_wait3A_204 = arith.constant 1 : i32
      %dma_wait3A_205 = arith.constant 0 : i32
      %dma_wait3A_206 = tpu.memref_slice %arg9[%dma_wait3A_204, %dma_wait3A_205] : memref<16x128xi32, #tpu.memory_space<vmem>> -> memref<1x128xi32, #tpu.memory_space<vmem>>
      %dma_wait3A_207 = tpu.memref_squeeze %dma_wait3A_206 : memref<1x128xi32, #tpu.memory_space<vmem>> -> memref<128xi32, #tpu.memory_space<vmem>>
      %dma_wait3A_208 = arith.constant 0 : i32
      %dma_wait3A_209 = arith.constant 0 : i32
      %dma_wait3A_210 = tpu.memref_slice %arg7[%dma_wait3A_208, %dma_wait3A_209] : memref<10000x128xf32, #tpu.memory_space<vmem_shared>> -> memref<10000x128xf32, #tpu.memory_space<vmem_shared>>
      tpu.wait_indirect_dma semaphore(%arg18 : memref<!tpu.dma_semaphore, #tpu.memory_space<semaphore_mem>>) src(%arg14 : memref<128x128xf32, #tpu.memory_space<vmem>>) dst(%dma_wait3A_210 : memref<10000x128xf32, #tpu.memory_space<vmem_shared>>)
    } else {
    }
    %lt3A_190 = arith.constant 4 : i32
    %lt3A_191 = arith.cmpi slt, %add3A, %lt3A_190 : i32
    %convert_element_type3A_192 = arith.extui %lt3A_191 : i1 to i32
    %cond3A_193 = arith.constant 0 : i32
    %cond3A_194 = arith.cmpi ne, %convert_element_type3A_192, %cond3A_193 : i32
    scf.if %cond3A_194 {
      "tpu.region"() ({
        %run_scoped3A = tpu.sem_alloc : memref<!tpu.dma_semaphore, #tpu.memory_space<semaphore_mem>>
        tpu.enqueue_dma source(%arg4 : memref<8x128xi32, #tpu.memory_space<hbm>>) target(%arg12 : memref<8x128xi32, #tpu.memory_space<vmem>>) target_semaphore(%run_scoped3A : memref<!tpu.dma_semaphore, #tpu.memory_space<semaphore_mem>>)
        tpu.wait_dma2 semaphore(%run_scoped3A : memref<!tpu.dma_semaphore, #tpu.memory_space<semaphore_mem>>) src(%arg4 : memref<8x128xi32, #tpu.memory_space<hbm>>) dst(%arg12 : memref<8x128xi32, #tpu.memory_space<vmem>>)
        tpu.yield
      }) : () -> ()
      %dma_start3A_204 = arith.constant 0 : i32
      %dma_start3A_205 = tpu.memref_slice %arg12[%add3A, %dma_start3A_204] : memref<8x128xi32, #tpu.memory_space<vmem>> -> memref<1x128xi32, #tpu.memory_space<vmem>>
      %dma_start3A_206 = tpu.memref_squeeze %dma_start3A_205 : memref<1x128xi32, #tpu.memory_space<vmem>> -> memref<128xi32, #tpu.memory_space<vmem>>
      %dma_start3A_207 = arith.constant 0 : i32
      %dma_start3A_208 = arith.constant 0 : i32
      %dma_start3A_209 = tpu.memref_slice %arg2[%dma_start3A_207, %dma_start3A_208] : memref<10000x128xf32, #tpu.memory_space<hbm>> -> memref<10000x128xf32, #tpu.memory_space<hbm>>
      tpu.enqueue_indirect_dma source(%dma_start3A_209 : memref<10000x128xf32, #tpu.memory_space<hbm>>) target(%arg13 : memref<128x128xf32, #tpu.memory_space<vmem>>) offsets(%dma_start3A_206 : memref<128xi32, #tpu.memory_space<vmem>>) semaphore(%arg15 : memref<!tpu.dma_semaphore, #tpu.memory_space<semaphore_mem>>)
      %dma_wait3A_210 = arith.constant 0 : i32
      %dma_wait3A_211 = tpu.memref_slice %arg12[%add3A, %dma_wait3A_210] : memref<8x128xi32, #tpu.memory_space<vmem>> -> memref<1x128xi32, #tpu.memory_space<vmem>>
      %dma_wait3A_212 = tpu.memref_squeeze %dma_wait3A_211 : memref<1x128xi32, #tpu.memory_space<vmem>> -> memref<128xi32, #tpu.memory_space<vmem>>
      %dma_wait3A_213 = arith.constant 0 : i32
      %dma_wait3A_214 = arith.constant 0 : i32
      %dma_wait3A_215 = tpu.memref_slice %arg2[%dma_wait3A_213, %dma_wait3A_214] : memref<10000x128xf32, #tpu.memory_space<hbm>> -> memref<10000x128xf32, #tpu.memory_space<hbm>>
      tpu.wait_indirect_dma semaphore(%arg15 : memref<!tpu.dma_semaphore, #tpu.memory_space<semaphore_mem>>) src(%dma_wait3A_215 : memref<10000x128xf32, #tpu.memory_space<hbm>>) dst(%arg13 : memref<128x128xf32, #tpu.memory_space<vmem>>)
      %add3A_216 = arith.constant 4 : i32
      %add3A_217 = arith.addi %add3A, %add3A_216 : i32
      "tpu.region"() ({
        %run_scoped3A = tpu.sem_alloc : memref<!tpu.dma_semaphore, #tpu.memory_space<semaphore_mem>>
        %dma_start3A_218 = arith.constant 0 : i32
        %dma_start3A_219 = tpu.memref_slice %arg12[%add3A_217, %dma_start3A_218] : memref<8x128xi32, #tpu.memory_space<vmem>> -> memref<1x128xi32, #tpu.memory_space<vmem>>
        %dma_start3A_220 = tpu.memref_squeeze %dma_start3A_219 : memref<1x128xi32, #tpu.memory_space<vmem>> -> memref<128xi32, #tpu.memory_space<vmem>>
        %dma_start3A_221 = arith.constant 0 : i32
        %dma_start3A_222 = arith.constant 0 : i32
        %dma_start3A_223 = tpu.memref_slice %arg7[%dma_start3A_221, %dma_start3A_222] : memref<10000x128xf32, #tpu.memory_space<vmem_shared>> -> memref<10000x128xf32, #tpu.memory_space<vmem_shared>>
        tpu.enqueue_indirect_dma source(%arg13 : memref<128x128xf32, #tpu.memory_space<vmem>>) target(%dma_start3A_223 : memref<10000x128xf32, #tpu.memory_space<vmem_shared>>) offsets(%dma_start3A_220 : memref<128xi32, #tpu.memory_space<vmem>>) semaphore(%run_scoped3A : memref<!tpu.dma_semaphore, #tpu.memory_space<semaphore_mem>>) {add = true}
        %dma_wait3A_224 = arith.constant 0 : i32
        %dma_wait3A_225 = tpu.memref_slice %arg12[%add3A_217, %dma_wait3A_224] : memref<8x128xi32, #tpu.memory_space<vmem>> -> memref<1x128xi32, #tpu.memory_space<vmem>>
        %dma_wait3A_226 = tpu.memref_squeeze %dma_wait3A_225 : memref<1x128xi32, #tpu.memory_space<vmem>> -> memref<128xi32, #tpu.memory_space<vmem>>
        %dma_wait3A_227 = arith.constant 0 : i32
        %dma_wait3A_228 = arith.constant 0 : i32
        %dma_wait3A_229 = tpu.memref_slice %arg7[%dma_wait3A_227, %dma_wait3A_228] : memref<10000x128xf32, #tpu.memory_space<vmem_shared>> -> memref<10000x128xf32, #tpu.memory_space<vmem_shared>>
        tpu.wait_indirect_dma semaphore(%run_scoped3A : memref<!tpu.dma_semaphore, #tpu.memory_space<semaphore_mem>>) src(%arg13 : memref<128x128xf32, #tpu.memory_space<vmem>>) dst(%dma_wait3A_229 : memref<10000x128xf32, #tpu.memory_space<vmem_shared>>)
        tpu.yield
      }) : () -> ()
    } else {
    }
    %barrier3A_195 = arith.constant 0 : index
    tpu.barrier barrier_id(%barrier3A_195)
    %mul3A_196 = arith.constant 10000 : i32
    %mul3A_197 = arith.muli %arg0, %mul3A_196 : i32
    %add3A_198 = arith.addi %mul3A_197, %mul3A_4 : i32
    "tpu.region"() ({
      %run_scoped3A = tpu.sem_alloc : memref<!tpu.dma_semaphore, #tpu.memory_space<semaphore_mem>>
      %dma_start3A_204 = arith.constant 0 : i32
      %dma_start3A_205 = tpu.memref_slice %arg6[%add3A_198, %dma_start3A_204] : memref<20000x128xf32, #tpu.memory_space<hbm>> -> memref<624x128xf32, #tpu.memory_space<hbm>>
      %dma_start3A_206 = arith.constant 0 : i32
      %dma_start3A_207 = tpu.memref_slice %arg7[%mul3A_4, %dma_start3A_206] : memref<10000x128xf32, #tpu.memory_space<vmem_shared>> -> memref<624x128xf32, #tpu.memory_space<vmem_shared>>
      tpu.enqueue_dma source(%dma_start3A_207 : memref<624x128xf32, #tpu.memory_space<vmem_shared>>) target(%dma_start3A_205 : memref<624x128xf32, #tpu.memory_space<hbm>>) target_semaphore(%run_scoped3A : memref<!tpu.dma_semaphore, #tpu.memory_space<semaphore_mem>>)
      %dma_wait3A_208 = arith.constant 0 : i32
      %dma_wait3A_209 = tpu.memref_slice %arg6[%add3A_198, %dma_wait3A_208] : memref<20000x128xf32, #tpu.memory_space<hbm>> -> memref<624x128xf32, #tpu.memory_space<hbm>>
      %dma_wait3A_210 = arith.constant 0 : i32
      %dma_wait3A_211 = tpu.memref_slice %arg7[%mul3A_4, %dma_wait3A_210] : memref<10000x128xf32, #tpu.memory_space<vmem_shared>> -> memref<624x128xf32, #tpu.memory_space<vmem_shared>>
      tpu.wait_dma2 semaphore(%run_scoped3A : memref<!tpu.dma_semaphore, #tpu.memory_space<semaphore_mem>>) src(%dma_wait3A_211 : memref<624x128xf32, #tpu.memory_space<vmem_shared>>) dst(%dma_wait3A_209 : memref<624x128xf32, #tpu.memory_space<hbm>>)
      tpu.yield
    }) : () -> ()
    %eq3A_199 = arith.constant 15 : i32
    %eq3A_200 = arith.cmpi eq, %arg1, %eq3A_199 : i32
    %convert_element_type3A_201 = arith.extui %eq3A_200 : i1 to i32
    %cond3A_202 = arith.constant 0 : i32
    %cond3A_203 = arith.cmpi ne, %convert_element_type3A_201, %cond3A_202 : i32
    scf.if %cond3A_203 {
      %mul3A_204 = arith.constant 10000 : i32
      %mul3A_205 = arith.muli %arg0, %mul3A_204 : i32
      %add3A_206 = arith.constant 9984 : i32
      %add3A_207 = arith.addi %mul3A_205, %add3A_206 : i32
      "tpu.region"() ({
        %run_scoped3A = tpu.sem_alloc : memref<!tpu.dma_semaphore, #tpu.memory_space<semaphore_mem>>
        %dma_start3A_208 = arith.constant 0 : i32
        %dma_start3A_209 = tpu.memref_slice %arg6[%add3A_207, %dma_start3A_208] : memref<20000x128xf32, #tpu.memory_space<hbm>> -> memref<16x128xf32, #tpu.memory_space<hbm>>
        %dma_start3A_210 = arith.constant 9984 : i32
        %dma_start3A_211 = arith.constant 0 : i32
        %dma_start3A_212 = tpu.memref_slice %arg7[%dma_start3A_210, %dma_start3A_211] : memref<10000x128xf32, #tpu.memory_space<vmem_shared>> -> memref<16x128xf32, #tpu.memory_space<vmem_shared>>
        tpu.enqueue_dma source(%dma_start3A_212 : memref<16x128xf32, #tpu.memory_space<vmem_shared>>) target(%dma_start3A_209 : memref<16x128xf32, #tpu.memory_space<hbm>>) target_semaphore(%run_scoped3A : memref<!tpu.dma_semaphore, #tpu.memory_space<semaphore_mem>>)
        %dma_wait3A_213 = arith.constant 0 : i32
        %dma_wait3A_214 = tpu.memref_slice %arg6[%add3A_207, %dma_wait3A_213] : memref<20000x128xf32, #tpu.memory_space<hbm>> -> memref<16x128xf32, #tpu.memory_space<hbm>>
        %dma_wait3A_215 = arith.constant 9984 : i32
        %dma_wait3A_216 = arith.constant 0 : i32
        %dma_wait3A_217 = tpu.memref_slice %arg7[%dma_wait3A_215, %dma_wait3A_216] : memref<10000x128xf32, #tpu.memory_space<vmem_shared>> -> memref<16x128xf32, #tpu.memory_space<vmem_shared>>
        tpu.wait_dma2 semaphore(%run_scoped3A : memref<!tpu.dma_semaphore, #tpu.memory_space<semaphore_mem>>) src(%dma_wait3A_217 : memref<16x128xf32, #tpu.memory_space<vmem_shared>>) dst(%dma_wait3A_214 : memref<16x128xf32, #tpu.memory_space<hbm>>)
        tpu.yield
      }) : () -> ()
    } else {
    }
    return
  }
}

module attributes {stable_mosaic.version = 14 : i64} {
  func.func @_tc_mlp_body(%arg0: memref<20000x128xf32, #tpu.memory_space<vmem>>, %arg1: memref<128x128xf32, #tpu.memory_space<vmem>>, %arg2: memref<1x128xf32, #tpu.memory_space<vmem>>, %arg3: memref<128x128xf32, #tpu.memory_space<vmem>>, %arg4: memref<1x128xf32, #tpu.memory_space<vmem>>, %arg5: memref<1x128xf32, #tpu.memory_space<vmem>>, %arg6: memref<1x128xf32, #tpu.memory_space<vmem>>, %arg7: memref<10000x128xf32, #tpu.memory_space<vmem>>) attributes {dimension_semantics = [], scalar_prefetch = 0 : i64, scratch_operands = 0 : i64, tpu.core_type = #tpu.core_type<tc>} {
    %get3A = arith.constant 0 : index
    %get3A_0 = arith.constant 0 : index
    %get3A_1 = vector.load %arg0[%get3A, %get3A_0] : memref<20000x128xf32, #tpu.memory_space<vmem>>, vector<10000x128xf32>
    %get3A_2 = arith.constant 10000 : index
    %get3A_3 = arith.constant 0 : index
    %get3A_4 = vector.load %arg0[%get3A_2, %get3A_3] : memref<20000x128xf32, #tpu.memory_space<vmem>>, vector<10000x128xf32>
    %add3A = arith.addf %get3A_1, %get3A_4 : vector<10000x128xf32>
    %get3A_5 = arith.constant 0 : index
    %get3A_6 = arith.constant 0 : index
    %get3A_7 = vector.load %arg1[%get3A_5, %get3A_6] : memref<128x128xf32, #tpu.memory_space<vmem>>, vector<128x128xf32>
    %dot_general3A = arith.constant dense<0.000000e+00> : vector<10000x128xf32>
    %dot_general3A_8 = tpu.matmul %add3A, %get3A_7, %dot_general3A {dimension_numbers = #tpu.dot_dimension_numbers<[1], [0], [0], [1], [0, 0, 1, 1], [], []>, transpose_lhs_hint = false} : vector<10000x128xf32>, vector<128x128xf32>, vector<10000x128xf32> -> vector<10000x128xf32>
    %get3A_9 = arith.constant 0 : index
    %get3A_10 = arith.constant 0 : index
    %get3A_11 = vector.load %arg2[%get3A_9, %get3A_10] : memref<1x128xf32, #tpu.memory_space<vmem>>, vector<1x128xf32>
    %add3A_12 = vector.broadcast %get3A_11 : vector<1x128xf32> to vector<10000x128xf32>
    %add3A_13 = arith.addf %dot_general3A_8, %add3A_12 : vector<10000x128xf32>
    %max3A = arith.constant 0.000000e+00 : f32
    %max3A_14 = vector.broadcast %max3A : f32 to vector<10000x128xf32>
    %max3A_15 = arith.maximumf %add3A_13, %max3A_14 : vector<10000x128xf32>
    %get3A_16 = arith.constant 0 : index
    %get3A_17 = arith.constant 0 : index
    %get3A_18 = vector.load %arg3[%get3A_16, %get3A_17] : memref<128x128xf32, #tpu.memory_space<vmem>>, vector<128x128xf32>
    %dot_general3A_19 = arith.constant dense<0.000000e+00> : vector<10000x128xf32>
    %dot_general3A_20 = tpu.matmul %max3A_15, %get3A_18, %dot_general3A_19 {dimension_numbers = #tpu.dot_dimension_numbers<[1], [0], [0], [1], [0, 0, 1, 1], [], []>, transpose_lhs_hint = false} : vector<10000x128xf32>, vector<128x128xf32>, vector<10000x128xf32> -> vector<10000x128xf32>
    %get3A_21 = arith.constant 0 : index
    %get3A_22 = arith.constant 0 : index
    %get3A_23 = vector.load %arg4[%get3A_21, %get3A_22] : memref<1x128xf32, #tpu.memory_space<vmem>>, vector<1x128xf32>
    %add3A_24 = vector.broadcast %get3A_23 : vector<1x128xf32> to vector<10000x128xf32>
    %add3A_25 = arith.addf %dot_general3A_20, %add3A_24 : vector<10000x128xf32>
    %max3A_26 = arith.constant 0.000000e+00 : f32
    %max3A_27 = vector.broadcast %max3A_26 : f32 to vector<10000x128xf32>
    %max3A_28 = arith.maximumf %add3A_25, %max3A_27 : vector<10000x128xf32>
    %reduce_sum3A = arith.constant dense<0.000000e+00> : vector<128xf32>
    %reduce_sum3A_29 = vector.multi_reduction <add>, %max3A_28, %reduce_sum3A [0] : vector<10000x128xf32> to vector<128xf32>
    %broadcast_in_dim3A = vector.shape_cast %reduce_sum3A_29 : vector<128xf32> to vector<1x128xf32>
    %div3A = arith.constant 1.000000e+04 : f32
    %div3A_30 = vector.broadcast %div3A : f32 to vector<1x128xf32>
    %div3A_31 = arith.divf %broadcast_in_dim3A, %div3A_30 : vector<1x128xf32>
    %sub3A = vector.broadcast %div3A_31 : vector<1x128xf32> to vector<10000x128xf32>
    %sub3A_32 = arith.subf %max3A_28, %sub3A : vector<10000x128xf32>
    %mul3A = arith.mulf %sub3A_32, %sub3A_32 : vector<10000x128xf32>
    %reduce_sum3A_33 = arith.constant dense<0.000000e+00> : vector<128xf32>
    %reduce_sum3A_34 = vector.multi_reduction <add>, %mul3A, %reduce_sum3A_33 [0] : vector<10000x128xf32> to vector<128xf32>
    %broadcast_in_dim3A_35 = vector.shape_cast %reduce_sum3A_34 : vector<128xf32> to vector<1x128xf32>
    %div3A_36 = arith.constant 1.000000e+04 : f32
    %div3A_37 = vector.broadcast %div3A_36 : f32 to vector<1x128xf32>
    %div3A_38 = arith.divf %broadcast_in_dim3A_35, %div3A_37 : vector<1x128xf32>
    %add3A_39 = arith.constant 9.99999974E-6 : f32
    %add3A_40 = vector.broadcast %add3A_39 : f32 to vector<1x128xf32>
    %add3A_41 = arith.addf %div3A_38, %add3A_40 : vector<1x128xf32>
    %rsqrt3A = math.rsqrt %add3A_41 : vector<1x128xf32>
    %mul3A_42 = vector.broadcast %rsqrt3A : vector<1x128xf32> to vector<10000x128xf32>
    %mul3A_43 = arith.mulf %sub3A_32, %mul3A_42 : vector<10000x128xf32>
    %get3A_44 = arith.constant 0 : index
    %get3A_45 = arith.constant 0 : index
    %get3A_46 = vector.load %arg5[%get3A_44, %get3A_45] : memref<1x128xf32, #tpu.memory_space<vmem>>, vector<1x128xf32>
    %mul3A_47 = vector.broadcast %get3A_46 : vector<1x128xf32> to vector<10000x128xf32>
    %mul3A_48 = arith.mulf %mul3A_43, %mul3A_47 : vector<10000x128xf32>
    %get3A_49 = arith.constant 0 : index
    %get3A_50 = arith.constant 0 : index
    %get3A_51 = vector.load %arg6[%get3A_49, %get3A_50] : memref<1x128xf32, #tpu.memory_space<vmem>>, vector<1x128xf32>
    %add3A_52 = vector.broadcast %get3A_51 : vector<1x128xf32> to vector<10000x128xf32>
    %add3A_53 = arith.addf %mul3A_48, %add3A_52 : vector<10000x128xf32>
    %swap3A = arith.constant 0 : index
    %swap3A_54 = arith.constant 0 : index
    %swap3A_55 = vector.load %arg7[%swap3A, %swap3A_54] : memref<10000x128xf32, #tpu.memory_space<vmem>>, vector<10000x128xf32>
    tpu.vector_store %arg7[%swap3A, %swap3A_54], %add3A_53 {strides = array<i32>} : memref<10000x128xf32, #tpu.memory_space<vmem>>, vector<10000x128xf32>,
    return
  }
}

module attributes {stable_mosaic.version = 14 : i64} {
  func.func @_tc_mlp_body(%arg0: memref<20000x128xf32, #tpu.memory_space<vmem>>, %arg1: memref<128x128xf32, #tpu.memory_space<vmem>>, %arg2: memref<1x128xf32, #tpu.memory_space<vmem>>, %arg3: memref<128x128xf32, #tpu.memory_space<vmem>>, %arg4: memref<1x128xf32, #tpu.memory_space<vmem>>, %arg5: memref<1x128xf32, #tpu.memory_space<vmem>>, %arg6: memref<1x128xf32, #tpu.memory_space<vmem>>, %arg7: memref<10000x128xf32, #tpu.memory_space<vmem>>) attributes {dimension_semantics = [], scalar_prefetch = 0 : i64, scratch_operands = 0 : i64, tpu.core_type = #tpu.core_type<tc>} {
    %get3A = arith.constant 0 : index
    %get3A_0 = arith.constant 0 : index
    %get3A_1 = vector.load %arg0[%get3A, %get3A_0] : memref<20000x128xf32, #tpu.memory_space<vmem>>, vector<10000x128xf32>
    %get3A_2 = arith.constant 10000 : index
    %get3A_3 = arith.constant 0 : index
    %get3A_4 = vector.load %arg0[%get3A_2, %get3A_3] : memref<20000x128xf32, #tpu.memory_space<vmem>>, vector<10000x128xf32>
    %add3A = arith.addf %get3A_1, %get3A_4 : vector<10000x128xf32>
    %get3A_5 = arith.constant 0 : index
    %get3A_6 = arith.constant 0 : index
    %get3A_7 = vector.load %arg1[%get3A_5, %get3A_6] : memref<128x128xf32, #tpu.memory_space<vmem>>, vector<128x128xf32>
    %dot_general3A = arith.constant dense<0.000000e+00> : vector<10000x128xf32>
    %dot_general3A_8 = tpu.matmul %add3A, %get3A_7, %dot_general3A {dimension_numbers = #tpu.dot_dimension_numbers<[1], [0], [0], [1], [0, 0, 1, 1], [], []>, transpose_lhs_hint = false} : vector<10000x128xf32>, vector<128x128xf32>, vector<10000x128xf32> -> vector<10000x128xf32>
    %get3A_9 = arith.constant 0 : index
    %get3A_10 = arith.constant 0 : index
    %get3A_11 = vector.load %arg2[%get3A_9, %get3A_10] : memref<1x128xf32, #tpu.memory_space<vmem>>, vector<1x128xf32>
    %add3A_12 = vector.broadcast %get3A_11 : vector<1x128xf32> to vector<10000x128xf32>
    %add3A_13 = arith.addf %dot_general3A_8, %add3A_12 : vector<10000x128xf32>
    %max3A = arith.constant 0.000000e+00 : f32
    %max3A_14 = vector.broadcast %max3A : f32 to vector<10000x128xf32>
    %max3A_15 = arith.maximumf %add3A_13, %max3A_14 : vector<10000x128xf32>
    %get3A_16 = arith.constant 0 : index
    %get3A_17 = arith.constant 0 : index
    %get3A_18 = vector.load %arg3[%get3A_16, %get3A_17] : memref<128x128xf32, #tpu.memory_space<vmem>>, vector<128x128xf32>
    %dot_general3A_19 = arith.constant dense<0.000000e+00> : vector<10000x128xf32>
    %dot_general3A_20 = tpu.matmul %max3A_15, %get3A_18, %dot_general3A_19 {dimension_numbers = #tpu.dot_dimension_numbers<[1], [0], [0], [1], [0, 0, 1, 1], [], []>, transpose_lhs_hint = false} : vector<10000x128xf32>, vector<128x128xf32>, vector<10000x128xf32> -> vector<10000x128xf32>
    %get3A_21 = arith.constant 0 : index
    %get3A_22 = arith.constant 0 : index
    %get3A_23 = vector.load %arg4[%get3A_21, %get3A_22] : memref<1x128xf32, #tpu.memory_space<vmem>>, vector<1x128xf32>
    %add3A_24 = vector.broadcast %get3A_23 : vector<1x128xf32> to vector<10000x128xf32>
    %add3A_25 = arith.addf %dot_general3A_20, %add3A_24 : vector<10000x128xf32>
    %max3A_26 = arith.constant 0.000000e+00 : f32
    %max3A_27 = vector.broadcast %max3A_26 : f32 to vector<10000x128xf32>
    %max3A_28 = arith.maximumf %add3A_25, %max3A_27 : vector<10000x128xf32>
    %reduce_sum3A = arith.constant dense<0.000000e+00> : vector<128xf32>
    %reduce_sum3A_29 = vector.multi_reduction <add>, %max3A_28, %reduce_sum3A [0] : vector<10000x128xf32> to vector<128xf32>
    %broadcast_in_dim3A = vector.shape_cast %reduce_sum3A_29 : vector<128xf32> to vector<1x128xf32>
    %div3A = arith.constant 1.000000e+04 : f32
    %div3A_30 = vector.broadcast %div3A : f32 to vector<1x128xf32>
    %div3A_31 = arith.divf %broadcast_in_dim3A, %div3A_30 : vector<1x128xf32>
    %sub3A = vector.broadcast %div3A_31 : vector<1x128xf32> to vector<10000x128xf32>
    %sub3A_32 = arith.subf %max3A_28, %sub3A : vector<10000x128xf32>
    %mul3A = arith.mulf %sub3A_32, %sub3A_32 : vector<10000x128xf32>
    %reduce_sum3A_33 = arith.constant dense<0.000000e+00> : vector<128xf32>
    %reduce_sum3A_34 = vector.multi_reduction <add>, %mul3A, %reduce_sum3A_33 [0] : vector<10000x128xf32> to vector<128xf32>
    %broadcast_in_dim3A_35 = vector.shape_cast %reduce_sum3A_34 : vector<128xf32> to vector<1x128xf32>
    %div3A_36 = arith.constant 1.000000e+04 : f32
    %div3A_37 = vector.broadcast %div3A_36 : f32 to vector<1x128xf32>
    %div3A_38 = arith.divf %broadcast_in_dim3A_35, %div3A_37 : vector<1x128xf32>
    %add3A_39 = arith.constant 9.99999974E-6 : f32
    %add3A_40 = vector.broadcast %add3A_39 : f32 to vector<1x128xf32>
    %add3A_41 = arith.addf %div3A_38, %add3A_40 : vector<1x128xf32>
    %rsqrt3A = math.rsqrt %add3A_41 : vector<1x128xf32>
    %mul3A_42 = vector.broadcast %rsqrt3A : vector<1x128xf32> to vector<10000x128xf32>
    %mul3A_43 = arith.mulf %sub3A_32, %mul3A_42 : vector<10000x128xf32>
    %get3A_44 = arith.constant 0 : index
    %get3A_45 = arith.constant 0 : index
    %get3A_46 = vector.load %arg5[%get3A_44, %get3A_45] : memref<1x128xf32, #tpu.memory_space<vmem>>, vector<1x128xf32>
    %mul3A_47 = vector.broadcast %get3A_46 : vector<1x128xf32> to vector<10000x128xf32>
    %mul3A_48 = arith.mulf %mul3A_43, %mul3A_47 : vector<10000x128xf32>
    %get3A_49 = arith.constant 0 : index
    %get3A_50 = arith.constant 0 : index
    %get3A_51 = vector.load %arg6[%get3A_49, %get3A_50] : memref<1x128xf32, #tpu.memory_space<vmem>>, vector<1x128xf32>
    %add3A_52 = vector.broadcast %get3A_51 : vector<1x128xf32> to vector<10000x128xf32>
    %add3A_53 = arith.addf %mul3A_48, %add3A_52 : vector<10000x128xf32>
    %swap3A = arith.constant 0 : index
    %swap3A_54 = arith.constant 0 : index
    %swap3A_55 = vector.load %arg7[%swap3A, %swap3A_54] : memref<10000x128xf32, #tpu.memory_space<vmem>>, vector<10000x128xf32>
    tpu.vector_store %arg7[%swap3A, %swap3A_54], %add3A_53 {strides = array<i32>} : memref<10000x128xf32, #tpu.memory_space<vmem>>, vector<10000x128xf32>,
    return
  }
}

</mosaic_0001>

<sc_bundles>
// kernel: kernel.6.cloned.1.call-start
scs
__scs_entry_jumppad:
0x0: {  	(pc) =	sbr.rel $0x88, $3  }
0x1: {  	(tag) =	ssettag $0x0;
	lr =	simm.s32 $0x1  }
0x2: {  	[smem:$0x3F93] =	sst lr;
	_ =	strace $0xD0000000  }
0x3: {  	_ = 	snop  }
0x4: {  	_ = 	snop  }
0x5: {  	_ = 	snop  }
0x6: {  	_ = 	snop  }
0x7: {  	_ = 	snop  }
__scs_overlays_trampoline_lowered:
0x8: {  	[smem:$0x3FA2] =	sst s0  }
0x9: {  	[smem:$0x3FA3] =	sst s1  }
0xa: {  	[smem:$0x3FA4] =	sst s2  }
0xb: {  	[smem:$0x3FA5] =	sst s3  }
0xc: {  	[smem:$0x3FA6] =	sst s4  }
0xd: {  	[smem:$0x3FA7] =	sst s5  }
0xe: {  	[smem:$0x3FA8] =	sst s6  }
0xf: {  	[smem:$0x3FA9] =	sst s7  }
0x10: {  	[smem:$0x3FAA] =	sst s8  }
0x11: {  	[smem:$0x3FAB] =	sst s9;
	s0 =	simm.s32 @!p0 $0x0  }
0x12: {  	s1 =	sld [smem:$0x3F91];
	s0 =	simm.s32 @p0 $0x1  }
0x13: {  	[smem:$0x3FAC] =	sst s0;
	s0 =	simm.s32 @!p1 $0x0  }
0x14: {  	s2 =	sld [smem:$0x3F90];
	s0 =	simm.s32 @p1 $0x1  }
0x15: {  	[smem:$0x3FAD] =	sst s0;
	s0 =	simm.s32 @!p2 $0x0  }
0x16: {  	s3 =	sld [smem:$0x3FDB];
	s0 =	simm.s32 @p2 $0x1  }
0x17: {  	s4 =	simm.s32 $0x1BF5;
	[smem:$0x3FAF] =	sst s0  }
0x18: {  	s0 =	sld [smem:$0x3F92];
	_ =	swait.ge [sflag:s4], $0x0  }
0x19: {  	s7 =	sld [smem:$0x3F93]  }
0x1a: {  	s8 =	sadd.s32 $0xFFFFE003, lr  }
0x1b: {  	s9 =	sadd.s32 $0xFFFFFEF7, lr;
	s5 =	simm.s32 $0xFFFFFFFF;
	p2 =	slt.u32 s8, $0xFFFFF086  }
0x1c: {  	p1 =	slt.u32 s9, $0xF7A;
	s5 =	simm.s32 @!p2 $0x0  }
0x1d: {  	s5 =	simm.s32 @p1 $0x1;
	p0 =	seq.s32 s7, s2  }
0x1e: {  	s7 =	smul.u32 @!p0 $0xF7A, s2;
	p2 =	seq.s32 @!p0 s5, $0x0  }
0x1f: {  	s9 =	smul.u32 $0xF7A, s1;
	s8 =	simm.s32 @!p0 $0x1BF5;
	p2 =	por !p2, p0  }
0x20: {  	[sflag:s8] =	ssyncset.s32 @!p0 $0xFFFFF086;
	s6 =	sadd.s32 @!p0 s3, s7;
	s7 =	simm.s32 @!p0 $0x108  }
0x21: {  	s3 =	sadd.s32 s3, s9;
	s6 =	sadd.s32 @!p0 $0x88, s6;
	s7 =	simm.s32 @p2 $0x1082  }
0x22: {  	[simem:s7], [sflag:s8] =	dma.local @!p0 [hbm:s6], $0xF7A  }
0x23: {  	s9 =	sor.u32 $0xD0000000, s2;
	s6 =	simm.s32 $0x108;
	_ =	swait.ge @!p0 [sflag:s8], $0x0  }
0x24: {  	s3 =	sadd.s32 $0x88, s3;
	s6 =	simm.s32 @!p1 $0x1082;
	[sflag:s4] =	ssyncset.s32 $0xFFFFF086  }
0x25: {  	[simem:s6], [sflag:s4] =	dma.local [hbm:s3], $0xF7A  }
0x26: {  	[smem:$0x3F93] =	sst s1;
	(tag) =	ssettag s2;
	_ =	strace s9  }
0x27: {  	s1 =	sld [smem:$0x3FA3]  }
0x28: {  	s2 =	sld [smem:$0x3FA4]  }
0x29: {  	s4 =	sld [smem:$0x3FA6]  }
0x2a: {  	p0 =	seq.s32 s5, $0x0;
	s5 =	sld [smem:$0x3FA7]  }
0x2b: {  	s6 =	sld [smem:$0x3FA8]  }
0x2c: {  	s7 =	sld [smem:$0x3FA9]  }
0x2d: {  	s3 =	simm.s32 $0x108;
	s8 =	sld [smem:$0x3FAA]  }
0x2e: {  	s3 =	simm.s32 @!p0 $0x1082;
	s9 =	sld [smem:$0x3FAB]  }
0x2f: {  	lr =	sadd.s32 s0, s3;
	s0 =	sld [smem:$0x3FA2]  }
0x30: {  	s3 =	sld [smem:$0x3FA5]  }
0x31: {  	[smem:$0x3FAE] =	sst s10  }
0x32: {  	s10 =	sld [smem:$0x3FAC];
	_ =	sdelay $0x3  }
0x33: {  	p0 =	seq.s32 s10, $0x1;
	s10 =	sld [smem:$0x3FAE];
	_ =	sdelay $0x3  }
0x34: {  	[smem:$0x3FAE] =	sst s10  }
0x35: {  	s10 =	sld [smem:$0x3FAD];
	_ =	sdelay $0x3  }
0x36: {  	p1 =	seq.s32 s10, $0x1;
	s10 =	sld [smem:$0x3FAE];
	_ =	sdelay $0x3  }
0x37: {  	[smem:$0x3FAE] =	sst s10  }
0x38: {  	s10 =	sld [smem:$0x3FAF]  }
0x39: {  	_ = 	snop;
	(pc) =	sbr.ind lr, $3  }
0x3a: {  	_ = 	snop  }
0x3b: {  	_ = 	snop  }
0x3c: {  	p2 =	seq.s32 s10, $0x1;
	s10 =	sld [smem:$0x3FAE]  }
0x3d: {  	_ =	shalt  }
0x3e: {  	_ =	shalt  }
0x3f: {  	_ =	shalt  }
0x40: {  	_ =	shalt  }
0x41: {  	_ =	shalt  }
0x42: {  	_ =	shalt  }
0x43: {  	_ =	shalt  }
0x44: {  	_ =	shalt  }
0x45: {  	_ =	shalt  }
0x46: {  	_ =	shalt  }
0x47: {  	_ =	shalt  }
0x48: {  	_ =	shalt  }
0x49: {  	_ =	shalt  }
0x4a: {  	_ =	shalt  }
0x4b: {  	_ =	shalt  }
0x4c: {  	_ =	shalt  }
0x4d: {  	_ =	shalt  }
0x4e: {  	_ =	shalt  }
0x4f: {  	_ =	shalt  }
0x50: {  	_ =	shalt  }
0x51: {  	_ =	shalt  }
0x52: {  	_ =	shalt  }
0x53: {  	_ =	shalt  }
0x54: {  	_ =	shalt  }
0x55: {  	_ =	shalt  }
0x56: {  	_ =	shalt  }
0x57: {  	_ =	shalt  }
0x58: {  	_ =	shalt  }
0x59: {  	_ =	shalt  }
0x5a: {  	_ =	shalt  }
0x5b: {  	_ =	shalt  }
0x5c: {  	_ =	shalt  }
0x5d: {  	_ =	shalt  }
0x5e: {  	_ =	shalt  }
0x5f: {  	_ =	shalt  }
0x60: {  	_ =	shalt  }
0x61: {  	_ =	shalt  }
0x62: {  	_ =	shalt  }
0x63: {  	_ =	shalt  }
0x64: {  	_ =	shalt  }
0x65: {  	_ =	shalt  }
0x66: {  	_ =	shalt  }
0x67: {  	_ =	shalt  }
0x68: {  	_ =	shalt  }
0x69: {  	_ =	shalt  }
0x6a: {  	_ =	shalt  }
0x6b: {  	_ =	shalt  }
0x6c: {  	_ =	shalt  }
0x6d: {  	_ =	shalt  }
0x6e: {  	_ =	shalt  }
0x6f: {  	_ =	shalt  }
0x70: {  	_ =	shalt  }
0x71: {  	_ =	shalt  }
0x72: {  	_ =	shalt  }
0x73: {  	_ =	shalt  }
0x74: {  	_ =	shalt  }
0x75: {  	_ =	shalt  }
0x76: {  	_ =	shalt  }
0x77: {  	_ =	shalt  }
0x78: {  	_ =	shalt  }
0x79: {  	_ =	shalt  }
0x7a: {  	_ =	shalt  }
0x7b: {  	_ =	shalt  }
0x7c: {  	_ =	shalt  }
0x7d: {  	_ =	shalt  }
0x7e: {  	_ =	shalt  }
0x7f: {  	_ =	shalt  }
0x80: {  	_ =	shalt  }
0x81: {  	_ =	shalt  }
0x82: {  	_ =	shalt  }
0x83: {  	_ =	shalt  }
0x84: {  	_ =	shalt  }
0x85: {  	_ =	shalt  }
0x86: {  	_ =	shalt  }
0x87: {  	_ =	shalt  }
.Lfunc_end0:
.L_simem_size_0:
called_computation_lowered:
.L_overlay_start_0:
0x88: {  	s2 =	sld [smem:$0x3FD9]  }
0x89: {  	s3 =	sld [smem:$0x3FFE];
	_ =	sdelay $0x1  }
0x8a: {  	s1 =	srdreg.scid  }
0x8b: {  	s0 =	sand.u32 $0x1, s1  }
0x8c: {  	s17 =	sshll.u32 s0, $0xA;
	s2 =	sadd.s32 s3, s2  }
0x8d: {  	s2 =	sadd.s32 s2, s17  }
0x8e: {  	[smem:$0x3FBA] =	sst s2  }
0x8f: {  	_ = 	snop  }
0x90: {  	s2 =	sld [smem:$0x3FC9];
	(tm) =	ssettm $0x1  }
0x91: {  	s18 =	sld [smem:$0x3FFB];
	_ =	sdelay $0x3  }
0x92: {  	_ =	strace s18  }
0x93: {  	s3 =	sld [smem:$0x3FFC];
	_ =	sdelay $0x3  }
0x94: {  	_ =	strace s3  }
0x95: {  	s3 =	sld [smem:$0x3FFD];
	_ =	sdelay $0x3  }
0x96: {  	_ =	strace s3  }
0x97: {  	_ =	strace $0x8FFFFFFF  }
0x98: {  	s19 =	sld [smem:$0x3FDB];
	_ =	sdelay $0x1  }
0x99: {  	s4 =	simm.s32 $_scs_section_size  }
0x9a: {  	s5 =	simm.s32 $_size__tile_overlayer_lowered;
	s6 =	simm.s32 $_tile_overlayer_lowered  }
0x9b: {  	s22 =	simm.s32 $0x1BFF;
	s21 =	sshll.u32 s6, $0x1;
	s3 =	sadd.s32 s4, s19  }
0x9c: {  	s7 =	simm.s32 $0x0;
	s20 =	sshll.u32 s5, $0x1;
	s5 =	sadd.s32 s21, s3  }
0x9d: {  	[timem:s7], [sflag:s22] =	dma.local [hbm:s5], s20  }
0x9e: {  	_ =	swait.ge [sflag:s22], s20  }
0x9f: {  	s4 =	ssub.s32 $0x0, s20;
	[sflag:s22] =	ssyncset.done $0x0  }
0xa0: {  	[sflag:s22] =	ssyncadd.s32 s4;
	_ =	sdelay $0x1  }
0xa1: {  	s23 =	simm.s32 $0x1B8B  }
0xa2: {  	_ =	swait.ge [sflag:s23], $0x1  }
0xa3: {  	[sflag:s23] =	ssyncset.done $0x0  }
0xa4: {  	s25 =	simm.s32 $0x1B8E;
	s24 =	sld [smem:$0x3FFE];
	[sflag:s23] =	ssyncadd.s32 $0xFFFFFFFF  }
0xa5: {  	s26 =	simm.s32 $execute0_lowered;
	[smem:$0x3FD2] =	sst s25  }
0xa6: {  	s5 =	sshll.u32 s26, $0x1;
	_ =	strace $0x80000046;
	[dreg:$0x1] =	wrdreg $0xFFFFFFFF  }
0xa7: {  	s28 =	simm.s32 $_size_execute0_lowered;
	s3 =	sadd.s32 s3, s5;
	[dreg:$0x0] =	wrdreg $0x0  }
0xa8: {  	s5 =	sshll.u32 s28, $0x1;
	[dreg:$0x2] =	wrdreg s3  }
0xa9: {  	[dreg:$0x3] =	wrdreg s5  }
0xaa: {  	[dreg:$0x4] =	wrdreg $0xC0  }
0xab: {  	_ =	task [dreg:s7], $0x5FFFF  }
0xac: {  	[dreg:$0x1] =	wrdreg $0xFFFFFFFF  }
0xad: {  	[dreg:$0x0] =	wrdreg $0x60  }
0xae: {  	[dreg:$0x2] =	wrdreg s2  }
0xaf: {  	[dreg:$0x3] =	wrdreg s24  }
0xb0: {  	[dreg:$0x4] =	wrdreg $0x0  }
0xb1: {  	[dreg:$0x5] =	wrdreg $0x9  }
0xb2: {  	_ =	task.clear_ibuf [dreg:s7], $0x6FFFF;
	_ =	strace $0x90000046  }
0xb3: {  	s29 =	simm.s32 $0x9;
	_ =	strace $0x80000048  }
0xb4: {  	_ =	swait.ge [sflag:s29], $0x1  }
0xb5: {  	[sflag:s29] =	ssyncadd.s32 $0xFFFFFFFF  }
0xb6: {  	_ =	strace $0x90000048  }
0xb7: {  	_ =	sfence  }
0xb8: {  	s30 =	sld [smem:$0x0];
	_ =	sdelay $0x2  }
0xb9: {  	s31 =	sshll.u32 s1, $0xD;
	s1 =	sshrl.u32 s1, $0x2  }
0xba: {  	s3 =	sand.u32 $0x4000, s31;
	s1 =	sadd.s32 s1, s30  }
0xbb: {  	s0 =	sor.u32 s3, s0;
	s1 =	sshll.u32 s1, $0x11  }
0xbc: {  	s0 =	sor.u32 s1, s0  }
0xbd: {  	s0 =	sadd.s32 $0x8F2B, s0  }
0xbe: {  	[sflag:s0] =	ssyncadd.remote.s32 $0x1  }
0xbf: {  	_ =	sfence.sel $0xFFFF  }
0xc0: {  	[dreg:$0x0] =	wrdreg $0xFFFFFFFF;
	(pc) =	sbr.abs _section_cstart, $3  }
0xc1: {  	[dreg:$0x1] =	wrdreg $0xFFFFFFFF  }
0xc2: {  	_ =	task.clear_ibuf [dreg:s7], $0x2FFFF;
	_ =	strace $0x9FFFFFFF  }
0xc3: {  	(tm) =	ssettm $0x7FFFFFFF  }
tec
execute0_lowered:
.L_overlay_start_1:
0x0: {  	(tag) =	ssettag $0x1  }
0x1: {  	s1 =	rddreg [dreg:$0x0]  }
0x2: {  	s0 =	rddreg [dreg:$0x1]  }
0x3: {  	s2 =	rddreg [dreg:$0x2];
	s3 =	simm.s32 $0x0  }
0x4: {  	s4 =	srdreg.scid;
	s28 =	simm.s32 $0x7;
	s29 =	simm.s32 $0x14080  }
0x5: {  	s31 =	simm.s32 $0x5;
	s30 =	simm.s32 $0x14880;
	[smem:$0x7FF] =	sst s3  }
0x6: {  	s4 =	sand.u32 $0x1, s4;
	s5 =	sadd.s32 $0x2A00, s0;
	s6 =	sadd.s32 $0x16400, s0  }
0x7: {  	s20 =	sadd.s32 $0x16600, s0;
	s0 =	sadd.s32 $0x18E00, s0;
	s13 =	sadd.s32 $0x138000, s2  }
0x8: {  	_ =	strace $0x80000047;
	[dreg:$0x4] =	wrdreg s6;
	s15 =	smul.u32 $0x27100, s4  }
0x9: {  	s7 =	ssub.s32 $0x2, s4;
	s6 =	stileid.u32;
	s17 =	smul.u32 $0x138800, s4  }
0xa: {  	s22 =	sshll.u32 s4, $0x4;
	p2 =	seq.s32 s4, $0x0;
	s18 =	smul.u32 $0xA0000, s4  }
0xb: {  	[dreg:$0x7] =	wrdreg s13;
	s13 =	sadd.s32 $0x27000, s1;
	s9 =	smul.u32 $0x4E000, s6  }
0xc: {  	s8 =	sshrl.u32 s7, $0x1;
	p1 =	sgt.u32 s6, $0x7;
	s10 =	smul.u32 $0x2700, s6  }
0xd: {  	s26 =	smul.u32 $0xA000, s6;
	p3 =	sne.s32 s6, $0xF;
	s7 =	ssub.s32 s7, s8  }
0xe: {  	s8 =	sor.u32 s6, s22;
	p0 =	por !p1, !p1;
	s22 =	sshrl.u32 s17, $0x3  }
0xf: {  	s11 =	smul.u32 $0x50, s8;
	p0 =	por @!p2 p1, p1;
	s9 =	sshrl.u32 s9, $0x2  }
0x10: {  	s12 =	smul.u32 $0x500, s8;
	s26 =	sadd.s32 s18, s26;
	s9 =	sadd.s32 s9, s2  }
0x11: {  	p1 =	seq.s32 s8, $0x1F;
	[dreg:$0x6] =	wrdreg s9;
	s9 =	sadd.s32 s1, s10  }
0x12: {  	s14 =	smin.u32 s11, $0x9A0;
	s21 =	sadd.s32 s5, s12;
	s24 =	smin.u32 s11, $0x990  }
0x13: {  	s25 =	smin.u32 s11, $0x980;
	s11 =	smin.u32 s11, $0x970;
	s10 =	sadd.s32 s10, s15  }
0x14: {  	s15 =	smul.u32 $0x500, s4;
	s23 =	sshll.u32 s14, $0x4;
	s14 =	sshll.u32 s24, $0x4  }
0x15: {  	s11 =	sshll.u32 s11, $0x4;
	s10 =	sadd.s32 s0, s10;
	s0 =	sadd.s32 s0, s22  }
0x16: {  	[dreg:$0x8] =	wrdreg s21;
	s12 =	sadd.s32 s23, s5;
	s16 =	sadd.s32 s14, s5  }
0x17: {  	s14 =	sshll.u32 s25, $0x4;
	[dreg:$0x9] =	wrdreg s10;
	s23 =	smul.u32 $0x50, s6  }
0x18: {  	s0 =	sadd.s32 $0x27000, s0;
	s10 =	simm.s32 $0x2;
	s19 =	sadd.s32 s14, s5  }
0x19: {  	s5 =	sadd.s32 s11, s5;
	s24 =	sadd.s32 $0x100, s12;
	[dreg:$0x15] =	wrdreg s0  }
0x1a: {  	s25 =	sadd.s32 $0x9D80, s12;
	s14 =	sadd.s32 $0x200, s16;
	[dreg:$0xa] =	wrdreg s24  }
0x1b: {  	s12 =	smov.u32 s20;
	s16 =	sadd.s32 $0x9E80, s16;
	[dreg:$0xb] =	wrdreg s25  }
0x1c: {  	s0 =	simm.s32 $0x6;
	[dreg:$0xc] =	wrdreg s14;
	s11 =	sadd.s32 s23, s15  }
0x1d: {  	[dreg:$0xe] =	wrdreg s16;
	s12 =	smov.u32 @p0 s9;
	s17 =	sadd.s32 $0x300, s19  }
0x1e: {  	s18 =	sadd.s32 $0x9F80, s19;
	p0 =	seq.s32 @!p3 s4, $0x0;
	s19 =	sadd.s32 $0x400, s5  }
0x1f: {  	s22 =	sadd.s32 $0xA080, s5;
	s23 =	sshll.u32 s6, $0x7;
	[dreg:$0xd] =	wrdreg s12  }
0x20: {  	s25 =	smax.u32 s7, $0x1;
	s14 =	simm.s32 $0x13880;
	[dreg:$0xf] =	wrdreg s17  }
0x21: {  	s5 =	simm.s32 $0x80;
	s7 =	simm.s32 $0x19C80;
	[dreg:$0x10] =	wrdreg s18  }
0x22: {  	s15 =	simm.s32 $0x0;
	s6 =	simm.s32 @!p3 $0x0;
	[dreg:$0x11] =	wrdreg s19  }
0x23: {  	[dreg:$0x12] =	wrdreg s22;
	p0 =	por !p0, p3;
	s24 =	sadd.s32 $0x15880, s23  }
0x24: {  	s4 =	sadd.s32 $0x15A80, s23;
	[dreg:$0x16] =	wrdreg s25;
	s25 =	sadd.s32 $0x40, s11  }
0x25: {  	s11 =	simm.s32 $0x3;
	s12 =	simm.s32 $0x4;
	[dreg:$0x13] =	wrdreg s24  }
0x26: {  	s6 =	simm.s32 @p3 $0x1;
	s20 =	smov.u32 @p0 s13;
	[dreg:$0x14] =	wrdreg s4  }
0x27: {  	p0 =	sgt.u32 @!p1 s8, $0x3;
	s24 =	sadd.s32 $0xFFED0000, s26;
	[smem:$0x7FD] =	sst s6  }
0x28: {  	s26 =	sadd.s32 $0x9C80, s21;
	s4 =	simm.s32 $0x15C80;
	[dreg:$0x5] =	wrdreg s20  }
0x29: {  	s8 =	simm.s32 $0x1;
	p2 =	por p0, p1;
	[dreg:$0x17] =	wrdreg s26  }
.LBB2_1:
0x2a: {  	s6 =	stileid.u32  }
0x2b: {  	s20 =	rddreg [dreg:$0x6];
	s9 =	sshll.u32 s6, $0x6  }
0x2c: {  	s21 =	rddreg [dreg:$0xd];
	s17 =	sshrl.u32 s20, $0x3;
	s16 =	sor.u32 $0x1C07, s9  }
0x2d: {  	[spmem:s17], [sflag:s16] =	dma.local [hbm:s21], $0x2700  }
0x2e: {  	_ =	swait.ge [sflag:s28], $0x2700  }
0x2f: {  	s9 =	simm.s32 @!p3 $0x1FC7;
	[sflag:s28] =	ssyncset.done $0x0;
	s6 =	rddreg [dreg:$0x7]  }
0x30: {  	[sflag:s28] =	ssyncadd.s32 $0xFFFFD900;
	s18 =	sshrl.u32 @!p3 s6, $0x3;
	s6 =	rddreg [dreg:$0x5]  }
0x31: {  	[spmem:s18], [sflag:s9] =	dma.local @!p3 [hbm:s6], $0x100  }
0x32: {  	s9 =	simm.s32 @!p3 $0x7  }
0x33: {  	_ =	swait.ge @!p3 [sflag:s9], $0x100  }
0x34: {  	[sflag:s9] =	ssyncset.done @!p3 $0x0  }
0x35: {  	[sflag:s9] =	ssyncadd.s32 @!p3 $0xFFFFFF00  }
0x36: {  	[bflag:$0x0] =	sbarrier.arrive $0xFFFF  }
0x37: {  	s22 =	rddreg [dreg:$0x8]  }
0x38: {  	[tilespmem:s14], [sflag:$0x5] =	stream.linear.gather [hbm4b:s22+s3], $0x800, $0x38;
	[tilespmem:$0x1DC80] =	vst v63  }
0x39: {  	s23 =	rddreg [dreg:$0x17]  }
0x3a: {  	[tilespmem:s29], [sflag:$0x6] =	stream.linear.gather [hbm4b:s23+s3], $0x800, $0x38;
	[tilespmem:$0x1DC80] =	vst v63  }
0x3b: {  	_ =	swait.ge [sflag:s31], $0x800  }
0x3c: {  	[sflag:s31] =	ssyncset.done $0x0  }
0x3d: {  	[sflag:s31] =	ssyncadd.s32 $0xFFFFF800  }
0x3e: {  	_ =	swait.ge [sflag:s0], $0x800  }
0x3f: {  	[sflag:s0] =	ssyncset.done $0x0  }
0x40: {  	[sflag:s0] =	ssyncadd.s32 $0xFFFFF800  }
0x41: {  	[tilespmem:s4], [sflag:$0x1] =	stream.indirect.gather [hbm4b:s1+s5], $0x80, s14, s5, $0xb8;
	[tilespmem:$0x1DC80] =	vst v63  }
0x42: {  	s26 =	simm.s32 $0x13900  }
0x43: {  	[tilespmem:s7], [sflag:$0x2] =	stream.indirect.gather [hbm4b:s1+s5], $0x80, s26, s5, $0xb8;
	[tilespmem:$0x1DC80] =	vst v63  }
0x44: {  	_ =	swait.ge [sflag:s8], $0x4000  }
0x45: {  	[sflag:s8] =	ssyncset.done $0x0  }
0x46: {  	[sflag:s8] =	ssyncadd.s32 $0xFFFFC000  }
0x47: {  	[spmem:s2] =	stream.indirect.scatter.add.f32 [tilespmem:s4], [sflag:$0x3], $0x80, s29, s5, $0xb8;
	[tilespmem:$0x1DC80] =	vst v63  }
0x48: {  	_ =	swait.ge [sflag:s10], $0x4000  }
0x49: {  	[sflag:s10] =	ssyncset.done $0x0  }
0x4a: {  	s9 =	simm.s32 $0x14100;
	[sflag:s10] =	ssyncadd.s32 $0xFFFFC000  }
0x4b: {  	[spmem:s2] =	stream.indirect.scatter.add.f32 [tilespmem:s7], [sflag:$0x4], $0x80, s9, s5, $0xb8;
	[tilespmem:$0x1DC80] =	vst v63  }
0x4c: {  	_ =	swait.ge [sflag:s11], $0x4000  }
0x4d: {  	[sflag:s11] =	ssyncset.done $0x0  }
0x4e: {  	s13 =	simm.s32 $0x13980;
	[sflag:s11] =	ssyncadd.s32 $0xFFFFC000  }
0x4f: {  	[tilespmem:s4], [sflag:$0x1] =	stream.indirect.gather [hbm4b:s1+s5], $0x80, s13, s5, $0xb8;
	[tilespmem:$0x1DC80] =	vst v63  }
0x50: {  	_ =	swait.ge [sflag:s12], $0x4000  }
0x51: {  	[sflag:s12] =	ssyncset.done $0x0  }
0x52: {  	s19 =	simm.s32 $0x13A00;
	[sflag:s12] =	ssyncadd.s32 $0xFFFFC000  }
0x53: {  	[tilespmem:s7], [sflag:$0x2] =	stream.indirect.gather [hbm4b:s1+s5], $0x80, s19, s5, $0xb8;
	[tilespmem:$0x1DC80] =	vst v63  }
0x54: {  	_ =	swait.ge [sflag:s8], $0x4000  }
0x55: {  	[sflag:s8] =	ssyncset.done $0x0  }
0x56: {  	s20 =	simm.s32 $0x14180;
	[sflag:s8] =	ssyncadd.s32 $0xFFFFC000  }
0x57: {  	[spmem:s2] =	stream.indirect.scatter.add.f32 [tilespmem:s4], [sflag:$0x3], $0x80, s20, s5, $0xb8;
	[tilespmem:$0x1DC80] =	vst v63  }
0x58: {  	_ =	swait.ge [sflag:s10], $0x4000  }
0x59: {  	[sflag:s10] =	ssyncset.done $0x0  }
0x5a: {  	s21 =	simm.s32 $0x14200;
	[sflag:s10] =	ssyncadd.s32 $0xFFFFC000  }
0x5b: {  	[spmem:s2] =	stream.indirect.scatter.add.f32 [tilespmem:s7], [sflag:$0x4], $0x80, s21, s5, $0xb8;
	[tilespmem:$0x1DC80] =	vst v63  }
0x5c: {  	s22 =	rddreg [dreg:$0xa]  }
0x5d: {  	[tilespmem:s30], [sflag:$0x5] =	stream.linear.gather [hbm4b:s22+s3], $0x800, $0x38;
	[tilespmem:$0x1DC80] =	vst v63  }
0x5e: {  	s26 =	simm.s32 $0x15080;
	s23 =	rddreg [dreg:$0xb]  }
0x5f: {  	[tilespmem:s26], [sflag:$0x6] =	stream.linear.gather [hbm4b:s23+s3], $0x800, $0x38;
	[tilespmem:$0x1DC80] =	vst v63  }
0x60: {  	_ =	swait.ge [sflag:s11], $0x4000  }
0x61: {  	[sflag:s11] =	ssyncset.done $0x0  }
0x62: {  	s9 =	simm.s32 $0x13A80;
	[sflag:s11] =	ssyncadd.s32 $0xFFFFC000  }
0x63: {  	[tilespmem:s4], [sflag:$0x1] =	stream.indirect.gather [hbm4b:s1+s5], $0x80, s9, s5, $0xb8;
	[tilespmem:$0x1DC80] =	vst v63  }
0x64: {  	_ =	swait.ge [sflag:s12], $0x4000  }
0x65: {  	[sflag:s12] =	ssyncset.done $0x0  }
0x66: {  	s13 =	simm.s32 $0x13B00;
	[sflag:s12] =	ssyncadd.s32 $0xFFFFC000  }
0x67: {  	[tilespmem:s7], [sflag:$0x2] =	stream.indirect.gather [hbm4b:s1+s5], $0x80, s13, s5, $0xb8;
	[tilespmem:$0x1DC80] =	vst v63  }
0x68: {  	_ =	swait.ge [sflag:s8], $0x4000  }
0x69: {  	[sflag:s8] =	ssyncset.done $0x0  }
0x6a: {  	s19 =	simm.s32 $0x14280;
	[sflag:s8] =	ssyncadd.s32 $0xFFFFC000  }
0x6b: {  	[spmem:s2] =	stream.indirect.scatter.add.f32 [tilespmem:s4], [sflag:$0x3], $0x80, s19, s5, $0xb8;
	[tilespmem:$0x1DC80] =	vst v63  }
0x6c: {  	_ =	swait.ge [sflag:s10], $0x4000  }
0x6d: {  	[sflag:s10] =	ssyncset.done $0x0  }
0x6e: {  	s20 =	simm.s32 $0x14300;
	[sflag:s10] =	ssyncadd.s32 $0xFFFFC000  }
0x6f: {  	[spmem:s2] =	stream.indirect.scatter.add.f32 [tilespmem:s7], [sflag:$0x4], $0x80, s20, s5, $0xb8;
	[tilespmem:$0x1DC80] =	vst v63  }
0x70: {  	_ =	swait.ge [sflag:s11], $0x4000  }
0x71: {  	[sflag:s11] =	ssyncset.done $0x0  }
0x72: {  	s21 =	simm.s32 $0x13B80;
	[sflag:s11] =	ssyncadd.s32 $0xFFFFC000  }
0x73: {  	[tilespmem:s4], [sflag:$0x1] =	stream.indirect.gather [hbm4b:s1+s5], $0x80, s21, s5, $0xb8;
	[tilespmem:$0x1DC80] =	vst v63  }
0x74: {  	_ =	swait.ge [sflag:s12], $0x4000  }
0x75: {  	[sflag:s12] =	ssyncset.done $0x0  }
0x76: {  	s22 =	simm.s32 $0x13C00;
	[sflag:s12] =	ssyncadd.s32 $0xFFFFC000  }
0x77: {  	[tilespmem:s7], [sflag:$0x2] =	stream.indirect.gather [hbm4b:s1+s5], $0x80, s22, s5, $0xb8;
	[tilespmem:$0x1DC80] =	vst v63  }
0x78: {  	_ =	swait.ge [sflag:s8], $0x4000  }
0x79: {  	[sflag:s8] =	ssyncset.done $0x0  }
0x7a: {  	s23 =	simm.s32 $0x14380;
	[sflag:s8] =	ssyncadd.s32 $0xFFFFC000  }
0x7b: {  	[spmem:s2] =	stream.indirect.scatter.add.f32 [tilespmem:s4], [sflag:$0x3], $0x80, s23, s5, $0xb8;
	[tilespmem:$0x1DC80] =	vst v63  }
0x7c: {  	_ =	swait.ge [sflag:s10], $0x4000  }
0x7d: {  	[sflag:s10] =	ssyncset.done $0x0  }
0x7e: {  	s26 =	simm.s32 $0x14400;
	[sflag:s10] =	ssyncadd.s32 $0xFFFFC000  }
0x7f: {  	[spmem:s2] =	stream.indirect.scatter.add.f32 [tilespmem:s7], [sflag:$0x4], $0x80, s26, s5, $0xb8;
	[tilespmem:$0x1DC80] =	vst v63  }
0x80: {  	_ =	swait.ge [sflag:s11], $0x4000  }
0x81: {  	[sflag:s11] =	ssyncset.done $0x0  }
0x82: {  	s9 =	simm.s32 $0x13C80;
	[sflag:s11] =	ssyncadd.s32 $0xFFFFC000  }
0x83: {  	[tilespmem:s4], [sflag:$0x1] =	stream.indirect.gather [hbm4b:s1+s5], $0x80, s9, s5, $0xb8;
	[tilespmem:$0x1DC80] =	vst v63  }
0x84: {  	_ =	swait.ge [sflag:s12], $0x4000  }
0x85: {  	[sflag:s12] =	ssyncset.done $0x0  }
0x86: {  	s13 =	simm.s32 $0x13D00;
	[sflag:s12] =	ssyncadd.s32 $0xFFFFC000  }
0x87: {  	[tilespmem:s7], [sflag:$0x2] =	stream.indirect.gather [hbm4b:s1+s5], $0x80, s13, s5, $0xb8;
	[tilespmem:$0x1DC80] =	vst v63  }
0x88: {  	_ =	swait.ge [sflag:s8], $0x4000  }
0x89: {  	[sflag:s8] =	ssyncset.done $0x0  }
0x8a: {  	s19 =	simm.s32 $0x14480;
	[sflag:s8] =	ssyncadd.s32 $0xFFFFC000  }
0x8b: {  	[spmem:s2] =	stream.indirect.scatter.add.f32 [tilespmem:s4], [sflag:$0x3], $0x80, s19, s5, $0xb8;
	[tilespmem:$0x1DC80] =	vst v63  }
0x8c: {  	_ =	swait.ge [sflag:s10], $0x4000  }
0x8d: {  	[sflag:s10] =	ssyncset.done $0x0  }
0x8e: {  	s20 =	simm.s32 $0x14500;
	[sflag:s10] =	ssyncadd.s32 $0xFFFFC000  }
0x8f: {  	[spmem:s2] =	stream.indirect.scatter.add.f32 [tilespmem:s7], [sflag:$0x4], $0x80, s20, s5, $0xb8;
	[tilespmem:$0x1DC80] =	vst v63  }
0x90: {  	_ =	swait.ge [sflag:s11], $0x4000  }
0x91: {  	[sflag:s11] =	ssyncset.done $0x0  }
0x92: {  	s21 =	simm.s32 $0x13D80;
	[sflag:s11] =	ssyncadd.s32 $0xFFFFC000  }
0x93: {  	[tilespmem:s4], [sflag:$0x1] =	stream.indirect.gather [hbm4b:s1+s5], $0x80, s21, s5, $0xb8;
	[tilespmem:$0x1DC80] =	vst v63  }
0x94: {  	_ =	swait.ge [sflag:s12], $0x4000  }
0x95: {  	[sflag:s12] =	ssyncset.done $0x0  }
0x96: {  	s22 =	simm.s32 $0x13E00;
	[sflag:s12] =	ssyncadd.s32 $0xFFFFC000  }
0x97: {  	[tilespmem:s7], [sflag:$0x2] =	stream.indirect.gather [hbm4b:s1+s5], $0x80, s22, s5, $0xb8;
	[tilespmem:$0x1DC80] =	vst v63  }
0x98: {  	_ =	swait.ge [sflag:s8], $0x4000  }
0x99: {  	[sflag:s8] =	ssyncset.done $0x0  }
0x9a: {  	s23 =	simm.s32 $0x14580;
	[sflag:s8] =	ssyncadd.s32 $0xFFFFC000  }
0x9b: {  	[spmem:s2] =	stream.indirect.scatter.add.f32 [tilespmem:s4], [sflag:$0x3], $0x80, s23, s5, $0xb8;
	[tilespmem:$0x1DC80] =	vst v63  }
0x9c: {  	_ =	swait.ge [sflag:s10], $0x4000  }
0x9d: {  	[sflag:s10] =	ssyncset.done $0x0  }
0x9e: {  	s26 =	simm.s32 $0x14600;
	[sflag:s10] =	ssyncadd.s32 $0xFFFFC000  }
0x9f: {  	[spmem:s2] =	stream.indirect.scatter.add.f32 [tilespmem:s7], [sflag:$0x4], $0x80, s26, s5, $0xb8;
	[tilespmem:$0x1DC80] =	vst v63  }
0xa0: {  	_ =	swait.ge [sflag:s11], $0x4000  }
0xa1: {  	[sflag:s11] =	ssyncset.done $0x0  }
0xa2: {  	s9 =	simm.s32 $0x13E80;
	[sflag:s11] =	ssyncadd.s32 $0xFFFFC000  }
0xa3: {  	[tilespmem:s4], [sflag:$0x1] =	stream.indirect.gather [hbm4b:s1+s5], $0x80, s9, s5, $0xb8;
	[tilespmem:$0x1DC80] =	vst v63  }
0xa4: {  	_ =	swait.ge [sflag:s12], $0x4000  }
0xa5: {  	[sflag:s12] =	ssyncset.done $0x0  }
0xa6: {  	s13 =	simm.s32 $0x13F00;
	[sflag:s12] =	ssyncadd.s32 $0xFFFFC000  }
0xa7: {  	[tilespmem:s7], [sflag:$0x2] =	stream.indirect.gather [hbm4b:s1+s5], $0x80, s13, s5, $0xb8;
	[tilespmem:$0x1DC80] =	vst v63  }
0xa8: {  	_ =	swait.ge [sflag:s8], $0x4000  }
0xa9: {  	[sflag:s8] =	ssyncset.done $0x0  }
0xaa: {  	s19 =	simm.s32 $0x14680;
	[sflag:s8] =	ssyncadd.s32 $0xFFFFC000  }
0xab: {  	[spmem:s2] =	stream.indirect.scatter.add.f32 [tilespmem:s4], [sflag:$0x3], $0x80, s19, s5, $0xb8;
	[tilespmem:$0x1DC80] =	vst v63  }
0xac: {  	_ =	swait.ge [sflag:s10], $0x4000  }
0xad: {  	[sflag:s10] =	ssyncset.done $0x0  }
0xae: {  	s20 =	simm.s32 $0x14700;
	[sflag:s10] =	ssyncadd.s32 $0xFFFFC000  }
0xaf: {  	[spmem:s2] =	stream.indirect.scatter.add.f32 [tilespmem:s7], [sflag:$0x4], $0x80, s20, s5, $0xb8;
	[tilespmem:$0x1DC80] =	vst v63  }
0xb0: {  	_ =	swait.ge [sflag:s11], $0x4000  }
0xb1: {  	[sflag:s11] =	ssyncset.done $0x0  }
0xb2: {  	s21 =	simm.s32 $0x13F80;
	[sflag:s11] =	ssyncadd.s32 $0xFFFFC000  }
0xb3: {  	[tilespmem:s4], [sflag:$0x1] =	stream.indirect.gather [hbm4b:s1+s5], $0x80, s21, s5, $0xb8;
	[tilespmem:$0x1DC80] =	vst v63  }
0xb4: {  	_ =	swait.ge [sflag:s12], $0x4000  }
0xb5: {  	[sflag:s12] =	ssyncset.done $0x0  }
0xb6: {  	s22 =	simm.s32 $0x14000;
	[sflag:s12] =	ssyncadd.s32 $0xFFFFC000  }
0xb7: {  	[tilespmem:s7], [sflag:$0x2] =	stream.indirect.gather [hbm4b:s1+s5], $0x80, s22, s5, $0xb8;
	[tilespmem:$0x1DC80] =	vst v63  }
0xb8: {  	_ =	swait.ge [sflag:s8], $0x4000  }
0xb9: {  	[sflag:s8] =	ssyncset.done $0x0  }
0xba: {  	s23 =	simm.s32 $0x14780;
	[sflag:s8] =	ssyncadd.s32 $0xFFFFC000  }
0xbb: {  	[spmem:s2] =	stream.indirect.scatter.add.f32 [tilespmem:s4], [sflag:$0x3], $0x80, s23, s5, $0xb8;
	[tilespmem:$0x1DC80] =	vst v63  }
0xbc: {  	_ =	swait.ge [sflag:s10], $0x4000  }
0xbd: {  	[sflag:s10] =	ssyncset.done $0x0  }
0xbe: {  	s26 =	simm.s32 $0x14800;
	[sflag:s10] =	ssyncadd.s32 $0xFFFFC000  }
0xbf: {  	[spmem:s2] =	stream.indirect.scatter.add.f32 [tilespmem:s7], [sflag:$0x4], $0x80, s26, s5, $0xb8;
	[tilespmem:$0x1DC80] =	vst v63  }
0xc0: {  	_ =	swait.ge [sflag:s31], $0x800  }
0xc1: {  	[sflag:s31] =	ssyncset.done $0x0  }
0xc2: {  	[sflag:s31] =	ssyncadd.s32 $0xFFFFF800  }
0xc3: {  	_ =	swait.ge [sflag:s0], $0x800  }
0xc4: {  	[sflag:s0] =	ssyncset.done $0x0  }
0xc5: {  	[sflag:s0] =	ssyncadd.s32 $0xFFFFF800  }
0xc6: {  	_ =	swait.ge [sflag:s11], $0x4000  }
0xc7: {  	[sflag:s11] =	ssyncset.done $0x0  }
0xc8: {  	s9 =	simm.s32 @p1 $0x4;
	[sflag:s11] =	ssyncadd.s32 $0xFFFFC000  }
0xc9: {  	_ =	swait.ge @p1 [sflag:s9], $0x4000  }
0xca: {  	s19 =	simm.s32 @!p1 $0x80;
	s20 =	simm.s32 @!p1 $0x15C80;
	[sflag:s9] =	ssyncset.done @p1 $0x0  }
0xcb: {  	s22 =	simm.s32 @!p1 $0x4;
	[sflag:s9] =	ssyncadd.s32 @p1 $0xFFFFC000;
	s9 =	simm.s32 @!p1 $0x14880  }
0xcc: {  	[tilespmem:s20], [sflag:$0x1] =	stream.indirect.gather @!p1 [hbm4b:s1+s19], $0x80, s9, s19, $0xb8;
	[tilespmem:$0x1DC80] =	vst v63  }
0xcd: {  	_ =	swait.ge @!p1 [sflag:s22], $0x4000  }
0xce: {  	s21 =	simm.s32 @!p1 $0x19C80;
	[sflag:s22] =	ssyncset.done @!p1 $0x0  }
0xcf: {  	s23 =	simm.s32 @!p1 $0x1;
	s9 =	simm.s32 @!p1 $0x14900;
	[sflag:s22] =	ssyncadd.s32 @!p1 $0xFFFFC000  }
0xd0: {  	[tilespmem:s21], [sflag:$0x2] =	stream.indirect.gather @!p1 [hbm4b:s1+s19], $0x80, s9, s19, $0xb8;
	[tilespmem:$0x1DC80] =	vst v63  }
0xd1: {  	_ =	swait.ge @!p1 [sflag:s23], $0x4000  }
0xd2: {  	[sflag:s23] =	ssyncset.done @!p1 $0x0  }
0xd3: {  	s26 =	simm.s32 @!p1 $0x2;
	s9 =	simm.s32 @!p1 $0x15080;
	[sflag:s23] =	ssyncadd.s32 @!p1 $0xFFFFC000  }
0xd4: {  	[spmem:s2] =	stream.indirect.scatter.add.f32 @!p1 [tilespmem:s20], [sflag:$0x3], $0x80, s9, s19, $0xb8;
	[tilespmem:$0x1DC80] =	vst v63  }
0xd5: {  	_ =	swait.ge @!p1 [sflag:s26], $0x4000  }
0xd6: {  	[sflag:s26] =	ssyncset.done @!p1 $0x0  }
0xd7: {  	s13 =	simm.s32 @!p1 $0x3;
	s9 =	simm.s32 @!p1 $0x15100;
	[sflag:s26] =	ssyncadd.s32 @!p1 $0xFFFFC000  }
0xd8: {  	[spmem:s2] =	stream.indirect.scatter.add.f32 @!p1 [tilespmem:s21], [sflag:$0x4], $0x80, s9, s19, $0xb8;
	[tilespmem:$0x1DC80] =	vst v63  }
0xd9: {  	_ =	swait.ge @!p1 [sflag:s13], $0x4000  }
0xda: {  	[sflag:s13] =	ssyncset.done @!p1 $0x0  }
0xdb: {  	s9 =	simm.s32 @!p1 $0x14980;
	[sflag:s13] =	ssyncadd.s32 @!p1 $0xFFFFC000  }
0xdc: {  	[tilespmem:s20], [sflag:$0x1] =	stream.indirect.gather @!p1 [hbm4b:s1+s19], $0x80, s9, s19, $0xb8;
	[tilespmem:$0x1DC80] =	vst v63  }
0xdd: {  	_ =	swait.ge @!p1 [sflag:s22], $0x4000  }
0xde: {  	[sflag:s22] =	ssyncset.done @!p1 $0x0  }
0xdf: {  	s9 =	simm.s32 @!p1 $0x14A00;
	[sflag:s22] =	ssyncadd.s32 @!p1 $0xFFFFC000  }
0xe0: {  	[tilespmem:s21], [sflag:$0x2] =	stream.indirect.gather @!p1 [hbm4b:s1+s19], $0x80, s9, s19, $0xb8;
	[tilespmem:$0x1DC80] =	vst v63  }
0xe1: {  	_ =	swait.ge @!p1 [sflag:s23], $0x4000  }
0xe2: {  	[sflag:s23] =	ssyncset.done @!p1 $0x0  }
0xe3: {  	s9 =	simm.s32 @!p1 $0x15180;
	[sflag:s23] =	ssyncadd.s32 @!p1 $0xFFFFC000  }
0xe4: {  	[spmem:s2] =	stream.indirect.scatter.add.f32 @!p1 [tilespmem:s20], [sflag:$0x3], $0x80, s9, s19, $0xb8;
	[tilespmem:$0x1DC80] =	vst v63  }
0xe5: {  	_ =	swait.ge @!p1 [sflag:s26], $0x4000  }
0xe6: {  	[sflag:s26] =	ssyncset.done @!p1 $0x0  }
0xe7: {  	s9 =	simm.s32 @!p1 $0x15200;
	[sflag:s26] =	ssyncadd.s32 @!p1 $0xFFFFC000  }
0xe8: {  	[spmem:s2] =	stream.indirect.scatter.add.f32 @!p1 [tilespmem:s21], [sflag:$0x4], $0x80, s9, s19, $0xb8;
	[tilespmem:$0x1DC80] =	vst v63  }
.Ltmp0:
0xe9: {  	_ = 	snop;
	(pc) =	sbr.rel @p1 .LBB2_3-.Ltmp0, $4  }
0xea: {  	s9 =	rddreg [dreg:$0xc]  }
0xeb: {  	[tilespmem:s14], [sflag:$0x5] =	stream.linear.gather [hbm4b:s9+s3], $0x800, $0x38;
	[tilespmem:$0x1DC80] =	vst v63  }
0xec: {  	s9 =	rddreg [dreg:$0xe]  }
0xed: {  	[tilespmem:s29], [sflag:$0x6] =	stream.linear.gather [hbm4b:s9+s3], $0x800, $0x38;
	[tilespmem:$0x1DC80] =	vst v63  }
0xee: {  	_ =	swait.ge [sflag:s11], $0x4000  }
0xef: {  	[sflag:s11] =	ssyncset.done $0x0  }
0xf0: {  	s6 =	simm.s32 $0x14A80;
	[sflag:s11] =	ssyncadd.s32 $0xFFFFC000  }
0xf1: {  	[tilespmem:s4], [sflag:$0x1] =	stream.indirect.gather [hbm4b:s1+s5], $0x80, s6, s5, $0xb8;
	[tilespmem:$0x1DC80] =	vst v63  }
0xf2: {  	_ =	swait.ge [sflag:s12], $0x4000  }
0xf3: {  	[sflag:s12] =	ssyncset.done $0x0  }
0xf4: {  	s9 =	simm.s32 $0x14B00;
	[sflag:s12] =	ssyncadd.s32 $0xFFFFC000  }
0xf5: {  	[tilespmem:s7], [sflag:$0x2] =	stream.indirect.gather [hbm4b:s1+s5], $0x80, s9, s5, $0xb8;
	[tilespmem:$0x1DC80] =	vst v63  }
0xf6: {  	_ =	swait.ge [sflag:s8], $0x4000  }
0xf7: {  	[sflag:s8] =	ssyncset.done $0x0  }
0xf8: {  	s9 =	simm.s32 $0x15280;
	[sflag:s8] =	ssyncadd.s32 $0xFFFFC000  }
0xf9: {  	[spmem:s2] =	stream.indirect.scatter.add.f32 [tilespmem:s4], [sflag:$0x3], $0x80, s9, s5, $0xb8;
	[tilespmem:$0x1DC80] =	vst v63  }
0xfa: {  	_ =	swait.ge [sflag:s10], $0x4000  }
0xfb: {  	[sflag:s10] =	ssyncset.done $0x0  }
0xfc: {  	s9 =	simm.s32 $0x15300;
	[sflag:s10] =	ssyncadd.s32 $0xFFFFC000  }
0xfd: {  	[spmem:s2] =	stream.indirect.scatter.add.f32 [tilespmem:s7], [sflag:$0x4], $0x80, s9, s5, $0xb8;
	[tilespmem:$0x1DC80] =	vst v63  }
0xfe: {  	_ =	swait.ge [sflag:s11], $0x4000  }
0xff: {  	[sflag:s11] =	ssyncset.done $0x0  }
0x100: {  	s9 =	simm.s32 $0x14B80;
	[sflag:s11] =	ssyncadd.s32 $0xFFFFC000  }
0x101: {  	[tilespmem:s4], [sflag:$0x1] =	stream.indirect.gather [hbm4b:s1+s5], $0x80, s9, s5, $0xb8;
	[tilespmem:$0x1DC80] =	vst v63  }
0x102: {  	_ =	swait.ge [sflag:s12], $0x4000  }
0x103: {  	[sflag:s12] =	ssyncset.done $0x0  }
0x104: {  	s9 =	simm.s32 $0x14C00;
	[sflag:s12] =	ssyncadd.s32 $0xFFFFC000  }
0x105: {  	[tilespmem:s7], [sflag:$0x2] =	stream.indirect.gather [hbm4b:s1+s5], $0x80, s9, s5, $0xb8;
	[tilespmem:$0x1DC80] =	vst v63  }
0x106: {  	_ =	swait.ge [sflag:s8], $0x4000  }
0x107: {  	[sflag:s8] =	ssyncset.done $0x0  }
0x108: {  	s9 =	simm.s32 $0x15380;
	[sflag:s8] =	ssyncadd.s32 $0xFFFFC000  }
0x109: {  	[spmem:s2] =	stream.indirect.scatter.add.f32 [tilespmem:s4], [sflag:$0x3], $0x80, s9, s5, $0xb8;
	[tilespmem:$0x1DC80] =	vst v63  }
0x10a: {  	_ =	swait.ge [sflag:s10], $0x4000  }
0x10b: {  	[sflag:s10] =	ssyncset.done $0x0  }
0x10c: {  	s9 =	simm.s32 $0x15400;
	[sflag:s10] =	ssyncadd.s32 $0xFFFFC000  }
0x10d: {  	[spmem:s2] =	stream.indirect.scatter.add.f32 [tilespmem:s7], [sflag:$0x4], $0x80, s9, s5, $0xb8;
	[tilespmem:$0x1DC80] =	vst v63  }
0x10e: {  	_ =	swait.ge [sflag:s11], $0x4000  }
0x10f: {  	[sflag:s11] =	ssyncset.done $0x0  }
0x110: {  	s9 =	simm.s32 $0x14C80;
	[sflag:s11] =	ssyncadd.s32 $0xFFFFC000  }
0x111: {  	[tilespmem:s4], [sflag:$0x1] =	stream.indirect.gather [hbm4b:s1+s5], $0x80, s9, s5, $0xb8;
	[tilespmem:$0x1DC80] =	vst v63  }
0x112: {  	_ =	swait.ge [sflag:s12], $0x4000  }
0x113: {  	[sflag:s12] =	ssyncset.done $0x0  }
0x114: {  	s9 =	simm.s32 $0x14D00;
	[sflag:s12] =	ssyncadd.s32 $0xFFFFC000  }
0x115: {  	[tilespmem:s7], [sflag:$0x2] =	stream.indirect.gather [hbm4b:s1+s5], $0x80, s9, s5, $0xb8;
	[tilespmem:$0x1DC80] =	vst v63  }
0x116: {  	_ =	swait.ge [sflag:s8], $0x4000  }
0x117: {  	[sflag:s8] =	ssyncset.done $0x0  }
0x118: {  	s9 =	simm.s32 $0x15480;
	[sflag:s8] =	ssyncadd.s32 $0xFFFFC000  }
0x119: {  	[spmem:s2] =	stream.indirect.scatter.add.f32 [tilespmem:s4], [sflag:$0x3], $0x80, s9, s5, $0xb8;
	[tilespmem:$0x1DC80] =	vst v63  }
0x11a: {  	_ =	swait.ge [sflag:s10], $0x4000  }
0x11b: {  	[sflag:s10] =	ssyncset.done $0x0  }
0x11c: {  	s9 =	simm.s32 $0x15500;
	[sflag:s10] =	ssyncadd.s32 $0xFFFFC000  }
0x11d: {  	[spmem:s2] =	stream.indirect.scatter.add.f32 [tilespmem:s7], [sflag:$0x4], $0x80, s9, s5, $0xb8;
	[tilespmem:$0x1DC80] =	vst v63  }
0x11e: {  	_ =	swait.ge [sflag:s11], $0x4000  }
0x11f: {  	[sflag:s11] =	ssyncset.done $0x0  }
0x120: {  	s9 =	simm.s32 $0x14D80;
	[sflag:s11] =	ssyncadd.s32 $0xFFFFC000  }
0x121: {  	[tilespmem:s4], [sflag:$0x1] =	stream.indirect.gather [hbm4b:s1+s5], $0x80, s9, s5, $0xb8;
	[tilespmem:$0x1DC80] =	vst v63  }
0x122: {  	_ =	swait.ge [sflag:s12], $0x4000  }
0x123: {  	[sflag:s12] =	ssyncset.done $0x0  }
0x124: {  	s9 =	simm.s32 $0x14E00;
	[sflag:s12] =	ssyncadd.s32 $0xFFFFC000  }
0x125: {  	[tilespmem:s7], [sflag:$0x2] =	stream.indirect.gather [hbm4b:s1+s5], $0x80, s9, s5, $0xb8;
	[tilespmem:$0x1DC80] =	vst v63  }
0x126: {  	_ =	swait.ge [sflag:s8], $0x4000  }
0x127: {  	[sflag:s8] =	ssyncset.done $0x0  }
0x128: {  	s9 =	simm.s32 $0x15580;
	[sflag:s8] =	ssyncadd.s32 $0xFFFFC000  }
0x129: {  	[spmem:s2] =	stream.indirect.scatter.add.f32 [tilespmem:s4], [sflag:$0x3], $0x80, s9, s5, $0xb8;
	[tilespmem:$0x1DC80] =	vst v63  }
0x12a: {  	_ =	swait.ge [sflag:s10], $0x4000  }
0x12b: {  	[sflag:s10] =	ssyncset.done $0x0  }
0x12c: {  	s9 =	simm.s32 $0x15600;
	[sflag:s10] =	ssyncadd.s32 $0xFFFFC000  }
0x12d: {  	[spmem:s2] =	stream.indirect.scatter.add.f32 [tilespmem:s7], [sflag:$0x4], $0x80, s9, s5, $0xb8;
	[tilespmem:$0x1DC80] =	vst v63  }
0x12e: {  	_ =	swait.ge [sflag:s11], $0x4000  }
0x12f: {  	[sflag:s11] =	ssyncset.done $0x0  }
0x130: {  	s9 =	simm.s32 $0x14E80;
	[sflag:s11] =	ssyncadd.s32 $0xFFFFC000  }
0x131: {  	[tilespmem:s4], [sflag:$0x1] =	stream.indirect.gather [hbm4b:s1+s5], $0x80, s9, s5, $0xb8;
	[tilespmem:$0x1DC80] =	vst v63  }
0x132: {  	_ =	swait.ge [sflag:s12], $0x4000  }
0x133: {  	[sflag:s12] =	ssyncset.done $0x0  }
0x134: {  	s9 =	simm.s32 $0x14F00;
	[sflag:s12] =	ssyncadd.s32 $0xFFFFC000  }
0x135: {  	[tilespmem:s7], [sflag:$0x2] =	stream.indirect.gather [hbm4b:s1+s5], $0x80, s9, s5, $0xb8;
	[tilespmem:$0x1DC80] =	vst v63  }
0x136: {  	_ =	swait.ge [sflag:s8], $0x4000  }
0x137: {  	[sflag:s8] =	ssyncset.done $0x0  }
0x138: {  	s9 =	simm.s32 $0x15680;
	[sflag:s8] =	ssyncadd.s32 $0xFFFFC000  }
0x139: {  	[spmem:s2] =	stream.indirect.scatter.add.f32 [tilespmem:s4], [sflag:$0x3], $0x80, s9, s5, $0xb8;
	[tilespmem:$0x1DC80] =	vst v63  }
0x13a: {  	_ =	swait.ge [sflag:s10], $0x4000  }
0x13b: {  	[sflag:s10] =	ssyncset.done $0x0  }
0x13c: {  	s9 =	simm.s32 $0x15700;
	[sflag:s10] =	ssyncadd.s32 $0xFFFFC000  }
0x13d: {  	[spmem:s2] =	stream.indirect.scatter.add.f32 [tilespmem:s7], [sflag:$0x4], $0x80, s9, s5, $0xb8;
	[tilespmem:$0x1DC80] =	vst v63  }
0x13e: {  	_ =	swait.ge [sflag:s11], $0x4000  }
0x13f: {  	[sflag:s11] =	ssyncset.done $0x0  }
0x140: {  	s9 =	simm.s32 $0x14F80;
	[sflag:s11] =	ssyncadd.s32 $0xFFFFC000  }
0x141: {  	[tilespmem:s4], [sflag:$0x1] =	stream.indirect.gather [hbm4b:s1+s5], $0x80, s9, s5, $0xb8;
	[tilespmem:$0x1DC80] =	vst v63  }
0x142: {  	_ =	swait.ge [sflag:s12], $0x4000  }
0x143: {  	[sflag:s12] =	ssyncset.done $0x0  }
0x144: {  	s9 =	simm.s32 $0x15000;
	[sflag:s12] =	ssyncadd.s32 $0xFFFFC000  }
0x145: {  	[tilespmem:s7], [sflag:$0x2] =	stream.indirect.gather [hbm4b:s1+s5], $0x80, s9, s5, $0xb8;
	[tilespmem:$0x1DC80] =	vst v63  }
0x146: {  	_ =	swait.ge [sflag:s8], $0x4000  }
0x147: {  	[sflag:s8] =	ssyncset.done $0x0  }
0x148: {  	s9 =	simm.s32 $0x15780;
	[sflag:s8] =	ssyncadd.s32 $0xFFFFC000  }
0x149: {  	[spmem:s2] =	stream.indirect.scatter.add.f32 [tilespmem:s4], [sflag:$0x3], $0x80, s9, s5, $0xb8;
	[tilespmem:$0x1DC80] =	vst v63  }
0x14a: {  	_ =	swait.ge [sflag:s10], $0x4000  }
0x14b: {  	[sflag:s10] =	ssyncset.done $0x0  }
0x14c: {  	s9 =	simm.s32 $0x15800;
	[sflag:s10] =	ssyncadd.s32 $0xFFFFC000  }
0x14d: {  	[spmem:s2] =	stream.indirect.scatter.add.f32 [tilespmem:s7], [sflag:$0x4], $0x80, s9, s5, $0xb8;
	[tilespmem:$0x1DC80] =	vst v63  }
.LBB2_3:
0x14e: {  	_ =	swait.ge [sflag:s31], $0x800  }
0x14f: {  	[sflag:s31] =	ssyncset.done $0x0  }
0x150: {  	[sflag:s31] =	ssyncadd.s32 $0xFFFFF800  }
0x151: {  	_ =	swait.ge [sflag:s0], $0x800  }
0x152: {  	[sflag:s0] =	ssyncset.done $0x0  }
0x153: {  	[sflag:s0] =	ssyncadd.s32 $0xFFFFF800  }
0x154: {  	_ =	swait.ge @!p1 [sflag:s13], $0x4000  }
0x155: {  	[sflag:s13] =	ssyncset.done @!p1 $0x0  }
0x156: {  	s9 =	simm.s32 @!p1 $0x13880;
	[sflag:s13] =	ssyncadd.s32 @!p1 $0xFFFFC000  }
0x157: {  	[tilespmem:s20], [sflag:$0x1] =	stream.indirect.gather @!p1 [hbm4b:s1+s19], $0x80, s9, s19, $0xb8;
	[tilespmem:$0x1DC80] =	vst v63  }
0x158: {  	_ =	swait.ge @!p1 [sflag:s22], $0x4000  }
0x159: {  	[sflag:s22] =	ssyncset.done @!p1 $0x0  }
0x15a: {  	s9 =	simm.s32 @!p1 $0x13900;
	[sflag:s22] =	ssyncadd.s32 @!p1 $0xFFFFC000  }
0x15b: {  	[tilespmem:s21], [sflag:$0x2] =	stream.indirect.gather @!p1 [hbm4b:s1+s19], $0x80, s9, s19, $0xb8;
	[tilespmem:$0x1DC80] =	vst v63  }
0x15c: {  	_ =	swait.ge @!p1 [sflag:s23], $0x4000  }
0x15d: {  	[sflag:s23] =	ssyncset.done @!p1 $0x0  }
0x15e: {  	s9 =	simm.s32 @!p1 $0x14080;
	[sflag:s23] =	ssyncadd.s32 @!p1 $0xFFFFC000  }
0x15f: {  	[spmem:s2] =	stream.indirect.scatter.add.f32 @!p1 [tilespmem:s20], [sflag:$0x3], $0x80, s9, s19, $0xb8;
	[tilespmem:$0x1DC80] =	vst v63  }
0x160: {  	_ =	swait.ge @!p1 [sflag:s26], $0x4000  }
0x161: {  	[sflag:s26] =	ssyncset.done @!p1 $0x0  }
0x162: {  	s9 =	simm.s32 @!p1 $0x14100;
	[sflag:s26] =	ssyncadd.s32 @!p1 $0xFFFFC000  }
0x163: {  	[spmem:s2] =	stream.indirect.scatter.add.f32 @!p1 [tilespmem:s21], [sflag:$0x4], $0x80, s9, s19, $0xb8;
	[tilespmem:$0x1DC80] =	vst v63  }
0x164: {  	_ =	swait.ge @!p1 [sflag:s13], $0x4000  }
0x165: {  	[sflag:s13] =	ssyncset.done @!p1 $0x0  }
0x166: {  	s9 =	simm.s32 @!p1 $0x13980;
	[sflag:s13] =	ssyncadd.s32 @!p1 $0xFFFFC000  }
0x167: {  	[tilespmem:s20], [sflag:$0x1] =	stream.indirect.gather @!p1 [hbm4b:s1+s19], $0x80, s9, s19, $0xb8;
	[tilespmem:$0x1DC80] =	vst v63  }
0x168: {  	_ =	swait.ge @!p1 [sflag:s22], $0x4000  }
0x169: {  	[sflag:s22] =	ssyncset.done @!p1 $0x0  }
0x16a: {  	s9 =	simm.s32 @!p1 $0x13A00;
	[sflag:s22] =	ssyncadd.s32 @!p1 $0xFFFFC000  }
0x16b: {  	[tilespmem:s21], [sflag:$0x2] =	stream.indirect.gather @!p1 [hbm4b:s1+s19], $0x80, s9, s19, $0xb8;
	[tilespmem:$0x1DC80] =	vst v63  }
0x16c: {  	_ =	swait.ge @!p1 [sflag:s23], $0x4000  }
0x16d: {  	[sflag:s23] =	ssyncset.done @!p1 $0x0  }
0x16e: {  	s9 =	simm.s32 @!p1 $0x14180;
	[sflag:s23] =	ssyncadd.s32 @!p1 $0xFFFFC000  }
0x16f: {  	[spmem:s2] =	stream.indirect.scatter.add.f32 @!p1 [tilespmem:s20], [sflag:$0x3], $0x80, s9, s19, $0xb8;
	[tilespmem:$0x1DC80] =	vst v63  }
0x170: {  	_ =	swait.ge @!p1 [sflag:s26], $0x4000  }
0x171: {  	[sflag:s26] =	ssyncset.done @!p1 $0x0  }
0x172: {  	s9 =	simm.s32 @!p1 $0x14200;
	[sflag:s26] =	ssyncadd.s32 @!p1 $0xFFFFC000  }
0x173: {  	[spmem:s2] =	stream.indirect.scatter.add.f32 @!p1 [tilespmem:s21], [sflag:$0x4], $0x80, s9, s19, $0xb8;
	[tilespmem:$0x1DC80] =	vst v63  }
.Ltmp1:
0x174: {  	_ = 	snop;
	(pc) =	sbr.rel @p1 .LBB2_5-.Ltmp1, $4  }
0x175: {  	s6 =	rddreg [dreg:$0xf]  }
0x176: {  	[tilespmem:s30], [sflag:$0x5] =	stream.linear.gather [hbm4b:s6+s3], $0x800, $0x38;
	[tilespmem:$0x1DC80] =	vst v63  }
0x177: {  	s26 =	rddreg [dreg:$0x10];
	s30 =	simm.s32 $0x15080  }
0x178: {  	[tilespmem:s30], [sflag:$0x6] =	stream.linear.gather [hbm4b:s26+s3], $0x800, $0x38;
	[tilespmem:$0x1DC80] =	vst v63  }
0x179: {  	_ =	swait.ge [sflag:s11], $0x4000  }
0x17a: {  	[sflag:s11] =	ssyncset.done $0x0  }
0x17b: {  	s6 =	simm.s32 $0x13A80;
	[sflag:s11] =	ssyncadd.s32 $0xFFFFC000  }
0x17c: {  	[tilespmem:s4], [sflag:$0x1] =	stream.indirect.gather [hbm4b:s1+s5], $0x80, s6, s5, $0xb8;
	[tilespmem:$0x1DC80] =	vst v63  }
0x17d: {  	_ =	swait.ge [sflag:s12], $0x4000  }
0x17e: {  	[sflag:s12] =	ssyncset.done $0x0  }
0x17f: {  	s21 =	simm.s32 $0x13B00;
	[sflag:s12] =	ssyncadd.s32 $0xFFFFC000  }
0x180: {  	[tilespmem:s7], [sflag:$0x2] =	stream.indirect.gather [hbm4b:s1+s5], $0x80, s21, s5, $0xb8;
	[tilespmem:$0x1DC80] =	vst v63  }
0x181: {  	_ =	swait.ge [sflag:s8], $0x4000  }
0x182: {  	[sflag:s8] =	ssyncset.done $0x0  }
0x183: {  	s22 =	simm.s32 $0x14280;
	[sflag:s8] =	ssyncadd.s32 $0xFFFFC000  }
0x184: {  	[spmem:s2] =	stream.indirect.scatter.add.f32 [tilespmem:s4], [sflag:$0x3], $0x80, s22, s5, $0xb8;
	[tilespmem:$0x1DC80] =	vst v63  }
0x185: {  	_ =	swait.ge [sflag:s10], $0x4000  }
0x186: {  	[sflag:s10] =	ssyncset.done $0x0  }
0x187: {  	s23 =	simm.s32 $0x14300;
	[sflag:s10] =	ssyncadd.s32 $0xFFFFC000  }
0x188: {  	[spmem:s2] =	stream.indirect.scatter.add.f32 [tilespmem:s7], [sflag:$0x4], $0x80, s23, s5, $0xb8;
	[tilespmem:$0x1DC80] =	vst v63  }
0x189: {  	_ =	swait.ge [sflag:s11], $0x4000  }
0x18a: {  	[sflag:s11] =	ssyncset.done $0x0  }
0x18b: {  	s26 =	simm.s32 $0x13B80;
	[sflag:s11] =	ssyncadd.s32 $0xFFFFC000  }
0x18c: {  	[tilespmem:s4], [sflag:$0x1] =	stream.indirect.gather [hbm4b:s1+s5], $0x80, s26, s5, $0xb8;
	[tilespmem:$0x1DC80] =	vst v63  }
0x18d: {  	_ =	swait.ge [sflag:s12], $0x4000  }
0x18e: {  	[sflag:s12] =	ssyncset.done $0x0  }
0x18f: {  	s30 =	simm.s32 $0x13C00;
	[sflag:s12] =	ssyncadd.s32 $0xFFFFC000  }
0x190: {  	[tilespmem:s7], [sflag:$0x2] =	stream.indirect.gather [hbm4b:s1+s5], $0x80, s30, s5, $0xb8;
	[tilespmem:$0x1DC80] =	vst v63  }
0x191: {  	_ =	swait.ge [sflag:s8], $0x4000  }
0x192: {  	[sflag:s8] =	ssyncset.done $0x0  }
0x193: {  	s9 =	simm.s32 $0x14380;
	[sflag:s8] =	ssyncadd.s32 $0xFFFFC000  }
0x194: {  	[spmem:s2] =	stream.indirect.scatter.add.f32 [tilespmem:s4], [sflag:$0x3], $0x80, s9, s5, $0xb8;
	[tilespmem:$0x1DC80] =	vst v63  }
0x195: {  	_ =	swait.ge [sflag:s10], $0x4000  }
0x196: {  	[sflag:s10] =	ssyncset.done $0x0  }
0x197: {  	s13 =	simm.s32 $0x14400;
	[sflag:s10] =	ssyncadd.s32 $0xFFFFC000  }
0x198: {  	[spmem:s2] =	stream.indirect.scatter.add.f32 [tilespmem:s7], [sflag:$0x4], $0x80, s13, s5, $0xb8;
	[tilespmem:$0x1DC80] =	vst v63  }
0x199: {  	_ =	swait.ge [sflag:s11], $0x4000  }
0x19a: {  	[sflag:s11] =	ssyncset.done $0x0  }
0x19b: {  	s19 =	simm.s32 $0x13C80;
	[sflag:s11] =	ssyncadd.s32 $0xFFFFC000  }
0x19c: {  	[tilespmem:s4], [sflag:$0x1] =	stream.indirect.gather [hbm4b:s1+s5], $0x80, s19, s5, $0xb8;
	[tilespmem:$0x1DC80] =	vst v63  }
0x19d: {  	_ =	swait.ge [sflag:s12], $0x4000  }
0x19e: {  	[sflag:s12] =	ssyncset.done $0x0  }
0x19f: {  	s20 =	simm.s32 $0x13D00;
	[sflag:s12] =	ssyncadd.s32 $0xFFFFC000  }
0x1a0: {  	[tilespmem:s7], [sflag:$0x2] =	stream.indirect.gather [hbm4b:s1+s5], $0x80, s20, s5, $0xb8;
	[tilespmem:$0x1DC80] =	vst v63  }
0x1a1: {  	_ =	swait.ge [sflag:s8], $0x4000  }
0x1a2: {  	[sflag:s8] =	ssyncset.done $0x0  }
0x1a3: {  	s21 =	simm.s32 $0x14480;
	[sflag:s8] =	ssyncadd.s32 $0xFFFFC000  }
0x1a4: {  	[spmem:s2] =	stream.indirect.scatter.add.f32 [tilespmem:s4], [sflag:$0x3], $0x80, s21, s5, $0xb8;
	[tilespmem:$0x1DC80] =	vst v63  }
0x1a5: {  	_ =	swait.ge [sflag:s10], $0x4000  }
0x1a6: {  	[sflag:s10] =	ssyncset.done $0x0  }
0x1a7: {  	s22 =	simm.s32 $0x14500;
	[sflag:s10] =	ssyncadd.s32 $0xFFFFC000  }
0x1a8: {  	[spmem:s2] =	stream.indirect.scatter.add.f32 [tilespmem:s7], [sflag:$0x4], $0x80, s22, s5, $0xb8;
	[tilespmem:$0x1DC80] =	vst v63  }
0x1a9: {  	_ =	swait.ge [sflag:s11], $0x4000  }
0x1aa: {  	[sflag:s11] =	ssyncset.done $0x0  }
0x1ab: {  	s23 =	simm.s32 $0x13D80;
	[sflag:s11] =	ssyncadd.s32 $0xFFFFC000  }
0x1ac: {  	[tilespmem:s4], [sflag:$0x1] =	stream.indirect.gather [hbm4b:s1+s5], $0x80, s23, s5, $0xb8;
	[tilespmem:$0x1DC80] =	vst v63  }
0x1ad: {  	_ =	swait.ge [sflag:s12], $0x4000  }
0x1ae: {  	[sflag:s12] =	ssyncset.done $0x0  }
0x1af: {  	s26 =	simm.s32 $0x13E00;
	[sflag:s12] =	ssyncadd.s32 $0xFFFFC000  }
0x1b0: {  	[tilespmem:s7], [sflag:$0x2] =	stream.indirect.gather [hbm4b:s1+s5], $0x80, s26, s5, $0xb8;
	[tilespmem:$0x1DC80] =	vst v63  }
0x1b1: {  	_ =	swait.ge [sflag:s8], $0x4000  }
0x1b2: {  	[sflag:s8] =	ssyncset.done $0x0  }
0x1b3: {  	s30 =	simm.s32 $0x14580;
	[sflag:s8] =	ssyncadd.s32 $0xFFFFC000  }
0x1b4: {  	[spmem:s2] =	stream.indirect.scatter.add.f32 [tilespmem:s4], [sflag:$0x3], $0x80, s30, s5, $0xb8;
	[tilespmem:$0x1DC80] =	vst v63  }
0x1b5: {  	_ =	swait.ge [sflag:s10], $0x4000  }
0x1b6: {  	[sflag:s10] =	ssyncset.done $0x0  }
0x1b7: {  	s9 =	simm.s32 $0x14600;
	[sflag:s10] =	ssyncadd.s32 $0xFFFFC000  }
0x1b8: {  	[spmem:s2] =	stream.indirect.scatter.add.f32 [tilespmem:s7], [sflag:$0x4], $0x80, s9, s5, $0xb8;
	[tilespmem:$0x1DC80] =	vst v63  }
0x1b9: {  	_ =	swait.ge [sflag:s11], $0x4000  }
0x1ba: {  	[sflag:s11] =	ssyncset.done $0x0  }
0x1bb: {  	s13 =	simm.s32 $0x13E80;
	[sflag:s11] =	ssyncadd.s32 $0xFFFFC000  }
0x1bc: {  	[tilespmem:s4], [sflag:$0x1] =	stream.indirect.gather [hbm4b:s1+s5], $0x80, s13, s5, $0xb8;
	[tilespmem:$0x1DC80] =	vst v63  }
0x1bd: {  	_ =	swait.ge [sflag:s12], $0x4000  }
0x1be: {  	[sflag:s12] =	ssyncset.done $0x0  }
0x1bf: {  	s19 =	simm.s32 $0x13F00;
	[sflag:s12] =	ssyncadd.s32 $0xFFFFC000  }
0x1c0: {  	[tilespmem:s7], [sflag:$0x2] =	stream.indirect.gather [hbm4b:s1+s5], $0x80, s19, s5, $0xb8;
	[tilespmem:$0x1DC80] =	vst v63  }
0x1c1: {  	_ =	swait.ge [sflag:s8], $0x4000  }
0x1c2: {  	[sflag:s8] =	ssyncset.done $0x0  }
0x1c3: {  	s20 =	simm.s32 $0x14680;
	[sflag:s8] =	ssyncadd.s32 $0xFFFFC000  }
0x1c4: {  	[spmem:s2] =	stream.indirect.scatter.add.f32 [tilespmem:s4], [sflag:$0x3], $0x80, s20, s5, $0xb8;
	[tilespmem:$0x1DC80] =	vst v63  }
0x1c5: {  	_ =	swait.ge [sflag:s10], $0x4000  }
0x1c6: {  	[sflag:s10] =	ssyncset.done $0x0  }
0x1c7: {  	s21 =	simm.s32 $0x14700;
	[sflag:s10] =	ssyncadd.s32 $0xFFFFC000  }
0x1c8: {  	[spmem:s2] =	stream.indirect.scatter.add.f32 [tilespmem:s7], [sflag:$0x4], $0x80, s21, s5, $0xb8;
	[tilespmem:$0x1DC80] =	vst v63  }
0x1c9: {  	_ =	swait.ge [sflag:s11], $0x4000  }
0x1ca: {  	[sflag:s11] =	ssyncset.done $0x0  }
0x1cb: {  	s22 =	simm.s32 $0x13F80;
	[sflag:s11] =	ssyncadd.s32 $0xFFFFC000  }
0x1cc: {  	[tilespmem:s4], [sflag:$0x1] =	stream.indirect.gather [hbm4b:s1+s5], $0x80, s22, s5, $0xb8;
	[tilespmem:$0x1DC80] =	vst v63  }
0x1cd: {  	_ =	swait.ge [sflag:s12], $0x4000  }
0x1ce: {  	[sflag:s12] =	ssyncset.done $0x0  }
0x1cf: {  	s23 =	simm.s32 $0x14000;
	[sflag:s12] =	ssyncadd.s32 $0xFFFFC000  }
0x1d0: {  	[tilespmem:s7], [sflag:$0x2] =	stream.indirect.gather [hbm4b:s1+s5], $0x80, s23, s5, $0xb8;
	[tilespmem:$0x1DC80] =	vst v63  }
0x1d1: {  	_ =	swait.ge [sflag:s8], $0x4000  }
0x1d2: {  	[sflag:s8] =	ssyncset.done $0x0  }
0x1d3: {  	s26 =	simm.s32 $0x14780;
	[sflag:s8] =	ssyncadd.s32 $0xFFFFC000  }
0x1d4: {  	[spmem:s2] =	stream.indirect.scatter.add.f32 [tilespmem:s4], [sflag:$0x3], $0x80, s26, s5, $0xb8;
	[tilespmem:$0x1DC80] =	vst v63  }
0x1d5: {  	_ =	swait.ge [sflag:s10], $0x4000  }
0x1d6: {  	[sflag:s10] =	ssyncset.done $0x0  }
0x1d7: {  	s30 =	simm.s32 $0x14800;
	[sflag:s10] =	ssyncadd.s32 $0xFFFFC000  }
0x1d8: {  	[spmem:s2] =	stream.indirect.scatter.add.f32 [tilespmem:s7], [sflag:$0x4], $0x80, s30, s5, $0xb8;
	[tilespmem:$0x1DC80] =	vst v63  }
.LBB2_5:
0x1d9: {  	_ =	swait.ge [sflag:s31], $0x800  }
0x1da: {  	[sflag:s31] =	ssyncset.done $0x0  }
0x1db: {  	[sflag:s31] =	ssyncadd.s32 $0xFFFFF800  }
0x1dc: {  	_ =	swait.ge [sflag:s0], $0x800  }
0x1dd: {  	[sflag:s0] =	ssyncset.done $0x0  }
0x1de: {  	s9 =	simm.s32 @!p1 $0x3;
	[sflag:s0] =	ssyncadd.s32 $0xFFFFF800  }
0x1df: {  	_ =	swait.ge @!p1 [sflag:s9], $0x4000  }
0x1e0: {  	s13 =	simm.s32 @!p1 $0x80;
	[sflag:s9] =	ssyncset.done @!p1 $0x0  }
0x1e1: {  	s19 =	simm.s32 @!p1 $0x14880;
	s20 =	simm.s32 @!p1 $0x15C80;
	[sflag:s9] =	ssyncadd.s32 @!p1 $0xFFFFC000  }
0x1e2: {  	[tilespmem:s20], [sflag:$0x1] =	stream.indirect.gather @!p1 [hbm4b:s1+s13], $0x80, s19, s13, $0xb8;
	[tilespmem:$0x1DC80] =	vst v63  }
0x1e3: {  	s19 =	simm.s32 @!p1 $0x4  }
0x1e4: {  	_ =	swait.ge @!p1 [sflag:s19], $0x4000  }
0x1e5: {  	[sflag:s19] =	ssyncset.done @!p1 $0x0  }
0x1e6: {  	s21 =	simm.s32 @!p1 $0x14900;
	s22 =	simm.s32 @!p1 $0x19C80;
	[sflag:s19] =	ssyncadd.s32 @!p1 $0xFFFFC000  }
0x1e7: {  	[tilespmem:s22], [sflag:$0x2] =	stream.indirect.gather @!p1 [hbm4b:s1+s13], $0x80, s21, s13, $0xb8;
	[tilespmem:$0x1DC80] =	vst v63  }
0x1e8: {  	s21 =	simm.s32 @!p1 $0x1  }
0x1e9: {  	_ =	swait.ge @!p1 [sflag:s21], $0x4000  }
0x1ea: {  	[sflag:s21] =	ssyncset.done @!p1 $0x0  }
0x1eb: {  	s23 =	simm.s32 @!p1 $0x15080;
	[sflag:s21] =	ssyncadd.s32 @!p1 $0xFFFFC000  }
0x1ec: {  	[spmem:s2] =	stream.indirect.scatter.add.f32 @!p1 [tilespmem:s20], [sflag:$0x3], $0x80, s23, s13, $0xb8;
	[tilespmem:$0x1DC80] =	vst v63  }
0x1ed: {  	s23 =	simm.s32 @!p1 $0x2  }
0x1ee: {  	_ =	swait.ge @!p1 [sflag:s23], $0x4000  }
0x1ef: {  	[sflag:s23] =	ssyncset.done @!p1 $0x0  }
0x1f0: {  	s26 =	simm.s32 @!p1 $0x15100;
	[sflag:s23] =	ssyncadd.s32 @!p1 $0xFFFFC000  }
0x1f1: {  	[spmem:s2] =	stream.indirect.scatter.add.f32 @!p1 [tilespmem:s22], [sflag:$0x4], $0x80, s26, s13, $0xb8;
	[tilespmem:$0x1DC80] =	vst v63  }
0x1f2: {  	_ =	swait.ge @!p1 [sflag:s9], $0x4000  }
0x1f3: {  	[sflag:s9] =	ssyncset.done @!p1 $0x0  }
0x1f4: {  	[sflag:s9] =	ssyncadd.s32 @!p1 $0xFFFFC000;
	s9 =	simm.s32 @!p1 $0x14980  }
0x1f5: {  	[tilespmem:s20], [sflag:$0x1] =	stream.indirect.gather @!p1 [hbm4b:s1+s13], $0x80, s9, s13, $0xb8;
	[tilespmem:$0x1DC80] =	vst v63  }
0x1f6: {  	_ =	swait.ge @!p1 [sflag:s19], $0x4000  }
0x1f7: {  	[sflag:s19] =	ssyncset.done @!p1 $0x0  }
0x1f8: {  	s9 =	simm.s32 @!p1 $0x14A00;
	[sflag:s19] =	ssyncadd.s32 @!p1 $0xFFFFC000  }
0x1f9: {  	[tilespmem:s22], [sflag:$0x2] =	stream.indirect.gather @!p1 [hbm4b:s1+s13], $0x80, s9, s13, $0xb8;
	[tilespmem:$0x1DC80] =	vst v63  }
0x1fa: {  	_ =	swait.ge @!p1 [sflag:s21], $0x4000  }
0x1fb: {  	[sflag:s21] =	ssyncset.done @!p1 $0x0  }
0x1fc: {  	s9 =	simm.s32 @!p1 $0x15180;
	[sflag:s21] =	ssyncadd.s32 @!p1 $0xFFFFC000  }
0x1fd: {  	[spmem:s2] =	stream.indirect.scatter.add.f32 @!p1 [tilespmem:s20], [sflag:$0x3], $0x80, s9, s13, $0xb8;
	[tilespmem:$0x1DC80] =	vst v63  }
0x1fe: {  	_ =	swait.ge @!p1 [sflag:s23], $0x4000  }
0x1ff: {  	[sflag:s23] =	ssyncset.done @!p1 $0x0  }
0x200: {  	s9 =	simm.s32 @!p1 $0x15200;
	[sflag:s23] =	ssyncadd.s32 @!p1 $0xFFFFC000  }
0x201: {  	[spmem:s2] =	stream.indirect.scatter.add.f32 @!p1 [tilespmem:s22], [sflag:$0x4], $0x80, s9, s13, $0xb8;
	[tilespmem:$0x1DC80] =	vst v63  }
.Ltmp2:
0x202: {  	_ = 	snop;
	(pc) =	sbr.rel @p1 .LBB2_7-.Ltmp2, $4  }
0x203: {  	s6 =	rddreg [dreg:$0x11]  }
0x204: {  	[tilespmem:s14], [sflag:$0x5] =	stream.linear.gather [hbm4b:s6+s3], $0x800, $0x38;
	[tilespmem:$0x1DC80] =	vst v63  }
0x205: {  	s30 =	rddreg [dreg:$0x12]  }
0x206: {  	[tilespmem:s29], [sflag:$0x6] =	stream.linear.gather [hbm4b:s30+s3], $0x800, $0x38;
	[tilespmem:$0x1DC80] =	vst v63  }
0x207: {  	_ =	swait.ge [sflag:s11], $0x4000  }
0x208: {  	[sflag:s11] =	ssyncset.done $0x0  }
0x209: {  	s6 =	simm.s32 $0x14A80;
	[sflag:s11] =	ssyncadd.s32 $0xFFFFC000  }
0x20a: {  	[tilespmem:s4], [sflag:$0x1] =	stream.indirect.gather [hbm4b:s1+s5], $0x80, s6, s5, $0xb8;
	[tilespmem:$0x1DC80] =	vst v63  }
0x20b: {  	_ =	swait.ge [sflag:s12], $0x4000  }
0x20c: {  	[sflag:s12] =	ssyncset.done $0x0  }
0x20d: {  	s30 =	simm.s32 $0x14B00;
	[sflag:s12] =	ssyncadd.s32 $0xFFFFC000  }
0x20e: {  	[tilespmem:s7], [sflag:$0x2] =	stream.indirect.gather [hbm4b:s1+s5], $0x80, s30, s5, $0xb8;
	[tilespmem:$0x1DC80] =	vst v63  }
0x20f: {  	_ =	swait.ge [sflag:s8], $0x4000  }
0x210: {  	[sflag:s8] =	ssyncset.done $0x0  }
0x211: {  	s9 =	simm.s32 $0x15280;
	[sflag:s8] =	ssyncadd.s32 $0xFFFFC000  }
0x212: {  	[spmem:s2] =	stream.indirect.scatter.add.f32 [tilespmem:s4], [sflag:$0x3], $0x80, s9, s5, $0xb8;
	[tilespmem:$0x1DC80] =	vst v63  }
0x213: {  	_ =	swait.ge [sflag:s10], $0x4000  }
0x214: {  	[sflag:s10] =	ssyncset.done $0x0  }
0x215: {  	s13 =	simm.s32 $0x15300;
	[sflag:s10] =	ssyncadd.s32 $0xFFFFC000  }
0x216: {  	[spmem:s2] =	stream.indirect.scatter.add.f32 [tilespmem:s7], [sflag:$0x4], $0x80, s13, s5, $0xb8;
	[tilespmem:$0x1DC80] =	vst v63  }
0x217: {  	_ =	swait.ge [sflag:s11], $0x4000  }
0x218: {  	[sflag:s11] =	ssyncset.done $0x0  }
0x219: {  	s14 =	simm.s32 $0x14B80;
	[sflag:s11] =	ssyncadd.s32 $0xFFFFC000  }
0x21a: {  	[tilespmem:s4], [sflag:$0x1] =	stream.indirect.gather [hbm4b:s1+s5], $0x80, s14, s5, $0xb8;
	[tilespmem:$0x1DC80] =	vst v63  }
0x21b: {  	_ =	swait.ge [sflag:s12], $0x4000  }
0x21c: {  	[sflag:s12] =	ssyncset.done $0x0  }
0x21d: {  	s19 =	simm.s32 $0x14C00;
	[sflag:s12] =	ssyncadd.s32 $0xFFFFC000  }
0x21e: {  	[tilespmem:s7], [sflag:$0x2] =	stream.indirect.gather [hbm4b:s1+s5], $0x80, s19, s5, $0xb8;
	[tilespmem:$0x1DC80] =	vst v63  }
0x21f: {  	_ =	swait.ge [sflag:s8], $0x4000  }
0x220: {  	[sflag:s8] =	ssyncset.done $0x0  }
0x221: {  	s20 =	simm.s32 $0x15380;
	[sflag:s8] =	ssyncadd.s32 $0xFFFFC000  }
0x222: {  	[spmem:s2] =	stream.indirect.scatter.add.f32 [tilespmem:s4], [sflag:$0x3], $0x80, s20, s5, $0xb8;
	[tilespmem:$0x1DC80] =	vst v63  }
0x223: {  	_ =	swait.ge [sflag:s10], $0x4000  }
0x224: {  	[sflag:s10] =	ssyncset.done $0x0  }
0x225: {  	s21 =	simm.s32 $0x15400;
	[sflag:s10] =	ssyncadd.s32 $0xFFFFC000  }
0x226: {  	[spmem:s2] =	stream.indirect.scatter.add.f32 [tilespmem:s7], [sflag:$0x4], $0x80, s21, s5, $0xb8;
	[tilespmem:$0x1DC80] =	vst v63  }
0x227: {  	_ =	swait.ge [sflag:s11], $0x4000  }
0x228: {  	[sflag:s11] =	ssyncset.done $0x0  }
0x229: {  	s22 =	simm.s32 $0x14C80;
	[sflag:s11] =	ssyncadd.s32 $0xFFFFC000  }
0x22a: {  	[tilespmem:s4], [sflag:$0x1] =	stream.indirect.gather [hbm4b:s1+s5], $0x80, s22, s5, $0xb8;
	[tilespmem:$0x1DC80] =	vst v63  }
0x22b: {  	_ =	swait.ge [sflag:s12], $0x4000  }
0x22c: {  	[sflag:s12] =	ssyncset.done $0x0  }
0x22d: {  	s23 =	simm.s32 $0x14D00;
	[sflag:s12] =	ssyncadd.s32 $0xFFFFC000  }
0x22e: {  	[tilespmem:s7], [sflag:$0x2] =	stream.indirect.gather [hbm4b:s1+s5], $0x80, s23, s5, $0xb8;
	[tilespmem:$0x1DC80] =	vst v63  }
0x22f: {  	_ =	swait.ge [sflag:s8], $0x4000  }
0x230: {  	[sflag:s8] =	ssyncset.done $0x0  }
0x231: {  	s26 =	simm.s32 $0x15480;
	[sflag:s8] =	ssyncadd.s32 $0xFFFFC000  }
0x232: {  	[spmem:s2] =	stream.indirect.scatter.add.f32 [tilespmem:s4], [sflag:$0x3], $0x80, s26, s5, $0xb8;
	[tilespmem:$0x1DC80] =	vst v63  }
0x233: {  	_ =	swait.ge [sflag:s10], $0x4000  }
0x234: {  	[sflag:s10] =	ssyncset.done $0x0  }
0x235: {  	s29 =	simm.s32 $0x15500;
	[sflag:s10] =	ssyncadd.s32 $0xFFFFC000  }
0x236: {  	[spmem:s2] =	stream.indirect.scatter.add.f32 [tilespmem:s7], [sflag:$0x4], $0x80, s29, s5, $0xb8;
	[tilespmem:$0x1DC80] =	vst v63  }
0x237: {  	_ =	swait.ge [sflag:s11], $0x4000  }
0x238: {  	[sflag:s11] =	ssyncset.done $0x0  }
0x239: {  	s30 =	simm.s32 $0x14D80;
	[sflag:s11] =	ssyncadd.s32 $0xFFFFC000  }
0x23a: {  	[tilespmem:s4], [sflag:$0x1] =	stream.indirect.gather [hbm4b:s1+s5], $0x80, s30, s5, $0xb8;
	[tilespmem:$0x1DC80] =	vst v63  }
0x23b: {  	_ =	swait.ge [sflag:s12], $0x4000  }
0x23c: {  	[sflag:s12] =	ssyncset.done $0x0  }
0x23d: {  	s9 =	simm.s32 $0x14E00;
	[sflag:s12] =	ssyncadd.s32 $0xFFFFC000  }
0x23e: {  	[tilespmem:s7], [sflag:$0x2] =	stream.indirect.gather [hbm4b:s1+s5], $0x80, s9, s5, $0xb8;
	[tilespmem:$0x1DC80] =	vst v63  }
0x23f: {  	_ =	swait.ge [sflag:s8], $0x4000  }
0x240: {  	[sflag:s8] =	ssyncset.done $0x0  }
0x241: {  	s13 =	simm.s32 $0x15580;
	[sflag:s8] =	ssyncadd.s32 $0xFFFFC000  }
0x242: {  	[spmem:s2] =	stream.indirect.scatter.add.f32 [tilespmem:s4], [sflag:$0x3], $0x80, s13, s5, $0xb8;
	[tilespmem:$0x1DC80] =	vst v63  }
0x243: {  	_ =	swait.ge [sflag:s10], $0x4000  }
0x244: {  	[sflag:s10] =	ssyncset.done $0x0  }
0x245: {  	s14 =	simm.s32 $0x15600;
	[sflag:s10] =	ssyncadd.s32 $0xFFFFC000  }
0x246: {  	[spmem:s2] =	stream.indirect.scatter.add.f32 [tilespmem:s7], [sflag:$0x4], $0x80, s14, s5, $0xb8;
	[tilespmem:$0x1DC80] =	vst v63  }
0x247: {  	_ =	swait.ge [sflag:s11], $0x4000  }
0x248: {  	[sflag:s11] =	ssyncset.done $0x0  }
0x249: {  	s19 =	simm.s32 $0x14E80;
	[sflag:s11] =	ssyncadd.s32 $0xFFFFC000  }
0x24a: {  	[tilespmem:s4], [sflag:$0x1] =	stream.indirect.gather [hbm4b:s1+s5], $0x80, s19, s5, $0xb8;
	[tilespmem:$0x1DC80] =	vst v63  }
0x24b: {  	_ =	swait.ge [sflag:s12], $0x4000  }
0x24c: {  	[sflag:s12] =	ssyncset.done $0x0  }
0x24d: {  	s20 =	simm.s32 $0x14F00;
	[sflag:s12] =	ssyncadd.s32 $0xFFFFC000  }
0x24e: {  	[tilespmem:s7], [sflag:$0x2] =	stream.indirect.gather [hbm4b:s1+s5], $0x80, s20, s5, $0xb8;
	[tilespmem:$0x1DC80] =	vst v63  }
0x24f: {  	_ =	swait.ge [sflag:s8], $0x4000  }
0x250: {  	[sflag:s8] =	ssyncset.done $0x0  }
0x251: {  	s21 =	simm.s32 $0x15680;
	[sflag:s8] =	ssyncadd.s32 $0xFFFFC000  }
0x252: {  	[spmem:s2] =	stream.indirect.scatter.add.f32 [tilespmem:s4], [sflag:$0x3], $0x80, s21, s5, $0xb8;
	[tilespmem:$0x1DC80] =	vst v63  }
0x253: {  	_ =	swait.ge [sflag:s10], $0x4000  }
0x254: {  	[sflag:s10] =	ssyncset.done $0x0  }
0x255: {  	s22 =	simm.s32 $0x15700;
	[sflag:s10] =	ssyncadd.s32 $0xFFFFC000  }
0x256: {  	[spmem:s2] =	stream.indirect.scatter.add.f32 [tilespmem:s7], [sflag:$0x4], $0x80, s22, s5, $0xb8;
	[tilespmem:$0x1DC80] =	vst v63  }
0x257: {  	_ =	swait.ge [sflag:s11], $0x4000  }
0x258: {  	[sflag:s11] =	ssyncset.done $0x0  }
0x259: {  	s23 =	simm.s32 $0x14F80;
	[sflag:s11] =	ssyncadd.s32 $0xFFFFC000  }
0x25a: {  	[tilespmem:s4], [sflag:$0x1] =	stream.indirect.gather [hbm4b:s1+s5], $0x80, s23, s5, $0xb8;
	[tilespmem:$0x1DC80] =	vst v63  }
0x25b: {  	_ =	swait.ge [sflag:s12], $0x4000  }
0x25c: {  	[sflag:s12] =	ssyncset.done $0x0  }
0x25d: {  	s26 =	simm.s32 $0x15000;
	[sflag:s12] =	ssyncadd.s32 $0xFFFFC000  }
0x25e: {  	[tilespmem:s7], [sflag:$0x2] =	stream.indirect.gather [hbm4b:s1+s5], $0x80, s26, s5, $0xb8;
	[tilespmem:$0x1DC80] =	vst v63  }
0x25f: {  	_ =	swait.ge [sflag:s8], $0x4000  }
0x260: {  	[sflag:s8] =	ssyncset.done $0x0  }
0x261: {  	s29 =	simm.s32 $0x15780;
	[sflag:s8] =	ssyncadd.s32 $0xFFFFC000  }
0x262: {  	[spmem:s2] =	stream.indirect.scatter.add.f32 [tilespmem:s4], [sflag:$0x3], $0x80, s29, s5, $0xb8;
	[tilespmem:$0x1DC80] =	vst v63  }
0x263: {  	_ =	swait.ge [sflag:s10], $0x4000  }
0x264: {  	[sflag:s10] =	ssyncset.done $0x0  }
0x265: {  	s30 =	simm.s32 $0x15800;
	[sflag:s10] =	ssyncadd.s32 $0xFFFFC000  }
0x266: {  	[spmem:s2] =	stream.indirect.scatter.add.f32 [tilespmem:s7], [sflag:$0x4], $0x80, s30, s5, $0xb8;
	[tilespmem:$0x1DC80] =	vst v63  }
.LBB2_7:
0x267: {  	_ =	swait.ge [sflag:s31], $0x800  }
0x268: {  	[sflag:s31] =	ssyncset.done $0x0  }
0x269: {  	[sflag:s31] =	ssyncadd.s32 $0xFFFFF800  }
0x26a: {  	_ =	swait.ge [sflag:s0], $0x800  }
0x26b: {  	p0 =	sgt.u32 s25, $0x9C0;
	[sflag:s0] =	ssyncset.done $0x0  }
0x26c: {  	s9 =	sadd.s32 $0x0, s24;
	s13 =	simm.s32 @!p0 $0x3;
	[sflag:s0] =	ssyncadd.s32 $0xFFFFF800  }
0x26d: {  	p3 =	seq.s32 @!p0 s9, $0x0;
	_ =	swait.ge @!p0 [sflag:s13], $0x4000  }
0x26e: {  	p4 =	por !p3, p0;
	[sflag:s13] =	ssyncset.done @!p0 $0x0  }
0x26f: {  	s9 =	simm.s32 @!p4 $0x4;
	[sflag:s13] =	ssyncadd.s32 @!p0 $0xFFFFC000  }
0x270: {  	p3 =	por p3, p0;
	_ =	swait.ge @!p4 [sflag:s9], $0x4000  }
0x271: {  	s19 =	simm.s32 @!p3 $0x13880;
	s21 =	simm.s32 @!p3 $0x15C80;
	[sflag:s9] =	ssyncset.done @!p4 $0x0  }
0x272: {  	s13 =	simm.s32 @!p3 $0x80;
	[sflag:s9] =	ssyncadd.s32 @!p4 $0xFFFFC000;
	s9 =	simm.s32 @!p3 $0x4  }
0x273: {  	[tilespmem:s21], [sflag:$0x1] =	stream.indirect.gather @!p3 [hbm4b:s1+s13], $0x80, s19, s13, $0xb8;
	[tilespmem:$0x1DC80] =	vst v63  }
0x274: {  	_ =	swait.ge @!p3 [sflag:s9], $0x4000  }
0x275: {  	s22 =	simm.s32 @!p3 $0x19C80;
	[sflag:s9] =	ssyncset.done @!p3 $0x0  }
0x276: {  	s19 =	simm.s32 @!p3 $0x13900;
	[sflag:s9] =	ssyncadd.s32 @!p3 $0xFFFFC000;
	s9 =	simm.s32 @!p3 $0x1  }
0x277: {  	[tilespmem:s22], [sflag:$0x2] =	stream.indirect.gather @!p3 [hbm4b:s1+s13], $0x80, s19, s13, $0xb8;
	[tilespmem:$0x1DC80] =	vst v63  }
0x278: {  	_ =	swait.ge @!p3 [sflag:s9], $0x4000  }
0x279: {  	s20 =	simm.s32 $0x400;
	[sflag:s9] =	ssyncset.done @!p3 $0x0  }
0x27a: {  	s23 =	simm.s32 @!p3 $0x14080;
	s26 =	simm.s32 @!p3 $0x2;
	[sflag:s9] =	ssyncadd.s32 @!p3 $0xFFFFC000  }
0x27b: {  	[spmem:s2] =	stream.indirect.scatter.add.f32 @!p3 [tilespmem:s21], [sflag:$0x3], $0x80, s23, s13, $0xb8;
	[tilespmem:$0x1DC80] =	vst v63  }
0x27c: {  	s19 =	simm.s32 $0x800;
	s9 =	sadd.s32 $0x400, s24;
	s21 =	sadd.s32 $0x2, s25  }
0x27d: {  	s23 =	simm.s32 @!p3 $0x14100;
	p5 =	sgt.u32 s21, $0x9C0;
	_ =	swait.ge @!p3 [sflag:s26], $0x4000  }
.LBB2_8:
0x27e: {  	s6 =	simm.s32 @!p5 $0x3  }
0x27f: {  	p0 =	seq.s32 @!p5 s9, $0x0;
	[sflag:s26] =	ssyncset.done @!p3 $0x0;
	s9 =	smov.u32 s19  }
0x280: {  	s19 =	sadd.s32 $0x400, s19;
	p6 =	por !p0, p5;
	[sflag:s26] =	ssyncadd.s32 @!p3 $0xFFFFC000  }
0x281: {  	[spmem:s2] =	stream.indirect.scatter.add.f32 @!p3 [tilespmem:s22], [sflag:$0x4], $0x80, s23, s13, $0xb8;
	[tilespmem:$0x1DC80] =	vst v63  }
0x282: {  	p4 =	sne.s32 s19, $0x2000;
	s22 =	simm.s32 @!p6 $0x4;
	_ =	swait.ge @!p5 [sflag:s6], $0x4000  }
0x283: {  	[sflag:s6] =	ssyncset.done @!p5 $0x0  }
0x284: {  	p3 =	por p0, p5;
	[sflag:s6] =	ssyncadd.s32 @!p5 $0xFFFFC000  }
0x285: {  	s13 =	simm.s32 @!p3 $0x80;
	s6 =	sshra.s32 @!p3 s20, $0x2;
	_ =	swait.ge @!p6 [sflag:s22], $0x4000  }
0x286: {  	s14 =	simm.s32 @!p3 $0x15C80;
	s20 =	sadd.s32 @!p3 $0x13880, s6;
	[sflag:s22] =	ssyncset.done @!p6 $0x0  }
0x287: {  	s26 =	simm.s32 @!p3 $0x4;
	s29 =	sadd.s32 @!p3 $0x13900, s6;
	[sflag:s22] =	ssyncadd.s32 @!p6 $0xFFFFC000  }
0x288: {  	[tilespmem:s14], [sflag:$0x1] =	stream.indirect.gather @!p3 [hbm4b:s1+s13], $0x80, s20, s13, $0xb8;
	[tilespmem:$0x1DC80] =	vst v63  }
0x289: {  	s30 =	sadd.s32 @!p3 $0x14080, s6;
	s23 =	sadd.s32 @!p3 $0x14100, s6;
	_ =	swait.ge @!p3 [sflag:s26], $0x4000  }
0x28a: {  	s22 =	simm.s32 @!p3 $0x19C80;
	s20 =	smov.u32 s9;
	[sflag:s26] =	ssyncset.done @!p3 $0x0  }
0x28b: {  	s6 =	simm.s32 @!p3 $0x1;
	[sflag:s26] =	ssyncadd.s32 @!p3 $0xFFFFC000  }
0x28c: {  	[tilespmem:s22], [sflag:$0x2] =	stream.indirect.gather @!p3 [hbm4b:s1+s13], $0x80, s29, s13, $0xb8;
	[tilespmem:$0x1DC80] =	vst v63  }
.Ltmp3:
0x28d: {  	_ =	swait.ge @!p3 [sflag:s6], $0x4000;
	(pc) =	sbr.rel @p4 .LBB2_8-.Ltmp3, $4  }
0x28e: {  	[sflag:s6] =	ssyncset.done @!p3 $0x0  }
0x28f: {  	s21 =	sadd.s32 $0x2, s21;
	s26 =	simm.s32 @!p3 $0x2;
	[sflag:s6] =	ssyncadd.s32 @!p3 $0xFFFFC000  }
0x290: {  	[spmem:s2] =	stream.indirect.scatter.add.f32 @!p3 [tilespmem:s14], [sflag:$0x3], $0x80, s30, s13, $0xb8;
	[tilespmem:$0x1DC80] =	vst v63  }
0x291: {  	p5 =	sgt.u32 s21, $0x9C0;
	s9 =	sadd.s32 s20, s24;
	_ =	swait.ge @!p3 [sflag:s26], $0x4000  }
0x292: {  	[sflag:s26] =	ssyncset.done @!p3 $0x0  }
0x293: {  	s6 =	simm.s32 @!p5 $0x3;
	[sflag:s26] =	ssyncadd.s32 @!p3 $0xFFFFC000  }
0x294: {  	[spmem:s2] =	stream.indirect.scatter.add.f32 @!p3 [tilespmem:s22], [sflag:$0x4], $0x80, s23, s13, $0xb8;
	[tilespmem:$0x1DC80] =	vst v63  }
0x295: {  	p0 =	seq.s32 @!p5 s9, $0x0;
	_ =	swait.ge @!p5 [sflag:s6], $0x4000  }
0x296: {  	p4 =	por !p0, p5;
	[sflag:s6] =	ssyncset.done @!p5 $0x0  }
0x297: {  	s9 =	simm.s32 @!p4 $0x4;
	p3 =	por p0, p5;
	[sflag:s6] =	ssyncadd.s32 @!p5 $0xFFFFC000  }
0x298: {  	s13 =	simm.s32 @!p3 $0x80;
	_ =	swait.ge @!p4 [sflag:s9], $0x4000  }
0x299: {  	s19 =	simm.s32 @!p3 $0x15C80;
	s6 =	sshra.s32 @!p3 s20, $0x2;
	[sflag:s9] =	ssyncset.done @!p4 $0x0  }
0x29a: {  	s14 =	sadd.s32 @!p3 $0x13880, s6;
	[sflag:s9] =	ssyncadd.s32 @!p4 $0xFFFFC000;
	s9 =	simm.s32 @!p3 $0x4  }
0x29b: {  	[tilespmem:s19], [sflag:$0x1] =	stream.indirect.gather @!p3 [hbm4b:s1+s13], $0x80, s14, s13, $0xb8;
	[tilespmem:$0x1DC80] =	vst v63  }
0x29c: {  	_ =	swait.ge @!p3 [sflag:s9], $0x4000  }
0x29d: {  	s20 =	simm.s32 @!p3 $0x19C80;
	[sflag:s9] =	ssyncset.done @!p3 $0x0  }
0x29e: {  	s14 =	sadd.s32 @!p3 $0x13900, s6;
	[sflag:s9] =	ssyncadd.s32 @!p3 $0xFFFFC000;
	s9 =	simm.s32 @!p3 $0x1  }
0x29f: {  	[tilespmem:s20], [sflag:$0x2] =	stream.indirect.gather @!p3 [hbm4b:s1+s13], $0x80, s14, s13, $0xb8;
	[tilespmem:$0x1DC80] =	vst v63  }
0x2a0: {  	_ =	swait.ge @!p3 [sflag:s9], $0x4000  }
0x2a1: {  	[sflag:s9] =	ssyncset.done @!p3 $0x0  }
0x2a2: {  	s14 =	sadd.s32 @!p3 $0x14080, s6;
	[sflag:s9] =	ssyncadd.s32 @!p3 $0xFFFFC000;
	s9 =	simm.s32 @!p3 $0x2  }
0x2a3: {  	[spmem:s2] =	stream.indirect.scatter.add.f32 @!p3 [tilespmem:s19], [sflag:$0x3], $0x80, s14, s13, $0xb8;
	[tilespmem:$0x1DC80] =	vst v63  }
0x2a4: {  	_ =	swait.ge @!p3 [sflag:s9], $0x4000  }
0x2a5: {  	[sflag:s9] =	ssyncset.done @!p3 $0x0  }
0x2a6: {  	s6 =	sadd.s32 @!p3 $0x14100, s6;
	[sflag:s9] =	ssyncadd.s32 @!p3 $0xFFFFC000  }
0x2a7: {  	[spmem:s2] =	stream.indirect.scatter.add.f32 @!p3 [tilespmem:s20], [sflag:$0x4], $0x80, s6, s13, $0xb8;
	[tilespmem:$0x1DC80] =	vst v63  }
0x2a8: {  	s6 =	simm.s32 @!p1 $0x3  }
0x2a9: {  	_ =	swait.ge @!p1 [sflag:s6], $0x4000  }
0x2aa: {  	[sflag:s6] =	ssyncset.done @!p1 $0x0  }
0x2ab: {  	[sflag:s6] =	ssyncadd.s32 @!p1 $0xFFFFC000;
	s6 =	simm.s32 @!p1 $0x4  }
0x2ac: {  	_ =	swait.ge @!p1 [sflag:s6], $0x4000  }
0x2ad: {  	s9 =	simm.s32 @!p2 $0x15880;
	[sflag:s6] =	ssyncset.done @!p1 $0x0  }
0x2ae: {  	s13 =	rddreg [dreg:$0x4];
	[sflag:s6] =	ssyncadd.s32 @!p1 $0xFFFFC000;
	s6 =	simm.s32 @!p2 $0x0  }
0x2af: {  	[tilespmem:s9], [sflag:$0x7] =	stream.linear.gather @!p2 [hbm4b:s13+s6], $0x400, $0x38;
	[tilespmem:$0x1DC80] =	vst v63  }
0x2b0: {  	s6 =	simm.s32 @!p2 $0x7  }
0x2b1: {  	_ =	swait.ge @!p2 [sflag:s6], $0x400  }
0x2b2: {  	s9 =	simm.s32 @!p2 $0x80;
	[sflag:s6] =	ssyncset.done @!p2 $0x0  }
0x2b3: {  	s13 =	simm.s32 @!p2 $0x15C80;
	s14 =	rddreg [dreg:$0x13];
	[sflag:s6] =	ssyncadd.s32 @!p2 $0xFFFFFC00  }
0x2b4: {  	[tilespmem:s13], [sflag:$0x1] =	stream.indirect.gather @!p2 [hbm4b:s1+s9], $0x80, s14, s9, $0xb8;
	[tilespmem:$0x1DC80] =	vst v63  }
0x2b5: {  	s14 =	simm.s32 @!p2 $0x1  }
0x2b6: {  	_ =	swait.ge @!p2 [sflag:s14], $0x4000  }
0x2b7: {  	[sflag:s14] =	ssyncset.done @!p2 $0x0  }
0x2b8: {  	[sflag:s14] =	ssyncadd.s32 @!p2 $0xFFFFC000;
	s14 =	rddreg [dreg:$0x14]  }
0x2b9: {  	[spmem:s2] =	stream.indirect.scatter.add.f32 @!p2 [tilespmem:s13], [sflag:$0x7], $0x80, s14, s9, $0xb8;
	[tilespmem:$0x1DC80] =	vst v63  }
0x2ba: {  	_ =	swait.ge @!p2 [sflag:s6], $0x4000  }
0x2bb: {  	[sflag:s6] =	ssyncset.done @!p2 $0x0  }
0x2bc: {  	[sflag:s6] =	ssyncadd.s32 @!p2 $0xFFFFC000  }
0x2bd: {  	[bflag:$0x0] =	sbarrier.arrive $0xFFFF  }
0x2be: {  	s22 =	rddreg [dreg:$0x9]  }
0x2bf: {  	[hbm:s22], [sflag:s16] =	dma.local [spmem:s17], $0x2700  }
0x2c0: {  	_ =	swait.ge [sflag:s28], $0x2700  }
0x2c1: {  	s23 =	sld [smem:$0x7FD];
	_ =	sdelay $0x1  }
0x2c2: {  	[sflag:s28] =	ssyncset.done $0x0  }
0x2c3: {  	s6 =	rddreg [dreg:$0x15];
	[sflag:s28] =	ssyncadd.s32 $0xFFFFD900;
	p3 =	seq.s32 s23, $0x1  }
0x2c4: {  	[hbm:s6], [sflag:s16] =	dma.local @!p3 [spmem:s18], $0x100  }
0x2c5: {  	s6 =	simm.s32 @!p3 $0x7  }
0x2c6: {  	_ =	swait.ge @!p3 [sflag:s6], $0x100  }
0x2c7: {  	s15 =	sadd.s32 $0x1, s15;
	s26 =	rddreg [dreg:$0x16]  }
0x2c8: {  	p0 =	sne.s32 s15, s26  }
.Ltmp4:
0x2c9: {  	_ = 	snop;
	(pc) =	sbr.rel @p0 .LBB2_1-.Ltmp4, $3  }
0x2ca: {  	_ =	sdelay $0x1  }
0x2cb: {  	s29 =	simm.s32 $0x14080;
	[sflag:s6] =	ssyncset.done @!p3 $0x0  }
0x2cc: {  	s30 =	simm.s32 $0x14880;
	s14 =	simm.s32 $0x13880;
	[sflag:s6] =	ssyncadd.s32 @!p3 $0xFFFFFF00  }
0x2cd: {  	_ =	sfence.sel $0x180000  }
0x2ce: {  	[bflag:$0x0] =	sbarrier.arrive $0xFFFF  }
0x2cf: {  	_ =	strace $0x90000047  }
0x2d0: {  	s0 =	stileid.u32;
	[bflag:$0x2] =	sbarrier.arrive $0xFFFF  }
0x2d1: {  	p0 =	sne.s32 s0, $0x0;
	s0 =	rddreg [dreg:$0x3]  }
0x2d2: {  	s0 =	sadd.s32 @!p0 $0x100000, s0  }
0x2d3: {  	[sflag:s0] =	ssyncadd.tile.s32 @!p0 $0x1;
	_ =	shalt  }
.Lfunc_end2:
_tile_overlayer_lowered:
.L_overlay_start_2:
0x2d4: {  	(tag) =	ssettag $0x2  }
0x2d5: {  	s0 =	rddreg [dreg:$0x0];
	s2 =	stileid.u32  }
0x2d6: {  	s1 =	rddreg [dreg:$0x1];
	p0 =	sne.s32 s2, $0x0  }
0x2d7: {  	s3 =	rddreg [dreg:$0x2];
	[bflag:$0x3] =	sbarrier.arrive $0xFFFF;
	s2 =	simm.s32 @!p0 $0x1C07  }
0x2d8: {  	[timem:s3], [sflag:s2] =	dma.local @!p0 [hbm:s0], s1  }
0x2d9: {  	s0 =	simm.s32 @!p0 $0x7  }
0x2da: {  	_ =	swait.ge @!p0 [sflag:s0], s1  }
0x2db: {  	s1 =	ssub.s32 @!p0 $0x0, s1;
	[sflag:s0] =	ssyncset.done @!p0 $0x0  }
0x2dc: {  	[sflag:s0] =	ssyncadd.s32 @!p0 s1  }
0x2dd: {  	[bflag:$0x3] =	sbarrier.arrive $0xFFFF  }
0x2de: {  	_ =	shalt  }

// kernel: kernel.9.cloned.1.call-start
scs
__scs_entry_jumppad:
0x0: {  	(pc) =	sbr.rel $0x88, $3  }
0x1: {  	(tag) =	ssettag $0x0;
	lr =	simm.s32 $0x1  }
0x2: {  	[smem:$0x3F93] =	sst lr;
	_ =	strace $0xD0000000  }
0x3: {  	_ = 	snop  }
0x4: {  	_ = 	snop  }
0x5: {  	_ = 	snop  }
0x6: {  	_ = 	snop  }
0x7: {  	_ = 	snop  }
__scs_overlays_trampoline_lowered:
0x8: {  	[smem:$0x3FA2] =	sst s0  }
0x9: {  	[smem:$0x3FA3] =	sst s1  }
0xa: {  	[smem:$0x3FA4] =	sst s2  }
0xb: {  	[smem:$0x3FA5] =	sst s3  }
0xc: {  	[smem:$0x3FA6] =	sst s4  }
0xd: {  	[smem:$0x3FA7] =	sst s5  }
0xe: {  	[smem:$0x3FA8] =	sst s6  }
0xf: {  	[smem:$0x3FA9] =	sst s7  }
0x10: {  	[smem:$0x3FAA] =	sst s8  }
0x11: {  	[smem:$0x3FAB] =	sst s9;
	s0 =	simm.s32 @!p0 $0x0  }
0x12: {  	s1 =	sld [smem:$0x3F91];
	s0 =	simm.s32 @p0 $0x1  }
0x13: {  	[smem:$0x3FAC] =	sst s0;
	s0 =	simm.s32 @!p1 $0x0  }
0x14: {  	s2 =	sld [smem:$0x3F90];
	s0 =	simm.s32 @p1 $0x1  }
0x15: {  	[smem:$0x3FAD] =	sst s0;
	s0 =	simm.s32 @!p2 $0x0  }
0x16: {  	s3 =	sld [smem:$0x3FDB];
	s0 =	simm.s32 @p2 $0x1  }
0x17: {  	s4 =	simm.s32 $0x1BF5;
	[smem:$0x3FAF] =	sst s0  }
0x18: {  	s0 =	sld [smem:$0x3F92];
	_ =	swait.ge [sflag:s4], $0x0  }
0x19: {  	s7 =	sld [smem:$0x3F93]  }
0x1a: {  	s8 =	sadd.s32 $0xFFFFE003, lr  }
0x1b: {  	s9 =	sadd.s32 $0xFFFFFEF7, lr;
	s5 =	simm.s32 $0xFFFFFFFF;
	p2 =	slt.u32 s8, $0xFFFFF086  }
0x1c: {  	p1 =	slt.u32 s9, $0xF7A;
	s5 =	simm.s32 @!p2 $0x0  }
0x1d: {  	s5 =	simm.s32 @p1 $0x1;
	p0 =	seq.s32 s7, s2  }
0x1e: {  	s7 =	smul.u32 @!p0 $0xF7A, s2;
	p2 =	seq.s32 @!p0 s5, $0x0  }
0x1f: {  	s9 =	smul.u32 $0xF7A, s1;
	s8 =	simm.s32 @!p0 $0x1BF5;
	p2 =	por !p2, p0  }
0x20: {  	[sflag:s8] =	ssyncset.s32 @!p0 $0xFFFFF086;
	s6 =	sadd.s32 @!p0 s3, s7;
	s7 =	simm.s32 @!p0 $0x108  }
0x21: {  	s3 =	sadd.s32 s3, s9;
	s6 =	sadd.s32 @!p0 $0x88, s6;
	s7 =	simm.s32 @p2 $0x1082  }
0x22: {  	[simem:s7], [sflag:s8] =	dma.local @!p0 [hbm:s6], $0xF7A  }
0x23: {  	s9 =	sor.u32 $0xD0000000, s2;
	s6 =	simm.s32 $0x108;
	_ =	swait.ge @!p0 [sflag:s8], $0x0  }
0x24: {  	s3 =	sadd.s32 $0x88, s3;
	s6 =	simm.s32 @!p1 $0x1082;
	[sflag:s4] =	ssyncset.s32 $0xFFFFF086  }
0x25: {  	[simem:s6], [sflag:s4] =	dma.local [hbm:s3], $0xF7A  }
0x26: {  	[smem:$0x3F93] =	sst s1;
	(tag) =	ssettag s2;
	_ =	strace s9  }
0x27: {  	s1 =	sld [smem:$0x3FA3]  }
0x28: {  	s2 =	sld [smem:$0x3FA4]  }
0x29: {  	s4 =	sld [smem:$0x3FA6]  }
0x2a: {  	p0 =	seq.s32 s5, $0x0;
	s5 =	sld [smem:$0x3FA7]  }
0x2b: {  	s6 =	sld [smem:$0x3FA8]  }
0x2c: {  	s7 =	sld [smem:$0x3FA9]  }
0x2d: {  	s3 =	simm.s32 $0x108;
	s8 =	sld [smem:$0x3FAA]  }
0x2e: {  	s3 =	simm.s32 @!p0 $0x1082;
	s9 =	sld [smem:$0x3FAB]  }
0x2f: {  	lr =	sadd.s32 s0, s3;
	s0 =	sld [smem:$0x3FA2]  }
0x30: {  	s3 =	sld [smem:$0x3FA5]  }
0x31: {  	[smem:$0x3FAE] =	sst s10  }
0x32: {  	s10 =	sld [smem:$0x3FAC];
	_ =	sdelay $0x3  }
0x33: {  	p0 =	seq.s32 s10, $0x1;
	s10 =	sld [smem:$0x3FAE];
	_ =	sdelay $0x3  }
0x34: {  	[smem:$0x3FAE] =	sst s10  }
0x35: {  	s10 =	sld [smem:$0x3FAD];
	_ =	sdelay $0x3  }
0x36: {  	p1 =	seq.s32 s10, $0x1;
	s10 =	sld [smem:$0x3FAE];
	_ =	sdelay $0x3  }
0x37: {  	[smem:$0x3FAE] =	sst s10  }
0x38: {  	s10 =	sld [smem:$0x3FAF]  }
0x39: {  	_ = 	snop;
	(pc) =	sbr.ind lr, $3  }
0x3a: {  	_ = 	snop  }
0x3b: {  	_ = 	snop  }
0x3c: {  	p2 =	seq.s32 s10, $0x1;
	s10 =	sld [smem:$0x3FAE]  }
0x3d: {  	_ =	shalt  }
0x3e: {  	_ =	shalt  }
0x3f: {  	_ =	shalt  }
0x40: {  	_ =	shalt  }
0x41: {  	_ =	shalt  }
0x42: {  	_ =	shalt  }
0x43: {  	_ =	shalt  }
0x44: {  	_ =	shalt  }
0x45: {  	_ =	shalt  }
0x46: {  	_ =	shalt  }
0x47: {  	_ =	shalt  }
0x48: {  	_ =	shalt  }
0x49: {  	_ =	shalt  }
0x4a: {  	_ =	shalt  }
0x4b: {  	_ =	shalt  }
0x4c: {  	_ =	shalt  }
0x4d: {  	_ =	shalt  }
0x4e: {  	_ =	shalt  }
0x4f: {  	_ =	shalt  }
0x50: {  	_ =	shalt  }
0x51: {  	_ =	shalt  }
0x52: {  	_ =	shalt  }
0x53: {  	_ =	shalt  }
0x54: {  	_ =	shalt  }
0x55: {  	_ =	shalt  }
0x56: {  	_ =	shalt  }
0x57: {  	_ =	shalt  }
0x58: {  	_ =	shalt  }
0x59: {  	_ =	shalt  }
0x5a: {  	_ =	shalt  }
0x5b: {  	_ =	shalt  }
0x5c: {  	_ =	shalt  }
0x5d: {  	_ =	shalt  }
0x5e: {  	_ =	shalt  }
0x5f: {  	_ =	shalt  }
0x60: {  	_ =	shalt  }
0x61: {  	_ =	shalt  }
0x62: {  	_ =	shalt  }
0x63: {  	_ =	shalt  }
0x64: {  	_ =	shalt  }
0x65: {  	_ =	shalt  }
0x66: {  	_ =	shalt  }
0x67: {  	_ =	shalt  }
0x68: {  	_ =	shalt  }
0x69: {  	_ =	shalt  }
0x6a: {  	_ =	shalt  }
0x6b: {  	_ =	shalt  }
0x6c: {  	_ =	shalt  }
0x6d: {  	_ =	shalt  }
0x6e: {  	_ =	shalt  }
0x6f: {  	_ =	shalt  }
0x70: {  	_ =	shalt  }
0x71: {  	_ =	shalt  }
0x72: {  	_ =	shalt  }
0x73: {  	_ =	shalt  }
0x74: {  	_ =	shalt  }
0x75: {  	_ =	shalt  }
0x76: {  	_ =	shalt  }
0x77: {  	_ =	shalt  }
0x78: {  	_ =	shalt  }
0x79: {  	_ =	shalt  }
0x7a: {  	_ =	shalt  }
0x7b: {  	_ =	shalt  }
0x7c: {  	_ =	shalt  }
0x7d: {  	_ =	shalt  }
0x7e: {  	_ =	shalt  }
0x7f: {  	_ =	shalt  }
0x80: {  	_ =	shalt  }
0x81: {  	_ =	shalt  }
0x82: {  	_ =	shalt  }
0x83: {  	_ =	shalt  }
0x84: {  	_ =	shalt  }
0x85: {  	_ =	shalt  }
0x86: {  	_ =	shalt  }
0x87: {  	_ =	shalt  }
.Lfunc_end0:
.L_simem_size_0:
called_computation.1_lowered:
.L_overlay_start_0:
0x88: {  	s2 =	sld [smem:$0x3FD9]  }
0x89: {  	s3 =	sld [smem:$0x3FFE];
	_ =	sdelay $0x1  }
0x8a: {  	s1 =	srdreg.scid  }
0x8b: {  	s0 =	sand.u32 $0x1, s1  }
0x8c: {  	s17 =	sshll.u32 s0, $0xA;
	s2 =	sadd.s32 s3, s2  }
0x8d: {  	s2 =	sadd.s32 s2, s17  }
0x8e: {  	[smem:$0x3FBA] =	sst s2  }
0x8f: {  	_ = 	snop  }
0x90: {  	s2 =	sld [smem:$0x3FD0];
	(tm) =	ssettm $0x1  }
0x91: {  	s18 =	sld [smem:$0x3FFB];
	_ =	sdelay $0x3  }
0x92: {  	_ =	strace s18  }
0x93: {  	s3 =	sld [smem:$0x3FFC];
	_ =	sdelay $0x3  }
0x94: {  	_ =	strace s3  }
0x95: {  	s3 =	sld [smem:$0x3FFD];
	_ =	sdelay $0x3  }
0x96: {  	_ =	strace s3  }
0x97: {  	_ =	strace $0x8FFFFFFF  }
0x98: {  	s19 =	sld [smem:$0x3FDB];
	_ =	sdelay $0x1  }
0x99: {  	s4 =	simm.s32 $_scs_section_size  }
0x9a: {  	s5 =	simm.s32 $_size__tile_overlayer_lowered;
	s6 =	simm.s32 $_tile_overlayer_lowered  }
0x9b: {  	s22 =	simm.s32 $0x1BFF;
	s21 =	sshll.u32 s6, $0x1;
	s3 =	sadd.s32 s4, s19  }
0x9c: {  	s7 =	simm.s32 $0x0;
	s20 =	sshll.u32 s5, $0x1;
	s5 =	sadd.s32 s21, s3  }
0x9d: {  	[timem:s7], [sflag:s22] =	dma.local [hbm:s5], s20  }
0x9e: {  	_ =	swait.ge [sflag:s22], s20  }
0x9f: {  	s4 =	ssub.s32 $0x0, s20;
	[sflag:s22] =	ssyncset.done $0x0  }
0xa0: {  	[sflag:s22] =	ssyncadd.s32 s4;
	_ =	sdelay $0x1  }
0xa1: {  	s23 =	simm.s32 $0x1B8B  }
0xa2: {  	_ =	swait.ge [sflag:s23], $0x1  }
0xa3: {  	[sflag:s23] =	ssyncset.done $0x0  }
0xa4: {  	s25 =	simm.s32 $0x1B8E;
	s24 =	sld [smem:$0x3FFE];
	[sflag:s23] =	ssyncadd.s32 $0xFFFFFFFF  }
0xa5: {  	s26 =	simm.s32 $execute0_lowered;
	[smem:$0x3FD2] =	sst s25  }
0xa6: {  	s5 =	sshll.u32 s26, $0x1;
	_ =	strace $0x80000049;
	[dreg:$0x1] =	wrdreg $0xFFFFFFFF  }
0xa7: {  	s28 =	simm.s32 $_size_execute0_lowered;
	s3 =	sadd.s32 s3, s5;
	[dreg:$0x0] =	wrdreg $0x0  }
0xa8: {  	s5 =	sshll.u32 s28, $0x1;
	[dreg:$0x2] =	wrdreg s3  }
0xa9: {  	[dreg:$0x3] =	wrdreg s5  }
0xaa: {  	[dreg:$0x4] =	wrdreg $0xC0  }
0xab: {  	_ =	task [dreg:s7], $0x5FFFF  }
0xac: {  	[dreg:$0x1] =	wrdreg $0xFFFFFFFF  }
0xad: {  	[dreg:$0x0] =	wrdreg $0x60  }
0xae: {  	[dreg:$0x2] =	wrdreg s2  }
0xaf: {  	[dreg:$0x3] =	wrdreg s24  }
0xb0: {  	[dreg:$0x4] =	wrdreg $0x0  }
0xb1: {  	[dreg:$0x5] =	wrdreg $0x9  }
0xb2: {  	_ =	task.clear_ibuf [dreg:s7], $0x6FFFF;
	_ =	strace $0x90000049  }
0xb3: {  	s29 =	simm.s32 $0x9;
	_ =	strace $0x8000004B  }
0xb4: {  	_ =	swait.ge [sflag:s29], $0x1  }
0xb5: {  	[sflag:s29] =	ssyncadd.s32 $0xFFFFFFFF  }
0xb6: {  	_ =	strace $0x9000004B  }
0xb7: {  	_ =	sfence  }
0xb8: {  	s30 =	sld [smem:$0x0];
	_ =	sdelay $0x2  }
0xb9: {  	s31 =	sshll.u32 s1, $0xD;
	s1 =	sshrl.u32 s1, $0x2  }
0xba: {  	s3 =	sand.u32 $0x4000, s31;
	s1 =	sadd.s32 s1, s30  }
0xbb: {  	s0 =	sor.u32 s3, s0;
	s1 =	sshll.u32 s1, $0x11  }
0xbc: {  	s0 =	sor.u32 s1, s0  }
0xbd: {  	s0 =	sadd.s32 $0x8F2B, s0  }
0xbe: {  	[sflag:s0] =	ssyncadd.remote.s32 $0x1  }
0xbf: {  	_ =	sfence.sel $0xFFFF  }
0xc0: {  	[dreg:$0x0] =	wrdreg $0xFFFFFFFF;
	(pc) =	sbr.abs _section_cstart, $3  }
0xc1: {  	[dreg:$0x1] =	wrdreg $0xFFFFFFFF  }
0xc2: {  	_ =	task.clear_ibuf [dreg:s7], $0x2FFFF;
	_ =	strace $0x9FFFFFFF  }
0xc3: {  	(tm) =	ssettm $0x7FFFFFFF  }
tec
execute0_lowered:
.L_overlay_start_1:
0x0: {  	(tag) =	ssettag $0x1  }
0x1: {  	s1 =	rddreg [dreg:$0x0]  }
0x2: {  	s0 =	rddreg [dreg:$0x1]  }
0x3: {  	s2 =	rddreg [dreg:$0x2];
	s3 =	simm.s32 $0x0  }
0x4: {  	s4 =	srdreg.scid;
	s28 =	simm.s32 $0x7;
	s29 =	simm.s32 $0x14080  }
0x5: {  	s31 =	simm.s32 $0x5;
	s30 =	simm.s32 $0x14880;
	[smem:$0x7FF] =	sst s3  }
0x6: {  	s4 =	sand.u32 $0x1, s4;
	s5 =	sadd.s32 $0x2A00, s0;
	s6 =	sadd.s32 $0x16400, s0  }
0x7: {  	s20 =	sadd.s32 $0x16600, s0;
	s0 =	sadd.s32 $0x18E00, s0;
	s13 =	sadd.s32 $0x138000, s2  }
0x8: {  	_ =	strace $0x8000004A;
	[dreg:$0x4] =	wrdreg s6;
	s15 =	smul.u32 $0x27100, s4  }
0x9: {  	s7 =	ssub.s32 $0x2, s4;
	s6 =	stileid.u32;
	s17 =	smul.u32 $0x138800, s4  }
0xa: {  	s22 =	sshll.u32 s4, $0x4;
	p2 =	seq.s32 s4, $0x0;
	s18 =	smul.u32 $0xA0000, s4  }
0xb: {  	[dreg:$0x7] =	wrdreg s13;
	s13 =	sadd.s32 $0x27000, s1;
	s9 =	smul.u32 $0x4E000, s6  }
0xc: {  	s8 =	sshrl.u32 s7, $0x1;
	p1 =	sgt.u32 s6, $0x7;
	s10 =	smul.u32 $0x2700, s6  }
0xd: {  	s26 =	smul.u32 $0xA000, s6;
	p3 =	sne.s32 s6, $0xF;
	s7 =	ssub.s32 s7, s8  }
0xe: {  	s8 =	sor.u32 s6, s22;
	p0 =	por !p1, !p1;
	s22 =	sshrl.u32 s17, $0x3  }
0xf: {  	s11 =	smul.u32 $0x50, s8;
	p0 =	por @!p2 p1, p1;
	s9 =	sshrl.u32 s9, $0x2  }
0x10: {  	s12 =	smul.u32 $0x500, s8;
	s26 =	sadd.s32 s18, s26;
	s9 =	sadd.s32 s9, s2  }
0x11: {  	p1 =	seq.s32 s8, $0x1F;
	[dreg:$0x6] =	wrdreg s9;
	s9 =	sadd.s32 s1, s10  }
0x12: {  	s14 =	smin.u32 s11, $0x9A0;
	s21 =	sadd.s32 s5, s12;
	s24 =	smin.u32 s11, $0x990  }
0x13: {  	s25 =	smin.u32 s11, $0x980;
	s11 =	smin.u32 s11, $0x970;
	s10 =	sadd.s32 s10, s15  }
0x14: {  	s15 =	smul.u32 $0x500, s4;
	s23 =	sshll.u32 s14, $0x4;
	s14 =	sshll.u32 s24, $0x4  }
0x15: {  	s11 =	sshll.u32 s11, $0x4;
	s10 =	sadd.s32 s0, s10;
	s0 =	sadd.s32 s0, s22  }
0x16: {  	[dreg:$0x8] =	wrdreg s21;
	s12 =	sadd.s32 s23, s5;
	s16 =	sadd.s32 s14, s5  }
0x17: {  	s14 =	sshll.u32 s25, $0x4;
	[dreg:$0x9] =	wrdreg s10;
	s23 =	smul.u32 $0x50, s6  }
0x18: {  	s0 =	sadd.s32 $0x27000, s0;
	s10 =	simm.s32 $0x2;
	s19 =	sadd.s32 s14, s5  }
0x19: {  	s5 =	sadd.s32 s11, s5;
	s24 =	sadd.s32 $0x100, s12;
	[dreg:$0x15] =	wrdreg s0  }
0x1a: {  	s25 =	sadd.s32 $0x9D80, s12;
	s14 =	sadd.s32 $0x200, s16;
	[dreg:$0xa] =	wrdreg s24  }
0x1b: {  	s12 =	smov.u32 s20;
	s16 =	sadd.s32 $0x9E80, s16;
	[dreg:$0xb] =	wrdreg s25  }
0x1c: {  	s0 =	simm.s32 $0x6;
	[dreg:$0xc] =	wrdreg s14;
	s11 =	sadd.s32 s23, s15  }
0x1d: {  	[dreg:$0xe] =	wrdreg s16;
	s12 =	smov.u32 @p0 s9;
	s17 =	sadd.s32 $0x300, s19  }
0x1e: {  	s18 =	sadd.s32 $0x9F80, s19;
	p0 =	seq.s32 @!p3 s4, $0x0;
	s19 =	sadd.s32 $0x400, s5  }
0x1f: {  	s22 =	sadd.s32 $0xA080, s5;
	s23 =	sshll.u32 s6, $0x7;
	[dreg:$0xd] =	wrdreg s12  }
0x20: {  	s25 =	smax.u32 s7, $0x1;
	s14 =	simm.s32 $0x13880;
	[dreg:$0xf] =	wrdreg s17  }
0x21: {  	s5 =	simm.s32 $0x80;
	s7 =	simm.s32 $0x19C80;
	[dreg:$0x10] =	wrdreg s18  }
0x22: {  	s15 =	simm.s32 $0x0;
	s6 =	simm.s32 @!p3 $0x0;
	[dreg:$0x11] =	wrdreg s19  }
0x23: {  	[dreg:$0x12] =	wrdreg s22;
	p0 =	por !p0, p3;
	s24 =	sadd.s32 $0x15880, s23  }
0x24: {  	s4 =	sadd.s32 $0x15A80, s23;
	[dreg:$0x16] =	wrdreg s25;
	s25 =	sadd.s32 $0x40, s11  }
0x25: {  	s11 =	simm.s32 $0x3;
	s12 =	simm.s32 $0x4;
	[dreg:$0x13] =	wrdreg s24  }
0x26: {  	s6 =	simm.s32 @p3 $0x1;
	s20 =	smov.u32 @p0 s13;
	[dreg:$0x14] =	wrdreg s4  }
0x27: {  	p0 =	sgt.u32 @!p1 s8, $0x3;
	s24 =	sadd.s32 $0xFFED0000, s26;
	[smem:$0x7FD] =	sst s6  }
0x28: {  	s26 =	sadd.s32 $0x9C80, s21;
	s4 =	simm.s32 $0x15C80;
	[dreg:$0x5] =	wrdreg s20  }
0x29: {  	s8 =	simm.s32 $0x1;
	p2 =	por p0, p1;
	[dreg:$0x17] =	wrdreg s26  }
.LBB2_1:
0x2a: {  	s6 =	stileid.u32  }
0x2b: {  	s20 =	rddreg [dreg:$0x6];
	s9 =	sshll.u32 s6, $0x6  }
0x2c: {  	s21 =	rddreg [dreg:$0xd];
	s17 =	sshrl.u32 s20, $0x3;
	s16 =	sor.u32 $0x1C07, s9  }
0x2d: {  	[spmem:s17], [sflag:s16] =	dma.local [hbm:s21], $0x2700  }
0x2e: {  	_ =	swait.ge [sflag:s28], $0x2700  }
0x2f: {  	s9 =	simm.s32 @!p3 $0x1FC7;
	[sflag:s28] =	ssyncset.done $0x0;
	s6 =	rddreg [dreg:$0x7]  }
0x30: {  	[sflag:s28] =	ssyncadd.s32 $0xFFFFD900;
	s18 =	sshrl.u32 @!p3 s6, $0x3;
	s6 =	rddreg [dreg:$0x5]  }
0x31: {  	[spmem:s18], [sflag:s9] =	dma.local @!p3 [hbm:s6], $0x100  }
0x32: {  	s9 =	simm.s32 @!p3 $0x7  }
0x33: {  	_ =	swait.ge @!p3 [sflag:s9], $0x100  }
0x34: {  	[sflag:s9] =	ssyncset.done @!p3 $0x0  }
0x35: {  	[sflag:s9] =	ssyncadd.s32 @!p3 $0xFFFFFF00  }
0x36: {  	[bflag:$0x0] =	sbarrier.arrive $0xFFFF  }
0x37: {  	s22 =	rddreg [dreg:$0x8]  }
0x38: {  	[tilespmem:s14], [sflag:$0x5] =	stream.linear.gather [hbm4b:s22+s3], $0x800, $0x38;
	[tilespmem:$0x1DC80] =	vst v63  }
0x39: {  	s23 =	rddreg [dreg:$0x17]  }
0x3a: {  	[tilespmem:s29], [sflag:$0x6] =	stream.linear.gather [hbm4b:s23+s3], $0x800, $0x38;
	[tilespmem:$0x1DC80] =	vst v63  }
0x3b: {  	_ =	swait.ge [sflag:s31], $0x800  }
0x3c: {  	[sflag:s31] =	ssyncset.done $0x0  }
0x3d: {  	[sflag:s31] =	ssyncadd.s32 $0xFFFFF800  }
0x3e: {  	_ =	swait.ge [sflag:s0], $0x800  }
0x3f: {  	[sflag:s0] =	ssyncset.done $0x0  }
0x40: {  	[sflag:s0] =	ssyncadd.s32 $0xFFFFF800  }
0x41: {  	[tilespmem:s4], [sflag:$0x1] =	stream.indirect.gather [hbm4b:s1+s5], $0x80, s14, s5, $0xb8;
	[tilespmem:$0x1DC80] =	vst v63  }
0x42: {  	s26 =	simm.s32 $0x13900  }
0x43: {  	[tilespmem:s7], [sflag:$0x2] =	stream.indirect.gather [hbm4b:s1+s5], $0x80, s26, s5, $0xb8;
	[tilespmem:$0x1DC80] =	vst v63  }
0x44: {  	_ =	swait.ge [sflag:s8], $0x4000  }
0x45: {  	[sflag:s8] =	ssyncset.done $0x0  }
0x46: {  	[sflag:s8] =	ssyncadd.s32 $0xFFFFC000  }
0x47: {  	[spmem:s2] =	stream.indirect.scatter.add.f32 [tilespmem:s4], [sflag:$0x3], $0x80, s29, s5, $0xb8;
	[tilespmem:$0x1DC80] =	vst v63  }
0x48: {  	_ =	swait.ge [sflag:s10], $0x4000  }
0x49: {  	[sflag:s10] =	ssyncset.done $0x0  }
0x4a: {  	s9 =	simm.s32 $0x14100;
	[sflag:s10] =	ssyncadd.s32 $0xFFFFC000  }
0x4b: {  	[spmem:s2] =	stream.indirect.scatter.add.f32 [tilespmem:s7], [sflag:$0x4], $0x80, s9, s5, $0xb8;
	[tilespmem:$0x1DC80] =	vst v63  }
0x4c: {  	_ =	swait.ge [sflag:s11], $0x4000  }
0x4d: {  	[sflag:s11] =	ssyncset.done $0x0  }
0x4e: {  	s13 =	simm.s32 $0x13980;
	[sflag:s11] =	ssyncadd.s32 $0xFFFFC000  }
0x4f: {  	[tilespmem:s4], [sflag:$0x1] =	stream.indirect.gather [hbm4b:s1+s5], $0x80, s13, s5, $0xb8;
	[tilespmem:$0x1DC80] =	vst v63  }
0x50: {  	_ =	swait.ge [sflag:s12], $0x4000  }
0x51: {  	[sflag:s12] =	ssyncset.done $0x0  }
0x52: {  	s19 =	simm.s32 $0x13A00;
	[sflag:s12] =	ssyncadd.s32 $0xFFFFC000  }
0x53: {  	[tilespmem:s7], [sflag:$0x2] =	stream.indirect.gather [hbm4b:s1+s5], $0x80, s19, s5, $0xb8;
	[tilespmem:$0x1DC80] =	vst v63  }
0x54: {  	_ =	swait.ge [sflag:s8], $0x4000  }
0x55: {  	[sflag:s8] =	ssyncset.done $0x0  }
0x56: {  	s20 =	simm.s32 $0x14180;
	[sflag:s8] =	ssyncadd.s32 $0xFFFFC000  }
0x57: {  	[spmem:s2] =	stream.indirect.scatter.add.f32 [tilespmem:s4], [sflag:$0x3], $0x80, s20, s5, $0xb8;
	[tilespmem:$0x1DC80] =	vst v63  }
0x58: {  	_ =	swait.ge [sflag:s10], $0x4000  }
0x59: {  	[sflag:s10] =	ssyncset.done $0x0  }
0x5a: {  	s21 =	simm.s32 $0x14200;
	[sflag:s10] =	ssyncadd.s32 $0xFFFFC000  }
0x5b: {  	[spmem:s2] =	stream.indirect.scatter.add.f32 [tilespmem:s7], [sflag:$0x4], $0x80, s21, s5, $0xb8;
	[tilespmem:$0x1DC80] =	vst v63  }
0x5c: {  	s22 =	rddreg [dreg:$0xa]  }
0x5d: {  	[tilespmem:s30], [sflag:$0x5] =	stream.linear.gather [hbm4b:s22+s3], $0x800, $0x38;
	[tilespmem:$0x1DC80] =	vst v63  }
0x5e: {  	s26 =	simm.s32 $0x15080;
	s23 =	rddreg [dreg:$0xb]  }
0x5f: {  	[tilespmem:s26], [sflag:$0x6] =	stream.linear.gather [hbm4b:s23+s3], $0x800, $0x38;
	[tilespmem:$0x1DC80] =	vst v63  }
0x60: {  	_ =	swait.ge [sflag:s11], $0x4000  }
0x61: {  	[sflag:s11] =	ssyncset.done $0x0  }
0x62: {  	s9 =	simm.s32 $0x13A80;
	[sflag:s11] =	ssyncadd.s32 $0xFFFFC000  }
0x63: {  	[tilespmem:s4], [sflag:$0x1] =	stream.indirect.gather [hbm4b:s1+s5], $0x80, s9, s5, $0xb8;
	[tilespmem:$0x1DC80] =	vst v63  }
0x64: {  	_ =	swait.ge [sflag:s12], $0x4000  }
0x65: {  	[sflag:s12] =	ssyncset.done $0x0  }
0x66: {  	s13 =	simm.s32 $0x13B00;
	[sflag:s12] =	ssyncadd.s32 $0xFFFFC000  }
0x67: {  	[tilespmem:s7], [sflag:$0x2] =	stream.indirect.gather [hbm4b:s1+s5], $0x80, s13, s5, $0xb8;
	[tilespmem:$0x1DC80] =	vst v63  }
0x68: {  	_ =	swait.ge [sflag:s8], $0x4000  }
0x69: {  	[sflag:s8] =	ssyncset.done $0x0  }
0x6a: {  	s19 =	simm.s32 $0x14280;
	[sflag:s8] =	ssyncadd.s32 $0xFFFFC000  }
0x6b: {  	[spmem:s2] =	stream.indirect.scatter.add.f32 [tilespmem:s4], [sflag:$0x3], $0x80, s19, s5, $0xb8;
	[tilespmem:$0x1DC80] =	vst v63  }
0x6c: {  	_ =	swait.ge [sflag:s10], $0x4000  }
0x6d: {  	[sflag:s10] =	ssyncset.done $0x0  }
0x6e: {  	s20 =	simm.s32 $0x14300;
	[sflag:s10] =	ssyncadd.s32 $0xFFFFC000  }
0x6f: {  	[spmem:s2] =	stream.indirect.scatter.add.f32 [tilespmem:s7], [sflag:$0x4], $0x80, s20, s5, $0xb8;
	[tilespmem:$0x1DC80] =	vst v63  }
0x70: {  	_ =	swait.ge [sflag:s11], $0x4000  }
0x71: {  	[sflag:s11] =	ssyncset.done $0x0  }
0x72: {  	s21 =	simm.s32 $0x13B80;
	[sflag:s11] =	ssyncadd.s32 $0xFFFFC000  }
0x73: {  	[tilespmem:s4], [sflag:$0x1] =	stream.indirect.gather [hbm4b:s1+s5], $0x80, s21, s5, $0xb8;
	[tilespmem:$0x1DC80] =	vst v63  }
0x74: {  	_ =	swait.ge [sflag:s12], $0x4000  }
0x75: {  	[sflag:s12] =	ssyncset.done $0x0  }
0x76: {  	s22 =	simm.s32 $0x13C00;
	[sflag:s12] =	ssyncadd.s32 $0xFFFFC000  }
0x77: {  	[tilespmem:s7], [sflag:$0x2] =	stream.indirect.gather [hbm4b:s1+s5], $0x80, s22, s5, $0xb8;
	[tilespmem:$0x1DC80] =	vst v63  }
0x78: {  	_ =	swait.ge [sflag:s8], $0x4000  }
0x79: {  	[sflag:s8] =	ssyncset.done $0x0  }
0x7a: {  	s23 =	simm.s32 $0x14380;
	[sflag:s8] =	ssyncadd.s32 $0xFFFFC000  }
0x7b: {  	[spmem:s2] =	stream.indirect.scatter.add.f32 [tilespmem:s4], [sflag:$0x3], $0x80, s23, s5, $0xb8;
	[tilespmem:$0x1DC80] =	vst v63  }
0x7c: {  	_ =	swait.ge [sflag:s10], $0x4000  }
0x7d: {  	[sflag:s10] =	ssyncset.done $0x0  }
0x7e: {  	s26 =	simm.s32 $0x14400;
	[sflag:s10] =	ssyncadd.s32 $0xFFFFC000  }
0x7f: {  	[spmem:s2] =	stream.indirect.scatter.add.f32 [tilespmem:s7], [sflag:$0x4], $0x80, s26, s5, $0xb8;
	[tilespmem:$0x1DC80] =	vst v63  }
0x80: {  	_ =	swait.ge [sflag:s11], $0x4000  }
0x81: {  	[sflag:s11] =	ssyncset.done $0x0  }
0x82: {  	s9 =	simm.s32 $0x13C80;
	[sflag:s11] =	ssyncadd.s32 $0xFFFFC000  }
0x83: {  	[tilespmem:s4], [sflag:$0x1] =	stream.indirect.gather [hbm4b:s1+s5], $0x80, s9, s5, $0xb8;
	[tilespmem:$0x1DC80] =	vst v63  }
0x84: {  	_ =	swait.ge [sflag:s12], $0x4000  }
0x85: {  	[sflag:s12] =	ssyncset.done $0x0  }
0x86: {  	s13 =	simm.s32 $0x13D00;
	[sflag:s12] =	ssyncadd.s32 $0xFFFFC000  }
0x87: {  	[tilespmem:s7], [sflag:$0x2] =	stream.indirect.gather [hbm4b:s1+s5], $0x80, s13, s5, $0xb8;
	[tilespmem:$0x1DC80] =	vst v63  }
0x88: {  	_ =	swait.ge [sflag:s8], $0x4000  }
0x89: {  	[sflag:s8] =	ssyncset.done $0x0  }
0x8a: {  	s19 =	simm.s32 $0x14480;
	[sflag:s8] =	ssyncadd.s32 $0xFFFFC000  }
0x8b: {  	[spmem:s2] =	stream.indirect.scatter.add.f32 [tilespmem:s4], [sflag:$0x3], $0x80, s19, s5, $0xb8;
	[tilespmem:$0x1DC80] =	vst v63  }
0x8c: {  	_ =	swait.ge [sflag:s10], $0x4000  }
0x8d: {  	[sflag:s10] =	ssyncset.done $0x0  }
0x8e: {  	s20 =	simm.s32 $0x14500;
	[sflag:s10] =	ssyncadd.s32 $0xFFFFC000  }
0x8f: {  	[spmem:s2] =	stream.indirect.scatter.add.f32 [tilespmem:s7], [sflag:$0x4], $0x80, s20, s5, $0xb8;
	[tilespmem:$0x1DC80] =	vst v63  }
0x90: {  	_ =	swait.ge [sflag:s11], $0x4000  }
0x91: {  	[sflag:s11] =	ssyncset.done $0x0  }
0x92: {  	s21 =	simm.s32 $0x13D80;
	[sflag:s11] =	ssyncadd.s32 $0xFFFFC000  }
0x93: {  	[tilespmem:s4], [sflag:$0x1] =	stream.indirect.gather [hbm4b:s1+s5], $0x80, s21, s5, $0xb8;
	[tilespmem:$0x1DC80] =	vst v63  }
0x94: {  	_ =	swait.ge [sflag:s12], $0x4000  }
0x95: {  	[sflag:s12] =	ssyncset.done $0x0  }
0x96: {  	s22 =	simm.s32 $0x13E00;
	[sflag:s12] =	ssyncadd.s32 $0xFFFFC000  }
0x97: {  	[tilespmem:s7], [sflag:$0x2] =	stream.indirect.gather [hbm4b:s1+s5], $0x80, s22, s5, $0xb8;
	[tilespmem:$0x1DC80] =	vst v63  }
0x98: {  	_ =	swait.ge [sflag:s8], $0x4000  }
0x99: {  	[sflag:s8] =	ssyncset.done $0x0  }
0x9a: {  	s23 =	simm.s32 $0x14580;
	[sflag:s8] =	ssyncadd.s32 $0xFFFFC000  }
0x9b: {  	[spmem:s2] =	stream.indirect.scatter.add.f32 [tilespmem:s4], [sflag:$0x3], $0x80, s23, s5, $0xb8;
	[tilespmem:$0x1DC80] =	vst v63  }
0x9c: {  	_ =	swait.ge [sflag:s10], $0x4000  }
0x9d: {  	[sflag:s10] =	ssyncset.done $0x0  }
0x9e: {  	s26 =	simm.s32 $0x14600;
	[sflag:s10] =	ssyncadd.s32 $0xFFFFC000  }
0x9f: {  	[spmem:s2] =	stream.indirect.scatter.add.f32 [tilespmem:s7], [sflag:$0x4], $0x80, s26, s5, $0xb8;
	[tilespmem:$0x1DC80] =	vst v63  }
0xa0: {  	_ =	swait.ge [sflag:s11], $0x4000  }
0xa1: {  	[sflag:s11] =	ssyncset.done $0x0  }
0xa2: {  	s9 =	simm.s32 $0x13E80;
	[sflag:s11] =	ssyncadd.s32 $0xFFFFC000  }
0xa3: {  	[tilespmem:s4], [sflag:$0x1] =	stream.indirect.gather [hbm4b:s1+s5], $0x80, s9, s5, $0xb8;
	[tilespmem:$0x1DC80] =	vst v63  }
0xa4: {  	_ =	swait.ge [sflag:s12], $0x4000  }
0xa5: {  	[sflag:s12] =	ssyncset.done $0x0  }
0xa6: {  	s13 =	simm.s32 $0x13F00;
	[sflag:s12] =	ssyncadd.s32 $0xFFFFC000  }
0xa7: {  	[tilespmem:s7], [sflag:$0x2] =	stream.indirect.gather [hbm4b:s1+s5], $0x80, s13, s5, $0xb8;
	[tilespmem:$0x1DC80] =	vst v63  }
0xa8: {  	_ =	swait.ge [sflag:s8], $0x4000  }
0xa9: {  	[sflag:s8] =	ssyncset.done $0x0  }
0xaa: {  	s19 =	simm.s32 $0x14680;
	[sflag:s8] =	ssyncadd.s32 $0xFFFFC000  }
0xab: {  	[spmem:s2] =	stream.indirect.scatter.add.f32 [tilespmem:s4], [sflag:$0x3], $0x80, s19, s5, $0xb8;
	[tilespmem:$0x1DC80] =	vst v63  }
0xac: {  	_ =	swait.ge [sflag:s10], $0x4000  }
0xad: {  	[sflag:s10] =	ssyncset.done $0x0  }
0xae: {  	s20 =	simm.s32 $0x14700;
	[sflag:s10] =	ssyncadd.s32 $0xFFFFC000  }
0xaf: {  	[spmem:s2] =	stream.indirect.scatter.add.f32 [tilespmem:s7], [sflag:$0x4], $0x80, s20, s5, $0xb8;
	[tilespmem:$0x1DC80] =	vst v63  }
0xb0: {  	_ =	swait.ge [sflag:s11], $0x4000  }
0xb1: {  	[sflag:s11] =	ssyncset.done $0x0  }
0xb2: {  	s21 =	simm.s32 $0x13F80;
	[sflag:s11] =	ssyncadd.s32 $0xFFFFC000  }
0xb3: {  	[tilespmem:s4], [sflag:$0x1] =	stream.indirect.gather [hbm4b:s1+s5], $0x80, s21, s5, $0xb8;
	[tilespmem:$0x1DC80] =	vst v63  }
0xb4: {  	_ =	swait.ge [sflag:s12], $0x4000  }
0xb5: {  	[sflag:s12] =	ssyncset.done $0x0  }
0xb6: {  	s22 =	simm.s32 $0x14000;
	[sflag:s12] =	ssyncadd.s32 $0xFFFFC000  }
0xb7: {  	[tilespmem:s7], [sflag:$0x2] =	stream.indirect.gather [hbm4b:s1+s5], $0x80, s22, s5, $0xb8;
	[tilespmem:$0x1DC80] =	vst v63  }
0xb8: {  	_ =	swait.ge [sflag:s8], $0x4000  }
0xb9: {  	[sflag:s8] =	ssyncset.done $0x0  }
0xba: {  	s23 =	simm.s32 $0x14780;
	[sflag:s8] =	ssyncadd.s32 $0xFFFFC000  }
0xbb: {  	[spmem:s2] =	stream.indirect.scatter.add.f32 [tilespmem:s4], [sflag:$0x3], $0x80, s23, s5, $0xb8;
	[tilespmem:$0x1DC80] =	vst v63  }
0xbc: {  	_ =	swait.ge [sflag:s10], $0x4000  }
0xbd: {  	[sflag:s10] =	ssyncset.done $0x0  }
0xbe: {  	s26 =	simm.s32 $0x14800;
	[sflag:s10] =	ssyncadd.s32 $0xFFFFC000  }
0xbf: {  	[spmem:s2] =	stream.indirect.scatter.add.f32 [tilespmem:s7], [sflag:$0x4], $0x80, s26, s5, $0xb8;
	[tilespmem:$0x1DC80] =	vst v63  }
0xc0: {  	_ =	swait.ge [sflag:s31], $0x800  }
0xc1: {  	[sflag:s31] =	ssyncset.done $0x0  }
0xc2: {  	[sflag:s31] =	ssyncadd.s32 $0xFFFFF800  }
0xc3: {  	_ =	swait.ge [sflag:s0], $0x800  }
0xc4: {  	[sflag:s0] =	ssyncset.done $0x0  }
0xc5: {  	[sflag:s0] =	ssyncadd.s32 $0xFFFFF800  }
0xc6: {  	_ =	swait.ge [sflag:s11], $0x4000  }
0xc7: {  	[sflag:s11] =	ssyncset.done $0x0  }
0xc8: {  	s9 =	simm.s32 @p1 $0x4;
	[sflag:s11] =	ssyncadd.s32 $0xFFFFC000  }
0xc9: {  	_ =	swait.ge @p1 [sflag:s9], $0x4000  }
0xca: {  	s19 =	simm.s32 @!p1 $0x80;
	s20 =	simm.s32 @!p1 $0x15C80;
	[sflag:s9] =	ssyncset.done @p1 $0x0  }
0xcb: {  	s22 =	simm.s32 @!p1 $0x4;
	[sflag:s9] =	ssyncadd.s32 @p1 $0xFFFFC000;
	s9 =	simm.s32 @!p1 $0x14880  }
0xcc: {  	[tilespmem:s20], [sflag:$0x1] =	stream.indirect.gather @!p1 [hbm4b:s1+s19], $0x80, s9, s19, $0xb8;
	[tilespmem:$0x1DC80] =	vst v63  }
0xcd: {  	_ =	swait.ge @!p1 [sflag:s22], $0x4000  }
0xce: {  	s21 =	simm.s32 @!p1 $0x19C80;
	[sflag:s22] =	ssyncset.done @!p1 $0x0  }
0xcf: {  	s23 =	simm.s32 @!p1 $0x1;
	s9 =	simm.s32 @!p1 $0x14900;
	[sflag:s22] =	ssyncadd.s32 @!p1 $0xFFFFC000  }
0xd0: {  	[tilespmem:s21], [sflag:$0x2] =	stream.indirect.gather @!p1 [hbm4b:s1+s19], $0x80, s9, s19, $0xb8;
	[tilespmem:$0x1DC80] =	vst v63  }
0xd1: {  	_ =	swait.ge @!p1 [sflag:s23], $0x4000  }
0xd2: {  	[sflag:s23] =	ssyncset.done @!p1 $0x0  }
0xd3: {  	s26 =	simm.s32 @!p1 $0x2;
	s9 =	simm.s32 @!p1 $0x15080;
	[sflag:s23] =	ssyncadd.s32 @!p1 $0xFFFFC000  }
0xd4: {  	[spmem:s2] =	stream.indirect.scatter.add.f32 @!p1 [tilespmem:s20], [sflag:$0x3], $0x80, s9, s19, $0xb8;
	[tilespmem:$0x1DC80] =	vst v63  }
0xd5: {  	_ =	swait.ge @!p1 [sflag:s26], $0x4000  }
0xd6: {  	[sflag:s26] =	ssyncset.done @!p1 $0x0  }
0xd7: {  	s13 =	simm.s32 @!p1 $0x3;
	s9 =	simm.s32 @!p1 $0x15100;
	[sflag:s26] =	ssyncadd.s32 @!p1 $0xFFFFC000  }
0xd8: {  	[spmem:s2] =	stream.indirect.scatter.add.f32 @!p1 [tilespmem:s21], [sflag:$0x4], $0x80, s9, s19, $0xb8;
	[tilespmem:$0x1DC80] =	vst v63  }
0xd9: {  	_ =	swait.ge @!p1 [sflag:s13], $0x4000  }
0xda: {  	[sflag:s13] =	ssyncset.done @!p1 $0x0  }
0xdb: {  	s9 =	simm.s32 @!p1 $0x14980;
	[sflag:s13] =	ssyncadd.s32 @!p1 $0xFFFFC000  }
0xdc: {  	[tilespmem:s20], [sflag:$0x1] =	stream.indirect.gather @!p1 [hbm4b:s1+s19], $0x80, s9, s19, $0xb8;
	[tilespmem:$0x1DC80] =	vst v63  }
0xdd: {  	_ =	swait.ge @!p1 [sflag:s22], $0x4000  }
0xde: {  	[sflag:s22] =	ssyncset.done @!p1 $0x0  }
0xdf: {  	s9 =	simm.s32 @!p1 $0x14A00;
	[sflag:s22] =	ssyncadd.s32 @!p1 $0xFFFFC000  }
0xe0: {  	[tilespmem:s21], [sflag:$0x2] =	stream.indirect.gather @!p1 [hbm4b:s1+s19], $0x80, s9, s19, $0xb8;
	[tilespmem:$0x1DC80] =	vst v63  }
0xe1: {  	_ =	swait.ge @!p1 [sflag:s23], $0x4000  }
0xe2: {  	[sflag:s23] =	ssyncset.done @!p1 $0x0  }
0xe3: {  	s9 =	simm.s32 @!p1 $0x15180;
	[sflag:s23] =	ssyncadd.s32 @!p1 $0xFFFFC000  }
0xe4: {  	[spmem:s2] =	stream.indirect.scatter.add.f32 @!p1 [tilespmem:s20], [sflag:$0x3], $0x80, s9, s19, $0xb8;
	[tilespmem:$0x1DC80] =	vst v63  }
0xe5: {  	_ =	swait.ge @!p1 [sflag:s26], $0x4000  }
0xe6: {  	[sflag:s26] =	ssyncset.done @!p1 $0x0  }
0xe7: {  	s9 =	simm.s32 @!p1 $0x15200;
	[sflag:s26] =	ssyncadd.s32 @!p1 $0xFFFFC000  }
0xe8: {  	[spmem:s2] =	stream.indirect.scatter.add.f32 @!p1 [tilespmem:s21], [sflag:$0x4], $0x80, s9, s19, $0xb8;
	[tilespmem:$0x1DC80] =	vst v63  }
.Ltmp0:
0xe9: {  	_ = 	snop;
	(pc) =	sbr.rel @p1 .LBB2_3-.Ltmp0, $4  }
0xea: {  	s9 =	rddreg [dreg:$0xc]  }
0xeb: {  	[tilespmem:s14], [sflag:$0x5] =	stream.linear.gather [hbm4b:s9+s3], $0x800, $0x38;
	[tilespmem:$0x1DC80] =	vst v63  }
0xec: {  	s9 =	rddreg [dreg:$0xe]  }
0xed: {  	[tilespmem:s29], [sflag:$0x6] =	stream.linear.gather [hbm4b:s9+s3], $0x800, $0x38;
	[tilespmem:$0x1DC80] =	vst v63  }
0xee: {  	_ =	swait.ge [sflag:s11], $0x4000  }
0xef: {  	[sflag:s11] =	ssyncset.done $0x0  }
0xf0: {  	s6 =	simm.s32 $0x14A80;
	[sflag:s11] =	ssyncadd.s32 $0xFFFFC000  }
0xf1: {  	[tilespmem:s4], [sflag:$0x1] =	stream.indirect.gather [hbm4b:s1+s5], $0x80, s6, s5, $0xb8;
	[tilespmem:$0x1DC80] =	vst v63  }
0xf2: {  	_ =	swait.ge [sflag:s12], $0x4000  }
0xf3: {  	[sflag:s12] =	ssyncset.done $0x0  }
0xf4: {  	s9 =	simm.s32 $0x14B00;
	[sflag:s12] =	ssyncadd.s32 $0xFFFFC000  }
0xf5: {  	[tilespmem:s7], [sflag:$0x2] =	stream.indirect.gather [hbm4b:s1+s5], $0x80, s9, s5, $0xb8;
	[tilespmem:$0x1DC80] =	vst v63  }
0xf6: {  	_ =	swait.ge [sflag:s8], $0x4000  }
0xf7: {  	[sflag:s8] =	ssyncset.done $0x0  }
0xf8: {  	s9 =	simm.s32 $0x15280;
	[sflag:s8] =	ssyncadd.s32 $0xFFFFC000  }
0xf9: {  	[spmem:s2] =	stream.indirect.scatter.add.f32 [tilespmem:s4], [sflag:$0x3], $0x80, s9, s5, $0xb8;
	[tilespmem:$0x1DC80] =	vst v63  }
0xfa: {  	_ =	swait.ge [sflag:s10], $0x4000  }
0xfb: {  	[sflag:s10] =	ssyncset.done $0x0  }
0xfc: {  	s9 =	simm.s32 $0x15300;
	[sflag:s10] =	ssyncadd.s32 $0xFFFFC000  }
0xfd: {  	[spmem:s2] =	stream.indirect.scatter.add.f32 [tilespmem:s7], [sflag:$0x4], $0x80, s9, s5, $0xb8;
	[tilespmem:$0x1DC80] =	vst v63  }
0xfe: {  	_ =	swait.ge [sflag:s11], $0x4000  }
0xff: {  	[sflag:s11] =	ssyncset.done $0x0  }
0x100: {  	s9 =	simm.s32 $0x14B80;
	[sflag:s11] =	ssyncadd.s32 $0xFFFFC000  }
0x101: {  	[tilespmem:s4], [sflag:$0x1] =	stream.indirect.gather [hbm4b:s1+s5], $0x80, s9, s5, $0xb8;
	[tilespmem:$0x1DC80] =	vst v63  }
0x102: {  	_ =	swait.ge [sflag:s12], $0x4000  }
0x103: {  	[sflag:s12] =	ssyncset.done $0x0  }
0x104: {  	s9 =	simm.s32 $0x14C00;
	[sflag:s12] =	ssyncadd.s32 $0xFFFFC000  }
0x105: {  	[tilespmem:s7], [sflag:$0x2] =	stream.indirect.gather [hbm4b:s1+s5], $0x80, s9, s5, $0xb8;
	[tilespmem:$0x1DC80] =	vst v63  }
0x106: {  	_ =	swait.ge [sflag:s8], $0x4000  }
0x107: {  	[sflag:s8] =	ssyncset.done $0x0  }
0x108: {  	s9 =	simm.s32 $0x15380;
	[sflag:s8] =	ssyncadd.s32 $0xFFFFC000  }
0x109: {  	[spmem:s2] =	stream.indirect.scatter.add.f32 [tilespmem:s4], [sflag:$0x3], $0x80, s9, s5, $0xb8;
	[tilespmem:$0x1DC80] =	vst v63  }
0x10a: {  	_ =	swait.ge [sflag:s10], $0x4000  }
0x10b: {  	[sflag:s10] =	ssyncset.done $0x0  }
0x10c: {  	s9 =	simm.s32 $0x15400;
	[sflag:s10] =	ssyncadd.s32 $0xFFFFC000  }
0x10d: {  	[spmem:s2] =	stream.indirect.scatter.add.f32 [tilespmem:s7], [sflag:$0x4], $0x80, s9, s5, $0xb8;
	[tilespmem:$0x1DC80] =	vst v63  }
0x10e: {  	_ =	swait.ge [sflag:s11], $0x4000  }
0x10f: {  	[sflag:s11] =	ssyncset.done $0x0  }
0x110: {  	s9 =	simm.s32 $0x14C80;
	[sflag:s11] =	ssyncadd.s32 $0xFFFFC000  }
0x111: {  	[tilespmem:s4], [sflag:$0x1] =	stream.indirect.gather [hbm4b:s1+s5], $0x80, s9, s5, $0xb8;
	[tilespmem:$0x1DC80] =	vst v63  }
0x112: {  	_ =	swait.ge [sflag:s12], $0x4000  }
0x113: {  	[sflag:s12] =	ssyncset.done $0x0  }
0x114: {  	s9 =	simm.s32 $0x14D00;
	[sflag:s12] =	ssyncadd.s32 $0xFFFFC000  }
0x115: {  	[tilespmem:s7], [sflag:$0x2] =	stream.indirect.gather [hbm4b:s1+s5], $0x80, s9, s5, $0xb8;
	[tilespmem:$0x1DC80] =	vst v63  }
0x116: {  	_ =	swait.ge [sflag:s8], $0x4000  }
0x117: {  	[sflag:s8] =	ssyncset.done $0x0  }
0x118: {  	s9 =	simm.s32 $0x15480;
	[sflag:s8] =	ssyncadd.s32 $0xFFFFC000  }
0x119: {  	[spmem:s2] =	stream.indirect.scatter.add.f32 [tilespmem:s4], [sflag:$0x3], $0x80, s9, s5, $0xb8;
	[tilespmem:$0x1DC80] =	vst v63  }
0x11a: {  	_ =	swait.ge [sflag:s10], $0x4000  }
0x11b: {  	[sflag:s10] =	ssyncset.done $0x0  }
0x11c: {  	s9 =	simm.s32 $0x15500;
	[sflag:s10] =	ssyncadd.s32 $0xFFFFC000  }
0x11d: {  	[spmem:s2] =	stream.indirect.scatter.add.f32 [tilespmem:s7], [sflag:$0x4], $0x80, s9, s5, $0xb8;
	[tilespmem:$0x1DC80] =	vst v63  }
0x11e: {  	_ =	swait.ge [sflag:s11], $0x4000  }
0x11f: {  	[sflag:s11] =	ssyncset.done $0x0  }
0x120: {  	s9 =	simm.s32 $0x14D80;
	[sflag:s11] =	ssyncadd.s32 $0xFFFFC000  }
0x121: {  	[tilespmem:s4], [sflag:$0x1] =	stream.indirect.gather [hbm4b:s1+s5], $0x80, s9, s5, $0xb8;
	[tilespmem:$0x1DC80] =	vst v63  }
0x122: {  	_ =	swait.ge [sflag:s12], $0x4000  }
0x123: {  	[sflag:s12] =	ssyncset.done $0x0  }
0x124: {  	s9 =	simm.s32 $0x14E00;
	[sflag:s12] =	ssyncadd.s32 $0xFFFFC000  }
0x125: {  	[tilespmem:s7], [sflag:$0x2] =	stream.indirect.gather [hbm4b:s1+s5], $0x80, s9, s5, $0xb8;
	[tilespmem:$0x1DC80] =	vst v63  }
0x126: {  	_ =	swait.ge [sflag:s8], $0x4000  }
0x127: {  	[sflag:s8] =	ssyncset.done $0x0  }
0x128: {  	s9 =	simm.s32 $0x15580;
	[sflag:s8] =	ssyncadd.s32 $0xFFFFC000  }
0x129: {  	[spmem:s2] =	stream.indirect.scatter.add.f32 [tilespmem:s4], [sflag:$0x3], $0x80, s9, s5, $0xb8;
	[tilespmem:$0x1DC80] =	vst v63  }
0x12a: {  	_ =	swait.ge [sflag:s10], $0x4000  }
0x12b: {  	[sflag:s10] =	ssyncset.done $0x0  }
0x12c: {  	s9 =	simm.s32 $0x15600;
	[sflag:s10] =	ssyncadd.s32 $0xFFFFC000  }
0x12d: {  	[spmem:s2] =	stream.indirect.scatter.add.f32 [tilespmem:s7], [sflag:$0x4], $0x80, s9, s5, $0xb8;
	[tilespmem:$0x1DC80] =	vst v63  }
0x12e: {  	_ =	swait.ge [sflag:s11], $0x4000  }
0x12f: {  	[sflag:s11] =	ssyncset.done $0x0  }
0x130: {  	s9 =	simm.s32 $0x14E80;
	[sflag:s11] =	ssyncadd.s32 $0xFFFFC000  }
0x131: {  	[tilespmem:s4], [sflag:$0x1] =	stream.indirect.gather [hbm4b:s1+s5], $0x80, s9, s5, $0xb8;
	[tilespmem:$0x1DC80] =	vst v63  }
0x132: {  	_ =	swait.ge [sflag:s12], $0x4000  }
0x133: {  	[sflag:s12] =	ssyncset.done $0x0  }
0x134: {  	s9 =	simm.s32 $0x14F00;
	[sflag:s12] =	ssyncadd.s32 $0xFFFFC000  }
0x135: {  	[tilespmem:s7], [sflag:$0x2] =	stream.indirect.gather [hbm4b:s1+s5], $0x80, s9, s5, $0xb8;
	[tilespmem:$0x1DC80] =	vst v63  }
0x136: {  	_ =	swait.ge [sflag:s8], $0x4000  }
0x137: {  	[sflag:s8] =	ssyncset.done $0x0  }
0x138: {  	s9 =	simm.s32 $0x15680;
	[sflag:s8] =	ssyncadd.s32 $0xFFFFC000  }
0x139: {  	[spmem:s2] =	stream.indirect.scatter.add.f32 [tilespmem:s4], [sflag:$0x3], $0x80, s9, s5, $0xb8;
	[tilespmem:$0x1DC80] =	vst v63  }
0x13a: {  	_ =	swait.ge [sflag:s10], $0x4000  }
0x13b: {  	[sflag:s10] =	ssyncset.done $0x0  }
0x13c: {  	s9 =	simm.s32 $0x15700;
	[sflag:s10] =	ssyncadd.s32 $0xFFFFC000  }
0x13d: {  	[spmem:s2] =	stream.indirect.scatter.add.f32 [tilespmem:s7], [sflag:$0x4], $0x80, s9, s5, $0xb8;
	[tilespmem:$0x1DC80] =	vst v63  }
0x13e: {  	_ =	swait.ge [sflag:s11], $0x4000  }
0x13f: {  	[sflag:s11] =	ssyncset.done $0x0  }
0x140: {  	s9 =	simm.s32 $0x14F80;
	[sflag:s11] =	ssyncadd.s32 $0xFFFFC000  }
0x141: {  	[tilespmem:s4], [sflag:$0x1] =	stream.indirect.gather [hbm4b:s1+s5], $0x80, s9, s5, $0xb8;
	[tilespmem:$0x1DC80] =	vst v63  }
0x142: {  	_ =	swait.ge [sflag:s12], $0x4000  }
0x143: {  	[sflag:s12] =	ssyncset.done $0x0  }
0x144: {  	s9 =	simm.s32 $0x15000;
	[sflag:s12] =	ssyncadd.s32 $0xFFFFC000  }
0x145: {  	[tilespmem:s7], [sflag:$0x2] =	stream.indirect.gather [hbm4b:s1+s5], $0x80, s9, s5, $0xb8;
	[tilespmem:$0x1DC80] =	vst v63  }
0x146: {  	_ =	swait.ge [sflag:s8], $0x4000  }
0x147: {  	[sflag:s8] =	ssyncset.done $0x0  }
0x148: {  	s9 =	simm.s32 $0x15780;
	[sflag:s8] =	ssyncadd.s32 $0xFFFFC000  }
0x149: {  	[spmem:s2] =	stream.indirect.scatter.add.f32 [tilespmem:s4], [sflag:$0x3], $0x80, s9, s5, $0xb8;
	[tilespmem:$0x1DC80] =	vst v63  }
0x14a: {  	_ =	swait.ge [sflag:s10], $0x4000  }
0x14b: {  	[sflag:s10] =	ssyncset.done $0x0  }
0x14c: {  	s9 =	simm.s32 $0x15800;
	[sflag:s10] =	ssyncadd.s32 $0xFFFFC000  }
0x14d: {  	[spmem:s2] =	stream.indirect.scatter.add.f32 [tilespmem:s7], [sflag:$0x4], $0x80, s9, s5, $0xb8;
	[tilespmem:$0x1DC80] =	vst v63  }
.LBB2_3:
0x14e: {  	_ =	swait.ge [sflag:s31], $0x800  }
0x14f: {  	[sflag:s31] =	ssyncset.done $0x0  }
0x150: {  	[sflag:s31] =	ssyncadd.s32 $0xFFFFF800  }
0x151: {  	_ =	swait.ge [sflag:s0], $0x800  }
0x152: {  	[sflag:s0] =	ssyncset.done $0x0  }
0x153: {  	[sflag:s0] =	ssyncadd.s32 $0xFFFFF800  }
0x154: {  	_ =	swait.ge @!p1 [sflag:s13], $0x4000  }
0x155: {  	[sflag:s13] =	ssyncset.done @!p1 $0x0  }
0x156: {  	s9 =	simm.s32 @!p1 $0x13880;
	[sflag:s13] =	ssyncadd.s32 @!p1 $0xFFFFC000  }
0x157: {  	[tilespmem:s20], [sflag:$0x1] =	stream.indirect.gather @!p1 [hbm4b:s1+s19], $0x80, s9, s19, $0xb8;
	[tilespmem:$0x1DC80] =	vst v63  }
0x158: {  	_ =	swait.ge @!p1 [sflag:s22], $0x4000  }
0x159: {  	[sflag:s22] =	ssyncset.done @!p1 $0x0  }
0x15a: {  	s9 =	simm.s32 @!p1 $0x13900;
	[sflag:s22] =	ssyncadd.s32 @!p1 $0xFFFFC000  }
0x15b: {  	[tilespmem:s21], [sflag:$0x2] =	stream.indirect.gather @!p1 [hbm4b:s1+s19], $0x80, s9, s19, $0xb8;
	[tilespmem:$0x1DC80] =	vst v63  }
0x15c: {  	_ =	swait.ge @!p1 [sflag:s23], $0x4000  }
0x15d: {  	[sflag:s23] =	ssyncset.done @!p1 $0x0  }
0x15e: {  	s9 =	simm.s32 @!p1 $0x14080;
	[sflag:s23] =	ssyncadd.s32 @!p1 $0xFFFFC000  }
0x15f: {  	[spmem:s2] =	stream.indirect.scatter.add.f32 @!p1 [tilespmem:s20], [sflag:$0x3], $0x80, s9, s19, $0xb8;
	[tilespmem:$0x1DC80] =	vst v63  }
0x160: {  	_ =	swait.ge @!p1 [sflag:s26], $0x4000  }
0x161: {  	[sflag:s26] =	ssyncset.done @!p1 $0x0  }
0x162: {  	s9 =	simm.s32 @!p1 $0x14100;
	[sflag:s26] =	ssyncadd.s32 @!p1 $0xFFFFC000  }
0x163: {  	[spmem:s2] =	stream.indirect.scatter.add.f32 @!p1 [tilespmem:s21], [sflag:$0x4], $0x80, s9, s19, $0xb8;
	[tilespmem:$0x1DC80] =	vst v63  }
0x164: {  	_ =	swait.ge @!p1 [sflag:s13], $0x4000  }
0x165: {  	[sflag:s13] =	ssyncset.done @!p1 $0x0  }
0x166: {  	s9 =	simm.s32 @!p1 $0x13980;
	[sflag:s13] =	ssyncadd.s32 @!p1 $0xFFFFC000  }
0x167: {  	[tilespmem:s20], [sflag:$0x1] =	stream.indirect.gather @!p1 [hbm4b:s1+s19], $0x80, s9, s19, $0xb8;
	[tilespmem:$0x1DC80] =	vst v63  }
0x168: {  	_ =	swait.ge @!p1 [sflag:s22], $0x4000  }
0x169: {  	[sflag:s22] =	ssyncset.done @!p1 $0x0  }
0x16a: {  	s9 =	simm.s32 @!p1 $0x13A00;
	[sflag:s22] =	ssyncadd.s32 @!p1 $0xFFFFC000  }
0x16b: {  	[tilespmem:s21], [sflag:$0x2] =	stream.indirect.gather @!p1 [hbm4b:s1+s19], $0x80, s9, s19, $0xb8;
	[tilespmem:$0x1DC80] =	vst v63  }
0x16c: {  	_ =	swait.ge @!p1 [sflag:s23], $0x4000  }
0x16d: {  	[sflag:s23] =	ssyncset.done @!p1 $0x0  }
0x16e: {  	s9 =	simm.s32 @!p1 $0x14180;
	[sflag:s23] =	ssyncadd.s32 @!p1 $0xFFFFC000  }
0x16f: {  	[spmem:s2] =	stream.indirect.scatter.add.f32 @!p1 [tilespmem:s20], [sflag:$0x3], $0x80, s9, s19, $0xb8;
	[tilespmem:$0x1DC80] =	vst v63  }
0x170: {  	_ =	swait.ge @!p1 [sflag:s26], $0x4000  }
0x171: {  	[sflag:s26] =	ssyncset.done @!p1 $0x0  }
0x172: {  	s9 =	simm.s32 @!p1 $0x14200;
	[sflag:s26] =	ssyncadd.s32 @!p1 $0xFFFFC000  }
0x173: {  	[spmem:s2] =	stream.indirect.scatter.add.f32 @!p1 [tilespmem:s21], [sflag:$0x4], $0x80, s9, s19, $0xb8;
	[tilespmem:$0x1DC80] =	vst v63  }
.Ltmp1:
0x174: {  	_ = 	snop;
	(pc) =	sbr.rel @p1 .LBB2_5-.Ltmp1, $4  }
0x175: {  	s6 =	rddreg [dreg:$0xf]  }
0x176: {  	[tilespmem:s30], [sflag:$0x5] =	stream.linear.gather [hbm4b:s6+s3], $0x800, $0x38;
	[tilespmem:$0x1DC80] =	vst v63  }
0x177: {  	s26 =	rddreg [dreg:$0x10];
	s30 =	simm.s32 $0x15080  }
0x178: {  	[tilespmem:s30], [sflag:$0x6] =	stream.linear.gather [hbm4b:s26+s3], $0x800, $0x38;
	[tilespmem:$0x1DC80] =	vst v63  }
0x179: {  	_ =	swait.ge [sflag:s11], $0x4000  }
0x17a: {  	[sflag:s11] =	ssyncset.done $0x0  }
0x17b: {  	s6 =	simm.s32 $0x13A80;
	[sflag:s11] =	ssyncadd.s32 $0xFFFFC000  }
0x17c: {  	[tilespmem:s4], [sflag:$0x1] =	stream.indirect.gather [hbm4b:s1+s5], $0x80, s6, s5, $0xb8;
	[tilespmem:$0x1DC80] =	vst v63  }
0x17d: {  	_ =	swait.ge [sflag:s12], $0x4000  }
0x17e: {  	[sflag:s12] =	ssyncset.done $0x0  }
0x17f: {  	s21 =	simm.s32 $0x13B00;
	[sflag:s12] =	ssyncadd.s32 $0xFFFFC000  }
0x180: {  	[tilespmem:s7], [sflag:$0x2] =	stream.indirect.gather [hbm4b:s1+s5], $0x80, s21, s5, $0xb8;
	[tilespmem:$0x1DC80] =	vst v63  }
0x181: {  	_ =	swait.ge [sflag:s8], $0x4000  }
0x182: {  	[sflag:s8] =	ssyncset.done $0x0  }
0x183: {  	s22 =	simm.s32 $0x14280;
	[sflag:s8] =	ssyncadd.s32 $0xFFFFC000  }
0x184: {  	[spmem:s2] =	stream.indirect.scatter.add.f32 [tilespmem:s4], [sflag:$0x3], $0x80, s22, s5, $0xb8;
	[tilespmem:$0x1DC80] =	vst v63  }
0x185: {  	_ =	swait.ge [sflag:s10], $0x4000  }
0x186: {  	[sflag:s10] =	ssyncset.done $0x0  }
0x187: {  	s23 =	simm.s32 $0x14300;
	[sflag:s10] =	ssyncadd.s32 $0xFFFFC000  }
0x188: {  	[spmem:s2] =	stream.indirect.scatter.add.f32 [tilespmem:s7], [sflag:$0x4], $0x80, s23, s5, $0xb8;
	[tilespmem:$0x1DC80] =	vst v63  }
0x189: {  	_ =	swait.ge [sflag:s11], $0x4000  }
0x18a: {  	[sflag:s11] =	ssyncset.done $0x0  }
0x18b: {  	s26 =	simm.s32 $0x13B80;
	[sflag:s11] =	ssyncadd.s32 $0xFFFFC000  }
0x18c: {  	[tilespmem:s4], [sflag:$0x1] =	stream.indirect.gather [hbm4b:s1+s5], $0x80, s26, s5, $0xb8;
	[tilespmem:$0x1DC80] =	vst v63  }
0x18d: {  	_ =	swait.ge [sflag:s12], $0x4000  }
0x18e: {  	[sflag:s12] =	ssyncset.done $0x0  }
0x18f: {  	s30 =	simm.s32 $0x13C00;
	[sflag:s12] =	ssyncadd.s32 $0xFFFFC000  }
0x190: {  	[tilespmem:s7], [sflag:$0x2] =	stream.indirect.gather [hbm4b:s1+s5], $0x80, s30, s5, $0xb8;
	[tilespmem:$0x1DC80] =	vst v63  }
0x191: {  	_ =	swait.ge [sflag:s8], $0x4000  }
0x192: {  	[sflag:s8] =	ssyncset.done $0x0  }
0x193: {  	s9 =	simm.s32 $0x14380;
	[sflag:s8] =	ssyncadd.s32 $0xFFFFC000  }
0x194: {  	[spmem:s2] =	stream.indirect.scatter.add.f32 [tilespmem:s4], [sflag:$0x3], $0x80, s9, s5, $0xb8;
	[tilespmem:$0x1DC80] =	vst v63  }
0x195: {  	_ =	swait.ge [sflag:s10], $0x4000  }
0x196: {  	[sflag:s10] =	ssyncset.done $0x0  }
0x197: {  	s13 =	simm.s32 $0x14400;
	[sflag:s10] =	ssyncadd.s32 $0xFFFFC000  }
0x198: {  	[spmem:s2] =	stream.indirect.scatter.add.f32 [tilespmem:s7], [sflag:$0x4], $0x80, s13, s5, $0xb8;
	[tilespmem:$0x1DC80] =	vst v63  }
0x199: {  	_ =	swait.ge [sflag:s11], $0x4000  }
0x19a: {  	[sflag:s11] =	ssyncset.done $0x0  }
0x19b: {  	s19 =	simm.s32 $0x13C80;
	[sflag:s11] =	ssyncadd.s32 $0xFFFFC000  }
0x19c: {  	[tilespmem:s4], [sflag:$0x1] =	stream.indirect.gather [hbm4b:s1+s5], $0x80, s19, s5, $0xb8;
	[tilespmem:$0x1DC80] =	vst v63  }
0x19d: {  	_ =	swait.ge [sflag:s12], $0x4000  }
0x19e: {  	[sflag:s12] =	ssyncset.done $0x0  }
0x19f: {  	s20 =	simm.s32 $0x13D00;
	[sflag:s12] =	ssyncadd.s32 $0xFFFFC000  }
0x1a0: {  	[tilespmem:s7], [sflag:$0x2] =	stream.indirect.gather [hbm4b:s1+s5], $0x80, s20, s5, $0xb8;
	[tilespmem:$0x1DC80] =	vst v63  }
0x1a1: {  	_ =	swait.ge [sflag:s8], $0x4000  }
0x1a2: {  	[sflag:s8] =	ssyncset.done $0x0  }
0x1a3: {  	s21 =	simm.s32 $0x14480;
	[sflag:s8] =	ssyncadd.s32 $0xFFFFC000  }
0x1a4: {  	[spmem:s2] =	stream.indirect.scatter.add.f32 [tilespmem:s4], [sflag:$0x3], $0x80, s21, s5, $0xb8;
	[tilespmem:$0x1DC80] =	vst v63  }
0x1a5: {  	_ =	swait.ge [sflag:s10], $0x4000  }
0x1a6: {  	[sflag:s10] =	ssyncset.done $0x0  }
0x1a7: {  	s22 =	simm.s32 $0x14500;
	[sflag:s10] =	ssyncadd.s32 $0xFFFFC000  }
0x1a8: {  	[spmem:s2] =	stream.indirect.scatter.add.f32 [tilespmem:s7], [sflag:$0x4], $0x80, s22, s5, $0xb8;
	[tilespmem:$0x1DC80] =	vst v63  }
0x1a9: {  	_ =	swait.ge [sflag:s11], $0x4000  }
0x1aa: {  	[sflag:s11] =	ssyncset.done $0x0  }
0x1ab: {  	s23 =	simm.s32 $0x13D80;
	[sflag:s11] =	ssyncadd.s32 $0xFFFFC000  }
0x1ac: {  	[tilespmem:s4], [sflag:$0x1] =	stream.indirect.gather [hbm4b:s1+s5], $0x80, s23, s5, $0xb8;
	[tilespmem:$0x1DC80] =	vst v63  }
0x1ad: {  	_ =	swait.ge [sflag:s12], $0x4000  }
0x1ae: {  	[sflag:s12] =	ssyncset.done $0x0  }
0x1af: {  	s26 =	simm.s32 $0x13E00;
	[sflag:s12] =	ssyncadd.s32 $0xFFFFC000  }
0x1b0: {  	[tilespmem:s7], [sflag:$0x2] =	stream.indirect.gather [hbm4b:s1+s5], $0x80, s26, s5, $0xb8;
	[tilespmem:$0x1DC80] =	vst v63  }
0x1b1: {  	_ =	swait.ge [sflag:s8], $0x4000  }
0x1b2: {  	[sflag:s8] =	ssyncset.done $0x0  }
0x1b3: {  	s30 =	simm.s32 $0x14580;
	[sflag:s8] =	ssyncadd.s32 $0xFFFFC000  }
0x1b4: {  	[spmem:s2] =	stream.indirect.scatter.add.f32 [tilespmem:s4], [sflag:$0x3], $0x80, s30, s5, $0xb8;
	[tilespmem:$0x1DC80] =	vst v63  }
0x1b5: {  	_ =	swait.ge [sflag:s10], $0x4000  }
0x1b6: {  	[sflag:s10] =	ssyncset.done $0x0  }
0x1b7: {  	s9 =	simm.s32 $0x14600;
	[sflag:s10] =	ssyncadd.s32 $0xFFFFC000  }
0x1b8: {  	[spmem:s2] =	stream.indirect.scatter.add.f32 [tilespmem:s7], [sflag:$0x4], $0x80, s9, s5, $0xb8;
	[tilespmem:$0x1DC80] =	vst v63  }
0x1b9: {  	_ =	swait.ge [sflag:s11], $0x4000  }
0x1ba: {  	[sflag:s11] =	ssyncset.done $0x0  }
0x1bb: {  	s13 =	simm.s32 $0x13E80;
	[sflag:s11] =	ssyncadd.s32 $0xFFFFC000  }
0x1bc: {  	[tilespmem:s4], [sflag:$0x1] =	stream.indirect.gather [hbm4b:s1+s5], $0x80, s13, s5, $0xb8;
	[tilespmem:$0x1DC80] =	vst v63  }
0x1bd: {  	_ =	swait.ge [sflag:s12], $0x4000  }
0x1be: {  	[sflag:s12] =	ssyncset.done $0x0  }
0x1bf: {  	s19 =	simm.s32 $0x13F00;
	[sflag:s12] =	ssyncadd.s32 $0xFFFFC000  }
0x1c0: {  	[tilespmem:s7], [sflag:$0x2] =	stream.indirect.gather [hbm4b:s1+s5], $0x80, s19, s5, $0xb8;
	[tilespmem:$0x1DC80] =	vst v63  }
0x1c1: {  	_ =	swait.ge [sflag:s8], $0x4000  }
0x1c2: {  	[sflag:s8] =	ssyncset.done $0x0  }
0x1c3: {  	s20 =	simm.s32 $0x14680;
	[sflag:s8] =	ssyncadd.s32 $0xFFFFC000  }
0x1c4: {  	[spmem:s2] =	stream.indirect.scatter.add.f32 [tilespmem:s4], [sflag:$0x3], $0x80, s20, s5, $0xb8;
	[tilespmem:$0x1DC80] =	vst v63  }
0x1c5: {  	_ =	swait.ge [sflag:s10], $0x4000  }
0x1c6: {  	[sflag:s10] =	ssyncset.done $0x0  }
0x1c7: {  	s21 =	simm.s32 $0x14700;
	[sflag:s10] =	ssyncadd.s32 $0xFFFFC000  }
0x1c8: {  	[spmem:s2] =	stream.indirect.scatter.add.f32 [tilespmem:s7], [sflag:$0x4], $0x80, s21, s5, $0xb8;
	[tilespmem:$0x1DC80] =	vst v63  }
0x1c9: {  	_ =	swait.ge [sflag:s11], $0x4000  }
0x1ca: {  	[sflag:s11] =	ssyncset.done $0x0  }
0x1cb: {  	s22 =	simm.s32 $0x13F80;
	[sflag:s11] =	ssyncadd.s32 $0xFFFFC000  }
0x1cc: {  	[tilespmem:s4], [sflag:$0x1] =	stream.indirect.gather [hbm4b:s1+s5], $0x80, s22, s5, $0xb8;
	[tilespmem:$0x1DC80] =	vst v63  }
0x1cd: {  	_ =	swait.ge [sflag:s12], $0x4000  }
0x1ce: {  	[sflag:s12] =	ssyncset.done $0x0  }
0x1cf: {  	s23 =	simm.s32 $0x14000;
	[sflag:s12] =	ssyncadd.s32 $0xFFFFC000  }
0x1d0: {  	[tilespmem:s7], [sflag:$0x2] =	stream.indirect.gather [hbm4b:s1+s5], $0x80, s23, s5, $0xb8;
	[tilespmem:$0x1DC80] =	vst v63  }
0x1d1: {  	_ =	swait.ge [sflag:s8], $0x4000  }
0x1d2: {  	[sflag:s8] =	ssyncset.done $0x0  }
0x1d3: {  	s26 =	simm.s32 $0x14780;
	[sflag:s8] =	ssyncadd.s32 $0xFFFFC000  }
0x1d4: {  	[spmem:s2] =	stream.indirect.scatter.add.f32 [tilespmem:s4], [sflag:$0x3], $0x80, s26, s5, $0xb8;
	[tilespmem:$0x1DC80] =	vst v63  }
0x1d5: {  	_ =	swait.ge [sflag:s10], $0x4000  }
0x1d6: {  	[sflag:s10] =	ssyncset.done $0x0  }
0x1d7: {  	s30 =	simm.s32 $0x14800;
	[sflag:s10] =	ssyncadd.s32 $0xFFFFC000  }
0x1d8: {  	[spmem:s2] =	stream.indirect.scatter.add.f32 [tilespmem:s7], [sflag:$0x4], $0x80, s30, s5, $0xb8;
	[tilespmem:$0x1DC80] =	vst v63  }
.LBB2_5:
0x1d9: {  	_ =	swait.ge [sflag:s31], $0x800  }
0x1da: {  	[sflag:s31] =	ssyncset.done $0x0  }
0x1db: {  	[sflag:s31] =	ssyncadd.s32 $0xFFFFF800  }
0x1dc: {  	_ =	swait.ge [sflag:s0], $0x800  }
0x1dd: {  	[sflag:s0] =	ssyncset.done $0x0  }
0x1de: {  	s9 =	simm.s32 @!p1 $0x3;
	[sflag:s0] =	ssyncadd.s32 $0xFFFFF800  }
0x1df: {  	_ =	swait.ge @!p1 [sflag:s9], $0x4000  }
0x1e0: {  	s13 =	simm.s32 @!p1 $0x80;
	[sflag:s9] =	ssyncset.done @!p1 $0x0  }
0x1e1: {  	s19 =	simm.s32 @!p1 $0x14880;
	s20 =	simm.s32 @!p1 $0x15C80;
	[sflag:s9] =	ssyncadd.s32 @!p1 $0xFFFFC000  }
0x1e2: {  	[tilespmem:s20], [sflag:$0x1] =	stream.indirect.gather @!p1 [hbm4b:s1+s13], $0x80, s19, s13, $0xb8;
	[tilespmem:$0x1DC80] =	vst v63  }
0x1e3: {  	s19 =	simm.s32 @!p1 $0x4  }
0x1e4: {  	_ =	swait.ge @!p1 [sflag:s19], $0x4000  }
0x1e5: {  	[sflag:s19] =	ssyncset.done @!p1 $0x0  }
0x1e6: {  	s21 =	simm.s32 @!p1 $0x14900;
	s22 =	simm.s32 @!p1 $0x19C80;
	[sflag:s19] =	ssyncadd.s32 @!p1 $0xFFFFC000  }
0x1e7: {  	[tilespmem:s22], [sflag:$0x2] =	stream.indirect.gather @!p1 [hbm4b:s1+s13], $0x80, s21, s13, $0xb8;
	[tilespmem:$0x1DC80] =	vst v63  }
0x1e8: {  	s21 =	simm.s32 @!p1 $0x1  }
0x1e9: {  	_ =	swait.ge @!p1 [sflag:s21], $0x4000  }
0x1ea: {  	[sflag:s21] =	ssyncset.done @!p1 $0x0  }
0x1eb: {  	s23 =	simm.s32 @!p1 $0x15080;
	[sflag:s21] =	ssyncadd.s32 @!p1 $0xFFFFC000  }
0x1ec: {  	[spmem:s2] =	stream.indirect.scatter.add.f32 @!p1 [tilespmem:s20], [sflag:$0x3], $0x80, s23, s13, $0xb8;
	[tilespmem:$0x1DC80] =	vst v63  }
0x1ed: {  	s23 =	simm.s32 @!p1 $0x2  }
0x1ee: {  	_ =	swait.ge @!p1 [sflag:s23], $0x4000  }
0x1ef: {  	[sflag:s23] =	ssyncset.done @!p1 $0x0  }
0x1f0: {  	s26 =	simm.s32 @!p1 $0x15100;
	[sflag:s23] =	ssyncadd.s32 @!p1 $0xFFFFC000  }
0x1f1: {  	[spmem:s2] =	stream.indirect.scatter.add.f32 @!p1 [tilespmem:s22], [sflag:$0x4], $0x80, s26, s13, $0xb8;
	[tilespmem:$0x1DC80] =	vst v63  }
0x1f2: {  	_ =	swait.ge @!p1 [sflag:s9], $0x4000  }
0x1f3: {  	[sflag:s9] =	ssyncset.done @!p1 $0x0  }
0x1f4: {  	[sflag:s9] =	ssyncadd.s32 @!p1 $0xFFFFC000;
	s9 =	simm.s32 @!p1 $0x14980  }
0x1f5: {  	[tilespmem:s20], [sflag:$0x1] =	stream.indirect.gather @!p1 [hbm4b:s1+s13], $0x80, s9, s13, $0xb8;
	[tilespmem:$0x1DC80] =	vst v63  }
0x1f6: {  	_ =	swait.ge @!p1 [sflag:s19], $0x4000  }
0x1f7: {  	[sflag:s19] =	ssyncset.done @!p1 $0x0  }
0x1f8: {  	s9 =	simm.s32 @!p1 $0x14A00;
	[sflag:s19] =	ssyncadd.s32 @!p1 $0xFFFFC000  }
0x1f9: {  	[tilespmem:s22], [sflag:$0x2] =	stream.indirect.gather @!p1 [hbm4b:s1+s13], $0x80, s9, s13, $0xb8;
	[tilespmem:$0x1DC80] =	vst v63  }
0x1fa: {  	_ =	swait.ge @!p1 [sflag:s21], $0x4000  }
0x1fb: {  	[sflag:s21] =	ssyncset.done @!p1 $0x0  }
0x1fc: {  	s9 =	simm.s32 @!p1 $0x15180;
	[sflag:s21] =	ssyncadd.s32 @!p1 $0xFFFFC000  }
0x1fd: {  	[spmem:s2] =	stream.indirect.scatter.add.f32 @!p1 [tilespmem:s20], [sflag:$0x3], $0x80, s9, s13, $0xb8;
	[tilespmem:$0x1DC80] =	vst v63  }
0x1fe: {  	_ =	swait.ge @!p1 [sflag:s23], $0x4000  }
0x1ff: {  	[sflag:s23] =	ssyncset.done @!p1 $0x0  }
0x200: {  	s9 =	simm.s32 @!p1 $0x15200;
	[sflag:s23] =	ssyncadd.s32 @!p1 $0xFFFFC000  }
0x201: {  	[spmem:s2] =	stream.indirect.scatter.add.f32 @!p1 [tilespmem:s22], [sflag:$0x4], $0x80, s9, s13, $0xb8;
	[tilespmem:$0x1DC80] =	vst v63  }
.Ltmp2:
0x202: {  	_ = 	snop;
	(pc) =	sbr.rel @p1 .LBB2_7-.Ltmp2, $4  }
0x203: {  	s6 =	rddreg [dreg:$0x11]  }
0x204: {  	[tilespmem:s14], [sflag:$0x5] =	stream.linear.gather [hbm4b:s6+s3], $0x800, $0x38;
	[tilespmem:$0x1DC80] =	vst v63  }
0x205: {  	s30 =	rddreg [dreg:$0x12]  }
0x206: {  	[tilespmem:s29], [sflag:$0x6] =	stream.linear.gather [hbm4b:s30+s3], $0x800, $0x38;
	[tilespmem:$0x1DC80] =	vst v63  }
0x207: {  	_ =	swait.ge [sflag:s11], $0x4000  }
0x208: {  	[sflag:s11] =	ssyncset.done $0x0  }
0x209: {  	s6 =	simm.s32 $0x14A80;
	[sflag:s11] =	ssyncadd.s32 $0xFFFFC000  }
0x20a: {  	[tilespmem:s4], [sflag:$0x1] =	stream.indirect.gather [hbm4b:s1+s5], $0x80, s6, s5, $0xb8;
	[tilespmem:$0x1DC80] =	vst v63  }
0x20b: {  	_ =	swait.ge [sflag:s12], $0x4000  }
0x20c: {  	[sflag:s12] =	ssyncset.done $0x0  }
0x20d: {  	s30 =	simm.s32 $0x14B00;
	[sflag:s12] =	ssyncadd.s32 $0xFFFFC000  }
0x20e: {  	[tilespmem:s7], [sflag:$0x2] =	stream.indirect.gather [hbm4b:s1+s5], $0x80, s30, s5, $0xb8;
	[tilespmem:$0x1DC80] =	vst v63  }
0x20f: {  	_ =	swait.ge [sflag:s8], $0x4000  }
0x210: {  	[sflag:s8] =	ssyncset.done $0x0  }
0x211: {  	s9 =	simm.s32 $0x15280;
	[sflag:s8] =	ssyncadd.s32 $0xFFFFC000  }
0x212: {  	[spmem:s2] =	stream.indirect.scatter.add.f32 [tilespmem:s4], [sflag:$0x3], $0x80, s9, s5, $0xb8;
	[tilespmem:$0x1DC80] =	vst v63  }
0x213: {  	_ =	swait.ge [sflag:s10], $0x4000  }
0x214: {  	[sflag:s10] =	ssyncset.done $0x0  }
0x215: {  	s13 =	simm.s32 $0x15300;
	[sflag:s10] =	ssyncadd.s32 $0xFFFFC000  }
0x216: {  	[spmem:s2] =	stream.indirect.scatter.add.f32 [tilespmem:s7], [sflag:$0x4], $0x80, s13, s5, $0xb8;
	[tilespmem:$0x1DC80] =	vst v63  }
0x217: {  	_ =	swait.ge [sflag:s11], $0x4000  }
0x218: {  	[sflag:s11] =	ssyncset.done $0x0  }
0x219: {  	s14 =	simm.s32 $0x14B80;
	[sflag:s11] =	ssyncadd.s32 $0xFFFFC000  }
0x21a: {  	[tilespmem:s4], [sflag:$0x1] =	stream.indirect.gather [hbm4b:s1+s5], $0x80, s14, s5, $0xb8;
	[tilespmem:$0x1DC80] =	vst v63  }
0x21b: {  	_ =	swait.ge [sflag:s12], $0x4000  }
0x21c: {  	[sflag:s12] =	ssyncset.done $0x0  }
0x21d: {  	s19 =	simm.s32 $0x14C00;
	[sflag:s12] =	ssyncadd.s32 $0xFFFFC000  }
0x21e: {  	[tilespmem:s7], [sflag:$0x2] =	stream.indirect.gather [hbm4b:s1+s5], $0x80, s19, s5, $0xb8;
	[tilespmem:$0x1DC80] =	vst v63  }
0x21f: {  	_ =	swait.ge [sflag:s8], $0x4000  }
0x220: {  	[sflag:s8] =	ssyncset.done $0x0  }
0x221: {  	s20 =	simm.s32 $0x15380;
	[sflag:s8] =	ssyncadd.s32 $0xFFFFC000  }
0x222: {  	[spmem:s2] =	stream.indirect.scatter.add.f32 [tilespmem:s4], [sflag:$0x3], $0x80, s20, s5, $0xb8;
	[tilespmem:$0x1DC80] =	vst v63  }
0x223: {  	_ =	swait.ge [sflag:s10], $0x4000  }
0x224: {  	[sflag:s10] =	ssyncset.done $0x0  }
0x225: {  	s21 =	simm.s32 $0x15400;
	[sflag:s10] =	ssyncadd.s32 $0xFFFFC000  }
0x226: {  	[spmem:s2] =	stream.indirect.scatter.add.f32 [tilespmem:s7], [sflag:$0x4], $0x80, s21, s5, $0xb8;
	[tilespmem:$0x1DC80] =	vst v63  }
0x227: {  	_ =	swait.ge [sflag:s11], $0x4000  }
0x228: {  	[sflag:s11] =	ssyncset.done $0x0  }
0x229: {  	s22 =	simm.s32 $0x14C80;
	[sflag:s11] =	ssyncadd.s32 $0xFFFFC000  }
0x22a: {  	[tilespmem:s4], [sflag:$0x1] =	stream.indirect.gather [hbm4b:s1+s5], $0x80, s22, s5, $0xb8;
	[tilespmem:$0x1DC80] =	vst v63  }
0x22b: {  	_ =	swait.ge [sflag:s12], $0x4000  }
0x22c: {  	[sflag:s12] =	ssyncset.done $0x0  }
0x22d: {  	s23 =	simm.s32 $0x14D00;
	[sflag:s12] =	ssyncadd.s32 $0xFFFFC000  }
0x22e: {  	[tilespmem:s7], [sflag:$0x2] =	stream.indirect.gather [hbm4b:s1+s5], $0x80, s23, s5, $0xb8;
	[tilespmem:$0x1DC80] =	vst v63  }
0x22f: {  	_ =	swait.ge [sflag:s8], $0x4000  }
0x230: {  	[sflag:s8] =	ssyncset.done $0x0  }
0x231: {  	s26 =	simm.s32 $0x15480;
	[sflag:s8] =	ssyncadd.s32 $0xFFFFC000  }
0x232: {  	[spmem:s2] =	stream.indirect.scatter.add.f32 [tilespmem:s4], [sflag:$0x3], $0x80, s26, s5, $0xb8;
	[tilespmem:$0x1DC80] =	vst v63  }
0x233: {  	_ =	swait.ge [sflag:s10], $0x4000  }
0x234: {  	[sflag:s10] =	ssyncset.done $0x0  }
0x235: {  	s29 =	simm.s32 $0x15500;
	[sflag:s10] =	ssyncadd.s32 $0xFFFFC000  }
0x236: {  	[spmem:s2] =	stream.indirect.scatter.add.f32 [tilespmem:s7], [sflag:$0x4], $0x80, s29, s5, $0xb8;
	[tilespmem:$0x1DC80] =	vst v63  }
0x237: {  	_ =	swait.ge [sflag:s11], $0x4000  }
0x238: {  	[sflag:s11] =	ssyncset.done $0x0  }
0x239: {  	s30 =	simm.s32 $0x14D80;
	[sflag:s11] =	ssyncadd.s32 $0xFFFFC000  }
0x23a: {  	[tilespmem:s4], [sflag:$0x1] =	stream.indirect.gather [hbm4b:s1+s5], $0x80, s30, s5, $0xb8;
	[tilespmem:$0x1DC80] =	vst v63  }
0x23b: {  	_ =	swait.ge [sflag:s12], $0x4000  }
0x23c: {  	[sflag:s12] =	ssyncset.done $0x0  }
0x23d: {  	s9 =	simm.s32 $0x14E00;
	[sflag:s12] =	ssyncadd.s32 $0xFFFFC000  }
0x23e: {  	[tilespmem:s7], [sflag:$0x2] =	stream.indirect.gather [hbm4b:s1+s5], $0x80, s9, s5, $0xb8;
	[tilespmem:$0x1DC80] =	vst v63  }
0x23f: {  	_ =	swait.ge [sflag:s8], $0x4000  }
0x240: {  	[sflag:s8] =	ssyncset.done $0x0  }
0x241: {  	s13 =	simm.s32 $0x15580;
	[sflag:s8] =	ssyncadd.s32 $0xFFFFC000  }
0x242: {  	[spmem:s2] =	stream.indirect.scatter.add.f32 [tilespmem:s4], [sflag:$0x3], $0x80, s13, s5, $0xb8;
	[tilespmem:$0x1DC80] =	vst v63  }
0x243: {  	_ =	swait.ge [sflag:s10], $0x4000  }
0x244: {  	[sflag:s10] =	ssyncset.done $0x0  }
0x245: {  	s14 =	simm.s32 $0x15600;
	[sflag:s10] =	ssyncadd.s32 $0xFFFFC000  }
0x246: {  	[spmem:s2] =	stream.indirect.scatter.add.f32 [tilespmem:s7], [sflag:$0x4], $0x80, s14, s5, $0xb8;
	[tilespmem:$0x1DC80] =	vst v63  }
0x247: {  	_ =	swait.ge [sflag:s11], $0x4000  }
0x248: {  	[sflag:s11] =	ssyncset.done $0x0  }
0x249: {  	s19 =	simm.s32 $0x14E80;
	[sflag:s11] =	ssyncadd.s32 $0xFFFFC000  }
0x24a: {  	[tilespmem:s4], [sflag:$0x1] =	stream.indirect.gather [hbm4b:s1+s5], $0x80, s19, s5, $0xb8;
	[tilespmem:$0x1DC80] =	vst v63  }
0x24b: {  	_ =	swait.ge [sflag:s12], $0x4000  }
0x24c: {  	[sflag:s12] =	ssyncset.done $0x0  }
0x24d: {  	s20 =	simm.s32 $0x14F00;
	[sflag:s12] =	ssyncadd.s32 $0xFFFFC000  }
0x24e: {  	[tilespmem:s7], [sflag:$0x2] =	stream.indirect.gather [hbm4b:s1+s5], $0x80, s20, s5, $0xb8;
	[tilespmem:$0x1DC80] =	vst v63  }
0x24f: {  	_ =	swait.ge [sflag:s8], $0x4000  }
0x250: {  	[sflag:s8] =	ssyncset.done $0x0  }
0x251: {  	s21 =	simm.s32 $0x15680;
	[sflag:s8] =	ssyncadd.s32 $0xFFFFC000  }
0x252: {  	[spmem:s2] =	stream.indirect.scatter.add.f32 [tilespmem:s4], [sflag:$0x3], $0x80, s21, s5, $0xb8;
	[tilespmem:$0x1DC80] =	vst v63  }
0x253: {  	_ =	swait.ge [sflag:s10], $0x4000  }
0x254: {  	[sflag:s10] =	ssyncset.done $0x0  }
0x255: {  	s22 =	simm.s32 $0x15700;
	[sflag:s10] =	ssyncadd.s32 $0xFFFFC000  }
0x256: {  	[spmem:s2] =	stream.indirect.scatter.add.f32 [tilespmem:s7], [sflag:$0x4], $0x80, s22, s5, $0xb8;
	[tilespmem:$0x1DC80] =	vst v63  }
0x257: {  	_ =	swait.ge [sflag:s11], $0x4000  }
0x258: {  	[sflag:s11] =	ssyncset.done $0x0  }
0x259: {  	s23 =	simm.s32 $0x14F80;
	[sflag:s11] =	ssyncadd.s32 $0xFFFFC000  }
0x25a: {  	[tilespmem:s4], [sflag:$0x1] =	stream.indirect.gather [hbm4b:s1+s5], $0x80, s23, s5, $0xb8;
	[tilespmem:$0x1DC80] =	vst v63  }
0x25b: {  	_ =	swait.ge [sflag:s12], $0x4000  }
0x25c: {  	[sflag:s12] =	ssyncset.done $0x0  }
0x25d: {  	s26 =	simm.s32 $0x15000;
	[sflag:s12] =	ssyncadd.s32 $0xFFFFC000  }
0x25e: {  	[tilespmem:s7], [sflag:$0x2] =	stream.indirect.gather [hbm4b:s1+s5], $0x80, s26, s5, $0xb8;
	[tilespmem:$0x1DC80] =	vst v63  }
0x25f: {  	_ =	swait.ge [sflag:s8], $0x4000  }
0x260: {  	[sflag:s8] =	ssyncset.done $0x0  }
0x261: {  	s29 =	simm.s32 $0x15780;
	[sflag:s8] =	ssyncadd.s32 $0xFFFFC000  }
0x262: {  	[spmem:s2] =	stream.indirect.scatter.add.f32 [tilespmem:s4], [sflag:$0x3], $0x80, s29, s5, $0xb8;
	[tilespmem:$0x1DC80] =	vst v63  }
0x263: {  	_ =	swait.ge [sflag:s10], $0x4000  }
0x264: {  	[sflag:s10] =	ssyncset.done $0x0  }
0x265: {  	s30 =	simm.s32 $0x15800;
	[sflag:s10] =	ssyncadd.s32 $0xFFFFC000  }
0x266: {  	[spmem:s2] =	stream.indirect.scatter.add.f32 [tilespmem:s7], [sflag:$0x4], $0x80, s30, s5, $0xb8;
	[tilespmem:$0x1DC80] =	vst v63  }
.LBB2_7:
0x267: {  	_ =	swait.ge [sflag:s31], $0x800  }
0x268: {  	[sflag:s31] =	ssyncset.done $0x0  }
0x269: {  	[sflag:s31] =	ssyncadd.s32 $0xFFFFF800  }
0x26a: {  	_ =	swait.ge [sflag:s0], $0x800  }
0x26b: {  	p0 =	sgt.u32 s25, $0x9C0;
	[sflag:s0] =	ssyncset.done $0x0  }
0x26c: {  	s9 =	sadd.s32 $0x0, s24;
	s13 =	simm.s32 @!p0 $0x3;
	[sflag:s0] =	ssyncadd.s32 $0xFFFFF800  }
0x26d: {  	p3 =	seq.s32 @!p0 s9, $0x0;
	_ =	swait.ge @!p0 [sflag:s13], $0x4000  }
0x26e: {  	p4 =	por !p3, p0;
	[sflag:s13] =	ssyncset.done @!p0 $0x0  }
0x26f: {  	s9 =	simm.s32 @!p4 $0x4;
	[sflag:s13] =	ssyncadd.s32 @!p0 $0xFFFFC000  }
0x270: {  	p3 =	por p3, p0;
	_ =	swait.ge @!p4 [sflag:s9], $0x4000  }
0x271: {  	s19 =	simm.s32 @!p3 $0x13880;
	s21 =	simm.s32 @!p3 $0x15C80;
	[sflag:s9] =	ssyncset.done @!p4 $0x0  }
0x272: {  	s13 =	simm.s32 @!p3 $0x80;
	[sflag:s9] =	ssyncadd.s32 @!p4 $0xFFFFC000;
	s9 =	simm.s32 @!p3 $0x4  }
0x273: {  	[tilespmem:s21], [sflag:$0x1] =	stream.indirect.gather @!p3 [hbm4b:s1+s13], $0x80, s19, s13, $0xb8;
	[tilespmem:$0x1DC80] =	vst v63  }
0x274: {  	_ =	swait.ge @!p3 [sflag:s9], $0x4000  }
0x275: {  	s22 =	simm.s32 @!p3 $0x19C80;
	[sflag:s9] =	ssyncset.done @!p3 $0x0  }
0x276: {  	s19 =	simm.s32 @!p3 $0x13900;
	[sflag:s9] =	ssyncadd.s32 @!p3 $0xFFFFC000;
	s9 =	simm.s32 @!p3 $0x1  }
0x277: {  	[tilespmem:s22], [sflag:$0x2] =	stream.indirect.gather @!p3 [hbm4b:s1+s13], $0x80, s19, s13, $0xb8;
	[tilespmem:$0x1DC80] =	vst v63  }
0x278: {  	_ =	swait.ge @!p3 [sflag:s9], $0x4000  }
0x279: {  	s20 =	simm.s32 $0x400;
	[sflag:s9] =	ssyncset.done @!p3 $0x0  }
0x27a: {  	s23 =	simm.s32 @!p3 $0x14080;
	s26 =	simm.s32 @!p3 $0x2;
	[sflag:s9] =	ssyncadd.s32 @!p3 $0xFFFFC000  }
0x27b: {  	[spmem:s2] =	stream.indirect.scatter.add.f32 @!p3 [tilespmem:s21], [sflag:$0x3], $0x80, s23, s13, $0xb8;
	[tilespmem:$0x1DC80] =	vst v63  }
0x27c: {  	s19 =	simm.s32 $0x800;
	s9 =	sadd.s32 $0x400, s24;
	s21 =	sadd.s32 $0x2, s25  }
0x27d: {  	s23 =	simm.s32 @!p3 $0x14100;
	p5 =	sgt.u32 s21, $0x9C0;
	_ =	swait.ge @!p3 [sflag:s26], $0x4000  }
.LBB2_8:
0x27e: {  	s6 =	simm.s32 @!p5 $0x3  }
0x27f: {  	p0 =	seq.s32 @!p5 s9, $0x0;
	[sflag:s26] =	ssyncset.done @!p3 $0x0;
	s9 =	smov.u32 s19  }
0x280: {  	s19 =	sadd.s32 $0x400, s19;
	p6 =	por !p0, p5;
	[sflag:s26] =	ssyncadd.s32 @!p3 $0xFFFFC000  }
0x281: {  	[spmem:s2] =	stream.indirect.scatter.add.f32 @!p3 [tilespmem:s22], [sflag:$0x4], $0x80, s23, s13, $0xb8;
	[tilespmem:$0x1DC80] =	vst v63  }
0x282: {  	p4 =	sne.s32 s19, $0x2000;
	s22 =	simm.s32 @!p6 $0x4;
	_ =	swait.ge @!p5 [sflag:s6], $0x4000  }
0x283: {  	[sflag:s6] =	ssyncset.done @!p5 $0x0  }
0x284: {  	p3 =	por p0, p5;
	[sflag:s6] =	ssyncadd.s32 @!p5 $0xFFFFC000  }
0x285: {  	s13 =	simm.s32 @!p3 $0x80;
	s6 =	sshra.s32 @!p3 s20, $0x2;
	_ =	swait.ge @!p6 [sflag:s22], $0x4000  }
0x286: {  	s14 =	simm.s32 @!p3 $0x15C80;
	s20 =	sadd.s32 @!p3 $0x13880, s6;
	[sflag:s22] =	ssyncset.done @!p6 $0x0  }
0x287: {  	s26 =	simm.s32 @!p3 $0x4;
	s29 =	sadd.s32 @!p3 $0x13900, s6;
	[sflag:s22] =	ssyncadd.s32 @!p6 $0xFFFFC000  }
0x288: {  	[tilespmem:s14], [sflag:$0x1] =	stream.indirect.gather @!p3 [hbm4b:s1+s13], $0x80, s20, s13, $0xb8;
	[tilespmem:$0x1DC80] =	vst v63  }
0x289: {  	s30 =	sadd.s32 @!p3 $0x14080, s6;
	s23 =	sadd.s32 @!p3 $0x14100, s6;
	_ =	swait.ge @!p3 [sflag:s26], $0x4000  }
0x28a: {  	s22 =	simm.s32 @!p3 $0x19C80;
	s20 =	smov.u32 s9;
	[sflag:s26] =	ssyncset.done @!p3 $0x0  }
0x28b: {  	s6 =	simm.s32 @!p3 $0x1;
	[sflag:s26] =	ssyncadd.s32 @!p3 $0xFFFFC000  }
0x28c: {  	[tilespmem:s22], [sflag:$0x2] =	stream.indirect.gather @!p3 [hbm4b:s1+s13], $0x80, s29, s13, $0xb8;
	[tilespmem:$0x1DC80] =	vst v63  }
.Ltmp3:
0x28d: {  	_ =	swait.ge @!p3 [sflag:s6], $0x4000;
	(pc) =	sbr.rel @p4 .LBB2_8-.Ltmp3, $4  }
0x28e: {  	[sflag:s6] =	ssyncset.done @!p3 $0x0  }
0x28f: {  	s21 =	sadd.s32 $0x2, s21;
	s26 =	simm.s32 @!p3 $0x2;
	[sflag:s6] =	ssyncadd.s32 @!p3 $0xFFFFC000  }
0x290: {  	[spmem:s2] =	stream.indirect.scatter.add.f32 @!p3 [tilespmem:s14], [sflag:$0x3], $0x80, s30, s13, $0xb8;
	[tilespmem:$0x1DC80] =	vst v63  }
0x291: {  	p5 =	sgt.u32 s21, $0x9C0;
	s9 =	sadd.s32 s20, s24;
	_ =	swait.ge @!p3 [sflag:s26], $0x4000  }
0x292: {  	[sflag:s26] =	ssyncset.done @!p3 $0x0  }
0x293: {  	s6 =	simm.s32 @!p5 $0x3;
	[sflag:s26] =	ssyncadd.s32 @!p3 $0xFFFFC000  }
0x294: {  	[spmem:s2] =	stream.indirect.scatter.add.f32 @!p3 [tilespmem:s22], [sflag:$0x4], $0x80, s23, s13, $0xb8;
	[tilespmem:$0x1DC80] =	vst v63  }
0x295: {  	p0 =	seq.s32 @!p5 s9, $0x0;
	_ =	swait.ge @!p5 [sflag:s6], $0x4000  }
0x296: {  	p4 =	por !p0, p5;
	[sflag:s6] =	ssyncset.done @!p5 $0x0  }
0x297: {  	s9 =	simm.s32 @!p4 $0x4;
	p3 =	por p0, p5;
	[sflag:s6] =	ssyncadd.s32 @!p5 $0xFFFFC000  }
0x298: {  	s13 =	simm.s32 @!p3 $0x80;
	_ =	swait.ge @!p4 [sflag:s9], $0x4000  }
0x299: {  	s19 =	simm.s32 @!p3 $0x15C80;
	s6 =	sshra.s32 @!p3 s20, $0x2;
	[sflag:s9] =	ssyncset.done @!p4 $0x0  }
0x29a: {  	s14 =	sadd.s32 @!p3 $0x13880, s6;
	[sflag:s9] =	ssyncadd.s32 @!p4 $0xFFFFC000;
	s9 =	simm.s32 @!p3 $0x4  }
0x29b: {  	[tilespmem:s19], [sflag:$0x1] =	stream.indirect.gather @!p3 [hbm4b:s1+s13], $0x80, s14, s13, $0xb8;
	[tilespmem:$0x1DC80] =	vst v63  }
0x29c: {  	_ =	swait.ge @!p3 [sflag:s9], $0x4000  }
0x29d: {  	s20 =	simm.s32 @!p3 $0x19C80;
	[sflag:s9] =	ssyncset.done @!p3 $0x0  }
0x29e: {  	s14 =	sadd.s32 @!p3 $0x13900, s6;
	[sflag:s9] =	ssyncadd.s32 @!p3 $0xFFFFC000;
	s9 =	simm.s32 @!p3 $0x1  }
0x29f: {  	[tilespmem:s20], [sflag:$0x2] =	stream.indirect.gather @!p3 [hbm4b:s1+s13], $0x80, s14, s13, $0xb8;
	[tilespmem:$0x1DC80] =	vst v63  }
0x2a0: {  	_ =	swait.ge @!p3 [sflag:s9], $0x4000  }
0x2a1: {  	[sflag:s9] =	ssyncset.done @!p3 $0x0  }
0x2a2: {  	s14 =	sadd.s32 @!p3 $0x14080, s6;
	[sflag:s9] =	ssyncadd.s32 @!p3 $0xFFFFC000;
	s9 =	simm.s32 @!p3 $0x2  }
0x2a3: {  	[spmem:s2] =	stream.indirect.scatter.add.f32 @!p3 [tilespmem:s19], [sflag:$0x3], $0x80, s14, s13, $0xb8;
	[tilespmem:$0x1DC80] =	vst v63  }
0x2a4: {  	_ =	swait.ge @!p3 [sflag:s9], $0x4000  }
0x2a5: {  	[sflag:s9] =	ssyncset.done @!p3 $0x0  }
0x2a6: {  	s6 =	sadd.s32 @!p3 $0x14100, s6;
	[sflag:s9] =	ssyncadd.s32 @!p3 $0xFFFFC000  }
0x2a7: {  	[spmem:s2] =	stream.indirect.scatter.add.f32 @!p3 [tilespmem:s20], [sflag:$0x4], $0x80, s6, s13, $0xb8;
	[tilespmem:$0x1DC80] =	vst v63  }
0x2a8: {  	s6 =	simm.s32 @!p1 $0x3  }
0x2a9: {  	_ =	swait.ge @!p1 [sflag:s6], $0x4000  }
0x2aa: {  	[sflag:s6] =	ssyncset.done @!p1 $0x0  }
0x2ab: {  	[sflag:s6] =	ssyncadd.s32 @!p1 $0xFFFFC000;
	s6 =	simm.s32 @!p1 $0x4  }
0x2ac: {  	_ =	swait.ge @!p1 [sflag:s6], $0x4000  }
0x2ad: {  	s9 =	simm.s32 @!p2 $0x15880;
	[sflag:s6] =	ssyncset.done @!p1 $0x0  }
0x2ae: {  	s13 =	rddreg [dreg:$0x4];
	[sflag:s6] =	ssyncadd.s32 @!p1 $0xFFFFC000;
	s6 =	simm.s32 @!p2 $0x0  }
0x2af: {  	[tilespmem:s9], [sflag:$0x7] =	stream.linear.gather @!p2 [hbm4b:s13+s6], $0x400, $0x38;
	[tilespmem:$0x1DC80] =	vst v63  }
0x2b0: {  	s6 =	simm.s32 @!p2 $0x7  }
0x2b1: {  	_ =	swait.ge @!p2 [sflag:s6], $0x400  }
0x2b2: {  	s9 =	simm.s32 @!p2 $0x80;
	[sflag:s6] =	ssyncset.done @!p2 $0x0  }
0x2b3: {  	s13 =	simm.s32 @!p2 $0x15C80;
	s14 =	rddreg [dreg:$0x13];
	[sflag:s6] =	ssyncadd.s32 @!p2 $0xFFFFFC00  }
0x2b4: {  	[tilespmem:s13], [sflag:$0x1] =	stream.indirect.gather @!p2 [hbm4b:s1+s9], $0x80, s14, s9, $0xb8;
	[tilespmem:$0x1DC80] =	vst v63  }
0x2b5: {  	s14 =	simm.s32 @!p2 $0x1  }
0x2b6: {  	_ =	swait.ge @!p2 [sflag:s14], $0x4000  }
0x2b7: {  	[sflag:s14] =	ssyncset.done @!p2 $0x0  }
0x2b8: {  	[sflag:s14] =	ssyncadd.s32 @!p2 $0xFFFFC000;
	s14 =	rddreg [dreg:$0x14]  }
0x2b9: {  	[spmem:s2] =	stream.indirect.scatter.add.f32 @!p2 [tilespmem:s13], [sflag:$0x7], $0x80, s14, s9, $0xb8;
	[tilespmem:$0x1DC80] =	vst v63  }
0x2ba: {  	_ =	swait.ge @!p2 [sflag:s6], $0x4000  }
0x2bb: {  	[sflag:s6] =	ssyncset.done @!p2 $0x0  }
0x2bc: {  	[sflag:s6] =	ssyncadd.s32 @!p2 $0xFFFFC000  }
0x2bd: {  	[bflag:$0x0] =	sbarrier.arrive $0xFFFF  }
0x2be: {  	s22 =	rddreg [dreg:$0x9]  }
0x2bf: {  	[hbm:s22], [sflag:s16] =	dma.local [spmem:s17], $0x2700  }
0x2c0: {  	_ =	swait.ge [sflag:s28], $0x2700  }
0x2c1: {  	s23 =	sld [smem:$0x7FD];
	_ =	sdelay $0x1  }
0x2c2: {  	[sflag:s28] =	ssyncset.done $0x0  }
0x2c3: {  	s6 =	rddreg [dreg:$0x15];
	[sflag:s28] =	ssyncadd.s32 $0xFFFFD900;
	p3 =	seq.s32 s23, $0x1  }
0x2c4: {  	[hbm:s6], [sflag:s16] =	dma.local @!p3 [spmem:s18], $0x100  }
0x2c5: {  	s6 =	simm.s32 @!p3 $0x7  }
0x2c6: {  	_ =	swait.ge @!p3 [sflag:s6], $0x100  }
0x2c7: {  	s15 =	sadd.s32 $0x1, s15;
	s26 =	rddreg [dreg:$0x16]  }
0x2c8: {  	p0 =	sne.s32 s15, s26  }
.Ltmp4:
0x2c9: {  	_ = 	snop;
	(pc) =	sbr.rel @p0 .LBB2_1-.Ltmp4, $3  }
0x2ca: {  	_ =	sdelay $0x1  }
0x2cb: {  	s29 =	simm.s32 $0x14080;
	[sflag:s6] =	ssyncset.done @!p3 $0x0  }
0x2cc: {  	s30 =	simm.s32 $0x14880;
	s14 =	simm.s32 $0x13880;
	[sflag:s6] =	ssyncadd.s32 @!p3 $0xFFFFFF00  }
0x2cd: {  	_ =	sfence.sel $0x180000  }
0x2ce: {  	[bflag:$0x0] =	sbarrier.arrive $0xFFFF  }
0x2cf: {  	_ =	strace $0x9000004A  }
0x2d0: {  	s0 =	stileid.u32;
	[bflag:$0x2] =	sbarrier.arrive $0xFFFF  }
0x2d1: {  	p0 =	sne.s32 s0, $0x0;
	s0 =	rddreg [dreg:$0x3]  }
0x2d2: {  	s0 =	sadd.s32 @!p0 $0x100000, s0  }
0x2d3: {  	[sflag:s0] =	ssyncadd.tile.s32 @!p0 $0x1;
	_ =	shalt  }
.Lfunc_end2:
_tile_overlayer_lowered:
.L_overlay_start_2:
0x2d4: {  	(tag) =	ssettag $0x2  }
0x2d5: {  	s0 =	rddreg [dreg:$0x0];
	s2 =	stileid.u32  }
0x2d6: {  	s1 =	rddreg [dreg:$0x1];
	p0 =	sne.s32 s2, $0x0  }
0x2d7: {  	s3 =	rddreg [dreg:$0x2];
	[bflag:$0x3] =	sbarrier.arrive $0xFFFF;
	s2 =	simm.s32 @!p0 $0x1C07  }
0x2d8: {  	[timem:s3], [sflag:s2] =	dma.local @!p0 [hbm:s0], s1  }
0x2d9: {  	s0 =	simm.s32 @!p0 $0x7  }
0x2da: {  	_ =	swait.ge @!p0 [sflag:s0], s1  }
0x2db: {  	s1 =	ssub.s32 @!p0 $0x0, s1;
	[sflag:s0] =	ssyncset.done @!p0 $0x0  }
0x2dc: {  	[sflag:s0] =	ssyncadd.s32 @!p0 s1  }
0x2dd: {  	[bflag:$0x3] =	sbarrier.arrive $0xFFFF  }
0x2de: {  	_ =	shalt  }

</sc_bundles>
